<compile_context>
chip_gen: v7x
topology: tpu7x:2x2x1
jax: 0.10.2.dev20260603
libtpu: 0.0.44.dev20260713+nightly
codegen_flags: <defaults>
</compile_context>

<pallas_src>
import jax
import jax.numpy as jnp
from jax import lax
from jax.experimental import pallas as pl
from jax.experimental.pallas import tpu as pltpu
from jax.experimental.pallas import tpu_sc as plsc

_NC, _NS = 2, 16
_NW = _NC * _NS
_L = 16


def _asic_sc(xp, cgp, toggle_gates, nch, n, rows):
    def body(x_hbm, cg_hbm, tg_hbm, out_hbm, x_v, cg_v, corr_v, a0_v, a1_v,
             in_sem0, in_sem1, out_sem0, out_sem1):
        wid = lax.axis_index("s") * _NC + lax.axis_index("c")
        base = wid * rows
        bufs = (a0_v, a1_v)
        in_sems = (in_sem0, in_sem1)
        out_sems = (out_sem0, out_sem1)
        in_h = [None] * nch
        out_h = [None] * nch
        in_h[0] = pltpu.async_copy(
            tg_hbm.at[0, 0, pl.ds(base, rows), :], bufs[0], in_sems[0])
        pltpu.sync_copy(x_hbm.at[wid], x_v)
        pltpu.sync_copy(cg_hbm.at[wid], cg_v)
        pred = x_v[...] > 0.5
        for i in range(nch):
            g0 = cg_v[2 * i, :]
            if i < nch - 1:
                g = jnp.where(pred, cg_v[2 * i + 1, :], g0)
            else:
                g = g0
            corr_v[i, :] = 1.0 / (1.0 + jnp.exp(-g))
        lane = lax.iota(jnp.int32, _L)
        for i in range(nch):
            b = bufs[i % 2]
            if i + 1 < nch:
                if i >= 1:
                    out_h[i - 1].wait()
                in_h[i + 1] = pltpu.async_copy(
                    tg_hbm.at[i + 1, 0, pl.ds(base, rows), :],
                    bufs[(i + 1) % 2], in_sems[(i + 1) % 2])
            in_h[i].wait()

            def row_body(h, _, b=b):
                r = h >> 1
                off = (h & 1) * (n // 2)
                for k in range(n // (2 * _L)):
                    g = b[r, pl.ds(off + k * _L, _L)]
                    b[r, pl.ds(off + k * _L, _L)] = 1.0 / (1.0 + jnp.exp(-g))
                return 0

            lax.fori_loop(0, 2 * rows, row_body, 0)
            cv = corr_v[i, :]
            for r in range(rows):
                cur = b[r, pl.ds(0, _L)]
                b[r, pl.ds(0, _L)] = jnp.where(lane == 0, cv[r], cur)
            out_h[i] = pltpu.async_copy(
                b, out_hbm.at[i, pl.ds(base, rows), :], out_sems[i % 2])
        out_h[nch - 2].wait()
        out_h[nch - 1].wait()

    return pl.kernel(
        body,
        out_type=jax.ShapeDtypeStruct((nch, n, n), jnp.float32),
        mesh=plsc.VectorSubcoreMesh(core_axis_name="c", subcore_axis_name="s"),
        scratch_types=[
            pltpu.VMEM((rows,), jnp.float32),
            pltpu.VMEM((2 * nch, rows), jnp.float32),
            pltpu.VMEM((nch, rows), jnp.float32),
            pltpu.VMEM((rows, n), jnp.float32),
            pltpu.VMEM((rows, n), jnp.float32),
            pltpu.SemaphoreType.DMA,
            pltpu.SemaphoreType.DMA,
            pltpu.SemaphoreType.DMA,
            pltpu.SemaphoreType.DMA,
        ],
    )(xp, cgp, toggle_gates)


def kernel(x, mask, toggle_gates):
    c, _, n, _ = toggle_gates.shape
    rows = n // _NW
    xp = x.reshape(_NW, rows)
    cgp = toggle_gates[:, 0:2, :, 0].reshape(2 * c, _NW, rows).transpose(1, 0, 2)
    out = _asic_sc(xp, cgp, toggle_gates, c, n, rows)
    del mask
    return out.reshape(-1)

# --- scband reference (transcript-rebuilt; emitter-appended) ---
"""Pipeline reference for scband-asic-17669495456046 (READ-ONLY COPY).

The authoritative reference and input builder live on the scoring server;
editing this copy changes nothing except your own understanding.
"""

import itertools
import jax, jax.numpy as jnp
import numpy as np

N = 512
DIM = 2


def _masks(n):
    rail_shape = (2, DIM, n + 1, n + 1)
    im = np.zeros(rail_shape, dtype=bool)
    im[0:1, :, 1:, 1:] = True
    im[1:2, :, :-1, :-1] = True
    om = np.zeros(rail_shape, dtype=bool)
    om[0:1, :, :-1, :-1] = True
    om[1:2, :, 1:, 1:] = True
    return np.nonzero(im.reshape(-1))[0], np.nonzero(om.reshape(-1))[0]


def setup_inputs(seed: int = 0):
    key = jax.random.key(seed)
    k1, k2 = jax.random.split(key)
    x = jax.random.uniform(k1, (N,), dtype=jnp.float32)
    mask = jnp.ones((2 * DIM * N * N,), dtype=bool)
    toggle_gates = jax.random.uniform(k2, (2 * DIM, 2 ** (2 * DIM - 1), N, N), dtype=jnp.float32)
    return {'x': x, 'mask': mask, 'toggle_gates': toggle_gates}


def reference(x, mask, toggle_gates):
    n = toggle_gates.shape[-1]
    rail_shape = (2, DIM, n + 1, n + 1)
    in_idx, out_idx = _masks(n)
    rail = jnp.zeros(rail_shape, dtype=jnp.float32)
    rail = rail.at[1, 1, : x.shape[0], 0].set(x)
    rail_flat = rail.reshape(-1)
    new_inputs = jnp.take(rail_flat, in_idx, axis=0).reshape((-1, n, n))
    bm = np.asarray(list(itertools.product(range(2), repeat=2 * DIM - 1)), dtype=np.float32)
    bitmask = jnp.asarray(bm)[:, :, None, None]
    toggle_weights = jax.nn.sigmoid(toggle_gates)
    outs = []
    for i in range(new_inputs.shape[0]):
        inputs_i = jnp.concatenate([new_inputs[:i], new_inputs[i + 1:]], axis=0)
        weight = jnp.prod(1.0 - jnp.abs(bitmask - inputs_i[None]), axis=1)
        score = jnp.argmax(weight, axis=0)
        outs.append(jnp.take_along_axis(toggle_weights[i], score[None], axis=0)[0])
    new_outputs = jnp.clip(jnp.stack(outs, 0).reshape(-1), 0.0, 1.0)
    rail_flat = rail_flat.at[out_idx].set(new_outputs)
    return jnp.where(mask, new_outputs, 0.0)

if __name__ == "__main__":
    import jax
    _d = setup_inputs()
    print(jax.jit(kernel)(*tuple(_d.values())))

</pallas_src>

<mosaic_0001>
#map = affine_map<(d0, d1) -> (0, 0)>
#map1 = affine_map<(d0, d1) -> (0, 0, 0)>
#map2 = affine_map<(d0, d1) -> (0, 0, 0, 0)>
module attributes {stable_mosaic.version = 14 : i64} {
  func.func @body(%arg0: i32, %arg1: i32, %arg2: memref<32x16xf32, #tpu.memory_space<hbm>>, %arg3: memref<32x8x16xf32, #tpu.memory_space<hbm>>, %arg4: memref<4x8x512x512xf32, #tpu.memory_space<hbm>>, %arg5: memref<4x512x512xf32, #tpu.memory_space<hbm>>, %arg6: memref<16xf32, #tpu.memory_space<vmem>>, %arg7: memref<8x16xf32, #tpu.memory_space<vmem>>, %arg8: memref<4x16xf32, #tpu.memory_space<vmem>>, %arg9: memref<16x512xf32, #tpu.memory_space<vmem>>, %arg10: memref<16x512xf32, #tpu.memory_space<vmem>>, %arg11: memref<!tpu.dma_semaphore, #tpu.memory_space<semaphore_mem>>, %arg12: memref<!tpu.dma_semaphore, #tpu.memory_space<semaphore_mem>>, %arg13: memref<!tpu.dma_semaphore, #tpu.memory_space<semaphore_mem>>, %arg14: memref<!tpu.dma_semaphore, #tpu.memory_space<semaphore_mem>>) attributes {dimension_semantics = [#tpu.dimension_semantics<core_parallel>, #tpu.dimension_semantics<subcore_parallel>], iteration_bounds = array<i64: 2, 16>, scalar_prefetch = 0 : i64, scratch_operands = 9 : i64, tpu.core_type = #tpu.core_type<sc_vector_subcore>, window_params = [{transform_indices = #map}, {transform_indices = #map1}, {transform_indices = #map2}, {transform_indices = #map1}]} {
    %mul3A = arith.constant 2 : i32
    %mul3A_0 = arith.muli %arg1, %mul3A : i32
    %add3A = arith.addi %mul3A_0, %arg0 : i32
    %mul3A_1 = arith.constant 16 : i32
    %mul3A_2 = arith.muli %add3A, %mul3A_1 : i32
    %dma_start3A = arith.constant 0 : i32
    %dma_start3A_3 = arith.constant 0 : i32
    %dma_start3A_4 = arith.constant 0 : i32
    %dma_start3A_5 = tpu.memref_slice %arg4[%dma_start3A, %dma_start3A_3, %mul3A_2, %dma_start3A_4] : memref<4x8x512x512xf32, #tpu.memory_space<hbm>> -> memref<1x1x16x512xf32, #tpu.memory_space<hbm>>
    %dma_start3A_6 = tpu.memref_squeeze %dma_start3A_5 : memref<1x1x16x512xf32, #tpu.memory_space<hbm>> -> memref<16x512xf32, #tpu.memory_space<hbm>>
    %dma_start3A_7 = arith.constant 0 : i32
    %dma_start3A_8 = tpu.memref_slice %arg4[%dma_start3A, %dma_start3A_3, %mul3A_2, %dma_start3A_7] : memref<4x8x512x512xf32, #tpu.memory_space<hbm>> -> memref<1x1x16x512xf32, #tpu.memory_space<hbm>>
    %dma_start3A_9 = tpu.memref_squeeze %dma_start3A_8 : memref<1x1x16x512xf32, #tpu.memory_space<hbm>> -> memref<16x512xf32, #tpu.memory_space<hbm>>
    tpu.enqueue_dma source(%dma_start3A_9 : memref<16x512xf32, #tpu.memory_space<hbm>>) target(%arg9 : memref<16x512xf32, #tpu.memory_space<vmem>>) target_semaphore(%arg11 : memref<!tpu.dma_semaphore, #tpu.memory_space<semaphore_mem>>)
    "tpu.region"() ({
      %run_scoped3A = tpu.sem_alloc : memref<!tpu.dma_semaphore, #tpu.memory_space<semaphore_mem>>
      %dma_start3A_1417 = arith.constant 0 : i32
      %dma_start3A_1418 = tpu.memref_slice %arg2[%add3A, %dma_start3A_1417] : memref<32x16xf32, #tpu.memory_space<hbm>> -> memref<1x16xf32, #tpu.memory_space<hbm>>
      %dma_start3A_1419 = tpu.memref_squeeze %dma_start3A_1418 : memref<1x16xf32, #tpu.memory_space<hbm>> -> memref<16xf32, #tpu.memory_space<hbm>>
      %dma_start3A_1420 = arith.constant 0 : i32
      %dma_start3A_1421 = tpu.memref_slice %arg2[%add3A, %dma_start3A_1420] : memref<32x16xf32, #tpu.memory_space<hbm>> -> memref<1x16xf32, #tpu.memory_space<hbm>>
      %dma_start3A_1422 = tpu.memref_squeeze %dma_start3A_1421 : memref<1x16xf32, #tpu.memory_space<hbm>> -> memref<16xf32, #tpu.memory_space<hbm>>
      tpu.enqueue_dma source(%dma_start3A_1422 : memref<16xf32, #tpu.memory_space<hbm>>) target(%arg6 : memref<16xf32, #tpu.memory_space<vmem>>) target_semaphore(%run_scoped3A : memref<!tpu.dma_semaphore, #tpu.memory_space<semaphore_mem>>)
      %dma_wait3A_1423 = arith.constant 0 : i32
      %dma_wait3A_1424 = tpu.memref_slice %arg2[%add3A, %dma_wait3A_1423] : memref<32x16xf32, #tpu.memory_space<hbm>> -> memref<1x16xf32, #tpu.memory_space<hbm>>
      %dma_wait3A_1425 = tpu.memref_squeeze %dma_wait3A_1424 : memref<1x16xf32, #tpu.memory_space<hbm>> -> memref<16xf32, #tpu.memory_space<hbm>>
      %dma_wait3A_1426 = arith.constant 0 : i32
      %dma_wait3A_1427 = tpu.memref_slice %arg2[%add3A, %dma_wait3A_1426] : memref<32x16xf32, #tpu.memory_space<hbm>> -> memref<1x16xf32, #tpu.memory_space<hbm>>
      %dma_wait3A_1428 = tpu.memref_squeeze %dma_wait3A_1427 : memref<1x16xf32, #tpu.memory_space<hbm>> -> memref<16xf32, #tpu.memory_space<hbm>>
      tpu.wait_dma2 semaphore(%run_scoped3A : memref<!tpu.dma_semaphore, #tpu.memory_space<semaphore_mem>>) src(%dma_wait3A_1428 : memref<16xf32, #tpu.memory_space<hbm>>) dst(%arg6 : memref<16xf32, #tpu.memory_space<vmem>>)
      tpu.yield
    }) : () -> ()
    "tpu.region"() ({
      %run_scoped3A = tpu.sem_alloc : memref<!tpu.dma_semaphore, #tpu.memory_space<semaphore_mem>>
      %dma_start3A_1417 = arith.constant 0 : i32
      %dma_start3A_1418 = arith.constant 0 : i32
      %dma_start3A_1419 = tpu.memref_slice %arg3[%add3A, %dma_start3A_1417, %dma_start3A_1418] : memref<32x8x16xf32, #tpu.memory_space<hbm>> -> memref<1x8x16xf32, #tpu.memory_space<hbm>>
      %dma_start3A_1420 = tpu.memref_squeeze %dma_start3A_1419 : memref<1x8x16xf32, #tpu.memory_space<hbm>> -> memref<8x16xf32, #tpu.memory_space<hbm>>
      %dma_start3A_1421 = arith.constant 0 : i32
      %dma_start3A_1422 = arith.constant 0 : i32
      %dma_start3A_1423 = tpu.memref_slice %arg3[%add3A, %dma_start3A_1421, %dma_start3A_1422] : memref<32x8x16xf32, #tpu.memory_space<hbm>> -> memref<1x8x16xf32, #tpu.memory_space<hbm>>
      %dma_start3A_1424 = tpu.memref_squeeze %dma_start3A_1423 : memref<1x8x16xf32, #tpu.memory_space<hbm>> -> memref<8x16xf32, #tpu.memory_space<hbm>>
      tpu.enqueue_dma source(%dma_start3A_1424 : memref<8x16xf32, #tpu.memory_space<hbm>>) target(%arg7 : memref<8x16xf32, #tpu.memory_space<vmem>>) target_semaphore(%run_scoped3A : memref<!tpu.dma_semaphore, #tpu.memory_space<semaphore_mem>>)
      %dma_wait3A_1425 = arith.constant 0 : i32
      %dma_wait3A_1426 = arith.constant 0 : i32
      %dma_wait3A_1427 = tpu.memref_slice %arg3[%add3A, %dma_wait3A_1425, %dma_wait3A_1426] : memref<32x8x16xf32, #tpu.memory_space<hbm>> -> memref<1x8x16xf32, #tpu.memory_space<hbm>>
      %dma_wait3A_1428 = tpu.memref_squeeze %dma_wait3A_1427 : memref<1x8x16xf32, #tpu.memory_space<hbm>> -> memref<8x16xf32, #tpu.memory_space<hbm>>
      %dma_wait3A_1429 = arith.constant 0 : i32
      %dma_wait3A_1430 = arith.constant 0 : i32
      %dma_wait3A_1431 = tpu.memref_slice %arg3[%add3A, %dma_wait3A_1429, %dma_wait3A_1430] : memref<32x8x16xf32, #tpu.memory_space<hbm>> -> memref<1x8x16xf32, #tpu.memory_space<hbm>>
      %dma_wait3A_1432 = tpu.memref_squeeze %dma_wait3A_1431 : memref<1x8x16xf32, #tpu.memory_space<hbm>> -> memref<8x16xf32, #tpu.memory_space<hbm>>
      tpu.wait_dma2 semaphore(%run_scoped3A : memref<!tpu.dma_semaphore, #tpu.memory_space<semaphore_mem>>) src(%dma_wait3A_1432 : memref<8x16xf32, #tpu.memory_space<hbm>>) dst(%arg7 : memref<8x16xf32, #tpu.memory_space<vmem>>)
      tpu.yield
    }) : () -> ()
    %get3A = arith.constant 0 : index
    %get3A_10 = tpu.vector_load %arg6[%get3A] {strides = array<i32>} : memref<16xf32, #tpu.memory_space<vmem>>, vector<16xf32>,
    %get3A_11 = vector.shape_cast %get3A_10 : vector<16xf32> to vector<16xf32>
    %gt3A = arith.constant 5.000000e-01 : f32
    %gt3A_12 = vector.broadcast %gt3A : f32 to vector<16xf32>
    %gt3A_13 = arith.cmpf ogt, %get3A_11, %gt3A_12 : vector<16xf32>
    %get3A_14 = arith.constant 0 : i32
    %get3A_15 = arith.index_cast %get3A_14 : i32 to index
    %get3A_16 = arith.constant 0 : index
    %get3A_17 = tpu.vector_load %arg7[%get3A_15, %get3A_16] {strides = array<i32>} : memref<8x16xf32, #tpu.memory_space<vmem>>, vector<1x16xf32>,
    %get3A_18 = vector.shape_cast %get3A_17 : vector<1x16xf32> to vector<16xf32>
    %get3A_19 = arith.constant 1 : i32
    %get3A_20 = arith.index_cast %get3A_19 : i32 to index
    %get3A_21 = arith.constant 0 : index
    %get3A_22 = tpu.vector_load %arg7[%get3A_20, %get3A_21] {strides = array<i32>} : memref<8x16xf32, #tpu.memory_space<vmem>>, vector<1x16xf32>,
    %get3A_23 = vector.shape_cast %get3A_22 : vector<1x16xf32> to vector<16xf32>
    %select_n3A = arith.select %gt3A_13, %get3A_23, %get3A_18 : vector<16xi1>, vector<16xf32>
    %neg3A = arith.constant 0.000000e+00 : f32
    %neg3A_24 = vector.broadcast %neg3A : f32 to vector<16xf32>
    %neg3A_25 = arith.subf %neg3A_24, %select_n3A : vector<16xf32>
    %exp3A = math.exp %neg3A_25 : vector<16xf32>
    %add3A_26 = arith.constant 1.000000e+00 : f32
    %add3A_27 = vector.broadcast %add3A_26 : f32 to vector<16xf32>
    %add3A_28 = arith.addf %add3A_27, %exp3A : vector<16xf32>
    %div3A = arith.constant 1.000000e+00 : f32
    %div3A_29 = vector.broadcast %div3A : f32 to vector<16xf32>
    %div3A_30 = arith.divf %div3A_29, %add3A_28 : vector<16xf32>
    %swap3A = arith.constant 0 : i32
    %swap3A_31 = arith.index_cast %swap3A : i32 to index
    %swap3A_32 = arith.constant 0 : index
    %swap3A_33 = tpu.vector_load %arg8[%swap3A_31, %swap3A_32] {strides = array<i32>} : memref<4x16xf32, #tpu.memory_space<vmem>>, vector<1x16xf32>,
    %swap3A_34 = vector.shape_cast %swap3A_33 : vector<1x16xf32> to vector<16xf32>
    %swap3A_35 = vector.shape_cast %div3A_30 : vector<16xf32> to vector<1x16xf32>
    tpu.vector_store %arg8[%swap3A_31, %swap3A_32], %swap3A_35 {strides = array<i32>} : memref<4x16xf32, #tpu.memory_space<vmem>>, vector<1x16xf32>,
    %get3A_36 = arith.constant 2 : i32
    %get3A_37 = arith.index_cast %get3A_36 : i32 to index
    %get3A_38 = arith.constant 0 : index
    %get3A_39 = tpu.vector_load %arg7[%get3A_37, %get3A_38] {strides = array<i32>} : memref<8x16xf32, #tpu.memory_space<vmem>>, vector<1x16xf32>,
    %get3A_40 = vector.shape_cast %get3A_39 : vector<1x16xf32> to vector<16xf32>
    %get3A_41 = arith.constant 3 : i32
    %get3A_42 = arith.index_cast %get3A_41 : i32 to index
    %get3A_43 = arith.constant 0 : index
    %get3A_44 = tpu.vector_load %arg7[%get3A_42, %get3A_43] {strides = array<i32>} : memref<8x16xf32, #tpu.memory_space<vmem>>, vector<1x16xf32>,
    %get3A_45 = vector.shape_cast %get3A_44 : vector<1x16xf32> to vector<16xf32>
    %select_n3A_46 = arith.select %gt3A_13, %get3A_45, %get3A_40 : vector<16xi1>, vector<16xf32>
    %neg3A_47 = arith.constant 0.000000e+00 : f32
    %neg3A_48 = vector.broadcast %neg3A_47 : f32 to vector<16xf32>
    %neg3A_49 = arith.subf %neg3A_48, %select_n3A_46 : vector<16xf32>
    %exp3A_50 = math.exp %neg3A_49 : vector<16xf32>
    %add3A_51 = arith.constant 1.000000e+00 : f32
    %add3A_52 = vector.broadcast %add3A_51 : f32 to vector<16xf32>
    %add3A_53 = arith.addf %add3A_52, %exp3A_50 : vector<16xf32>
    %div3A_54 = arith.constant 1.000000e+00 : f32
    %div3A_55 = vector.broadcast %div3A_54 : f32 to vector<16xf32>
    %div3A_56 = arith.divf %div3A_55, %add3A_53 : vector<16xf32>
    %swap3A_57 = arith.constant 1 : i32
    %swap3A_58 = arith.index_cast %swap3A_57 : i32 to index
    %swap3A_59 = arith.constant 0 : index
    %swap3A_60 = tpu.vector_load %arg8[%swap3A_58, %swap3A_59] {strides = array<i32>} : memref<4x16xf32, #tpu.memory_space<vmem>>, vector<1x16xf32>,
    %swap3A_61 = vector.shape_cast %swap3A_60 : vector<1x16xf32> to vector<16xf32>
    %swap3A_62 = vector.shape_cast %div3A_56 : vector<16xf32> to vector<1x16xf32>
    tpu.vector_store %arg8[%swap3A_58, %swap3A_59], %swap3A_62 {strides = array<i32>} : memref<4x16xf32, #tpu.memory_space<vmem>>, vector<1x16xf32>,
    %get3A_63 = arith.constant 4 : i32
    %get3A_64 = arith.index_cast %get3A_63 : i32 to index
    %get3A_65 = arith.constant 0 : index
    %get3A_66 = tpu.vector_load %arg7[%get3A_64, %get3A_65] {strides = array<i32>} : memref<8x16xf32, #tpu.memory_space<vmem>>, vector<1x16xf32>,
    %get3A_67 = vector.shape_cast %get3A_66 : vector<1x16xf32> to vector<16xf32>
    %get3A_68 = arith.constant 5 : i32
    %get3A_69 = arith.index_cast %get3A_68 : i32 to index
    %get3A_70 = arith.constant 0 : index
    %get3A_71 = tpu.vector_load %arg7[%get3A_69, %get3A_70] {strides = array<i32>} : memref<8x16xf32, #tpu.memory_space<vmem>>, vector<1x16xf32>,
    %get3A_72 = vector.shape_cast %get3A_71 : vector<1x16xf32> to vector<16xf32>
    %select_n3A_73 = arith.select %gt3A_13, %get3A_72, %get3A_67 : vector<16xi1>, vector<16xf32>
    %neg3A_74 = arith.constant 0.000000e+00 : f32
    %neg3A_75 = vector.broadcast %neg3A_74 : f32 to vector<16xf32>
    %neg3A_76 = arith.subf %neg3A_75, %select_n3A_73 : vector<16xf32>
    %exp3A_77 = math.exp %neg3A_76 : vector<16xf32>
    %add3A_78 = arith.constant 1.000000e+00 : f32
    %add3A_79 = vector.broadcast %add3A_78 : f32 to vector<16xf32>
    %add3A_80 = arith.addf %add3A_79, %exp3A_77 : vector<16xf32>
    %div3A_81 = arith.constant 1.000000e+00 : f32
    %div3A_82 = vector.broadcast %div3A_81 : f32 to vector<16xf32>
    %div3A_83 = arith.divf %div3A_82, %add3A_80 : vector<16xf32>
    %swap3A_84 = arith.constant 2 : i32
    %swap3A_85 = arith.index_cast %swap3A_84 : i32 to index
    %swap3A_86 = arith.constant 0 : index
    %swap3A_87 = tpu.vector_load %arg8[%swap3A_85, %swap3A_86] {strides = array<i32>} : memref<4x16xf32, #tpu.memory_space<vmem>>, vector<1x16xf32>,
    %swap3A_88 = vector.shape_cast %swap3A_87 : vector<1x16xf32> to vector<16xf32>
    %swap3A_89 = vector.shape_cast %div3A_83 : vector<16xf32> to vector<1x16xf32>
    tpu.vector_store %arg8[%swap3A_85, %swap3A_86], %swap3A_89 {strides = array<i32>} : memref<4x16xf32, #tpu.memory_space<vmem>>, vector<1x16xf32>,
    %get3A_90 = arith.constant 6 : i32
    %get3A_91 = arith.index_cast %get3A_90 : i32 to index
    %get3A_92 = arith.constant 0 : index
    %get3A_93 = tpu.vector_load %arg7[%get3A_91, %get3A_92] {strides = array<i32>} : memref<8x16xf32, #tpu.memory_space<vmem>>, vector<1x16xf32>,
    %get3A_94 = vector.shape_cast %get3A_93 : vector<1x16xf32> to vector<16xf32>
    %neg3A_95 = arith.constant 0.000000e+00 : f32
    %neg3A_96 = vector.broadcast %neg3A_95 : f32 to vector<16xf32>
    %neg3A_97 = arith.subf %neg3A_96, %get3A_94 : vector<16xf32>
    %exp3A_98 = math.exp %neg3A_97 : vector<16xf32>
    %add3A_99 = arith.constant 1.000000e+00 : f32
    %add3A_100 = vector.broadcast %add3A_99 : f32 to vector<16xf32>
    %add3A_101 = arith.addf %add3A_100, %exp3A_98 : vector<16xf32>
    %div3A_102 = arith.constant 1.000000e+00 : f32
    %div3A_103 = vector.broadcast %div3A_102 : f32 to vector<16xf32>
    %div3A_104 = arith.divf %div3A_103, %add3A_101 : vector<16xf32>
    %swap3A_105 = arith.constant 3 : i32
    %swap3A_106 = arith.index_cast %swap3A_105 : i32 to index
    %swap3A_107 = arith.constant 0 : index
    %swap3A_108 = tpu.vector_load %arg8[%swap3A_106, %swap3A_107] {strides = array<i32>} : memref<4x16xf32, #tpu.memory_space<vmem>>, vector<1x16xf32>,
    %swap3A_109 = vector.shape_cast %swap3A_108 : vector<1x16xf32> to vector<16xf32>
    %swap3A_110 = vector.shape_cast %div3A_104 : vector<16xf32> to vector<1x16xf32>
    tpu.vector_store %arg8[%swap3A_106, %swap3A_107], %swap3A_110 {strides = array<i32>} : memref<4x16xf32, #tpu.memory_space<vmem>>, vector<1x16xf32>,
    %iota3A = tpu.iota {dimensions = array<i32: 0>} : vector<16xi32>
    %dma_start3A_111 = arith.constant 1 : i32
    %dma_start3A_112 = arith.constant 0 : i32
    %dma_start3A_113 = arith.constant 0 : i32
    %dma_start3A_114 = tpu.memref_slice %arg4[%dma_start3A_111, %dma_start3A_112, %mul3A_2, %dma_start3A_113] : memref<4x8x512x512xf32, #tpu.memory_space<hbm>> -> memref<1x1x16x512xf32, #tpu.memory_space<hbm>>
    %dma_start3A_115 = tpu.memref_squeeze %dma_start3A_114 : memref<1x1x16x512xf32, #tpu.memory_space<hbm>> -> memref<16x512xf32, #tpu.memory_space<hbm>>
    %dma_start3A_116 = arith.constant 0 : i32
    %dma_start3A_117 = tpu.memref_slice %arg4[%dma_start3A_111, %dma_start3A_112, %mul3A_2, %dma_start3A_116] : memref<4x8x512x512xf32, #tpu.memory_space<hbm>> -> memref<1x1x16x512xf32, #tpu.memory_space<hbm>>
    %dma_start3A_118 = tpu.memref_squeeze %dma_start3A_117 : memref<1x1x16x512xf32, #tpu.memory_space<hbm>> -> memref<16x512xf32, #tpu.memory_space<hbm>>
    tpu.enqueue_dma source(%dma_start3A_118 : memref<16x512xf32, #tpu.memory_space<hbm>>) target(%arg10 : memref<16x512xf32, #tpu.memory_space<vmem>>) target_semaphore(%arg12 : memref<!tpu.dma_semaphore, #tpu.memory_space<semaphore_mem>>)
    %dma_wait3A = arith.constant 0 : i32
    %dma_wait3A_119 = arith.constant 0 : i32
    %dma_wait3A_120 = arith.constant 0 : i32
    %dma_wait3A_121 = tpu.memref_slice %arg4[%dma_wait3A, %dma_wait3A_119, %mul3A_2, %dma_wait3A_120] : memref<4x8x512x512xf32, #tpu.memory_space<hbm>> -> memref<1x1x16x512xf32, #tpu.memory_space<hbm>>
    %dma_wait3A_122 = tpu.memref_squeeze %dma_wait3A_121 : memref<1x1x16x512xf32, #tpu.memory_space<hbm>> -> memref<16x512xf32, #tpu.memory_space<hbm>>
    %dma_wait3A_123 = arith.constant 0 : i32
    %dma_wait3A_124 = tpu.memref_slice %arg4[%dma_wait3A, %dma_wait3A_119, %mul3A_2, %dma_wait3A_123] : memref<4x8x512x512xf32, #tpu.memory_space<hbm>> -> memref<1x1x16x512xf32, #tpu.memory_space<hbm>>
    %dma_wait3A_125 = tpu.memref_squeeze %dma_wait3A_124 : memref<1x1x16x512xf32, #tpu.memory_space<hbm>> -> memref<16x512xf32, #tpu.memory_space<hbm>>
    tpu.wait_dma2 semaphore(%arg11 : memref<!tpu.dma_semaphore, #tpu.memory_space<semaphore_mem>>) src(%dma_wait3A_125 : memref<16x512xf32, #tpu.memory_space<hbm>>) dst(%arg9 : memref<16x512xf32, #tpu.memory_space<vmem>>)
    %scan3A = arith.constant 0 : i32
    %scan3A_126 = arith.constant 0 : i32
    %scan3A_127 = arith.constant 32 : i32
    %scan3A_128 = arith.addi %scan3A_126, %scan3A_127 : i32
    %scan3A_129 = arith.constant 1 : i32
    %scan3A_130 = scf.for %scan3A_1417 = %scan3A_126 to %scan3A_128 step %scan3A_129 iter_args(%scan3A_1418 = %scan3A) -> (i32)  : i32 {
      %shift_right_arithmetic3A = arith.constant 1 : i32
      %shift_right_arithmetic3A_1419 = arith.shrsi %scan3A_1417, %shift_right_arithmetic3A : i32
      %and3A = arith.constant 1 : i32
      %and3A_1420 = arith.andi %scan3A_1417, %and3A : i32
      %mul3A_1421 = arith.constant 256 : i32
      %mul3A_1422 = arith.muli %and3A_1420, %mul3A_1421 : i32
      %add3A_1423 = arith.constant 0 : i32
      %add3A_1424 = arith.addi %mul3A_1422, %add3A_1423 : i32
      %get3A_1425 = arith.index_cast %shift_right_arithmetic3A_1419 : i32 to index
      %get3A_1426 = arith.index_cast %add3A_1424 : i32 to index
      %get3A_1427 = tpu.vector_load %arg9[%get3A_1425, %get3A_1426] {strides = array<i32>} : memref<16x512xf32, #tpu.memory_space<vmem>>, vector<1x16xf32>,
      %get3A_1428 = vector.shape_cast %get3A_1427 : vector<1x16xf32> to vector<16xf32>
      %neg3A_1429 = arith.constant 0.000000e+00 : f32
      %neg3A_1430 = vector.broadcast %neg3A_1429 : f32 to vector<16xf32>
      %neg3A_1431 = arith.subf %neg3A_1430, %get3A_1428 : vector<16xf32>
      %exp3A_1432 = math.exp %neg3A_1431 : vector<16xf32>
      %add3A_1433 = arith.constant 1.000000e+00 : f32
      %add3A_1434 = vector.broadcast %add3A_1433 : f32 to vector<16xf32>
      %add3A_1435 = arith.addf %add3A_1434, %exp3A_1432 : vector<16xf32>
      %div3A_1436 = arith.constant 1.000000e+00 : f32
      %div3A_1437 = vector.broadcast %div3A_1436 : f32 to vector<16xf32>
      %div3A_1438 = arith.divf %div3A_1437, %add3A_1435 : vector<16xf32>
      %add3A_1439 = arith.constant 0 : i32
      %add3A_1440 = arith.addi %mul3A_1422, %add3A_1439 : i32
      %swap3A_1441 = arith.index_cast %shift_right_arithmetic3A_1419 : i32 to index
      %swap3A_1442 = arith.index_cast %add3A_1440 : i32 to index
      %swap3A_1443 = tpu.vector_load %arg9[%swap3A_1441, %swap3A_1442] {strides = array<i32>} : memref<16x512xf32, #tpu.memory_space<vmem>>, vector<1x16xf32>,
      %swap3A_1444 = vector.shape_cast %swap3A_1443 : vector<1x16xf32> to vector<16xf32>
      %swap3A_1445 = vector.shape_cast %div3A_1438 : vector<16xf32> to vector<1x16xf32>
      tpu.vector_store %arg9[%swap3A_1441, %swap3A_1442], %swap3A_1445 {strides = array<i32>} : memref<16x512xf32, #tpu.memory_space<vmem>>, vector<1x16xf32>,
      %add3A_1446 = arith.constant 16 : i32
      %add3A_1447 = arith.addi %mul3A_1422, %add3A_1446 : i32
      %get3A_1448 = arith.index_cast %shift_right_arithmetic3A_1419 : i32 to index
      %get3A_1449 = arith.index_cast %add3A_1447 : i32 to index
      %get3A_1450 = tpu.vector_load %arg9[%get3A_1448, %get3A_1449] {strides = array<i32>} : memref<16x512xf32, #tpu.memory_space<vmem>>, vector<1x16xf32>,
      %get3A_1451 = vector.shape_cast %get3A_1450 : vector<1x16xf32> to vector<16xf32>
      %neg3A_1452 = arith.constant 0.000000e+00 : f32
      %neg3A_1453 = vector.broadcast %neg3A_1452 : f32 to vector<16xf32>
      %neg3A_1454 = arith.subf %neg3A_1453, %get3A_1451 : vector<16xf32>
      %exp3A_1455 = math.exp %neg3A_1454 : vector<16xf32>
      %add3A_1456 = arith.constant 1.000000e+00 : f32
      %add3A_1457 = vector.broadcast %add3A_1456 : f32 to vector<16xf32>
      %add3A_1458 = arith.addf %add3A_1457, %exp3A_1455 : vector<16xf32>
      %div3A_1459 = arith.constant 1.000000e+00 : f32
      %div3A_1460 = vector.broadcast %div3A_1459 : f32 to vector<16xf32>
      %div3A_1461 = arith.divf %div3A_1460, %add3A_1458 : vector<16xf32>
      %add3A_1462 = arith.constant 16 : i32
      %add3A_1463 = arith.addi %mul3A_1422, %add3A_1462 : i32
      %swap3A_1464 = arith.index_cast %shift_right_arithmetic3A_1419 : i32 to index
      %swap3A_1465 = arith.index_cast %add3A_1463 : i32 to index
      %swap3A_1466 = tpu.vector_load %arg9[%swap3A_1464, %swap3A_1465] {strides = array<i32>} : memref<16x512xf32, #tpu.memory_space<vmem>>, vector<1x16xf32>,
      %swap3A_1467 = vector.shape_cast %swap3A_1466 : vector<1x16xf32> to vector<16xf32>
      %swap3A_1468 = vector.shape_cast %div3A_1461 : vector<16xf32> to vector<1x16xf32>
      tpu.vector_store %arg9[%swap3A_1464, %swap3A_1465], %swap3A_1468 {strides = array<i32>} : memref<16x512xf32, #tpu.memory_space<vmem>>, vector<1x16xf32>,
      %add3A_1469 = arith.constant 32 : i32
      %add3A_1470 = arith.addi %mul3A_1422, %add3A_1469 : i32
      %get3A_1471 = arith.index_cast %shift_right_arithmetic3A_1419 : i32 to index
      %get3A_1472 = arith.index_cast %add3A_1470 : i32 to index
      %get3A_1473 = tpu.vector_load %arg9[%get3A_1471, %get3A_1472] {strides = array<i32>} : memref<16x512xf32, #tpu.memory_space<vmem>>, vector<1x16xf32>,
      %get3A_1474 = vector.shape_cast %get3A_1473 : vector<1x16xf32> to vector<16xf32>
      %neg3A_1475 = arith.constant 0.000000e+00 : f32
      %neg3A_1476 = vector.broadcast %neg3A_1475 : f32 to vector<16xf32>
      %neg3A_1477 = arith.subf %neg3A_1476, %get3A_1474 : vector<16xf32>
      %exp3A_1478 = math.exp %neg3A_1477 : vector<16xf32>
      %add3A_1479 = arith.constant 1.000000e+00 : f32
      %add3A_1480 = vector.broadcast %add3A_1479 : f32 to vector<16xf32>
      %add3A_1481 = arith.addf %add3A_1480, %exp3A_1478 : vector<16xf32>
      %div3A_1482 = arith.constant 1.000000e+00 : f32
      %div3A_1483 = vector.broadcast %div3A_1482 : f32 to vector<16xf32>
      %div3A_1484 = arith.divf %div3A_1483, %add3A_1481 : vector<16xf32>
      %add3A_1485 = arith.constant 32 : i32
      %add3A_1486 = arith.addi %mul3A_1422, %add3A_1485 : i32
      %swap3A_1487 = arith.index_cast %shift_right_arithmetic3A_1419 : i32 to index
      %swap3A_1488 = arith.index_cast %add3A_1486 : i32 to index
      %swap3A_1489 = tpu.vector_load %arg9[%swap3A_1487, %swap3A_1488] {strides = array<i32>} : memref<16x512xf32, #tpu.memory_space<vmem>>, vector<1x16xf32>,
      %swap3A_1490 = vector.shape_cast %swap3A_1489 : vector<1x16xf32> to vector<16xf32>
      %swap3A_1491 = vector.shape_cast %div3A_1484 : vector<16xf32> to vector<1x16xf32>
      tpu.vector_store %arg9[%swap3A_1487, %swap3A_1488], %swap3A_1491 {strides = array<i32>} : memref<16x512xf32, #tpu.memory_space<vmem>>, vector<1x16xf32>,
      %add3A_1492 = arith.constant 48 : i32
      %add3A_1493 = arith.addi %mul3A_1422, %add3A_1492 : i32
      %get3A_1494 = arith.index_cast %shift_right_arithmetic3A_1419 : i32 to index
      %get3A_1495 = arith.index_cast %add3A_1493 : i32 to index
      %get3A_1496 = tpu.vector_load %arg9[%get3A_1494, %get3A_1495] {strides = array<i32>} : memref<16x512xf32, #tpu.memory_space<vmem>>, vector<1x16xf32>,
      %get3A_1497 = vector.shape_cast %get3A_1496 : vector<1x16xf32> to vector<16xf32>
      %neg3A_1498 = arith.constant 0.000000e+00 : f32
      %neg3A_1499 = vector.broadcast %neg3A_1498 : f32 to vector<16xf32>
      %neg3A_1500 = arith.subf %neg3A_1499, %get3A_1497 : vector<16xf32>
      %exp3A_1501 = math.exp %neg3A_1500 : vector<16xf32>
      %add3A_1502 = arith.constant 1.000000e+00 : f32
      %add3A_1503 = vector.broadcast %add3A_1502 : f32 to vector<16xf32>
      %add3A_1504 = arith.addf %add3A_1503, %exp3A_1501 : vector<16xf32>
      %div3A_1505 = arith.constant 1.000000e+00 : f32
      %div3A_1506 = vector.broadcast %div3A_1505 : f32 to vector<16xf32>
      %div3A_1507 = arith.divf %div3A_1506, %add3A_1504 : vector<16xf32>
      %add3A_1508 = arith.constant 48 : i32
      %add3A_1509 = arith.addi %mul3A_1422, %add3A_1508 : i32
      %swap3A_1510 = arith.index_cast %shift_right_arithmetic3A_1419 : i32 to index
      %swap3A_1511 = arith.index_cast %add3A_1509 : i32 to index
      %swap3A_1512 = tpu.vector_load %arg9[%swap3A_1510, %swap3A_1511] {strides = array<i32>} : memref<16x512xf32, #tpu.memory_space<vmem>>, vector<1x16xf32>,
      %swap3A_1513 = vector.shape_cast %swap3A_1512 : vector<1x16xf32> to vector<16xf32>
      %swap3A_1514 = vector.shape_cast %div3A_1507 : vector<16xf32> to vector<1x16xf32>
      tpu.vector_store %arg9[%swap3A_1510, %swap3A_1511], %swap3A_1514 {strides = array<i32>} : memref<16x512xf32, #tpu.memory_space<vmem>>, vector<1x16xf32>,
      %add3A_1515 = arith.constant 64 : i32
      %add3A_1516 = arith.addi %mul3A_1422, %add3A_1515 : i32
      %get3A_1517 = arith.index_cast %shift_right_arithmetic3A_1419 : i32 to index
      %get3A_1518 = arith.index_cast %add3A_1516 : i32 to index
      %get3A_1519 = tpu.vector_load %arg9[%get3A_1517, %get3A_1518] {strides = array<i32>} : memref<16x512xf32, #tpu.memory_space<vmem>>, vector<1x16xf32>,
      %get3A_1520 = vector.shape_cast %get3A_1519 : vector<1x16xf32> to vector<16xf32>
      %neg3A_1521 = arith.constant 0.000000e+00 : f32
      %neg3A_1522 = vector.broadcast %neg3A_1521 : f32 to vector<16xf32>
      %neg3A_1523 = arith.subf %neg3A_1522, %get3A_1520 : vector<16xf32>
      %exp3A_1524 = math.exp %neg3A_1523 : vector<16xf32>
      %add3A_1525 = arith.constant 1.000000e+00 : f32
      %add3A_1526 = vector.broadcast %add3A_1525 : f32 to vector<16xf32>
      %add3A_1527 = arith.addf %add3A_1526, %exp3A_1524 : vector<16xf32>
      %div3A_1528 = arith.constant 1.000000e+00 : f32
      %div3A_1529 = vector.broadcast %div3A_1528 : f32 to vector<16xf32>
      %div3A_1530 = arith.divf %div3A_1529, %add3A_1527 : vector<16xf32>
      %add3A_1531 = arith.constant 64 : i32
      %add3A_1532 = arith.addi %mul3A_1422, %add3A_1531 : i32
      %swap3A_1533 = arith.index_cast %shift_right_arithmetic3A_1419 : i32 to index
      %swap3A_1534 = arith.index_cast %add3A_1532 : i32 to index
      %swap3A_1535 = tpu.vector_load %arg9[%swap3A_1533, %swap3A_1534] {strides = array<i32>} : memref<16x512xf32, #tpu.memory_space<vmem>>, vector<1x16xf32>,
      %swap3A_1536 = vector.shape_cast %swap3A_1535 : vector<1x16xf32> to vector<16xf32>
      %swap3A_1537 = vector.shape_cast %div3A_1530 : vector<16xf32> to vector<1x16xf32>
      tpu.vector_store %arg9[%swap3A_1533, %swap3A_1534], %swap3A_1537 {strides = array<i32>} : memref<16x512xf32, #tpu.memory_space<vmem>>, vector<1x16xf32>,
      %add3A_1538 = arith.constant 80 : i32
      %add3A_1539 = arith.addi %mul3A_1422, %add3A_1538 : i32
      %get3A_1540 = arith.index_cast %shift_right_arithmetic3A_1419 : i32 to index
      %get3A_1541 = arith.index_cast %add3A_1539 : i32 to index
      %get3A_1542 = tpu.vector_load %arg9[%get3A_1540, %get3A_1541] {strides = array<i32>} : memref<16x512xf32, #tpu.memory_space<vmem>>, vector<1x16xf32>,
      %get3A_1543 = vector.shape_cast %get3A_1542 : vector<1x16xf32> to vector<16xf32>
      %neg3A_1544 = arith.constant 0.000000e+00 : f32
      %neg3A_1545 = vector.broadcast %neg3A_1544 : f32 to vector<16xf32>
      %neg3A_1546 = arith.subf %neg3A_1545, %get3A_1543 : vector<16xf32>
      %exp3A_1547 = math.exp %neg3A_1546 : vector<16xf32>
      %add3A_1548 = arith.constant 1.000000e+00 : f32
      %add3A_1549 = vector.broadcast %add3A_1548 : f32 to vector<16xf32>
      %add3A_1550 = arith.addf %add3A_1549, %exp3A_1547 : vector<16xf32>
      %div3A_1551 = arith.constant 1.000000e+00 : f32
      %div3A_1552 = vector.broadcast %div3A_1551 : f32 to vector<16xf32>
      %div3A_1553 = arith.divf %div3A_1552, %add3A_1550 : vector<16xf32>
      %add3A_1554 = arith.constant 80 : i32
      %add3A_1555 = arith.addi %mul3A_1422, %add3A_1554 : i32
      %swap3A_1556 = arith.index_cast %shift_right_arithmetic3A_1419 : i32 to index
      %swap3A_1557 = arith.index_cast %add3A_1555 : i32 to index
      %swap3A_1558 = tpu.vector_load %arg9[%swap3A_1556, %swap3A_1557] {strides = array<i32>} : memref<16x512xf32, #tpu.memory_space<vmem>>, vector<1x16xf32>,
      %swap3A_1559 = vector.shape_cast %swap3A_1558 : vector<1x16xf32> to vector<16xf32>
      %swap3A_1560 = vector.shape_cast %div3A_1553 : vector<16xf32> to vector<1x16xf32>
      tpu.vector_store %arg9[%swap3A_1556, %swap3A_1557], %swap3A_1560 {strides = array<i32>} : memref<16x512xf32, #tpu.memory_space<vmem>>, vector<1x16xf32>,
      %add3A_1561 = arith.constant 96 : i32
      %add3A_1562 = arith.addi %mul3A_1422, %add3A_1561 : i32
      %get3A_1563 = arith.index_cast %shift_right_arithmetic3A_1419 : i32 to index
      %get3A_1564 = arith.index_cast %add3A_1562 : i32 to index
      %get3A_1565 = tpu.vector_load %arg9[%get3A_1563, %get3A_1564] {strides = array<i32>} : memref<16x512xf32, #tpu.memory_space<vmem>>, vector<1x16xf32>,
      %get3A_1566 = vector.shape_cast %get3A_1565 : vector<1x16xf32> to vector<16xf32>
      %neg3A_1567 = arith.constant 0.000000e+00 : f32
      %neg3A_1568 = vector.broadcast %neg3A_1567 : f32 to vector<16xf32>
      %neg3A_1569 = arith.subf %neg3A_1568, %get3A_1566 : vector<16xf32>
      %exp3A_1570 = math.exp %neg3A_1569 : vector<16xf32>
      %add3A_1571 = arith.constant 1.000000e+00 : f32
      %add3A_1572 = vector.broadcast %add3A_1571 : f32 to vector<16xf32>
      %add3A_1573 = arith.addf %add3A_1572, %exp3A_1570 : vector<16xf32>
      %div3A_1574 = arith.constant 1.000000e+00 : f32
      %div3A_1575 = vector.broadcast %div3A_1574 : f32 to vector<16xf32>
      %div3A_1576 = arith.divf %div3A_1575, %add3A_1573 : vector<16xf32>
      %add3A_1577 = arith.constant 96 : i32
      %add3A_1578 = arith.addi %mul3A_1422, %add3A_1577 : i32
      %swap3A_1579 = arith.index_cast %shift_right_arithmetic3A_1419 : i32 to index
      %swap3A_1580 = arith.index_cast %add3A_1578 : i32 to index
      %swap3A_1581 = tpu.vector_load %arg9[%swap3A_1579, %swap3A_1580] {strides = array<i32>} : memref<16x512xf32, #tpu.memory_space<vmem>>, vector<1x16xf32>,
      %swap3A_1582 = vector.shape_cast %swap3A_1581 : vector<1x16xf32> to vector<16xf32>
      %swap3A_1583 = vector.shape_cast %div3A_1576 : vector<16xf32> to vector<1x16xf32>
      tpu.vector_store %arg9[%swap3A_1579, %swap3A_1580], %swap3A_1583 {strides = array<i32>} : memref<16x512xf32, #tpu.memory_space<vmem>>, vector<1x16xf32>,
      %add3A_1584 = arith.constant 112 : i32
      %add3A_1585 = arith.addi %mul3A_1422, %add3A_1584 : i32
      %get3A_1586 = arith.index_cast %shift_right_arithmetic3A_1419 : i32 to index
      %get3A_1587 = arith.index_cast %add3A_1585 : i32 to index
      %get3A_1588 = tpu.vector_load %arg9[%get3A_1586, %get3A_1587] {strides = array<i32>} : memref<16x512xf32, #tpu.memory_space<vmem>>, vector<1x16xf32>,
      %get3A_1589 = vector.shape_cast %get3A_1588 : vector<1x16xf32> to vector<16xf32>
      %neg3A_1590 = arith.constant 0.000000e+00 : f32
      %neg3A_1591 = vector.broadcast %neg3A_1590 : f32 to vector<16xf32>
      %neg3A_1592 = arith.subf %neg3A_1591, %get3A_1589 : vector<16xf32>
      %exp3A_1593 = math.exp %neg3A_1592 : vector<16xf32>
      %add3A_1594 = arith.constant 1.000000e+00 : f32
      %add3A_1595 = vector.broadcast %add3A_1594 : f32 to vector<16xf32>
      %add3A_1596 = arith.addf %add3A_1595, %exp3A_1593 : vector<16xf32>
      %div3A_1597 = arith.constant 1.000000e+00 : f32
      %div3A_1598 = vector.broadcast %div3A_1597 : f32 to vector<16xf32>
      %div3A_1599 = arith.divf %div3A_1598, %add3A_1596 : vector<16xf32>
      %add3A_1600 = arith.constant 112 : i32
      %add3A_1601 = arith.addi %mul3A_1422, %add3A_1600 : i32
      %swap3A_1602 = arith.index_cast %shift_right_arithmetic3A_1419 : i32 to index
      %swap3A_1603 = arith.index_cast %add3A_1601 : i32 to index
      %swap3A_1604 = tpu.vector_load %arg9[%swap3A_1602, %swap3A_1603] {strides = array<i32>} : memref<16x512xf32, #tpu.memory_space<vmem>>, vector<1x16xf32>,
      %swap3A_1605 = vector.shape_cast %swap3A_1604 : vector<1x16xf32> to vector<16xf32>
      %swap3A_1606 = vector.shape_cast %div3A_1599 : vector<16xf32> to vector<1x16xf32>
      tpu.vector_store %arg9[%swap3A_1602, %swap3A_1603], %swap3A_1606 {strides = array<i32>} : memref<16x512xf32, #tpu.memory_space<vmem>>, vector<1x16xf32>,
      %add3A_1607 = arith.constant 128 : i32
      %add3A_1608 = arith.addi %mul3A_1422, %add3A_1607 : i32
      %get3A_1609 = arith.index_cast %shift_right_arithmetic3A_1419 : i32 to index
      %get3A_1610 = arith.index_cast %add3A_1608 : i32 to index
      %get3A_1611 = tpu.vector_load %arg9[%get3A_1609, %get3A_1610] {strides = array<i32>} : memref<16x512xf32, #tpu.memory_space<vmem>>, vector<1x16xf32>,
      %get3A_1612 = vector.shape_cast %get3A_1611 : vector<1x16xf32> to vector<16xf32>
      %neg3A_1613 = arith.constant 0.000000e+00 : f32
      %neg3A_1614 = vector.broadcast %neg3A_1613 : f32 to vector<16xf32>
      %neg3A_1615 = arith.subf %neg3A_1614, %get3A_1612 : vector<16xf32>
      %exp3A_1616 = math.exp %neg3A_1615 : vector<16xf32>
      %add3A_1617 = arith.constant 1.000000e+00 : f32
      %add3A_1618 = vector.broadcast %add3A_1617 : f32 to vector<16xf32>
      %add3A_1619 = arith.addf %add3A_1618, %exp3A_1616 : vector<16xf32>
      %div3A_1620 = arith.constant 1.000000e+00 : f32
      %div3A_1621 = vector.broadcast %div3A_1620 : f32 to vector<16xf32>
      %div3A_1622 = arith.divf %div3A_1621, %add3A_1619 : vector<16xf32>
      %add3A_1623 = arith.constant 128 : i32
      %add3A_1624 = arith.addi %mul3A_1422, %add3A_1623 : i32
      %swap3A_1625 = arith.index_cast %shift_right_arithmetic3A_1419 : i32 to index
      %swap3A_1626 = arith.index_cast %add3A_1624 : i32 to index
      %swap3A_1627 = tpu.vector_load %arg9[%swap3A_1625, %swap3A_1626] {strides = array<i32>} : memref<16x512xf32, #tpu.memory_space<vmem>>, vector<1x16xf32>,
      %swap3A_1628 = vector.shape_cast %swap3A_1627 : vector<1x16xf32> to vector<16xf32>
      %swap3A_1629 = vector.shape_cast %div3A_1622 : vector<16xf32> to vector<1x16xf32>
      tpu.vector_store %arg9[%swap3A_1625, %swap3A_1626], %swap3A_1629 {strides = array<i32>} : memref<16x512xf32, #tpu.memory_space<vmem>>, vector<1x16xf32>,
      %add3A_1630 = arith.constant 144 : i32
      %add3A_1631 = arith.addi %mul3A_1422, %add3A_1630 : i32
      %get3A_1632 = arith.index_cast %shift_right_arithmetic3A_1419 : i32 to index
      %get3A_1633 = arith.index_cast %add3A_1631 : i32 to index
      %get3A_1634 = tpu.vector_load %arg9[%get3A_1632, %get3A_1633] {strides = array<i32>} : memref<16x512xf32, #tpu.memory_space<vmem>>, vector<1x16xf32>,
      %get3A_1635 = vector.shape_cast %get3A_1634 : vector<1x16xf32> to vector<16xf32>
      %neg3A_1636 = arith.constant 0.000000e+00 : f32
      %neg3A_1637 = vector.broadcast %neg3A_1636 : f32 to vector<16xf32>
      %neg3A_1638 = arith.subf %neg3A_1637, %get3A_1635 : vector<16xf32>
      %exp3A_1639 = math.exp %neg3A_1638 : vector<16xf32>
      %add3A_1640 = arith.constant 1.000000e+00 : f32
      %add3A_1641 = vector.broadcast %add3A_1640 : f32 to vector<16xf32>
      %add3A_1642 = arith.addf %add3A_1641, %exp3A_1639 : vector<16xf32>
      %div3A_1643 = arith.constant 1.000000e+00 : f32
      %div3A_1644 = vector.broadcast %div3A_1643 : f32 to vector<16xf32>
      %div3A_1645 = arith.divf %div3A_1644, %add3A_1642 : vector<16xf32>
      %add3A_1646 = arith.constant 144 : i32
      %add3A_1647 = arith.addi %mul3A_1422, %add3A_1646 : i32
      %swap3A_1648 = arith.index_cast %shift_right_arithmetic3A_1419 : i32 to index
      %swap3A_1649 = arith.index_cast %add3A_1647 : i32 to index
      %swap3A_1650 = tpu.vector_load %arg9[%swap3A_1648, %swap3A_1649] {strides = array<i32>} : memref<16x512xf32, #tpu.memory_space<vmem>>, vector<1x16xf32>,
      %swap3A_1651 = vector.shape_cast %swap3A_1650 : vector<1x16xf32> to vector<16xf32>
      %swap3A_1652 = vector.shape_cast %div3A_1645 : vector<16xf32> to vector<1x16xf32>
      tpu.vector_store %arg9[%swap3A_1648, %swap3A_1649], %swap3A_1652 {strides = array<i32>} : memref<16x512xf32, #tpu.memory_space<vmem>>, vector<1x16xf32>,
      %add3A_1653 = arith.constant 160 : i32
      %add3A_1654 = arith.addi %mul3A_1422, %add3A_1653 : i32
      %get3A_1655 = arith.index_cast %shift_right_arithmetic3A_1419 : i32 to index
      %get3A_1656 = arith.index_cast %add3A_1654 : i32 to index
      %get3A_1657 = tpu.vector_load %arg9[%get3A_1655, %get3A_1656] {strides = array<i32>} : memref<16x512xf32, #tpu.memory_space<vmem>>, vector<1x16xf32>,
      %get3A_1658 = vector.shape_cast %get3A_1657 : vector<1x16xf32> to vector<16xf32>
      %neg3A_1659 = arith.constant 0.000000e+00 : f32
      %neg3A_1660 = vector.broadcast %neg3A_1659 : f32 to vector<16xf32>
      %neg3A_1661 = arith.subf %neg3A_1660, %get3A_1658 : vector<16xf32>
      %exp3A_1662 = math.exp %neg3A_1661 : vector<16xf32>
      %add3A_1663 = arith.constant 1.000000e+00 : f32
      %add3A_1664 = vector.broadcast %add3A_1663 : f32 to vector<16xf32>
      %add3A_1665 = arith.addf %add3A_1664, %exp3A_1662 : vector<16xf32>
      %div3A_1666 = arith.constant 1.000000e+00 : f32
      %div3A_1667 = vector.broadcast %div3A_1666 : f32 to vector<16xf32>
      %div3A_1668 = arith.divf %div3A_1667, %add3A_1665 : vector<16xf32>
      %add3A_1669 = arith.constant 160 : i32
      %add3A_1670 = arith.addi %mul3A_1422, %add3A_1669 : i32
      %swap3A_1671 = arith.index_cast %shift_right_arithmetic3A_1419 : i32 to index
      %swap3A_1672 = arith.index_cast %add3A_1670 : i32 to index
      %swap3A_1673 = tpu.vector_load %arg9[%swap3A_1671, %swap3A_1672] {strides = array<i32>} : memref<16x512xf32, #tpu.memory_space<vmem>>, vector<1x16xf32>,
      %swap3A_1674 = vector.shape_cast %swap3A_1673 : vector<1x16xf32> to vector<16xf32>
      %swap3A_1675 = vector.shape_cast %div3A_1668 : vector<16xf32> to vector<1x16xf32>
      tpu.vector_store %arg9[%swap3A_1671, %swap3A_1672], %swap3A_1675 {strides = array<i32>} : memref<16x512xf32, #tpu.memory_space<vmem>>, vector<1x16xf32>,
      %add3A_1676 = arith.constant 176 : i32
      %add3A_1677 = arith.addi %mul3A_1422, %add3A_1676 : i32
      %get3A_1678 = arith.index_cast %shift_right_arithmetic3A_1419 : i32 to index
      %get3A_1679 = arith.index_cast %add3A_1677 : i32 to index
      %get3A_1680 = tpu.vector_load %arg9[%get3A_1678, %get3A_1679] {strides = array<i32>} : memref<16x512xf32, #tpu.memory_space<vmem>>, vector<1x16xf32>,
      %get3A_1681 = vector.shape_cast %get3A_1680 : vector<1x16xf32> to vector<16xf32>
      %neg3A_1682 = arith.constant 0.000000e+00 : f32
      %neg3A_1683 = vector.broadcast %neg3A_1682 : f32 to vector<16xf32>
      %neg3A_1684 = arith.subf %neg3A_1683, %get3A_1681 : vector<16xf32>
      %exp3A_1685 = math.exp %neg3A_1684 : vector<16xf32>
      %add3A_1686 = arith.constant 1.000000e+00 : f32
      %add3A_1687 = vector.broadcast %add3A_1686 : f32 to vector<16xf32>
      %add3A_1688 = arith.addf %add3A_1687, %exp3A_1685 : vector<16xf32>
      %div3A_1689 = arith.constant 1.000000e+00 : f32
      %div3A_1690 = vector.broadcast %div3A_1689 : f32 to vector<16xf32>
      %div3A_1691 = arith.divf %div3A_1690, %add3A_1688 : vector<16xf32>
      %add3A_1692 = arith.constant 176 : i32
      %add3A_1693 = arith.addi %mul3A_1422, %add3A_1692 : i32
      %swap3A_1694 = arith.index_cast %shift_right_arithmetic3A_1419 : i32 to index
      %swap3A_1695 = arith.index_cast %add3A_1693 : i32 to index
      %swap3A_1696 = tpu.vector_load %arg9[%swap3A_1694, %swap3A_1695] {strides = array<i32>} : memref<16x512xf32, #tpu.memory_space<vmem>>, vector<1x16xf32>,
      %swap3A_1697 = vector.shape_cast %swap3A_1696 : vector<1x16xf32> to vector<16xf32>
      %swap3A_1698 = vector.shape_cast %div3A_1691 : vector<16xf32> to vector<1x16xf32>
      tpu.vector_store %arg9[%swap3A_1694, %swap3A_1695], %swap3A_1698 {strides = array<i32>} : memref<16x512xf32, #tpu.memory_space<vmem>>, vector<1x16xf32>,
      %add3A_1699 = arith.constant 192 : i32
      %add3A_1700 = arith.addi %mul3A_1422, %add3A_1699 : i32
      %get3A_1701 = arith.index_cast %shift_right_arithmetic3A_1419 : i32 to index
      %get3A_1702 = arith.index_cast %add3A_1700 : i32 to index
      %get3A_1703 = tpu.vector_load %arg9[%get3A_1701, %get3A_1702] {strides = array<i32>} : memref<16x512xf32, #tpu.memory_space<vmem>>, vector<1x16xf32>,
      %get3A_1704 = vector.shape_cast %get3A_1703 : vector<1x16xf32> to vector<16xf32>
      %neg3A_1705 = arith.constant 0.000000e+00 : f32
      %neg3A_1706 = vector.broadcast %neg3A_1705 : f32 to vector<16xf32>
      %neg3A_1707 = arith.subf %neg3A_1706, %get3A_1704 : vector<16xf32>
      %exp3A_1708 = math.exp %neg3A_1707 : vector<16xf32>
      %add3A_1709 = arith.constant 1.000000e+00 : f32
      %add3A_1710 = vector.broadcast %add3A_1709 : f32 to vector<16xf32>
      %add3A_1711 = arith.addf %add3A_1710, %exp3A_1708 : vector<16xf32>
      %div3A_1712 = arith.constant 1.000000e+00 : f32
      %div3A_1713 = vector.broadcast %div3A_1712 : f32 to vector<16xf32>
      %div3A_1714 = arith.divf %div3A_1713, %add3A_1711 : vector<16xf32>
      %add3A_1715 = arith.constant 192 : i32
      %add3A_1716 = arith.addi %mul3A_1422, %add3A_1715 : i32
      %swap3A_1717 = arith.index_cast %shift_right_arithmetic3A_1419 : i32 to index
      %swap3A_1718 = arith.index_cast %add3A_1716 : i32 to index
      %swap3A_1719 = tpu.vector_load %arg9[%swap3A_1717, %swap3A_1718] {strides = array<i32>} : memref<16x512xf32, #tpu.memory_space<vmem>>, vector<1x16xf32>,
      %swap3A_1720 = vector.shape_cast %swap3A_1719 : vector<1x16xf32> to vector<16xf32>
      %swap3A_1721 = vector.shape_cast %div3A_1714 : vector<16xf32> to vector<1x16xf32>
      tpu.vector_store %arg9[%swap3A_1717, %swap3A_1718], %swap3A_1721 {strides = array<i32>} : memref<16x512xf32, #tpu.memory_space<vmem>>, vector<1x16xf32>,
      %add3A_1722 = arith.constant 208 : i32
      %add3A_1723 = arith.addi %mul3A_1422, %add3A_1722 : i32
      %get3A_1724 = arith.index_cast %shift_right_arithmetic3A_1419 : i32 to index
      %get3A_1725 = arith.index_cast %add3A_1723 : i32 to index
      %get3A_1726 = tpu.vector_load %arg9[%get3A_1724, %get3A_1725] {strides = array<i32>} : memref<16x512xf32, #tpu.memory_space<vmem>>, vector<1x16xf32>,
      %get3A_1727 = vector.shape_cast %get3A_1726 : vector<1x16xf32> to vector<16xf32>
      %neg3A_1728 = arith.constant 0.000000e+00 : f32
      %neg3A_1729 = vector.broadcast %neg3A_1728 : f32 to vector<16xf32>
      %neg3A_1730 = arith.subf %neg3A_1729, %get3A_1727 : vector<16xf32>
      %exp3A_1731 = math.exp %neg3A_1730 : vector<16xf32>
      %add3A_1732 = arith.constant 1.000000e+00 : f32
      %add3A_1733 = vector.broadcast %add3A_1732 : f32 to vector<16xf32>
      %add3A_1734 = arith.addf %add3A_1733, %exp3A_1731 : vector<16xf32>
      %div3A_1735 = arith.constant 1.000000e+00 : f32
      %div3A_1736 = vector.broadcast %div3A_1735 : f32 to vector<16xf32>
      %div3A_1737 = arith.divf %div3A_1736, %add3A_1734 : vector<16xf32>
      %add3A_1738 = arith.constant 208 : i32
      %add3A_1739 = arith.addi %mul3A_1422, %add3A_1738 : i32
      %swap3A_1740 = arith.index_cast %shift_right_arithmetic3A_1419 : i32 to index
      %swap3A_1741 = arith.index_cast %add3A_1739 : i32 to index
      %swap3A_1742 = tpu.vector_load %arg9[%swap3A_1740, %swap3A_1741] {strides = array<i32>} : memref<16x512xf32, #tpu.memory_space<vmem>>, vector<1x16xf32>,
      %swap3A_1743 = vector.shape_cast %swap3A_1742 : vector<1x16xf32> to vector<16xf32>
      %swap3A_1744 = vector.shape_cast %div3A_1737 : vector<16xf32> to vector<1x16xf32>
      tpu.vector_store %arg9[%swap3A_1740, %swap3A_1741], %swap3A_1744 {strides = array<i32>} : memref<16x512xf32, #tpu.memory_space<vmem>>, vector<1x16xf32>,
      %add3A_1745 = arith.constant 224 : i32
      %add3A_1746 = arith.addi %mul3A_1422, %add3A_1745 : i32
      %get3A_1747 = arith.index_cast %shift_right_arithmetic3A_1419 : i32 to index
      %get3A_1748 = arith.index_cast %add3A_1746 : i32 to index
      %get3A_1749 = tpu.vector_load %arg9[%get3A_1747, %get3A_1748] {strides = array<i32>} : memref<16x512xf32, #tpu.memory_space<vmem>>, vector<1x16xf32>,
      %get3A_1750 = vector.shape_cast %get3A_1749 : vector<1x16xf32> to vector<16xf32>
      %neg3A_1751 = arith.constant 0.000000e+00 : f32
      %neg3A_1752 = vector.broadcast %neg3A_1751 : f32 to vector<16xf32>
      %neg3A_1753 = arith.subf %neg3A_1752, %get3A_1750 : vector<16xf32>
      %exp3A_1754 = math.exp %neg3A_1753 : vector<16xf32>
      %add3A_1755 = arith.constant 1.000000e+00 : f32
      %add3A_1756 = vector.broadcast %add3A_1755 : f32 to vector<16xf32>
      %add3A_1757 = arith.addf %add3A_1756, %exp3A_1754 : vector<16xf32>
      %div3A_1758 = arith.constant 1.000000e+00 : f32
      %div3A_1759 = vector.broadcast %div3A_1758 : f32 to vector<16xf32>
      %div3A_1760 = arith.divf %div3A_1759, %add3A_1757 : vector<16xf32>
      %add3A_1761 = arith.constant 224 : i32
      %add3A_1762 = arith.addi %mul3A_1422, %add3A_1761 : i32
      %swap3A_1763 = arith.index_cast %shift_right_arithmetic3A_1419 : i32 to index
      %swap3A_1764 = arith.index_cast %add3A_1762 : i32 to index
      %swap3A_1765 = tpu.vector_load %arg9[%swap3A_1763, %swap3A_1764] {strides = array<i32>} : memref<16x512xf32, #tpu.memory_space<vmem>>, vector<1x16xf32>,
      %swap3A_1766 = vector.shape_cast %swap3A_1765 : vector<1x16xf32> to vector<16xf32>
      %swap3A_1767 = vector.shape_cast %div3A_1760 : vector<16xf32> to vector<1x16xf32>
      tpu.vector_store %arg9[%swap3A_1763, %swap3A_1764], %swap3A_1767 {strides = array<i32>} : memref<16x512xf32, #tpu.memory_space<vmem>>, vector<1x16xf32>,
      %add3A_1768 = arith.constant 240 : i32
      %add3A_1769 = arith.addi %mul3A_1422, %add3A_1768 : i32
      %get3A_1770 = arith.index_cast %shift_right_arithmetic3A_1419 : i32 to index
      %get3A_1771 = arith.index_cast %add3A_1769 : i32 to index
      %get3A_1772 = tpu.vector_load %arg9[%get3A_1770, %get3A_1771] {strides = array<i32>} : memref<16x512xf32, #tpu.memory_space<vmem>>, vector<1x16xf32>,
      %get3A_1773 = vector.shape_cast %get3A_1772 : vector<1x16xf32> to vector<16xf32>
      %neg3A_1774 = arith.constant 0.000000e+00 : f32
      %neg3A_1775 = vector.broadcast %neg3A_1774 : f32 to vector<16xf32>
      %neg3A_1776 = arith.subf %neg3A_1775, %get3A_1773 : vector<16xf32>
      %exp3A_1777 = math.exp %neg3A_1776 : vector<16xf32>
      %add3A_1778 = arith.constant 1.000000e+00 : f32
      %add3A_1779 = vector.broadcast %add3A_1778 : f32 to vector<16xf32>
      %add3A_1780 = arith.addf %add3A_1779, %exp3A_1777 : vector<16xf32>
      %div3A_1781 = arith.constant 1.000000e+00 : f32
      %div3A_1782 = vector.broadcast %div3A_1781 : f32 to vector<16xf32>
      %div3A_1783 = arith.divf %div3A_1782, %add3A_1780 : vector<16xf32>
      %add3A_1784 = arith.constant 240 : i32
      %add3A_1785 = arith.addi %mul3A_1422, %add3A_1784 : i32
      %swap3A_1786 = arith.index_cast %shift_right_arithmetic3A_1419 : i32 to index
      %swap3A_1787 = arith.index_cast %add3A_1785 : i32 to index
      %swap3A_1788 = tpu.vector_load %arg9[%swap3A_1786, %swap3A_1787] {strides = array<i32>} : memref<16x512xf32, #tpu.memory_space<vmem>>, vector<1x16xf32>,
      %swap3A_1789 = vector.shape_cast %swap3A_1788 : vector<1x16xf32> to vector<16xf32>
      %swap3A_1790 = vector.shape_cast %div3A_1783 : vector<16xf32> to vector<1x16xf32>
      tpu.vector_store %arg9[%swap3A_1786, %swap3A_1787], %swap3A_1790 {strides = array<i32>} : memref<16x512xf32, #tpu.memory_space<vmem>>, vector<1x16xf32>,
      %scan3A_1791 = arith.constant 0 : i32
      scf.yield %scan3A_1791 : i32
    }
    %scan3A_131 = arith.constant 32 : i32
    %get3A_132 = arith.constant 0 : i32
    %get3A_133 = arith.index_cast %get3A_132 : i32 to index
    %get3A_134 = arith.constant 0 : index
    %get3A_135 = tpu.vector_load %arg8[%get3A_133, %get3A_134] {strides = array<i32>} : memref<4x16xf32, #tpu.memory_space<vmem>>, vector<1x16xf32>,
    %get3A_136 = vector.shape_cast %get3A_135 : vector<1x16xf32> to vector<16xf32>
    %get3A_137 = arith.constant 0 : i32
    %get3A_138 = arith.index_cast %get3A_137 : i32 to index
    %get3A_139 = arith.constant 0 : index
    %get3A_140 = tpu.vector_load %arg9[%get3A_138, %get3A_139] {strides = array<i32>} : memref<16x512xf32, #tpu.memory_space<vmem>>, vector<1x16xf32>,
    %get3A_141 = vector.shape_cast %get3A_140 : vector<1x16xf32> to vector<16xf32>
    %eq3A = arith.constant 0 : i32
    %eq3A_142 = vector.broadcast %eq3A : i32 to vector<16xi32>
    %eq3A_143 = arith.cmpi eq, %iota3A, %eq3A_142 : vector<16xi32>
    %slice3A = vector.extract_strided_slice %get3A_136 {offsets = [0], sizes = [1], strides = [1]} : vector<16xf32> to vector<1xf32>
    %squeeze3A = vector.extract %slice3A[0] : f32 from vector<1xf32>
    %broadcast_in_dim3A = vector.broadcast %squeeze3A : f32 to vector<16xf32>
    %select_n3A_144 = arith.select %eq3A_143, %broadcast_in_dim3A, %get3A_141 : vector<16xi1>, vector<16xf32>
    %swap3A_145 = arith.constant 0 : i32
    %swap3A_146 = arith.index_cast %swap3A_145 : i32 to index
    %swap3A_147 = arith.constant 0 : index
    %swap3A_148 = tpu.vector_load %arg9[%swap3A_146, %swap3A_147] {strides = array<i32>} : memref<16x512xf32, #tpu.memory_space<vmem>>, vector<1x16xf32>,
    %swap3A_149 = vector.shape_cast %swap3A_148 : vector<1x16xf32> to vector<16xf32>
    %swap3A_150 = vector.shape_cast %select_n3A_144 : vector<16xf32> to vector<1x16xf32>
    tpu.vector_store %arg9[%swap3A_146, %swap3A_147], %swap3A_150 {strides = array<i32>} : memref<16x512xf32, #tpu.memory_space<vmem>>, vector<1x16xf32>,
    %get3A_151 = arith.constant 1 : i32
    %get3A_152 = arith.index_cast %get3A_151 : i32 to index
    %get3A_153 = arith.constant 0 : index
    %get3A_154 = tpu.vector_load %arg9[%get3A_152, %get3A_153] {strides = array<i32>} : memref<16x512xf32, #tpu.memory_space<vmem>>, vector<1x16xf32>,
    %get3A_155 = vector.shape_cast %get3A_154 : vector<1x16xf32> to vector<16xf32>
    %eq3A_156 = arith.constant 0 : i32
    %eq3A_157 = vector.broadcast %eq3A_156 : i32 to vector<16xi32>
    %eq3A_158 = arith.cmpi eq, %iota3A, %eq3A_157 : vector<16xi32>
    %slice3A_159 = vector.extract_strided_slice %get3A_136 {offsets = [1], sizes = [1], strides = [1]} : vector<16xf32> to vector<1xf32>
    %squeeze3A_160 = vector.extract %slice3A_159[0] : f32 from vector<1xf32>
    %broadcast_in_dim3A_161 = vector.broadcast %squeeze3A_160 : f32 to vector<16xf32>
    %select_n3A_162 = arith.select %eq3A_158, %broadcast_in_dim3A_161, %get3A_155 : vector<16xi1>, vector<16xf32>
    %swap3A_163 = arith.constant 1 : i32
    %swap3A_164 = arith.index_cast %swap3A_163 : i32 to index
    %swap3A_165 = arith.constant 0 : index
    %swap3A_166 = tpu.vector_load %arg9[%swap3A_164, %swap3A_165] {strides = array<i32>} : memref<16x512xf32, #tpu.memory_space<vmem>>, vector<1x16xf32>,
    %swap3A_167 = vector.shape_cast %swap3A_166 : vector<1x16xf32> to vector<16xf32>
    %swap3A_168 = vector.shape_cast %select_n3A_162 : vector<16xf32> to vector<1x16xf32>
    tpu.vector_store %arg9[%swap3A_164, %swap3A_165], %swap3A_168 {strides = array<i32>} : memref<16x512xf32, #tpu.memory_space<vmem>>, vector<1x16xf32>,
    %get3A_169 = arith.constant 2 : i32
    %get3A_170 = arith.index_cast %get3A_169 : i32 to index
    %get3A_171 = arith.constant 0 : index
    %get3A_172 = tpu.vector_load %arg9[%get3A_170, %get3A_171] {strides = array<i32>} : memref<16x512xf32, #tpu.memory_space<vmem>>, vector<1x16xf32>,
    %get3A_173 = vector.shape_cast %get3A_172 : vector<1x16xf32> to vector<16xf32>
    %eq3A_174 = arith.constant 0 : i32
    %eq3A_175 = vector.broadcast %eq3A_174 : i32 to vector<16xi32>
    %eq3A_176 = arith.cmpi eq, %iota3A, %eq3A_175 : vector<16xi32>
    %slice3A_177 = vector.extract_strided_slice %get3A_136 {offsets = [2], sizes = [1], strides = [1]} : vector<16xf32> to vector<1xf32>
    %squeeze3A_178 = vector.extract %slice3A_177[0] : f32 from vector<1xf32>
    %broadcast_in_dim3A_179 = vector.broadcast %squeeze3A_178 : f32 to vector<16xf32>
    %select_n3A_180 = arith.select %eq3A_176, %broadcast_in_dim3A_179, %get3A_173 : vector<16xi1>, vector<16xf32>
    %swap3A_181 = arith.constant 2 : i32
    %swap3A_182 = arith.index_cast %swap3A_181 : i32 to index
    %swap3A_183 = arith.constant 0 : index
    %swap3A_184 = tpu.vector_load %arg9[%swap3A_182, %swap3A_183] {strides = array<i32>} : memref<16x512xf32, #tpu.memory_space<vmem>>, vector<1x16xf32>,
    %swap3A_185 = vector.shape_cast %swap3A_184 : vector<1x16xf32> to vector<16xf32>
    %swap3A_186 = vector.shape_cast %select_n3A_180 : vector<16xf32> to vector<1x16xf32>
    tpu.vector_store %arg9[%swap3A_182, %swap3A_183], %swap3A_186 {strides = array<i32>} : memref<16x512xf32, #tpu.memory_space<vmem>>, vector<1x16xf32>,
    %get3A_187 = arith.constant 3 : i32
    %get3A_188 = arith.index_cast %get3A_187 : i32 to index
    %get3A_189 = arith.constant 0 : index
    %get3A_190 = tpu.vector_load %arg9[%get3A_188, %get3A_189] {strides = array<i32>} : memref<16x512xf32, #tpu.memory_space<vmem>>, vector<1x16xf32>,
    %get3A_191 = vector.shape_cast %get3A_190 : vector<1x16xf32> to vector<16xf32>
    %eq3A_192 = arith.constant 0 : i32
    %eq3A_193 = vector.broadcast %eq3A_192 : i32 to vector<16xi32>
    %eq3A_194 = arith.cmpi eq, %iota3A, %eq3A_193 : vector<16xi32>
    %slice3A_195 = vector.extract_strided_slice %get3A_136 {offsets = [3], sizes = [1], strides = [1]} : vector<16xf32> to vector<1xf32>
    %squeeze3A_196 = vector.extract %slice3A_195[0] : f32 from vector<1xf32>
    %broadcast_in_dim3A_197 = vector.broadcast %squeeze3A_196 : f32 to vector<16xf32>
    %select_n3A_198 = arith.select %eq3A_194, %broadcast_in_dim3A_197, %get3A_191 : vector<16xi1>, vector<16xf32>
    %swap3A_199 = arith.constant 3 : i32
    %swap3A_200 = arith.index_cast %swap3A_199 : i32 to index
    %swap3A_201 = arith.constant 0 : index
    %swap3A_202 = tpu.vector_load %arg9[%swap3A_200, %swap3A_201] {strides = array<i32>} : memref<16x512xf32, #tpu.memory_space<vmem>>, vector<1x16xf32>,
    %swap3A_203 = vector.shape_cast %swap3A_202 : vector<1x16xf32> to vector<16xf32>
    %swap3A_204 = vector.shape_cast %select_n3A_198 : vector<16xf32> to vector<1x16xf32>
    tpu.vector_store %arg9[%swap3A_200, %swap3A_201], %swap3A_204 {strides = array<i32>} : memref<16x512xf32, #tpu.memory_space<vmem>>, vector<1x16xf32>,
    %get3A_205 = arith.constant 4 : i32
    %get3A_206 = arith.index_cast %get3A_205 : i32 to index
    %get3A_207 = arith.constant 0 : index
    %get3A_208 = tpu.vector_load %arg9[%get3A_206, %get3A_207] {strides = array<i32>} : memref<16x512xf32, #tpu.memory_space<vmem>>, vector<1x16xf32>,
    %get3A_209 = vector.shape_cast %get3A_208 : vector<1x16xf32> to vector<16xf32>
    %eq3A_210 = arith.constant 0 : i32
    %eq3A_211 = vector.broadcast %eq3A_210 : i32 to vector<16xi32>
    %eq3A_212 = arith.cmpi eq, %iota3A, %eq3A_211 : vector<16xi32>
    %slice3A_213 = vector.extract_strided_slice %get3A_136 {offsets = [4], sizes = [1], strides = [1]} : vector<16xf32> to vector<1xf32>
    %squeeze3A_214 = vector.extract %slice3A_213[0] : f32 from vector<1xf32>
    %broadcast_in_dim3A_215 = vector.broadcast %squeeze3A_214 : f32 to vector<16xf32>
    %select_n3A_216 = arith.select %eq3A_212, %broadcast_in_dim3A_215, %get3A_209 : vector<16xi1>, vector<16xf32>
    %swap3A_217 = arith.constant 4 : i32
    %swap3A_218 = arith.index_cast %swap3A_217 : i32 to index
    %swap3A_219 = arith.constant 0 : index
    %swap3A_220 = tpu.vector_load %arg9[%swap3A_218, %swap3A_219] {strides = array<i32>} : memref<16x512xf32, #tpu.memory_space<vmem>>, vector<1x16xf32>,
    %swap3A_221 = vector.shape_cast %swap3A_220 : vector<1x16xf32> to vector<16xf32>
    %swap3A_222 = vector.shape_cast %select_n3A_216 : vector<16xf32> to vector<1x16xf32>
    tpu.vector_store %arg9[%swap3A_218, %swap3A_219], %swap3A_222 {strides = array<i32>} : memref<16x512xf32, #tpu.memory_space<vmem>>, vector<1x16xf32>,
    %get3A_223 = arith.constant 5 : i32
    %get3A_224 = arith.index_cast %get3A_223 : i32 to index
    %get3A_225 = arith.constant 0 : index
    %get3A_226 = tpu.vector_load %arg9[%get3A_224, %get3A_225] {strides = array<i32>} : memref<16x512xf32, #tpu.memory_space<vmem>>, vector<1x16xf32>,
    %get3A_227 = vector.shape_cast %get3A_226 : vector<1x16xf32> to vector<16xf32>
    %eq3A_228 = arith.constant 0 : i32
    %eq3A_229 = vector.broadcast %eq3A_228 : i32 to vector<16xi32>
    %eq3A_230 = arith.cmpi eq, %iota3A, %eq3A_229 : vector<16xi32>
    %slice3A_231 = vector.extract_strided_slice %get3A_136 {offsets = [5], sizes = [1], strides = [1]} : vector<16xf32> to vector<1xf32>
    %squeeze3A_232 = vector.extract %slice3A_231[0] : f32 from vector<1xf32>
    %broadcast_in_dim3A_233 = vector.broadcast %squeeze3A_232 : f32 to vector<16xf32>
    %select_n3A_234 = arith.select %eq3A_230, %broadcast_in_dim3A_233, %get3A_227 : vector<16xi1>, vector<16xf32>
    %swap3A_235 = arith.constant 5 : i32
    %swap3A_236 = arith.index_cast %swap3A_235 : i32 to index
    %swap3A_237 = arith.constant 0 : index
    %swap3A_238 = tpu.vector_load %arg9[%swap3A_236, %swap3A_237] {strides = array<i32>} : memref<16x512xf32, #tpu.memory_space<vmem>>, vector<1x16xf32>,
    %swap3A_239 = vector.shape_cast %swap3A_238 : vector<1x16xf32> to vector<16xf32>
    %swap3A_240 = vector.shape_cast %select_n3A_234 : vector<16xf32> to vector<1x16xf32>
    tpu.vector_store %arg9[%swap3A_236, %swap3A_237], %swap3A_240 {strides = array<i32>} : memref<16x512xf32, #tpu.memory_space<vmem>>, vector<1x16xf32>,
    %get3A_241 = arith.constant 6 : i32
    %get3A_242 = arith.index_cast %get3A_241 : i32 to index
    %get3A_243 = arith.constant 0 : index
    %get3A_244 = tpu.vector_load %arg9[%get3A_242, %get3A_243] {strides = array<i32>} : memref<16x512xf32, #tpu.memory_space<vmem>>, vector<1x16xf32>,
    %get3A_245 = vector.shape_cast %get3A_244 : vector<1x16xf32> to vector<16xf32>
    %eq3A_246 = arith.constant 0 : i32
    %eq3A_247 = vector.broadcast %eq3A_246 : i32 to vector<16xi32>
    %eq3A_248 = arith.cmpi eq, %iota3A, %eq3A_247 : vector<16xi32>
    %slice3A_249 = vector.extract_strided_slice %get3A_136 {offsets = [6], sizes = [1], strides = [1]} : vector<16xf32> to vector<1xf32>
    %squeeze3A_250 = vector.extract %slice3A_249[0] : f32 from vector<1xf32>
    %broadcast_in_dim3A_251 = vector.broadcast %squeeze3A_250 : f32 to vector<16xf32>
    %select_n3A_252 = arith.select %eq3A_248, %broadcast_in_dim3A_251, %get3A_245 : vector<16xi1>, vector<16xf32>
    %swap3A_253 = arith.constant 6 : i32
    %swap3A_254 = arith.index_cast %swap3A_253 : i32 to index
    %swap3A_255 = arith.constant 0 : index
    %swap3A_256 = tpu.vector_load %arg9[%swap3A_254, %swap3A_255] {strides = array<i32>} : memref<16x512xf32, #tpu.memory_space<vmem>>, vector<1x16xf32>,
    %swap3A_257 = vector.shape_cast %swap3A_256 : vector<1x16xf32> to vector<16xf32>
    %swap3A_258 = vector.shape_cast %select_n3A_252 : vector<16xf32> to vector<1x16xf32>
    tpu.vector_store %arg9[%swap3A_254, %swap3A_255], %swap3A_258 {strides = array<i32>} : memref<16x512xf32, #tpu.memory_space<vmem>>, vector<1x16xf32>,
    %get3A_259 = arith.constant 7 : i32
    %get3A_260 = arith.index_cast %get3A_259 : i32 to index
    %get3A_261 = arith.constant 0 : index
    %get3A_262 = tpu.vector_load %arg9[%get3A_260, %get3A_261] {strides = array<i32>} : memref<16x512xf32, #tpu.memory_space<vmem>>, vector<1x16xf32>,
    %get3A_263 = vector.shape_cast %get3A_262 : vector<1x16xf32> to vector<16xf32>
    %eq3A_264 = arith.constant 0 : i32
    %eq3A_265 = vector.broadcast %eq3A_264 : i32 to vector<16xi32>
    %eq3A_266 = arith.cmpi eq, %iota3A, %eq3A_265 : vector<16xi32>
    %slice3A_267 = vector.extract_strided_slice %get3A_136 {offsets = [7], sizes = [1], strides = [1]} : vector<16xf32> to vector<1xf32>
    %squeeze3A_268 = vector.extract %slice3A_267[0] : f32 from vector<1xf32>
    %broadcast_in_dim3A_269 = vector.broadcast %squeeze3A_268 : f32 to vector<16xf32>
    %select_n3A_270 = arith.select %eq3A_266, %broadcast_in_dim3A_269, %get3A_263 : vector<16xi1>, vector<16xf32>
    %swap3A_271 = arith.constant 7 : i32
    %swap3A_272 = arith.index_cast %swap3A_271 : i32 to index
    %swap3A_273 = arith.constant 0 : index
    %swap3A_274 = tpu.vector_load %arg9[%swap3A_272, %swap3A_273] {strides = array<i32>} : memref<16x512xf32, #tpu.memory_space<vmem>>, vector<1x16xf32>,
    %swap3A_275 = vector.shape_cast %swap3A_274 : vector<1x16xf32> to vector<16xf32>
    %swap3A_276 = vector.shape_cast %select_n3A_270 : vector<16xf32> to vector<1x16xf32>
    tpu.vector_store %arg9[%swap3A_272, %swap3A_273], %swap3A_276 {strides = array<i32>} : memref<16x512xf32, #tpu.memory_space<vmem>>, vector<1x16xf32>,
    %get3A_277 = arith.constant 8 : i32
    %get3A_278 = arith.index_cast %get3A_277 : i32 to index
    %get3A_279 = arith.constant 0 : index
    %get3A_280 = tpu.vector_load %arg9[%get3A_278, %get3A_279] {strides = array<i32>} : memref<16x512xf32, #tpu.memory_space<vmem>>, vector<1x16xf32>,
    %get3A_281 = vector.shape_cast %get3A_280 : vector<1x16xf32> to vector<16xf32>
    %eq3A_282 = arith.constant 0 : i32
    %eq3A_283 = vector.broadcast %eq3A_282 : i32 to vector<16xi32>
    %eq3A_284 = arith.cmpi eq, %iota3A, %eq3A_283 : vector<16xi32>
    %slice3A_285 = vector.extract_strided_slice %get3A_136 {offsets = [8], sizes = [1], strides = [1]} : vector<16xf32> to vector<1xf32>
    %squeeze3A_286 = vector.extract %slice3A_285[0] : f32 from vector<1xf32>
    %broadcast_in_dim3A_287 = vector.broadcast %squeeze3A_286 : f32 to vector<16xf32>
    %select_n3A_288 = arith.select %eq3A_284, %broadcast_in_dim3A_287, %get3A_281 : vector<16xi1>, vector<16xf32>
    %swap3A_289 = arith.constant 8 : i32
    %swap3A_290 = arith.index_cast %swap3A_289 : i32 to index
    %swap3A_291 = arith.constant 0 : index
    %swap3A_292 = tpu.vector_load %arg9[%swap3A_290, %swap3A_291] {strides = array<i32>} : memref<16x512xf32, #tpu.memory_space<vmem>>, vector<1x16xf32>,
    %swap3A_293 = vector.shape_cast %swap3A_292 : vector<1x16xf32> to vector<16xf32>
    %swap3A_294 = vector.shape_cast %select_n3A_288 : vector<16xf32> to vector<1x16xf32>
    tpu.vector_store %arg9[%swap3A_290, %swap3A_291], %swap3A_294 {strides = array<i32>} : memref<16x512xf32, #tpu.memory_space<vmem>>, vector<1x16xf32>,
    %get3A_295 = arith.constant 9 : i32
    %get3A_296 = arith.index_cast %get3A_295 : i32 to index
    %get3A_297 = arith.constant 0 : index
    %get3A_298 = tpu.vector_load %arg9[%get3A_296, %get3A_297] {strides = array<i32>} : memref<16x512xf32, #tpu.memory_space<vmem>>, vector<1x16xf32>,
    %get3A_299 = vector.shape_cast %get3A_298 : vector<1x16xf32> to vector<16xf32>
    %eq3A_300 = arith.constant 0 : i32
    %eq3A_301 = vector.broadcast %eq3A_300 : i32 to vector<16xi32>
    %eq3A_302 = arith.cmpi eq, %iota3A, %eq3A_301 : vector<16xi32>
    %slice3A_303 = vector.extract_strided_slice %get3A_136 {offsets = [9], sizes = [1], strides = [1]} : vector<16xf32> to vector<1xf32>
    %squeeze3A_304 = vector.extract %slice3A_303[0] : f32 from vector<1xf32>
    %broadcast_in_dim3A_305 = vector.broadcast %squeeze3A_304 : f32 to vector<16xf32>
    %select_n3A_306 = arith.select %eq3A_302, %broadcast_in_dim3A_305, %get3A_299 : vector<16xi1>, vector<16xf32>
    %swap3A_307 = arith.constant 9 : i32
    %swap3A_308 = arith.index_cast %swap3A_307 : i32 to index
    %swap3A_309 = arith.constant 0 : index
    %swap3A_310 = tpu.vector_load %arg9[%swap3A_308, %swap3A_309] {strides = array<i32>} : memref<16x512xf32, #tpu.memory_space<vmem>>, vector<1x16xf32>,
    %swap3A_311 = vector.shape_cast %swap3A_310 : vector<1x16xf32> to vector<16xf32>
    %swap3A_312 = vector.shape_cast %select_n3A_306 : vector<16xf32> to vector<1x16xf32>
    tpu.vector_store %arg9[%swap3A_308, %swap3A_309], %swap3A_312 {strides = array<i32>} : memref<16x512xf32, #tpu.memory_space<vmem>>, vector<1x16xf32>,
    %get3A_313 = arith.constant 10 : i32
    %get3A_314 = arith.index_cast %get3A_313 : i32 to index
    %get3A_315 = arith.constant 0 : index
    %get3A_316 = tpu.vector_load %arg9[%get3A_314, %get3A_315] {strides = array<i32>} : memref<16x512xf32, #tpu.memory_space<vmem>>, vector<1x16xf32>,
    %get3A_317 = vector.shape_cast %get3A_316 : vector<1x16xf32> to vector<16xf32>
    %eq3A_318 = arith.constant 0 : i32
    %eq3A_319 = vector.broadcast %eq3A_318 : i32 to vector<16xi32>
    %eq3A_320 = arith.cmpi eq, %iota3A, %eq3A_319 : vector<16xi32>
    %slice3A_321 = vector.extract_strided_slice %get3A_136 {offsets = [10], sizes = [1], strides = [1]} : vector<16xf32> to vector<1xf32>
    %squeeze3A_322 = vector.extract %slice3A_321[0] : f32 from vector<1xf32>
    %broadcast_in_dim3A_323 = vector.broadcast %squeeze3A_322 : f32 to vector<16xf32>
    %select_n3A_324 = arith.select %eq3A_320, %broadcast_in_dim3A_323, %get3A_317 : vector<16xi1>, vector<16xf32>
    %swap3A_325 = arith.constant 10 : i32
    %swap3A_326 = arith.index_cast %swap3A_325 : i32 to index
    %swap3A_327 = arith.constant 0 : index
    %swap3A_328 = tpu.vector_load %arg9[%swap3A_326, %swap3A_327] {strides = array<i32>} : memref<16x512xf32, #tpu.memory_space<vmem>>, vector<1x16xf32>,
    %swap3A_329 = vector.shape_cast %swap3A_328 : vector<1x16xf32> to vector<16xf32>
    %swap3A_330 = vector.shape_cast %select_n3A_324 : vector<16xf32> to vector<1x16xf32>
    tpu.vector_store %arg9[%swap3A_326, %swap3A_327], %swap3A_330 {strides = array<i32>} : memref<16x512xf32, #tpu.memory_space<vmem>>, vector<1x16xf32>,
    %get3A_331 = arith.constant 11 : i32
    %get3A_332 = arith.index_cast %get3A_331 : i32 to index
    %get3A_333 = arith.constant 0 : index
    %get3A_334 = tpu.vector_load %arg9[%get3A_332, %get3A_333] {strides = array<i32>} : memref<16x512xf32, #tpu.memory_space<vmem>>, vector<1x16xf32>,
    %get3A_335 = vector.shape_cast %get3A_334 : vector<1x16xf32> to vector<16xf32>
    %eq3A_336 = arith.constant 0 : i32
    %eq3A_337 = vector.broadcast %eq3A_336 : i32 to vector<16xi32>
    %eq3A_338 = arith.cmpi eq, %iota3A, %eq3A_337 : vector<16xi32>
    %slice3A_339 = vector.extract_strided_slice %get3A_136 {offsets = [11], sizes = [1], strides = [1]} : vector<16xf32> to vector<1xf32>
    %squeeze3A_340 = vector.extract %slice3A_339[0] : f32 from vector<1xf32>
    %broadcast_in_dim3A_341 = vector.broadcast %squeeze3A_340 : f32 to vector<16xf32>
    %select_n3A_342 = arith.select %eq3A_338, %broadcast_in_dim3A_341, %get3A_335 : vector<16xi1>, vector<16xf32>
    %swap3A_343 = arith.constant 11 : i32
    %swap3A_344 = arith.index_cast %swap3A_343 : i32 to index
    %swap3A_345 = arith.constant 0 : index
    %swap3A_346 = tpu.vector_load %arg9[%swap3A_344, %swap3A_345] {strides = array<i32>} : memref<16x512xf32, #tpu.memory_space<vmem>>, vector<1x16xf32>,
    %swap3A_347 = vector.shape_cast %swap3A_346 : vector<1x16xf32> to vector<16xf32>
    %swap3A_348 = vector.shape_cast %select_n3A_342 : vector<16xf32> to vector<1x16xf32>
    tpu.vector_store %arg9[%swap3A_344, %swap3A_345], %swap3A_348 {strides = array<i32>} : memref<16x512xf32, #tpu.memory_space<vmem>>, vector<1x16xf32>,
    %get3A_349 = arith.constant 12 : i32
    %get3A_350 = arith.index_cast %get3A_349 : i32 to index
    %get3A_351 = arith.constant 0 : index
    %get3A_352 = tpu.vector_load %arg9[%get3A_350, %get3A_351] {strides = array<i32>} : memref<16x512xf32, #tpu.memory_space<vmem>>, vector<1x16xf32>,
    %get3A_353 = vector.shape_cast %get3A_352 : vector<1x16xf32> to vector<16xf32>
    %eq3A_354 = arith.constant 0 : i32
    %eq3A_355 = vector.broadcast %eq3A_354 : i32 to vector<16xi32>
    %eq3A_356 = arith.cmpi eq, %iota3A, %eq3A_355 : vector<16xi32>
    %slice3A_357 = vector.extract_strided_slice %get3A_136 {offsets = [12], sizes = [1], strides = [1]} : vector<16xf32> to vector<1xf32>
    %squeeze3A_358 = vector.extract %slice3A_357[0] : f32 from vector<1xf32>
    %broadcast_in_dim3A_359 = vector.broadcast %squeeze3A_358 : f32 to vector<16xf32>
    %select_n3A_360 = arith.select %eq3A_356, %broadcast_in_dim3A_359, %get3A_353 : vector<16xi1>, vector<16xf32>
    %swap3A_361 = arith.constant 12 : i32
    %swap3A_362 = arith.index_cast %swap3A_361 : i32 to index
    %swap3A_363 = arith.constant 0 : index
    %swap3A_364 = tpu.vector_load %arg9[%swap3A_362, %swap3A_363] {strides = array<i32>} : memref<16x512xf32, #tpu.memory_space<vmem>>, vector<1x16xf32>,
    %swap3A_365 = vector.shape_cast %swap3A_364 : vector<1x16xf32> to vector<16xf32>
    %swap3A_366 = vector.shape_cast %select_n3A_360 : vector<16xf32> to vector<1x16xf32>
    tpu.vector_store %arg9[%swap3A_362, %swap3A_363], %swap3A_366 {strides = array<i32>} : memref<16x512xf32, #tpu.memory_space<vmem>>, vector<1x16xf32>,
    %get3A_367 = arith.constant 13 : i32
    %get3A_368 = arith.index_cast %get3A_367 : i32 to index
    %get3A_369 = arith.constant 0 : index
    %get3A_370 = tpu.vector_load %arg9[%get3A_368, %get3A_369] {strides = array<i32>} : memref<16x512xf32, #tpu.memory_space<vmem>>, vector<1x16xf32>,
    %get3A_371 = vector.shape_cast %get3A_370 : vector<1x16xf32> to vector<16xf32>
    %eq3A_372 = arith.constant 0 : i32
    %eq3A_373 = vector.broadcast %eq3A_372 : i32 to vector<16xi32>
    %eq3A_374 = arith.cmpi eq, %iota3A, %eq3A_373 : vector<16xi32>
    %slice3A_375 = vector.extract_strided_slice %get3A_136 {offsets = [13], sizes = [1], strides = [1]} : vector<16xf32> to vector<1xf32>
    %squeeze3A_376 = vector.extract %slice3A_375[0] : f32 from vector<1xf32>
    %broadcast_in_dim3A_377 = vector.broadcast %squeeze3A_376 : f32 to vector<16xf32>
    %select_n3A_378 = arith.select %eq3A_374, %broadcast_in_dim3A_377, %get3A_371 : vector<16xi1>, vector<16xf32>
    %swap3A_379 = arith.constant 13 : i32
    %swap3A_380 = arith.index_cast %swap3A_379 : i32 to index
    %swap3A_381 = arith.constant 0 : index
    %swap3A_382 = tpu.vector_load %arg9[%swap3A_380, %swap3A_381] {strides = array<i32>} : memref<16x512xf32, #tpu.memory_space<vmem>>, vector<1x16xf32>,
    %swap3A_383 = vector.shape_cast %swap3A_382 : vector<1x16xf32> to vector<16xf32>
    %swap3A_384 = vector.shape_cast %select_n3A_378 : vector<16xf32> to vector<1x16xf32>
    tpu.vector_store %arg9[%swap3A_380, %swap3A_381], %swap3A_384 {strides = array<i32>} : memref<16x512xf32, #tpu.memory_space<vmem>>, vector<1x16xf32>,
    %get3A_385 = arith.constant 14 : i32
    %get3A_386 = arith.index_cast %get3A_385 : i32 to index
    %get3A_387 = arith.constant 0 : index
    %get3A_388 = tpu.vector_load %arg9[%get3A_386, %get3A_387] {strides = array<i32>} : memref<16x512xf32, #tpu.memory_space<vmem>>, vector<1x16xf32>,
    %get3A_389 = vector.shape_cast %get3A_388 : vector<1x16xf32> to vector<16xf32>
    %eq3A_390 = arith.constant 0 : i32
    %eq3A_391 = vector.broadcast %eq3A_390 : i32 to vector<16xi32>
    %eq3A_392 = arith.cmpi eq, %iota3A, %eq3A_391 : vector<16xi32>
    %slice3A_393 = vector.extract_strided_slice %get3A_136 {offsets = [14], sizes = [1], strides = [1]} : vector<16xf32> to vector<1xf32>
    %squeeze3A_394 = vector.extract %slice3A_393[0] : f32 from vector<1xf32>
    %broadcast_in_dim3A_395 = vector.broadcast %squeeze3A_394 : f32 to vector<16xf32>
    %select_n3A_396 = arith.select %eq3A_392, %broadcast_in_dim3A_395, %get3A_389 : vector<16xi1>, vector<16xf32>
    %swap3A_397 = arith.constant 14 : i32
    %swap3A_398 = arith.index_cast %swap3A_397 : i32 to index
    %swap3A_399 = arith.constant 0 : index
    %swap3A_400 = tpu.vector_load %arg9[%swap3A_398, %swap3A_399] {strides = array<i32>} : memref<16x512xf32, #tpu.memory_space<vmem>>, vector<1x16xf32>,
    %swap3A_401 = vector.shape_cast %swap3A_400 : vector<1x16xf32> to vector<16xf32>
    %swap3A_402 = vector.shape_cast %select_n3A_396 : vector<16xf32> to vector<1x16xf32>
    tpu.vector_store %arg9[%swap3A_398, %swap3A_399], %swap3A_402 {strides = array<i32>} : memref<16x512xf32, #tpu.memory_space<vmem>>, vector<1x16xf32>,
    %get3A_403 = arith.constant 15 : i32
    %get3A_404 = arith.index_cast %get3A_403 : i32 to index
    %get3A_405 = arith.constant 0 : index
    %get3A_406 = tpu.vector_load %arg9[%get3A_404, %get3A_405] {strides = array<i32>} : memref<16x512xf32, #tpu.memory_space<vmem>>, vector<1x16xf32>,
    %get3A_407 = vector.shape_cast %get3A_406 : vector<1x16xf32> to vector<16xf32>
    %eq3A_408 = arith.constant 0 : i32
    %eq3A_409 = vector.broadcast %eq3A_408 : i32 to vector<16xi32>
    %eq3A_410 = arith.cmpi eq, %iota3A, %eq3A_409 : vector<16xi32>
    %slice3A_411 = vector.extract_strided_slice %get3A_136 {offsets = [15], sizes = [1], strides = [1]} : vector<16xf32> to vector<1xf32>
    %squeeze3A_412 = vector.extract %slice3A_411[0] : f32 from vector<1xf32>
    %broadcast_in_dim3A_413 = vector.broadcast %squeeze3A_412 : f32 to vector<16xf32>
    %select_n3A_414 = arith.select %eq3A_410, %broadcast_in_dim3A_413, %get3A_407 : vector<16xi1>, vector<16xf32>
    %swap3A_415 = arith.constant 15 : i32
    %swap3A_416 = arith.index_cast %swap3A_415 : i32 to index
    %swap3A_417 = arith.constant 0 : index
    %swap3A_418 = tpu.vector_load %arg9[%swap3A_416, %swap3A_417] {strides = array<i32>} : memref<16x512xf32, #tpu.memory_space<vmem>>, vector<1x16xf32>,
    %swap3A_419 = vector.shape_cast %swap3A_418 : vector<1x16xf32> to vector<16xf32>
    %swap3A_420 = vector.shape_cast %select_n3A_414 : vector<16xf32> to vector<1x16xf32>
    tpu.vector_store %arg9[%swap3A_416, %swap3A_417], %swap3A_420 {strides = array<i32>} : memref<16x512xf32, #tpu.memory_space<vmem>>, vector<1x16xf32>,
    %dma_start3A_421 = arith.constant 0 : i32
    %dma_start3A_422 = arith.constant 0 : i32
    %dma_start3A_423 = tpu.memref_slice %arg5[%dma_start3A_421, %mul3A_2, %dma_start3A_422] : memref<4x512x512xf32, #tpu.memory_space<hbm>> -> memref<1x16x512xf32, #tpu.memory_space<hbm>>
    %dma_start3A_424 = tpu.memref_squeeze %dma_start3A_423 : memref<1x16x512xf32, #tpu.memory_space<hbm>> -> memref<16x512xf32, #tpu.memory_space<hbm>>
    %dma_start3A_425 = arith.constant 0 : i32
    %dma_start3A_426 = tpu.memref_slice %arg5[%dma_start3A_421, %mul3A_2, %dma_start3A_425] : memref<4x512x512xf32, #tpu.memory_space<hbm>> -> memref<1x16x512xf32, #tpu.memory_space<hbm>>
    %dma_start3A_427 = tpu.memref_squeeze %dma_start3A_426 : memref<1x16x512xf32, #tpu.memory_space<hbm>> -> memref<16x512xf32, #tpu.memory_space<hbm>>
    tpu.enqueue_dma source(%arg9 : memref<16x512xf32, #tpu.memory_space<vmem>>) target(%dma_start3A_427 : memref<16x512xf32, #tpu.memory_space<hbm>>) target_semaphore(%arg13 : memref<!tpu.dma_semaphore, #tpu.memory_space<semaphore_mem>>)
    %dma_wait3A_428 = arith.constant 0 : i32
    %dma_wait3A_429 = arith.constant 0 : i32
    %dma_wait3A_430 = tpu.memref_slice %arg5[%dma_wait3A_428, %mul3A_2, %dma_wait3A_429] : memref<4x512x512xf32, #tpu.memory_space<hbm>> -> memref<1x16x512xf32, #tpu.memory_space<hbm>>
    %dma_wait3A_431 = tpu.memref_squeeze %dma_wait3A_430 : memref<1x16x512xf32, #tpu.memory_space<hbm>> -> memref<16x512xf32, #tpu.memory_space<hbm>>
    %dma_wait3A_432 = arith.constant 0 : i32
    %dma_wait3A_433 = tpu.memref_slice %arg5[%dma_wait3A_428, %mul3A_2, %dma_wait3A_432] : memref<4x512x512xf32, #tpu.memory_space<hbm>> -> memref<1x16x512xf32, #tpu.memory_space<hbm>>
    %dma_wait3A_434 = tpu.memref_squeeze %dma_wait3A_433 : memref<1x16x512xf32, #tpu.memory_space<hbm>> -> memref<16x512xf32, #tpu.memory_space<hbm>>
    tpu.wait_dma2 semaphore(%arg13 : memref<!tpu.dma_semaphore, #tpu.memory_space<semaphore_mem>>) src(%arg9 : memref<16x512xf32, #tpu.memory_space<vmem>>) dst(%dma_wait3A_434 : memref<16x512xf32, #tpu.memory_space<hbm>>)
    %dma_start3A_435 = arith.constant 2 : i32
    %dma_start3A_436 = arith.constant 0 : i32
    %dma_start3A_437 = arith.constant 0 : i32
    %dma_start3A_438 = tpu.memref_slice %arg4[%dma_start3A_435, %dma_start3A_436, %mul3A_2, %dma_start3A_437] : memref<4x8x512x512xf32, #tpu.memory_space<hbm>> -> memref<1x1x16x512xf32, #tpu.memory_space<hbm>>
    %dma_start3A_439 = tpu.memref_squeeze %dma_start3A_438 : memref<1x1x16x512xf32, #tpu.memory_space<hbm>> -> memref<16x512xf32, #tpu.memory_space<hbm>>
    %dma_start3A_440 = arith.constant 0 : i32
    %dma_start3A_441 = tpu.memref_slice %arg4[%dma_start3A_435, %dma_start3A_436, %mul3A_2, %dma_start3A_440] : memref<4x8x512x512xf32, #tpu.memory_space<hbm>> -> memref<1x1x16x512xf32, #tpu.memory_space<hbm>>
    %dma_start3A_442 = tpu.memref_squeeze %dma_start3A_441 : memref<1x1x16x512xf32, #tpu.memory_space<hbm>> -> memref<16x512xf32, #tpu.memory_space<hbm>>
    tpu.enqueue_dma source(%dma_start3A_442 : memref<16x512xf32, #tpu.memory_space<hbm>>) target(%arg9 : memref<16x512xf32, #tpu.memory_space<vmem>>) target_semaphore(%arg11 : memref<!tpu.dma_semaphore, #tpu.memory_space<semaphore_mem>>)
    %dma_wait3A_443 = arith.constant 1 : i32
    %dma_wait3A_444 = arith.constant 0 : i32
    %dma_wait3A_445 = arith.constant 0 : i32
    %dma_wait3A_446 = tpu.memref_slice %arg4[%dma_wait3A_443, %dma_wait3A_444, %mul3A_2, %dma_wait3A_445] : memref<4x8x512x512xf32, #tpu.memory_space<hbm>> -> memref<1x1x16x512xf32, #tpu.memory_space<hbm>>
    %dma_wait3A_447 = tpu.memref_squeeze %dma_wait3A_446 : memref<1x1x16x512xf32, #tpu.memory_space<hbm>> -> memref<16x512xf32, #tpu.memory_space<hbm>>
    %dma_wait3A_448 = arith.constant 0 : i32
    %dma_wait3A_449 = tpu.memref_slice %arg4[%dma_wait3A_443, %dma_wait3A_444, %mul3A_2, %dma_wait3A_448] : memref<4x8x512x512xf32, #tpu.memory_space<hbm>> -> memref<1x1x16x512xf32, #tpu.memory_space<hbm>>
    %dma_wait3A_450 = tpu.memref_squeeze %dma_wait3A_449 : memref<1x1x16x512xf32, #tpu.memory_space<hbm>> -> memref<16x512xf32, #tpu.memory_space<hbm>>
    tpu.wait_dma2 semaphore(%arg12 : memref<!tpu.dma_semaphore, #tpu.memory_space<semaphore_mem>>) src(%dma_wait3A_450 : memref<16x512xf32, #tpu.memory_space<hbm>>) dst(%arg10 : memref<16x512xf32, #tpu.memory_space<vmem>>)
    %scan3A_451 = arith.constant 0 : i32
    %scan3A_452 = arith.constant 0 : i32
    %scan3A_453 = arith.constant 32 : i32
    %scan3A_454 = arith.addi %scan3A_452, %scan3A_453 : i32
    %scan3A_455 = arith.constant 1 : i32
    %scan3A_456 = scf.for %scan3A_1417 = %scan3A_452 to %scan3A_454 step %scan3A_455 iter_args(%scan3A_1418 = %scan3A_451) -> (i32)  : i32 {
      %shift_right_arithmetic3A = arith.constant 1 : i32
      %shift_right_arithmetic3A_1419 = arith.shrsi %scan3A_1417, %shift_right_arithmetic3A : i32
      %and3A = arith.constant 1 : i32
      %and3A_1420 = arith.andi %scan3A_1417, %and3A : i32
      %mul3A_1421 = arith.constant 256 : i32
      %mul3A_1422 = arith.muli %and3A_1420, %mul3A_1421 : i32
      %add3A_1423 = arith.constant 0 : i32
      %add3A_1424 = arith.addi %mul3A_1422, %add3A_1423 : i32
      %get3A_1425 = arith.index_cast %shift_right_arithmetic3A_1419 : i32 to index
      %get3A_1426 = arith.index_cast %add3A_1424 : i32 to index
      %get3A_1427 = tpu.vector_load %arg10[%get3A_1425, %get3A_1426] {strides = array<i32>} : memref<16x512xf32, #tpu.memory_space<vmem>>, vector<1x16xf32>,
      %get3A_1428 = vector.shape_cast %get3A_1427 : vector<1x16xf32> to vector<16xf32>
      %neg3A_1429 = arith.constant 0.000000e+00 : f32
      %neg3A_1430 = vector.broadcast %neg3A_1429 : f32 to vector<16xf32>
      %neg3A_1431 = arith.subf %neg3A_1430, %get3A_1428 : vector<16xf32>
      %exp3A_1432 = math.exp %neg3A_1431 : vector<16xf32>
      %add3A_1433 = arith.constant 1.000000e+00 : f32
      %add3A_1434 = vector.broadcast %add3A_1433 : f32 to vector<16xf32>
      %add3A_1435 = arith.addf %add3A_1434, %exp3A_1432 : vector<16xf32>
      %div3A_1436 = arith.constant 1.000000e+00 : f32
      %div3A_1437 = vector.broadcast %div3A_1436 : f32 to vector<16xf32>
      %div3A_1438 = arith.divf %div3A_1437, %add3A_1435 : vector<16xf32>
      %add3A_1439 = arith.constant 0 : i32
      %add3A_1440 = arith.addi %mul3A_1422, %add3A_1439 : i32
      %swap3A_1441 = arith.index_cast %shift_right_arithmetic3A_1419 : i32 to index
      %swap3A_1442 = arith.index_cast %add3A_1440 : i32 to index
      %swap3A_1443 = tpu.vector_load %arg10[%swap3A_1441, %swap3A_1442] {strides = array<i32>} : memref<16x512xf32, #tpu.memory_space<vmem>>, vector<1x16xf32>,
      %swap3A_1444 = vector.shape_cast %swap3A_1443 : vector<1x16xf32> to vector<16xf32>
      %swap3A_1445 = vector.shape_cast %div3A_1438 : vector<16xf32> to vector<1x16xf32>
      tpu.vector_store %arg10[%swap3A_1441, %swap3A_1442], %swap3A_1445 {strides = array<i32>} : memref<16x512xf32, #tpu.memory_space<vmem>>, vector<1x16xf32>,
      %add3A_1446 = arith.constant 16 : i32
      %add3A_1447 = arith.addi %mul3A_1422, %add3A_1446 : i32
      %get3A_1448 = arith.index_cast %shift_right_arithmetic3A_1419 : i32 to index
      %get3A_1449 = arith.index_cast %add3A_1447 : i32 to index
      %get3A_1450 = tpu.vector_load %arg10[%get3A_1448, %get3A_1449] {strides = array<i32>} : memref<16x512xf32, #tpu.memory_space<vmem>>, vector<1x16xf32>,
      %get3A_1451 = vector.shape_cast %get3A_1450 : vector<1x16xf32> to vector<16xf32>
      %neg3A_1452 = arith.constant 0.000000e+00 : f32
      %neg3A_1453 = vector.broadcast %neg3A_1452 : f32 to vector<16xf32>
      %neg3A_1454 = arith.subf %neg3A_1453, %get3A_1451 : vector<16xf32>
      %exp3A_1455 = math.exp %neg3A_1454 : vector<16xf32>
      %add3A_1456 = arith.constant 1.000000e+00 : f32
      %add3A_1457 = vector.broadcast %add3A_1456 : f32 to vector<16xf32>
      %add3A_1458 = arith.addf %add3A_1457, %exp3A_1455 : vector<16xf32>
      %div3A_1459 = arith.constant 1.000000e+00 : f32
      %div3A_1460 = vector.broadcast %div3A_1459 : f32 to vector<16xf32>
      %div3A_1461 = arith.divf %div3A_1460, %add3A_1458 : vector<16xf32>
      %add3A_1462 = arith.constant 16 : i32
      %add3A_1463 = arith.addi %mul3A_1422, %add3A_1462 : i32
      %swap3A_1464 = arith.index_cast %shift_right_arithmetic3A_1419 : i32 to index
      %swap3A_1465 = arith.index_cast %add3A_1463 : i32 to index
      %swap3A_1466 = tpu.vector_load %arg10[%swap3A_1464, %swap3A_1465] {strides = array<i32>} : memref<16x512xf32, #tpu.memory_space<vmem>>, vector<1x16xf32>,
      %swap3A_1467 = vector.shape_cast %swap3A_1466 : vector<1x16xf32> to vector<16xf32>
      %swap3A_1468 = vector.shape_cast %div3A_1461 : vector<16xf32> to vector<1x16xf32>
      tpu.vector_store %arg10[%swap3A_1464, %swap3A_1465], %swap3A_1468 {strides = array<i32>} : memref<16x512xf32, #tpu.memory_space<vmem>>, vector<1x16xf32>,
      %add3A_1469 = arith.constant 32 : i32
      %add3A_1470 = arith.addi %mul3A_1422, %add3A_1469 : i32
      %get3A_1471 = arith.index_cast %shift_right_arithmetic3A_1419 : i32 to index
      %get3A_1472 = arith.index_cast %add3A_1470 : i32 to index
      %get3A_1473 = tpu.vector_load %arg10[%get3A_1471, %get3A_1472] {strides = array<i32>} : memref<16x512xf32, #tpu.memory_space<vmem>>, vector<1x16xf32>,
      %get3A_1474 = vector.shape_cast %get3A_1473 : vector<1x16xf32> to vector<16xf32>
      %neg3A_1475 = arith.constant 0.000000e+00 : f32
      %neg3A_1476 = vector.broadcast %neg3A_1475 : f32 to vector<16xf32>
      %neg3A_1477 = arith.subf %neg3A_1476, %get3A_1474 : vector<16xf32>
      %exp3A_1478 = math.exp %neg3A_1477 : vector<16xf32>
      %add3A_1479 = arith.constant 1.000000e+00 : f32
      %add3A_1480 = vector.broadcast %add3A_1479 : f32 to vector<16xf32>
      %add3A_1481 = arith.addf %add3A_1480, %exp3A_1478 : vector<16xf32>
      %div3A_1482 = arith.constant 1.000000e+00 : f32
      %div3A_1483 = vector.broadcast %div3A_1482 : f32 to vector<16xf32>
      %div3A_1484 = arith.divf %div3A_1483, %add3A_1481 : vector<16xf32>
      %add3A_1485 = arith.constant 32 : i32
      %add3A_1486 = arith.addi %mul3A_1422, %add3A_1485 : i32
      %swap3A_1487 = arith.index_cast %shift_right_arithmetic3A_1419 : i32 to index
      %swap3A_1488 = arith.index_cast %add3A_1486 : i32 to index
      %swap3A_1489 = tpu.vector_load %arg10[%swap3A_1487, %swap3A_1488] {strides = array<i32>} : memref<16x512xf32, #tpu.memory_space<vmem>>, vector<1x16xf32>,
      %swap3A_1490 = vector.shape_cast %swap3A_1489 : vector<1x16xf32> to vector<16xf32>
      %swap3A_1491 = vector.shape_cast %div3A_1484 : vector<16xf32> to vector<1x16xf32>
      tpu.vector_store %arg10[%swap3A_1487, %swap3A_1488], %swap3A_1491 {strides = array<i32>} : memref<16x512xf32, #tpu.memory_space<vmem>>, vector<1x16xf32>,
      %add3A_1492 = arith.constant 48 : i32
      %add3A_1493 = arith.addi %mul3A_1422, %add3A_1492 : i32
      %get3A_1494 = arith.index_cast %shift_right_arithmetic3A_1419 : i32 to index
      %get3A_1495 = arith.index_cast %add3A_1493 : i32 to index
      %get3A_1496 = tpu.vector_load %arg10[%get3A_1494, %get3A_1495] {strides = array<i32>} : memref<16x512xf32, #tpu.memory_space<vmem>>, vector<1x16xf32>,
      %get3A_1497 = vector.shape_cast %get3A_1496 : vector<1x16xf32> to vector<16xf32>
      %neg3A_1498 = arith.constant 0.000000e+00 : f32
      %neg3A_1499 = vector.broadcast %neg3A_1498 : f32 to vector<16xf32>
      %neg3A_1500 = arith.subf %neg3A_1499, %get3A_1497 : vector<16xf32>
      %exp3A_1501 = math.exp %neg3A_1500 : vector<16xf32>
      %add3A_1502 = arith.constant 1.000000e+00 : f32
      %add3A_1503 = vector.broadcast %add3A_1502 : f32 to vector<16xf32>
      %add3A_1504 = arith.addf %add3A_1503, %exp3A_1501 : vector<16xf32>
      %div3A_1505 = arith.constant 1.000000e+00 : f32
      %div3A_1506 = vector.broadcast %div3A_1505 : f32 to vector<16xf32>
      %div3A_1507 = arith.divf %div3A_1506, %add3A_1504 : vector<16xf32>
      %add3A_1508 = arith.constant 48 : i32
      %add3A_1509 = arith.addi %mul3A_1422, %add3A_1508 : i32
      %swap3A_1510 = arith.index_cast %shift_right_arithmetic3A_1419 : i32 to index
      %swap3A_1511 = arith.index_cast %add3A_1509 : i32 to index
      %swap3A_1512 = tpu.vector_load %arg10[%swap3A_1510, %swap3A_1511] {strides = array<i32>} : memref<16x512xf32, #tpu.memory_space<vmem>>, vector<1x16xf32>,
      %swap3A_1513 = vector.shape_cast %swap3A_1512 : vector<1x16xf32> to vector<16xf32>
      %swap3A_1514 = vector.shape_cast %div3A_1507 : vector<16xf32> to vector<1x16xf32>
      tpu.vector_store %arg10[%swap3A_1510, %swap3A_1511], %swap3A_1514 {strides = array<i32>} : memref<16x512xf32, #tpu.memory_space<vmem>>, vector<1x16xf32>,
      %add3A_1515 = arith.constant 64 : i32
      %add3A_1516 = arith.addi %mul3A_1422, %add3A_1515 : i32
      %get3A_1517 = arith.index_cast %shift_right_arithmetic3A_1419 : i32 to index
      %get3A_1518 = arith.index_cast %add3A_1516 : i32 to index
      %get3A_1519 = tpu.vector_load %arg10[%get3A_1517, %get3A_1518] {strides = array<i32>} : memref<16x512xf32, #tpu.memory_space<vmem>>, vector<1x16xf32>,
      %get3A_1520 = vector.shape_cast %get3A_1519 : vector<1x16xf32> to vector<16xf32>
      %neg3A_1521 = arith.constant 0.000000e+00 : f32
      %neg3A_1522 = vector.broadcast %neg3A_1521 : f32 to vector<16xf32>
      %neg3A_1523 = arith.subf %neg3A_1522, %get3A_1520 : vector<16xf32>
      %exp3A_1524 = math.exp %neg3A_1523 : vector<16xf32>
      %add3A_1525 = arith.constant 1.000000e+00 : f32
      %add3A_1526 = vector.broadcast %add3A_1525 : f32 to vector<16xf32>
      %add3A_1527 = arith.addf %add3A_1526, %exp3A_1524 : vector<16xf32>
      %div3A_1528 = arith.constant 1.000000e+00 : f32
      %div3A_1529 = vector.broadcast %div3A_1528 : f32 to vector<16xf32>
      %div3A_1530 = arith.divf %div3A_1529, %add3A_1527 : vector<16xf32>
      %add3A_1531 = arith.constant 64 : i32
      %add3A_1532 = arith.addi %mul3A_1422, %add3A_1531 : i32
      %swap3A_1533 = arith.index_cast %shift_right_arithmetic3A_1419 : i32 to index
      %swap3A_1534 = arith.index_cast %add3A_1532 : i32 to index
      %swap3A_1535 = tpu.vector_load %arg10[%swap3A_1533, %swap3A_1534] {strides = array<i32>} : memref<16x512xf32, #tpu.memory_space<vmem>>, vector<1x16xf32>,
      %swap3A_1536 = vector.shape_cast %swap3A_1535 : vector<1x16xf32> to vector<16xf32>
      %swap3A_1537 = vector.shape_cast %div3A_1530 : vector<16xf32> to vector<1x16xf32>
      tpu.vector_store %arg10[%swap3A_1533, %swap3A_1534], %swap3A_1537 {strides = array<i32>} : memref<16x512xf32, #tpu.memory_space<vmem>>, vector<1x16xf32>,
      %add3A_1538 = arith.constant 80 : i32
      %add3A_1539 = arith.addi %mul3A_1422, %add3A_1538 : i32
      %get3A_1540 = arith.index_cast %shift_right_arithmetic3A_1419 : i32 to index
      %get3A_1541 = arith.index_cast %add3A_1539 : i32 to index
      %get3A_1542 = tpu.vector_load %arg10[%get3A_1540, %get3A_1541] {strides = array<i32>} : memref<16x512xf32, #tpu.memory_space<vmem>>, vector<1x16xf32>,
      %get3A_1543 = vector.shape_cast %get3A_1542 : vector<1x16xf32> to vector<16xf32>
      %neg3A_1544 = arith.constant 0.000000e+00 : f32
      %neg3A_1545 = vector.broadcast %neg3A_1544 : f32 to vector<16xf32>
      %neg3A_1546 = arith.subf %neg3A_1545, %get3A_1543 : vector<16xf32>
      %exp3A_1547 = math.exp %neg3A_1546 : vector<16xf32>
      %add3A_1548 = arith.constant 1.000000e+00 : f32
      %add3A_1549 = vector.broadcast %add3A_1548 : f32 to vector<16xf32>
      %add3A_1550 = arith.addf %add3A_1549, %exp3A_1547 : vector<16xf32>
      %div3A_1551 = arith.constant 1.000000e+00 : f32
      %div3A_1552 = vector.broadcast %div3A_1551 : f32 to vector<16xf32>
      %div3A_1553 = arith.divf %div3A_1552, %add3A_1550 : vector<16xf32>
      %add3A_1554 = arith.constant 80 : i32
      %add3A_1555 = arith.addi %mul3A_1422, %add3A_1554 : i32
      %swap3A_1556 = arith.index_cast %shift_right_arithmetic3A_1419 : i32 to index
      %swap3A_1557 = arith.index_cast %add3A_1555 : i32 to index
      %swap3A_1558 = tpu.vector_load %arg10[%swap3A_1556, %swap3A_1557] {strides = array<i32>} : memref<16x512xf32, #tpu.memory_space<vmem>>, vector<1x16xf32>,
      %swap3A_1559 = vector.shape_cast %swap3A_1558 : vector<1x16xf32> to vector<16xf32>
      %swap3A_1560 = vector.shape_cast %div3A_1553 : vector<16xf32> to vector<1x16xf32>
      tpu.vector_store %arg10[%swap3A_1556, %swap3A_1557], %swap3A_1560 {strides = array<i32>} : memref<16x512xf32, #tpu.memory_space<vmem>>, vector<1x16xf32>,
      %add3A_1561 = arith.constant 96 : i32
      %add3A_1562 = arith.addi %mul3A_1422, %add3A_1561 : i32
      %get3A_1563 = arith.index_cast %shift_right_arithmetic3A_1419 : i32 to index
      %get3A_1564 = arith.index_cast %add3A_1562 : i32 to index
      %get3A_1565 = tpu.vector_load %arg10[%get3A_1563, %get3A_1564] {strides = array<i32>} : memref<16x512xf32, #tpu.memory_space<vmem>>, vector<1x16xf32>,
      %get3A_1566 = vector.shape_cast %get3A_1565 : vector<1x16xf32> to vector<16xf32>
      %neg3A_1567 = arith.constant 0.000000e+00 : f32
      %neg3A_1568 = vector.broadcast %neg3A_1567 : f32 to vector<16xf32>
      %neg3A_1569 = arith.subf %neg3A_1568, %get3A_1566 : vector<16xf32>
      %exp3A_1570 = math.exp %neg3A_1569 : vector<16xf32>
      %add3A_1571 = arith.constant 1.000000e+00 : f32
      %add3A_1572 = vector.broadcast %add3A_1571 : f32 to vector<16xf32>
      %add3A_1573 = arith.addf %add3A_1572, %exp3A_1570 : vector<16xf32>
      %div3A_1574 = arith.constant 1.000000e+00 : f32
      %div3A_1575 = vector.broadcast %div3A_1574 : f32 to vector<16xf32>
      %div3A_1576 = arith.divf %div3A_1575, %add3A_1573 : vector<16xf32>
      %add3A_1577 = arith.constant 96 : i32
      %add3A_1578 = arith.addi %mul3A_1422, %add3A_1577 : i32
      %swap3A_1579 = arith.index_cast %shift_right_arithmetic3A_1419 : i32 to index
      %swap3A_1580 = arith.index_cast %add3A_1578 : i32 to index
      %swap3A_1581 = tpu.vector_load %arg10[%swap3A_1579, %swap3A_1580] {strides = array<i32>} : memref<16x512xf32, #tpu.memory_space<vmem>>, vector<1x16xf32>,
      %swap3A_1582 = vector.shape_cast %swap3A_1581 : vector<1x16xf32> to vector<16xf32>
      %swap3A_1583 = vector.shape_cast %div3A_1576 : vector<16xf32> to vector<1x16xf32>
      tpu.vector_store %arg10[%swap3A_1579, %swap3A_1580], %swap3A_1583 {strides = array<i32>} : memref<16x512xf32, #tpu.memory_space<vmem>>, vector<1x16xf32>,
      %add3A_1584 = arith.constant 112 : i32
      %add3A_1585 = arith.addi %mul3A_1422, %add3A_1584 : i32
      %get3A_1586 = arith.index_cast %shift_right_arithmetic3A_1419 : i32 to index
      %get3A_1587 = arith.index_cast %add3A_1585 : i32 to index
      %get3A_1588 = tpu.vector_load %arg10[%get3A_1586, %get3A_1587] {strides = array<i32>} : memref<16x512xf32, #tpu.memory_space<vmem>>, vector<1x16xf32>,
      %get3A_1589 = vector.shape_cast %get3A_1588 : vector<1x16xf32> to vector<16xf32>
      %neg3A_1590 = arith.constant 0.000000e+00 : f32
      %neg3A_1591 = vector.broadcast %neg3A_1590 : f32 to vector<16xf32>
      %neg3A_1592 = arith.subf %neg3A_1591, %get3A_1589 : vector<16xf32>
      %exp3A_1593 = math.exp %neg3A_1592 : vector<16xf32>
      %add3A_1594 = arith.constant 1.000000e+00 : f32
      %add3A_1595 = vector.broadcast %add3A_1594 : f32 to vector<16xf32>
      %add3A_1596 = arith.addf %add3A_1595, %exp3A_1593 : vector<16xf32>
      %div3A_1597 = arith.constant 1.000000e+00 : f32
      %div3A_1598 = vector.broadcast %div3A_1597 : f32 to vector<16xf32>
      %div3A_1599 = arith.divf %div3A_1598, %add3A_1596 : vector<16xf32>
      %add3A_1600 = arith.constant 112 : i32
      %add3A_1601 = arith.addi %mul3A_1422, %add3A_1600 : i32
      %swap3A_1602 = arith.index_cast %shift_right_arithmetic3A_1419 : i32 to index
      %swap3A_1603 = arith.index_cast %add3A_1601 : i32 to index
      %swap3A_1604 = tpu.vector_load %arg10[%swap3A_1602, %swap3A_1603] {strides = array<i32>} : memref<16x512xf32, #tpu.memory_space<vmem>>, vector<1x16xf32>,
      %swap3A_1605 = vector.shape_cast %swap3A_1604 : vector<1x16xf32> to vector<16xf32>
      %swap3A_1606 = vector.shape_cast %div3A_1599 : vector<16xf32> to vector<1x16xf32>
      tpu.vector_store %arg10[%swap3A_1602, %swap3A_1603], %swap3A_1606 {strides = array<i32>} : memref<16x512xf32, #tpu.memory_space<vmem>>, vector<1x16xf32>,
      %add3A_1607 = arith.constant 128 : i32
      %add3A_1608 = arith.addi %mul3A_1422, %add3A_1607 : i32
      %get3A_1609 = arith.index_cast %shift_right_arithmetic3A_1419 : i32 to index
      %get3A_1610 = arith.index_cast %add3A_1608 : i32 to index
      %get3A_1611 = tpu.vector_load %arg10[%get3A_1609, %get3A_1610] {strides = array<i32>} : memref<16x512xf32, #tpu.memory_space<vmem>>, vector<1x16xf32>,
      %get3A_1612 = vector.shape_cast %get3A_1611 : vector<1x16xf32> to vector<16xf32>
      %neg3A_1613 = arith.constant 0.000000e+00 : f32
      %neg3A_1614 = vector.broadcast %neg3A_1613 : f32 to vector<16xf32>
      %neg3A_1615 = arith.subf %neg3A_1614, %get3A_1612 : vector<16xf32>
      %exp3A_1616 = math.exp %neg3A_1615 : vector<16xf32>
      %add3A_1617 = arith.constant 1.000000e+00 : f32
      %add3A_1618 = vector.broadcast %add3A_1617 : f32 to vector<16xf32>
      %add3A_1619 = arith.addf %add3A_1618, %exp3A_1616 : vector<16xf32>
      %div3A_1620 = arith.constant 1.000000e+00 : f32
      %div3A_1621 = vector.broadcast %div3A_1620 : f32 to vector<16xf32>
      %div3A_1622 = arith.divf %div3A_1621, %add3A_1619 : vector<16xf32>
      %add3A_1623 = arith.constant 128 : i32
      %add3A_1624 = arith.addi %mul3A_1422, %add3A_1623 : i32
      %swap3A_1625 = arith.index_cast %shift_right_arithmetic3A_1419 : i32 to index
      %swap3A_1626 = arith.index_cast %add3A_1624 : i32 to index
      %swap3A_1627 = tpu.vector_load %arg10[%swap3A_1625, %swap3A_1626] {strides = array<i32>} : memref<16x512xf32, #tpu.memory_space<vmem>>, vector<1x16xf32>,
      %swap3A_1628 = vector.shape_cast %swap3A_1627 : vector<1x16xf32> to vector<16xf32>
      %swap3A_1629 = vector.shape_cast %div3A_1622 : vector<16xf32> to vector<1x16xf32>
      tpu.vector_store %arg10[%swap3A_1625, %swap3A_1626], %swap3A_1629 {strides = array<i32>} : memref<16x512xf32, #tpu.memory_space<vmem>>, vector<1x16xf32>,
      %add3A_1630 = arith.constant 144 : i32
      %add3A_1631 = arith.addi %mul3A_1422, %add3A_1630 : i32
      %get3A_1632 = arith.index_cast %shift_right_arithmetic3A_1419 : i32 to index
      %get3A_1633 = arith.index_cast %add3A_1631 : i32 to index
      %get3A_1634 = tpu.vector_load %arg10[%get3A_1632, %get3A_1633] {strides = array<i32>} : memref<16x512xf32, #tpu.memory_space<vmem>>, vector<1x16xf32>,
      %get3A_1635 = vector.shape_cast %get3A_1634 : vector<1x16xf32> to vector<16xf32>
      %neg3A_1636 = arith.constant 0.000000e+00 : f32
      %neg3A_1637 = vector.broadcast %neg3A_1636 : f32 to vector<16xf32>
      %neg3A_1638 = arith.subf %neg3A_1637, %get3A_1635 : vector<16xf32>
      %exp3A_1639 = math.exp %neg3A_1638 : vector<16xf32>
      %add3A_1640 = arith.constant 1.000000e+00 : f32
      %add3A_1641 = vector.broadcast %add3A_1640 : f32 to vector<16xf32>
      %add3A_1642 = arith.addf %add3A_1641, %exp3A_1639 : vector<16xf32>
      %div3A_1643 = arith.constant 1.000000e+00 : f32
      %div3A_1644 = vector.broadcast %div3A_1643 : f32 to vector<16xf32>
      %div3A_1645 = arith.divf %div3A_1644, %add3A_1642 : vector<16xf32>
      %add3A_1646 = arith.constant 144 : i32
      %add3A_1647 = arith.addi %mul3A_1422, %add3A_1646 : i32
      %swap3A_1648 = arith.index_cast %shift_right_arithmetic3A_1419 : i32 to index
      %swap3A_1649 = arith.index_cast %add3A_1647 : i32 to index
      %swap3A_1650 = tpu.vector_load %arg10[%swap3A_1648, %swap3A_1649] {strides = array<i32>} : memref<16x512xf32, #tpu.memory_space<vmem>>, vector<1x16xf32>,
      %swap3A_1651 = vector.shape_cast %swap3A_1650 : vector<1x16xf32> to vector<16xf32>
      %swap3A_1652 = vector.shape_cast %div3A_1645 : vector<16xf32> to vector<1x16xf32>
      tpu.vector_store %arg10[%swap3A_1648, %swap3A_1649], %swap3A_1652 {strides = array<i32>} : memref<16x512xf32, #tpu.memory_space<vmem>>, vector<1x16xf32>,
      %add3A_1653 = arith.constant 160 : i32
      %add3A_1654 = arith.addi %mul3A_1422, %add3A_1653 : i32
      %get3A_1655 = arith.index_cast %shift_right_arithmetic3A_1419 : i32 to index
      %get3A_1656 = arith.index_cast %add3A_1654 : i32 to index
      %get3A_1657 = tpu.vector_load %arg10[%get3A_1655, %get3A_1656] {strides = array<i32>} : memref<16x512xf32, #tpu.memory_space<vmem>>, vector<1x16xf32>,
      %get3A_1658 = vector.shape_cast %get3A_1657 : vector<1x16xf32> to vector<16xf32>
      %neg3A_1659 = arith.constant 0.000000e+00 : f32
      %neg3A_1660 = vector.broadcast %neg3A_1659 : f32 to vector<16xf32>
      %neg3A_1661 = arith.subf %neg3A_1660, %get3A_1658 : vector<16xf32>
      %exp3A_1662 = math.exp %neg3A_1661 : vector<16xf32>
      %add3A_1663 = arith.constant 1.000000e+00 : f32
      %add3A_1664 = vector.broadcast %add3A_1663 : f32 to vector<16xf32>
      %add3A_1665 = arith.addf %add3A_1664, %exp3A_1662 : vector<16xf32>
      %div3A_1666 = arith.constant 1.000000e+00 : f32
      %div3A_1667 = vector.broadcast %div3A_1666 : f32 to vector<16xf32>
      %div3A_1668 = arith.divf %div3A_1667, %add3A_1665 : vector<16xf32>
      %add3A_1669 = arith.constant 160 : i32
      %add3A_1670 = arith.addi %mul3A_1422, %add3A_1669 : i32
      %swap3A_1671 = arith.index_cast %shift_right_arithmetic3A_1419 : i32 to index
      %swap3A_1672 = arith.index_cast %add3A_1670 : i32 to index
      %swap3A_1673 = tpu.vector_load %arg10[%swap3A_1671, %swap3A_1672] {strides = array<i32>} : memref<16x512xf32, #tpu.memory_space<vmem>>, vector<1x16xf32>,
      %swap3A_1674 = vector.shape_cast %swap3A_1673 : vector<1x16xf32> to vector<16xf32>
      %swap3A_1675 = vector.shape_cast %div3A_1668 : vector<16xf32> to vector<1x16xf32>
      tpu.vector_store %arg10[%swap3A_1671, %swap3A_1672], %swap3A_1675 {strides = array<i32>} : memref<16x512xf32, #tpu.memory_space<vmem>>, vector<1x16xf32>,
      %add3A_1676 = arith.constant 176 : i32
      %add3A_1677 = arith.addi %mul3A_1422, %add3A_1676 : i32
      %get3A_1678 = arith.index_cast %shift_right_arithmetic3A_1419 : i32 to index
      %get3A_1679 = arith.index_cast %add3A_1677 : i32 to index
      %get3A_1680 = tpu.vector_load %arg10[%get3A_1678, %get3A_1679] {strides = array<i32>} : memref<16x512xf32, #tpu.memory_space<vmem>>, vector<1x16xf32>,
      %get3A_1681 = vector.shape_cast %get3A_1680 : vector<1x16xf32> to vector<16xf32>
      %neg3A_1682 = arith.constant 0.000000e+00 : f32
      %neg3A_1683 = vector.broadcast %neg3A_1682 : f32 to vector<16xf32>
      %neg3A_1684 = arith.subf %neg3A_1683, %get3A_1681 : vector<16xf32>
      %exp3A_1685 = math.exp %neg3A_1684 : vector<16xf32>
      %add3A_1686 = arith.constant 1.000000e+00 : f32
      %add3A_1687 = vector.broadcast %add3A_1686 : f32 to vector<16xf32>
      %add3A_1688 = arith.addf %add3A_1687, %exp3A_1685 : vector<16xf32>
      %div3A_1689 = arith.constant 1.000000e+00 : f32
      %div3A_1690 = vector.broadcast %div3A_1689 : f32 to vector<16xf32>
      %div3A_1691 = arith.divf %div3A_1690, %add3A_1688 : vector<16xf32>
      %add3A_1692 = arith.constant 176 : i32
      %add3A_1693 = arith.addi %mul3A_1422, %add3A_1692 : i32
      %swap3A_1694 = arith.index_cast %shift_right_arithmetic3A_1419 : i32 to index
      %swap3A_1695 = arith.index_cast %add3A_1693 : i32 to index
      %swap3A_1696 = tpu.vector_load %arg10[%swap3A_1694, %swap3A_1695] {strides = array<i32>} : memref<16x512xf32, #tpu.memory_space<vmem>>, vector<1x16xf32>,
      %swap3A_1697 = vector.shape_cast %swap3A_1696 : vector<1x16xf32> to vector<16xf32>
      %swap3A_1698 = vector.shape_cast %div3A_1691 : vector<16xf32> to vector<1x16xf32>
      tpu.vector_store %arg10[%swap3A_1694, %swap3A_1695], %swap3A_1698 {strides = array<i32>} : memref<16x512xf32, #tpu.memory_space<vmem>>, vector<1x16xf32>,
      %add3A_1699 = arith.constant 192 : i32
      %add3A_1700 = arith.addi %mul3A_1422, %add3A_1699 : i32
      %get3A_1701 = arith.index_cast %shift_right_arithmetic3A_1419 : i32 to index
      %get3A_1702 = arith.index_cast %add3A_1700 : i32 to index
      %get3A_1703 = tpu.vector_load %arg10[%get3A_1701, %get3A_1702] {strides = array<i32>} : memref<16x512xf32, #tpu.memory_space<vmem>>, vector<1x16xf32>,
      %get3A_1704 = vector.shape_cast %get3A_1703 : vector<1x16xf32> to vector<16xf32>
      %neg3A_1705 = arith.constant 0.000000e+00 : f32
      %neg3A_1706 = vector.broadcast %neg3A_1705 : f32 to vector<16xf32>
      %neg3A_1707 = arith.subf %neg3A_1706, %get3A_1704 : vector<16xf32>
      %exp3A_1708 = math.exp %neg3A_1707 : vector<16xf32>
      %add3A_1709 = arith.constant 1.000000e+00 : f32
      %add3A_1710 = vector.broadcast %add3A_1709 : f32 to vector<16xf32>
      %add3A_1711 = arith.addf %add3A_1710, %exp3A_1708 : vector<16xf32>
      %div3A_1712 = arith.constant 1.000000e+00 : f32
      %div3A_1713 = vector.broadcast %div3A_1712 : f32 to vector<16xf32>
      %div3A_1714 = arith.divf %div3A_1713, %add3A_1711 : vector<16xf32>
      %add3A_1715 = arith.constant 192 : i32
      %add3A_1716 = arith.addi %mul3A_1422, %add3A_1715 : i32
      %swap3A_1717 = arith.index_cast %shift_right_arithmetic3A_1419 : i32 to index
      %swap3A_1718 = arith.index_cast %add3A_1716 : i32 to index
      %swap3A_1719 = tpu.vector_load %arg10[%swap3A_1717, %swap3A_1718] {strides = array<i32>} : memref<16x512xf32, #tpu.memory_space<vmem>>, vector<1x16xf32>,
      %swap3A_1720 = vector.shape_cast %swap3A_1719 : vector<1x16xf32> to vector<16xf32>
      %swap3A_1721 = vector.shape_cast %div3A_1714 : vector<16xf32> to vector<1x16xf32>
      tpu.vector_store %arg10[%swap3A_1717, %swap3A_1718], %swap3A_1721 {strides = array<i32>} : memref<16x512xf32, #tpu.memory_space<vmem>>, vector<1x16xf32>,
      %add3A_1722 = arith.constant 208 : i32
      %add3A_1723 = arith.addi %mul3A_1422, %add3A_1722 : i32
      %get3A_1724 = arith.index_cast %shift_right_arithmetic3A_1419 : i32 to index
      %get3A_1725 = arith.index_cast %add3A_1723 : i32 to index
      %get3A_1726 = tpu.vector_load %arg10[%get3A_1724, %get3A_1725] {strides = array<i32>} : memref<16x512xf32, #tpu.memory_space<vmem>>, vector<1x16xf32>,
      %get3A_1727 = vector.shape_cast %get3A_1726 : vector<1x16xf32> to vector<16xf32>
      %neg3A_1728 = arith.constant 0.000000e+00 : f32
      %neg3A_1729 = vector.broadcast %neg3A_1728 : f32 to vector<16xf32>
      %neg3A_1730 = arith.subf %neg3A_1729, %get3A_1727 : vector<16xf32>
      %exp3A_1731 = math.exp %neg3A_1730 : vector<16xf32>
      %add3A_1732 = arith.constant 1.000000e+00 : f32
      %add3A_1733 = vector.broadcast %add3A_1732 : f32 to vector<16xf32>
      %add3A_1734 = arith.addf %add3A_1733, %exp3A_1731 : vector<16xf32>
      %div3A_1735 = arith.constant 1.000000e+00 : f32
      %div3A_1736 = vector.broadcast %div3A_1735 : f32 to vector<16xf32>
      %div3A_1737 = arith.divf %div3A_1736, %add3A_1734 : vector<16xf32>
      %add3A_1738 = arith.constant 208 : i32
      %add3A_1739 = arith.addi %mul3A_1422, %add3A_1738 : i32
      %swap3A_1740 = arith.index_cast %shift_right_arithmetic3A_1419 : i32 to index
      %swap3A_1741 = arith.index_cast %add3A_1739 : i32 to index
      %swap3A_1742 = tpu.vector_load %arg10[%swap3A_1740, %swap3A_1741] {strides = array<i32>} : memref<16x512xf32, #tpu.memory_space<vmem>>, vector<1x16xf32>,
      %swap3A_1743 = vector.shape_cast %swap3A_1742 : vector<1x16xf32> to vector<16xf32>
      %swap3A_1744 = vector.shape_cast %div3A_1737 : vector<16xf32> to vector<1x16xf32>
      tpu.vector_store %arg10[%swap3A_1740, %swap3A_1741], %swap3A_1744 {strides = array<i32>} : memref<16x512xf32, #tpu.memory_space<vmem>>, vector<1x16xf32>,
      %add3A_1745 = arith.constant 224 : i32
      %add3A_1746 = arith.addi %mul3A_1422, %add3A_1745 : i32
      %get3A_1747 = arith.index_cast %shift_right_arithmetic3A_1419 : i32 to index
      %get3A_1748 = arith.index_cast %add3A_1746 : i32 to index
      %get3A_1749 = tpu.vector_load %arg10[%get3A_1747, %get3A_1748] {strides = array<i32>} : memref<16x512xf32, #tpu.memory_space<vmem>>, vector<1x16xf32>,
      %get3A_1750 = vector.shape_cast %get3A_1749 : vector<1x16xf32> to vector<16xf32>
      %neg3A_1751 = arith.constant 0.000000e+00 : f32
      %neg3A_1752 = vector.broadcast %neg3A_1751 : f32 to vector<16xf32>
      %neg3A_1753 = arith.subf %neg3A_1752, %get3A_1750 : vector<16xf32>
      %exp3A_1754 = math.exp %neg3A_1753 : vector<16xf32>
      %add3A_1755 = arith.constant 1.000000e+00 : f32
      %add3A_1756 = vector.broadcast %add3A_1755 : f32 to vector<16xf32>
      %add3A_1757 = arith.addf %add3A_1756, %exp3A_1754 : vector<16xf32>
      %div3A_1758 = arith.constant 1.000000e+00 : f32
      %div3A_1759 = vector.broadcast %div3A_1758 : f32 to vector<16xf32>
      %div3A_1760 = arith.divf %div3A_1759, %add3A_1757 : vector<16xf32>
      %add3A_1761 = arith.constant 224 : i32
      %add3A_1762 = arith.addi %mul3A_1422, %add3A_1761 : i32
      %swap3A_1763 = arith.index_cast %shift_right_arithmetic3A_1419 : i32 to index
      %swap3A_1764 = arith.index_cast %add3A_1762 : i32 to index
      %swap3A_1765 = tpu.vector_load %arg10[%swap3A_1763, %swap3A_1764] {strides = array<i32>} : memref<16x512xf32, #tpu.memory_space<vmem>>, vector<1x16xf32>,
      %swap3A_1766 = vector.shape_cast %swap3A_1765 : vector<1x16xf32> to vector<16xf32>
      %swap3A_1767 = vector.shape_cast %div3A_1760 : vector<16xf32> to vector<1x16xf32>
      tpu.vector_store %arg10[%swap3A_1763, %swap3A_1764], %swap3A_1767 {strides = array<i32>} : memref<16x512xf32, #tpu.memory_space<vmem>>, vector<1x16xf32>,
      %add3A_1768 = arith.constant 240 : i32
      %add3A_1769 = arith.addi %mul3A_1422, %add3A_1768 : i32
      %get3A_1770 = arith.index_cast %shift_right_arithmetic3A_1419 : i32 to index
      %get3A_1771 = arith.index_cast %add3A_1769 : i32 to index
      %get3A_1772 = tpu.vector_load %arg10[%get3A_1770, %get3A_1771] {strides = array<i32>} : memref<16x512xf32, #tpu.memory_space<vmem>>, vector<1x16xf32>,
      %get3A_1773 = vector.shape_cast %get3A_1772 : vector<1x16xf32> to vector<16xf32>
      %neg3A_1774 = arith.constant 0.000000e+00 : f32
      %neg3A_1775 = vector.broadcast %neg3A_1774 : f32 to vector<16xf32>
      %neg3A_1776 = arith.subf %neg3A_1775, %get3A_1773 : vector<16xf32>
      %exp3A_1777 = math.exp %neg3A_1776 : vector<16xf32>
      %add3A_1778 = arith.constant 1.000000e+00 : f32
      %add3A_1779 = vector.broadcast %add3A_1778 : f32 to vector<16xf32>
      %add3A_1780 = arith.addf %add3A_1779, %exp3A_1777 : vector<16xf32>
      %div3A_1781 = arith.constant 1.000000e+00 : f32
      %div3A_1782 = vector.broadcast %div3A_1781 : f32 to vector<16xf32>
      %div3A_1783 = arith.divf %div3A_1782, %add3A_1780 : vector<16xf32>
      %add3A_1784 = arith.constant 240 : i32
      %add3A_1785 = arith.addi %mul3A_1422, %add3A_1784 : i32
      %swap3A_1786 = arith.index_cast %shift_right_arithmetic3A_1419 : i32 to index
      %swap3A_1787 = arith.index_cast %add3A_1785 : i32 to index
      %swap3A_1788 = tpu.vector_load %arg10[%swap3A_1786, %swap3A_1787] {strides = array<i32>} : memref<16x512xf32, #tpu.memory_space<vmem>>, vector<1x16xf32>,
      %swap3A_1789 = vector.shape_cast %swap3A_1788 : vector<1x16xf32> to vector<16xf32>
      %swap3A_1790 = vector.shape_cast %div3A_1783 : vector<16xf32> to vector<1x16xf32>
      tpu.vector_store %arg10[%swap3A_1786, %swap3A_1787], %swap3A_1790 {strides = array<i32>} : memref<16x512xf32, #tpu.memory_space<vmem>>, vector<1x16xf32>,
      %scan3A_1791 = arith.constant 0 : i32
      scf.yield %scan3A_1791 : i32
    }
    %scan3A_457 = arith.constant 32 : i32
    %get3A_458 = arith.constant 1 : i32
    %get3A_459 = arith.index_cast %get3A_458 : i32 to index
    %get3A_460 = arith.constant 0 : index
    %get3A_461 = tpu.vector_load %arg8[%get3A_459, %get3A_460] {strides = array<i32>} : memref<4x16xf32, #tpu.memory_space<vmem>>, vector<1x16xf32>,
    %get3A_462 = vector.shape_cast %get3A_461 : vector<1x16xf32> to vector<16xf32>
    %get3A_463 = arith.constant 0 : i32
    %get3A_464 = arith.index_cast %get3A_463 : i32 to index
    %get3A_465 = arith.constant 0 : index
    %get3A_466 = tpu.vector_load %arg10[%get3A_464, %get3A_465] {strides = array<i32>} : memref<16x512xf32, #tpu.memory_space<vmem>>, vector<1x16xf32>,
    %get3A_467 = vector.shape_cast %get3A_466 : vector<1x16xf32> to vector<16xf32>
    %eq3A_468 = arith.constant 0 : i32
    %eq3A_469 = vector.broadcast %eq3A_468 : i32 to vector<16xi32>
    %eq3A_470 = arith.cmpi eq, %iota3A, %eq3A_469 : vector<16xi32>
    %slice3A_471 = vector.extract_strided_slice %get3A_462 {offsets = [0], sizes = [1], strides = [1]} : vector<16xf32> to vector<1xf32>
    %squeeze3A_472 = vector.extract %slice3A_471[0] : f32 from vector<1xf32>
    %broadcast_in_dim3A_473 = vector.broadcast %squeeze3A_472 : f32 to vector<16xf32>
    %select_n3A_474 = arith.select %eq3A_470, %broadcast_in_dim3A_473, %get3A_467 : vector<16xi1>, vector<16xf32>
    %swap3A_475 = arith.constant 0 : i32
    %swap3A_476 = arith.index_cast %swap3A_475 : i32 to index
    %swap3A_477 = arith.constant 0 : index
    %swap3A_478 = tpu.vector_load %arg10[%swap3A_476, %swap3A_477] {strides = array<i32>} : memref<16x512xf32, #tpu.memory_space<vmem>>, vector<1x16xf32>,
    %swap3A_479 = vector.shape_cast %swap3A_478 : vector<1x16xf32> to vector<16xf32>
    %swap3A_480 = vector.shape_cast %select_n3A_474 : vector<16xf32> to vector<1x16xf32>
    tpu.vector_store %arg10[%swap3A_476, %swap3A_477], %swap3A_480 {strides = array<i32>} : memref<16x512xf32, #tpu.memory_space<vmem>>, vector<1x16xf32>,
    %get3A_481 = arith.constant 1 : i32
    %get3A_482 = arith.index_cast %get3A_481 : i32 to index
    %get3A_483 = arith.constant 0 : index
    %get3A_484 = tpu.vector_load %arg10[%get3A_482, %get3A_483] {strides = array<i32>} : memref<16x512xf32, #tpu.memory_space<vmem>>, vector<1x16xf32>,
    %get3A_485 = vector.shape_cast %get3A_484 : vector<1x16xf32> to vector<16xf32>
    %eq3A_486 = arith.constant 0 : i32
    %eq3A_487 = vector.broadcast %eq3A_486 : i32 to vector<16xi32>
    %eq3A_488 = arith.cmpi eq, %iota3A, %eq3A_487 : vector<16xi32>
    %slice3A_489 = vector.extract_strided_slice %get3A_462 {offsets = [1], sizes = [1], strides = [1]} : vector<16xf32> to vector<1xf32>
    %squeeze3A_490 = vector.extract %slice3A_489[0] : f32 from vector<1xf32>
    %broadcast_in_dim3A_491 = vector.broadcast %squeeze3A_490 : f32 to vector<16xf32>
    %select_n3A_492 = arith.select %eq3A_488, %broadcast_in_dim3A_491, %get3A_485 : vector<16xi1>, vector<16xf32>
    %swap3A_493 = arith.constant 1 : i32
    %swap3A_494 = arith.index_cast %swap3A_493 : i32 to index
    %swap3A_495 = arith.constant 0 : index
    %swap3A_496 = tpu.vector_load %arg10[%swap3A_494, %swap3A_495] {strides = array<i32>} : memref<16x512xf32, #tpu.memory_space<vmem>>, vector<1x16xf32>,
    %swap3A_497 = vector.shape_cast %swap3A_496 : vector<1x16xf32> to vector<16xf32>
    %swap3A_498 = vector.shape_cast %select_n3A_492 : vector<16xf32> to vector<1x16xf32>
    tpu.vector_store %arg10[%swap3A_494, %swap3A_495], %swap3A_498 {strides = array<i32>} : memref<16x512xf32, #tpu.memory_space<vmem>>, vector<1x16xf32>,
    %get3A_499 = arith.constant 2 : i32
    %get3A_500 = arith.index_cast %get3A_499 : i32 to index
    %get3A_501 = arith.constant 0 : index
    %get3A_502 = tpu.vector_load %arg10[%get3A_500, %get3A_501] {strides = array<i32>} : memref<16x512xf32, #tpu.memory_space<vmem>>, vector<1x16xf32>,
    %get3A_503 = vector.shape_cast %get3A_502 : vector<1x16xf32> to vector<16xf32>
    %eq3A_504 = arith.constant 0 : i32
    %eq3A_505 = vector.broadcast %eq3A_504 : i32 to vector<16xi32>
    %eq3A_506 = arith.cmpi eq, %iota3A, %eq3A_505 : vector<16xi32>
    %slice3A_507 = vector.extract_strided_slice %get3A_462 {offsets = [2], sizes = [1], strides = [1]} : vector<16xf32> to vector<1xf32>
    %squeeze3A_508 = vector.extract %slice3A_507[0] : f32 from vector<1xf32>
    %broadcast_in_dim3A_509 = vector.broadcast %squeeze3A_508 : f32 to vector<16xf32>
    %select_n3A_510 = arith.select %eq3A_506, %broadcast_in_dim3A_509, %get3A_503 : vector<16xi1>, vector<16xf32>
    %swap3A_511 = arith.constant 2 : i32
    %swap3A_512 = arith.index_cast %swap3A_511 : i32 to index
    %swap3A_513 = arith.constant 0 : index
    %swap3A_514 = tpu.vector_load %arg10[%swap3A_512, %swap3A_513] {strides = array<i32>} : memref<16x512xf32, #tpu.memory_space<vmem>>, vector<1x16xf32>,
    %swap3A_515 = vector.shape_cast %swap3A_514 : vector<1x16xf32> to vector<16xf32>
    %swap3A_516 = vector.shape_cast %select_n3A_510 : vector<16xf32> to vector<1x16xf32>
    tpu.vector_store %arg10[%swap3A_512, %swap3A_513], %swap3A_516 {strides = array<i32>} : memref<16x512xf32, #tpu.memory_space<vmem>>, vector<1x16xf32>,
    %get3A_517 = arith.constant 3 : i32
    %get3A_518 = arith.index_cast %get3A_517 : i32 to index
    %get3A_519 = arith.constant 0 : index
    %get3A_520 = tpu.vector_load %arg10[%get3A_518, %get3A_519] {strides = array<i32>} : memref<16x512xf32, #tpu.memory_space<vmem>>, vector<1x16xf32>,
    %get3A_521 = vector.shape_cast %get3A_520 : vector<1x16xf32> to vector<16xf32>
    %eq3A_522 = arith.constant 0 : i32
    %eq3A_523 = vector.broadcast %eq3A_522 : i32 to vector<16xi32>
    %eq3A_524 = arith.cmpi eq, %iota3A, %eq3A_523 : vector<16xi32>
    %slice3A_525 = vector.extract_strided_slice %get3A_462 {offsets = [3], sizes = [1], strides = [1]} : vector<16xf32> to vector<1xf32>
    %squeeze3A_526 = vector.extract %slice3A_525[0] : f32 from vector<1xf32>
    %broadcast_in_dim3A_527 = vector.broadcast %squeeze3A_526 : f32 to vector<16xf32>
    %select_n3A_528 = arith.select %eq3A_524, %broadcast_in_dim3A_527, %get3A_521 : vector<16xi1>, vector<16xf32>
    %swap3A_529 = arith.constant 3 : i32
    %swap3A_530 = arith.index_cast %swap3A_529 : i32 to index
    %swap3A_531 = arith.constant 0 : index
    %swap3A_532 = tpu.vector_load %arg10[%swap3A_530, %swap3A_531] {strides = array<i32>} : memref<16x512xf32, #tpu.memory_space<vmem>>, vector<1x16xf32>,
    %swap3A_533 = vector.shape_cast %swap3A_532 : vector<1x16xf32> to vector<16xf32>
    %swap3A_534 = vector.shape_cast %select_n3A_528 : vector<16xf32> to vector<1x16xf32>
    tpu.vector_store %arg10[%swap3A_530, %swap3A_531], %swap3A_534 {strides = array<i32>} : memref<16x512xf32, #tpu.memory_space<vmem>>, vector<1x16xf32>,
    %get3A_535 = arith.constant 4 : i32
    %get3A_536 = arith.index_cast %get3A_535 : i32 to index
    %get3A_537 = arith.constant 0 : index
    %get3A_538 = tpu.vector_load %arg10[%get3A_536, %get3A_537] {strides = array<i32>} : memref<16x512xf32, #tpu.memory_space<vmem>>, vector<1x16xf32>,
    %get3A_539 = vector.shape_cast %get3A_538 : vector<1x16xf32> to vector<16xf32>
    %eq3A_540 = arith.constant 0 : i32
    %eq3A_541 = vector.broadcast %eq3A_540 : i32 to vector<16xi32>
    %eq3A_542 = arith.cmpi eq, %iota3A, %eq3A_541 : vector<16xi32>
    %slice3A_543 = vector.extract_strided_slice %get3A_462 {offsets = [4], sizes = [1], strides = [1]} : vector<16xf32> to vector<1xf32>
    %squeeze3A_544 = vector.extract %slice3A_543[0] : f32 from vector<1xf32>
    %broadcast_in_dim3A_545 = vector.broadcast %squeeze3A_544 : f32 to vector<16xf32>
    %select_n3A_546 = arith.select %eq3A_542, %broadcast_in_dim3A_545, %get3A_539 : vector<16xi1>, vector<16xf32>
    %swap3A_547 = arith.constant 4 : i32
    %swap3A_548 = arith.index_cast %swap3A_547 : i32 to index
    %swap3A_549 = arith.constant 0 : index
    %swap3A_550 = tpu.vector_load %arg10[%swap3A_548, %swap3A_549] {strides = array<i32>} : memref<16x512xf32, #tpu.memory_space<vmem>>, vector<1x16xf32>,
    %swap3A_551 = vector.shape_cast %swap3A_550 : vector<1x16xf32> to vector<16xf32>
    %swap3A_552 = vector.shape_cast %select_n3A_546 : vector<16xf32> to vector<1x16xf32>
    tpu.vector_store %arg10[%swap3A_548, %swap3A_549], %swap3A_552 {strides = array<i32>} : memref<16x512xf32, #tpu.memory_space<vmem>>, vector<1x16xf32>,
    %get3A_553 = arith.constant 5 : i32
    %get3A_554 = arith.index_cast %get3A_553 : i32 to index
    %get3A_555 = arith.constant 0 : index
    %get3A_556 = tpu.vector_load %arg10[%get3A_554, %get3A_555] {strides = array<i32>} : memref<16x512xf32, #tpu.memory_space<vmem>>, vector<1x16xf32>,
    %get3A_557 = vector.shape_cast %get3A_556 : vector<1x16xf32> to vector<16xf32>
    %eq3A_558 = arith.constant 0 : i32
    %eq3A_559 = vector.broadcast %eq3A_558 : i32 to vector<16xi32>
    %eq3A_560 = arith.cmpi eq, %iota3A, %eq3A_559 : vector<16xi32>
    %slice3A_561 = vector.extract_strided_slice %get3A_462 {offsets = [5], sizes = [1], strides = [1]} : vector<16xf32> to vector<1xf32>
    %squeeze3A_562 = vector.extract %slice3A_561[0] : f32 from vector<1xf32>
    %broadcast_in_dim3A_563 = vector.broadcast %squeeze3A_562 : f32 to vector<16xf32>
    %select_n3A_564 = arith.select %eq3A_560, %broadcast_in_dim3A_563, %get3A_557 : vector<16xi1>, vector<16xf32>
    %swap3A_565 = arith.constant 5 : i32
    %swap3A_566 = arith.index_cast %swap3A_565 : i32 to index
    %swap3A_567 = arith.constant 0 : index
    %swap3A_568 = tpu.vector_load %arg10[%swap3A_566, %swap3A_567] {strides = array<i32>} : memref<16x512xf32, #tpu.memory_space<vmem>>, vector<1x16xf32>,
    %swap3A_569 = vector.shape_cast %swap3A_568 : vector<1x16xf32> to vector<16xf32>
    %swap3A_570 = vector.shape_cast %select_n3A_564 : vector<16xf32> to vector<1x16xf32>
    tpu.vector_store %arg10[%swap3A_566, %swap3A_567], %swap3A_570 {strides = array<i32>} : memref<16x512xf32, #tpu.memory_space<vmem>>, vector<1x16xf32>,
    %get3A_571 = arith.constant 6 : i32
    %get3A_572 = arith.index_cast %get3A_571 : i32 to index
    %get3A_573 = arith.constant 0 : index
    %get3A_574 = tpu.vector_load %arg10[%get3A_572, %get3A_573] {strides = array<i32>} : memref<16x512xf32, #tpu.memory_space<vmem>>, vector<1x16xf32>,
    %get3A_575 = vector.shape_cast %get3A_574 : vector<1x16xf32> to vector<16xf32>
    %eq3A_576 = arith.constant 0 : i32
    %eq3A_577 = vector.broadcast %eq3A_576 : i32 to vector<16xi32>
    %eq3A_578 = arith.cmpi eq, %iota3A, %eq3A_577 : vector<16xi32>
    %slice3A_579 = vector.extract_strided_slice %get3A_462 {offsets = [6], sizes = [1], strides = [1]} : vector<16xf32> to vector<1xf32>
    %squeeze3A_580 = vector.extract %slice3A_579[0] : f32 from vector<1xf32>
    %broadcast_in_dim3A_581 = vector.broadcast %squeeze3A_580 : f32 to vector<16xf32>
    %select_n3A_582 = arith.select %eq3A_578, %broadcast_in_dim3A_581, %get3A_575 : vector<16xi1>, vector<16xf32>
    %swap3A_583 = arith.constant 6 : i32
    %swap3A_584 = arith.index_cast %swap3A_583 : i32 to index
    %swap3A_585 = arith.constant 0 : index
    %swap3A_586 = tpu.vector_load %arg10[%swap3A_584, %swap3A_585] {strides = array<i32>} : memref<16x512xf32, #tpu.memory_space<vmem>>, vector<1x16xf32>,
    %swap3A_587 = vector.shape_cast %swap3A_586 : vector<1x16xf32> to vector<16xf32>
    %swap3A_588 = vector.shape_cast %select_n3A_582 : vector<16xf32> to vector<1x16xf32>
    tpu.vector_store %arg10[%swap3A_584, %swap3A_585], %swap3A_588 {strides = array<i32>} : memref<16x512xf32, #tpu.memory_space<vmem>>, vector<1x16xf32>,
    %get3A_589 = arith.constant 7 : i32
    %get3A_590 = arith.index_cast %get3A_589 : i32 to index
    %get3A_591 = arith.constant 0 : index
    %get3A_592 = tpu.vector_load %arg10[%get3A_590, %get3A_591] {strides = array<i32>} : memref<16x512xf32, #tpu.memory_space<vmem>>, vector<1x16xf32>,
    %get3A_593 = vector.shape_cast %get3A_592 : vector<1x16xf32> to vector<16xf32>
    %eq3A_594 = arith.constant 0 : i32
    %eq3A_595 = vector.broadcast %eq3A_594 : i32 to vector<16xi32>
    %eq3A_596 = arith.cmpi eq, %iota3A, %eq3A_595 : vector<16xi32>
    %slice3A_597 = vector.extract_strided_slice %get3A_462 {offsets = [7], sizes = [1], strides = [1]} : vector<16xf32> to vector<1xf32>
    %squeeze3A_598 = vector.extract %slice3A_597[0] : f32 from vector<1xf32>
    %broadcast_in_dim3A_599 = vector.broadcast %squeeze3A_598 : f32 to vector<16xf32>
    %select_n3A_600 = arith.select %eq3A_596, %broadcast_in_dim3A_599, %get3A_593 : vector<16xi1>, vector<16xf32>
    %swap3A_601 = arith.constant 7 : i32
    %swap3A_602 = arith.index_cast %swap3A_601 : i32 to index
    %swap3A_603 = arith.constant 0 : index
    %swap3A_604 = tpu.vector_load %arg10[%swap3A_602, %swap3A_603] {strides = array<i32>} : memref<16x512xf32, #tpu.memory_space<vmem>>, vector<1x16xf32>,
    %swap3A_605 = vector.shape_cast %swap3A_604 : vector<1x16xf32> to vector<16xf32>
    %swap3A_606 = vector.shape_cast %select_n3A_600 : vector<16xf32> to vector<1x16xf32>
    tpu.vector_store %arg10[%swap3A_602, %swap3A_603], %swap3A_606 {strides = array<i32>} : memref<16x512xf32, #tpu.memory_space<vmem>>, vector<1x16xf32>,
    %get3A_607 = arith.constant 8 : i32
    %get3A_608 = arith.index_cast %get3A_607 : i32 to index
    %get3A_609 = arith.constant 0 : index
    %get3A_610 = tpu.vector_load %arg10[%get3A_608, %get3A_609] {strides = array<i32>} : memref<16x512xf32, #tpu.memory_space<vmem>>, vector<1x16xf32>,
    %get3A_611 = vector.shape_cast %get3A_610 : vector<1x16xf32> to vector<16xf32>
    %eq3A_612 = arith.constant 0 : i32
    %eq3A_613 = vector.broadcast %eq3A_612 : i32 to vector<16xi32>
    %eq3A_614 = arith.cmpi eq, %iota3A, %eq3A_613 : vector<16xi32>
    %slice3A_615 = vector.extract_strided_slice %get3A_462 {offsets = [8], sizes = [1], strides = [1]} : vector<16xf32> to vector<1xf32>
    %squeeze3A_616 = vector.extract %slice3A_615[0] : f32 from vector<1xf32>
    %broadcast_in_dim3A_617 = vector.broadcast %squeeze3A_616 : f32 to vector<16xf32>
    %select_n3A_618 = arith.select %eq3A_614, %broadcast_in_dim3A_617, %get3A_611 : vector<16xi1>, vector<16xf32>
    %swap3A_619 = arith.constant 8 : i32
    %swap3A_620 = arith.index_cast %swap3A_619 : i32 to index
    %swap3A_621 = arith.constant 0 : index
    %swap3A_622 = tpu.vector_load %arg10[%swap3A_620, %swap3A_621] {strides = array<i32>} : memref<16x512xf32, #tpu.memory_space<vmem>>, vector<1x16xf32>,
    %swap3A_623 = vector.shape_cast %swap3A_622 : vector<1x16xf32> to vector<16xf32>
    %swap3A_624 = vector.shape_cast %select_n3A_618 : vector<16xf32> to vector<1x16xf32>
    tpu.vector_store %arg10[%swap3A_620, %swap3A_621], %swap3A_624 {strides = array<i32>} : memref<16x512xf32, #tpu.memory_space<vmem>>, vector<1x16xf32>,
    %get3A_625 = arith.constant 9 : i32
    %get3A_626 = arith.index_cast %get3A_625 : i32 to index
    %get3A_627 = arith.constant 0 : index
    %get3A_628 = tpu.vector_load %arg10[%get3A_626, %get3A_627] {strides = array<i32>} : memref<16x512xf32, #tpu.memory_space<vmem>>, vector<1x16xf32>,
    %get3A_629 = vector.shape_cast %get3A_628 : vector<1x16xf32> to vector<16xf32>
    %eq3A_630 = arith.constant 0 : i32
    %eq3A_631 = vector.broadcast %eq3A_630 : i32 to vector<16xi32>
    %eq3A_632 = arith.cmpi eq, %iota3A, %eq3A_631 : vector<16xi32>
    %slice3A_633 = vector.extract_strided_slice %get3A_462 {offsets = [9], sizes = [1], strides = [1]} : vector<16xf32> to vector<1xf32>
    %squeeze3A_634 = vector.extract %slice3A_633[0] : f32 from vector<1xf32>
    %broadcast_in_dim3A_635 = vector.broadcast %squeeze3A_634 : f32 to vector<16xf32>
    %select_n3A_636 = arith.select %eq3A_632, %broadcast_in_dim3A_635, %get3A_629 : vector<16xi1>, vector<16xf32>
    %swap3A_637 = arith.constant 9 : i32
    %swap3A_638 = arith.index_cast %swap3A_637 : i32 to index
    %swap3A_639 = arith.constant 0 : index
    %swap3A_640 = tpu.vector_load %arg10[%swap3A_638, %swap3A_639] {strides = array<i32>} : memref<16x512xf32, #tpu.memory_space<vmem>>, vector<1x16xf32>,
    %swap3A_641 = vector.shape_cast %swap3A_640 : vector<1x16xf32> to vector<16xf32>
    %swap3A_642 = vector.shape_cast %select_n3A_636 : vector<16xf32> to vector<1x16xf32>
    tpu.vector_store %arg10[%swap3A_638, %swap3A_639], %swap3A_642 {strides = array<i32>} : memref<16x512xf32, #tpu.memory_space<vmem>>, vector<1x16xf32>,
    %get3A_643 = arith.constant 10 : i32
    %get3A_644 = arith.index_cast %get3A_643 : i32 to index
    %get3A_645 = arith.constant 0 : index
    %get3A_646 = tpu.vector_load %arg10[%get3A_644, %get3A_645] {strides = array<i32>} : memref<16x512xf32, #tpu.memory_space<vmem>>, vector<1x16xf32>,
    %get3A_647 = vector.shape_cast %get3A_646 : vector<1x16xf32> to vector<16xf32>
    %eq3A_648 = arith.constant 0 : i32
    %eq3A_649 = vector.broadcast %eq3A_648 : i32 to vector<16xi32>
    %eq3A_650 = arith.cmpi eq, %iota3A, %eq3A_649 : vector<16xi32>
    %slice3A_651 = vector.extract_strided_slice %get3A_462 {offsets = [10], sizes = [1], strides = [1]} : vector<16xf32> to vector<1xf32>
    %squeeze3A_652 = vector.extract %slice3A_651[0] : f32 from vector<1xf32>
    %broadcast_in_dim3A_653 = vector.broadcast %squeeze3A_652 : f32 to vector<16xf32>
    %select_n3A_654 = arith.select %eq3A_650, %broadcast_in_dim3A_653, %get3A_647 : vector<16xi1>, vector<16xf32>
    %swap3A_655 = arith.constant 10 : i32
    %swap3A_656 = arith.index_cast %swap3A_655 : i32 to index
    %swap3A_657 = arith.constant 0 : index
    %swap3A_658 = tpu.vector_load %arg10[%swap3A_656, %swap3A_657] {strides = array<i32>} : memref<16x512xf32, #tpu.memory_space<vmem>>, vector<1x16xf32>,
    %swap3A_659 = vector.shape_cast %swap3A_658 : vector<1x16xf32> to vector<16xf32>
    %swap3A_660 = vector.shape_cast %select_n3A_654 : vector<16xf32> to vector<1x16xf32>
    tpu.vector_store %arg10[%swap3A_656, %swap3A_657], %swap3A_660 {strides = array<i32>} : memref<16x512xf32, #tpu.memory_space<vmem>>, vector<1x16xf32>,
    %get3A_661 = arith.constant 11 : i32
    %get3A_662 = arith.index_cast %get3A_661 : i32 to index
    %get3A_663 = arith.constant 0 : index
    %get3A_664 = tpu.vector_load %arg10[%get3A_662, %get3A_663] {strides = array<i32>} : memref<16x512xf32, #tpu.memory_space<vmem>>, vector<1x16xf32>,
    %get3A_665 = vector.shape_cast %get3A_664 : vector<1x16xf32> to vector<16xf32>
    %eq3A_666 = arith.constant 0 : i32
    %eq3A_667 = vector.broadcast %eq3A_666 : i32 to vector<16xi32>
    %eq3A_668 = arith.cmpi eq, %iota3A, %eq3A_667 : vector<16xi32>
    %slice3A_669 = vector.extract_strided_slice %get3A_462 {offsets = [11], sizes = [1], strides = [1]} : vector<16xf32> to vector<1xf32>
    %squeeze3A_670 = vector.extract %slice3A_669[0] : f32 from vector<1xf32>
    %broadcast_in_dim3A_671 = vector.broadcast %squeeze3A_670 : f32 to vector<16xf32>
    %select_n3A_672 = arith.select %eq3A_668, %broadcast_in_dim3A_671, %get3A_665 : vector<16xi1>, vector<16xf32>
    %swap3A_673 = arith.constant 11 : i32
    %swap3A_674 = arith.index_cast %swap3A_673 : i32 to index
    %swap3A_675 = arith.constant 0 : index
    %swap3A_676 = tpu.vector_load %arg10[%swap3A_674, %swap3A_675] {strides = array<i32>} : memref<16x512xf32, #tpu.memory_space<vmem>>, vector<1x16xf32>,
    %swap3A_677 = vector.shape_cast %swap3A_676 : vector<1x16xf32> to vector<16xf32>
    %swap3A_678 = vector.shape_cast %select_n3A_672 : vector<16xf32> to vector<1x16xf32>
    tpu.vector_store %arg10[%swap3A_674, %swap3A_675], %swap3A_678 {strides = array<i32>} : memref<16x512xf32, #tpu.memory_space<vmem>>, vector<1x16xf32>,
    %get3A_679 = arith.constant 12 : i32
    %get3A_680 = arith.index_cast %get3A_679 : i32 to index
    %get3A_681 = arith.constant 0 : index
    %get3A_682 = tpu.vector_load %arg10[%get3A_680, %get3A_681] {strides = array<i32>} : memref<16x512xf32, #tpu.memory_space<vmem>>, vector<1x16xf32>,
    %get3A_683 = vector.shape_cast %get3A_682 : vector<1x16xf32> to vector<16xf32>
    %eq3A_684 = arith.constant 0 : i32
    %eq3A_685 = vector.broadcast %eq3A_684 : i32 to vector<16xi32>
    %eq3A_686 = arith.cmpi eq, %iota3A, %eq3A_685 : vector<16xi32>
    %slice3A_687 = vector.extract_strided_slice %get3A_462 {offsets = [12], sizes = [1], strides = [1]} : vector<16xf32> to vector<1xf32>
    %squeeze3A_688 = vector.extract %slice3A_687[0] : f32 from vector<1xf32>
    %broadcast_in_dim3A_689 = vector.broadcast %squeeze3A_688 : f32 to vector<16xf32>
    %select_n3A_690 = arith.select %eq3A_686, %broadcast_in_dim3A_689, %get3A_683 : vector<16xi1>, vector<16xf32>
    %swap3A_691 = arith.constant 12 : i32
    %swap3A_692 = arith.index_cast %swap3A_691 : i32 to index
    %swap3A_693 = arith.constant 0 : index
    %swap3A_694 = tpu.vector_load %arg10[%swap3A_692, %swap3A_693] {strides = array<i32>} : memref<16x512xf32, #tpu.memory_space<vmem>>, vector<1x16xf32>,
    %swap3A_695 = vector.shape_cast %swap3A_694 : vector<1x16xf32> to vector<16xf32>
    %swap3A_696 = vector.shape_cast %select_n3A_690 : vector<16xf32> to vector<1x16xf32>
    tpu.vector_store %arg10[%swap3A_692, %swap3A_693], %swap3A_696 {strides = array<i32>} : memref<16x512xf32, #tpu.memory_space<vmem>>, vector<1x16xf32>,
    %get3A_697 = arith.constant 13 : i32
    %get3A_698 = arith.index_cast %get3A_697 : i32 to index
    %get3A_699 = arith.constant 0 : index
    %get3A_700 = tpu.vector_load %arg10[%get3A_698, %get3A_699] {strides = array<i32>} : memref<16x512xf32, #tpu.memory_space<vmem>>, vector<1x16xf32>,
    %get3A_701 = vector.shape_cast %get3A_700 : vector<1x16xf32> to vector<16xf32>
    %eq3A_702 = arith.constant 0 : i32
    %eq3A_703 = vector.broadcast %eq3A_702 : i32 to vector<16xi32>
    %eq3A_704 = arith.cmpi eq, %iota3A, %eq3A_703 : vector<16xi32>
    %slice3A_705 = vector.extract_strided_slice %get3A_462 {offsets = [13], sizes = [1], strides = [1]} : vector<16xf32> to vector<1xf32>
    %squeeze3A_706 = vector.extract %slice3A_705[0] : f32 from vector<1xf32>
    %broadcast_in_dim3A_707 = vector.broadcast %squeeze3A_706 : f32 to vector<16xf32>
    %select_n3A_708 = arith.select %eq3A_704, %broadcast_in_dim3A_707, %get3A_701 : vector<16xi1>, vector<16xf32>
    %swap3A_709 = arith.constant 13 : i32
    %swap3A_710 = arith.index_cast %swap3A_709 : i32 to index
    %swap3A_711 = arith.constant 0 : index
    %swap3A_712 = tpu.vector_load %arg10[%swap3A_710, %swap3A_711] {strides = array<i32>} : memref<16x512xf32, #tpu.memory_space<vmem>>, vector<1x16xf32>,
    %swap3A_713 = vector.shape_cast %swap3A_712 : vector<1x16xf32> to vector<16xf32>
    %swap3A_714 = vector.shape_cast %select_n3A_708 : vector<16xf32> to vector<1x16xf32>
    tpu.vector_store %arg10[%swap3A_710, %swap3A_711], %swap3A_714 {strides = array<i32>} : memref<16x512xf32, #tpu.memory_space<vmem>>, vector<1x16xf32>,
    %get3A_715 = arith.constant 14 : i32
    %get3A_716 = arith.index_cast %get3A_715 : i32 to index
    %get3A_717 = arith.constant 0 : index
    %get3A_718 = tpu.vector_load %arg10[%get3A_716, %get3A_717] {strides = array<i32>} : memref<16x512xf32, #tpu.memory_space<vmem>>, vector<1x16xf32>,
    %get3A_719 = vector.shape_cast %get3A_718 : vector<1x16xf32> to vector<16xf32>
    %eq3A_720 = arith.constant 0 : i32
    %eq3A_721 = vector.broadcast %eq3A_720 : i32 to vector<16xi32>
    %eq3A_722 = arith.cmpi eq, %iota3A, %eq3A_721 : vector<16xi32>
    %slice3A_723 = vector.extract_strided_slice %get3A_462 {offsets = [14], sizes = [1], strides = [1]} : vector<16xf32> to vector<1xf32>
    %squeeze3A_724 = vector.extract %slice3A_723[0] : f32 from vector<1xf32>
    %broadcast_in_dim3A_725 = vector.broadcast %squeeze3A_724 : f32 to vector<16xf32>
    %select_n3A_726 = arith.select %eq3A_722, %broadcast_in_dim3A_725, %get3A_719 : vector<16xi1>, vector<16xf32>
    %swap3A_727 = arith.constant 14 : i32
    %swap3A_728 = arith.index_cast %swap3A_727 : i32 to index
    %swap3A_729 = arith.constant 0 : index
    %swap3A_730 = tpu.vector_load %arg10[%swap3A_728, %swap3A_729] {strides = array<i32>} : memref<16x512xf32, #tpu.memory_space<vmem>>, vector<1x16xf32>,
    %swap3A_731 = vector.shape_cast %swap3A_730 : vector<1x16xf32> to vector<16xf32>
    %swap3A_732 = vector.shape_cast %select_n3A_726 : vector<16xf32> to vector<1x16xf32>
    tpu.vector_store %arg10[%swap3A_728, %swap3A_729], %swap3A_732 {strides = array<i32>} : memref<16x512xf32, #tpu.memory_space<vmem>>, vector<1x16xf32>,
    %get3A_733 = arith.constant 15 : i32
    %get3A_734 = arith.index_cast %get3A_733 : i32 to index
    %get3A_735 = arith.constant 0 : index
    %get3A_736 = tpu.vector_load %arg10[%get3A_734, %get3A_735] {strides = array<i32>} : memref<16x512xf32, #tpu.memory_space<vmem>>, vector<1x16xf32>,
    %get3A_737 = vector.shape_cast %get3A_736 : vector<1x16xf32> to vector<16xf32>
    %eq3A_738 = arith.constant 0 : i32
    %eq3A_739 = vector.broadcast %eq3A_738 : i32 to vector<16xi32>
    %eq3A_740 = arith.cmpi eq, %iota3A, %eq3A_739 : vector<16xi32>
    %slice3A_741 = vector.extract_strided_slice %get3A_462 {offsets = [15], sizes = [1], strides = [1]} : vector<16xf32> to vector<1xf32>
    %squeeze3A_742 = vector.extract %slice3A_741[0] : f32 from vector<1xf32>
    %broadcast_in_dim3A_743 = vector.broadcast %squeeze3A_742 : f32 to vector<16xf32>
    %select_n3A_744 = arith.select %eq3A_740, %broadcast_in_dim3A_743, %get3A_737 : vector<16xi1>, vector<16xf32>
    %swap3A_745 = arith.constant 15 : i32
    %swap3A_746 = arith.index_cast %swap3A_745 : i32 to index
    %swap3A_747 = arith.constant 0 : index
    %swap3A_748 = tpu.vector_load %arg10[%swap3A_746, %swap3A_747] {strides = array<i32>} : memref<16x512xf32, #tpu.memory_space<vmem>>, vector<1x16xf32>,
    %swap3A_749 = vector.shape_cast %swap3A_748 : vector<1x16xf32> to vector<16xf32>
    %swap3A_750 = vector.shape_cast %select_n3A_744 : vector<16xf32> to vector<1x16xf32>
    tpu.vector_store %arg10[%swap3A_746, %swap3A_747], %swap3A_750 {strides = array<i32>} : memref<16x512xf32, #tpu.memory_space<vmem>>, vector<1x16xf32>,
    %dma_start3A_751 = arith.constant 1 : i32
    %dma_start3A_752 = arith.constant 0 : i32
    %dma_start3A_753 = tpu.memref_slice %arg5[%dma_start3A_751, %mul3A_2, %dma_start3A_752] : memref<4x512x512xf32, #tpu.memory_space<hbm>> -> memref<1x16x512xf32, #tpu.memory_space<hbm>>
    %dma_start3A_754 = tpu.memref_squeeze %dma_start3A_753 : memref<1x16x512xf32, #tpu.memory_space<hbm>> -> memref<16x512xf32, #tpu.memory_space<hbm>>
    %dma_start3A_755 = arith.constant 0 : i32
    %dma_start3A_756 = tpu.memref_slice %arg5[%dma_start3A_751, %mul3A_2, %dma_start3A_755] : memref<4x512x512xf32, #tpu.memory_space<hbm>> -> memref<1x16x512xf32, #tpu.memory_space<hbm>>
    %dma_start3A_757 = tpu.memref_squeeze %dma_start3A_756 : memref<1x16x512xf32, #tpu.memory_space<hbm>> -> memref<16x512xf32, #tpu.memory_space<hbm>>
    tpu.enqueue_dma source(%arg10 : memref<16x512xf32, #tpu.memory_space<vmem>>) target(%dma_start3A_757 : memref<16x512xf32, #tpu.memory_space<hbm>>) target_semaphore(%arg14 : memref<!tpu.dma_semaphore, #tpu.memory_space<semaphore_mem>>)
    %dma_wait3A_758 = arith.constant 1 : i32
    %dma_wait3A_759 = arith.constant 0 : i32
    %dma_wait3A_760 = tpu.memref_slice %arg5[%dma_wait3A_758, %mul3A_2, %dma_wait3A_759] : memref<4x512x512xf32, #tpu.memory_space<hbm>> -> memref<1x16x512xf32, #tpu.memory_space<hbm>>
    %dma_wait3A_761 = tpu.memref_squeeze %dma_wait3A_760 : memref<1x16x512xf32, #tpu.memory_space<hbm>> -> memref<16x512xf32, #tpu.memory_space<hbm>>
    %dma_wait3A_762 = arith.constant 0 : i32
    %dma_wait3A_763 = tpu.memref_slice %arg5[%dma_wait3A_758, %mul3A_2, %dma_wait3A_762] : memref<4x512x512xf32, #tpu.memory_space<hbm>> -> memref<1x16x512xf32, #tpu.memory_space<hbm>>
    %dma_wait3A_764 = tpu.memref_squeeze %dma_wait3A_763 : memref<1x16x512xf32, #tpu.memory_space<hbm>> -> memref<16x512xf32, #tpu.memory_space<hbm>>
    tpu.wait_dma2 semaphore(%arg14 : memref<!tpu.dma_semaphore, #tpu.memory_space<semaphore_mem>>) src(%arg10 : memref<16x512xf32, #tpu.memory_space<vmem>>) dst(%dma_wait3A_764 : memref<16x512xf32, #tpu.memory_space<hbm>>)
    %dma_start3A_765 = arith.constant 3 : i32
    %dma_start3A_766 = arith.constant 0 : i32
    %dma_start3A_767 = arith.constant 0 : i32
    %dma_start3A_768 = tpu.memref_slice %arg4[%dma_start3A_765, %dma_start3A_766, %mul3A_2, %dma_start3A_767] : memref<4x8x512x512xf32, #tpu.memory_space<hbm>> -> memref<1x1x16x512xf32, #tpu.memory_space<hbm>>
    %dma_start3A_769 = tpu.memref_squeeze %dma_start3A_768 : memref<1x1x16x512xf32, #tpu.memory_space<hbm>> -> memref<16x512xf32, #tpu.memory_space<hbm>>
    %dma_start3A_770 = arith.constant 0 : i32
    %dma_start3A_771 = tpu.memref_slice %arg4[%dma_start3A_765, %dma_start3A_766, %mul3A_2, %dma_start3A_770] : memref<4x8x512x512xf32, #tpu.memory_space<hbm>> -> memref<1x1x16x512xf32, #tpu.memory_space<hbm>>
    %dma_start3A_772 = tpu.memref_squeeze %dma_start3A_771 : memref<1x1x16x512xf32, #tpu.memory_space<hbm>> -> memref<16x512xf32, #tpu.memory_space<hbm>>
    tpu.enqueue_dma source(%dma_start3A_772 : memref<16x512xf32, #tpu.memory_space<hbm>>) target(%arg10 : memref<16x512xf32, #tpu.memory_space<vmem>>) target_semaphore(%arg12 : memref<!tpu.dma_semaphore, #tpu.memory_space<semaphore_mem>>)
    %dma_wait3A_773 = arith.constant 2 : i32
    %dma_wait3A_774 = arith.constant 0 : i32
    %dma_wait3A_775 = arith.constant 0 : i32
    %dma_wait3A_776 = tpu.memref_slice %arg4[%dma_wait3A_773, %dma_wait3A_774, %mul3A_2, %dma_wait3A_775] : memref<4x8x512x512xf32, #tpu.memory_space<hbm>> -> memref<1x1x16x512xf32, #tpu.memory_space<hbm>>
    %dma_wait3A_777 = tpu.memref_squeeze %dma_wait3A_776 : memref<1x1x16x512xf32, #tpu.memory_space<hbm>> -> memref<16x512xf32, #tpu.memory_space<hbm>>
    %dma_wait3A_778 = arith.constant 0 : i32
    %dma_wait3A_779 = tpu.memref_slice %arg4[%dma_wait3A_773, %dma_wait3A_774, %mul3A_2, %dma_wait3A_778] : memref<4x8x512x512xf32, #tpu.memory_space<hbm>> -> memref<1x1x16x512xf32, #tpu.memory_space<hbm>>
    %dma_wait3A_780 = tpu.memref_squeeze %dma_wait3A_779 : memref<1x1x16x512xf32, #tpu.memory_space<hbm>> -> memref<16x512xf32, #tpu.memory_space<hbm>>
    tpu.wait_dma2 semaphore(%arg11 : memref<!tpu.dma_semaphore, #tpu.memory_space<semaphore_mem>>) src(%dma_wait3A_780 : memref<16x512xf32, #tpu.memory_space<hbm>>) dst(%arg9 : memref<16x512xf32, #tpu.memory_space<vmem>>)
    %scan3A_781 = arith.constant 0 : i32
    %scan3A_782 = arith.constant 0 : i32
    %scan3A_783 = arith.constant 32 : i32
    %scan3A_784 = arith.addi %scan3A_782, %scan3A_783 : i32
    %scan3A_785 = arith.constant 1 : i32
    %scan3A_786 = scf.for %scan3A_1417 = %scan3A_782 to %scan3A_784 step %scan3A_785 iter_args(%scan3A_1418 = %scan3A_781) -> (i32)  : i32 {
      %shift_right_arithmetic3A = arith.constant 1 : i32
      %shift_right_arithmetic3A_1419 = arith.shrsi %scan3A_1417, %shift_right_arithmetic3A : i32
      %and3A = arith.constant 1 : i32
      %and3A_1420 = arith.andi %scan3A_1417, %and3A : i32
      %mul3A_1421 = arith.constant 256 : i32
      %mul3A_1422 = arith.muli %and3A_1420, %mul3A_1421 : i32
      %add3A_1423 = arith.constant 0 : i32
      %add3A_1424 = arith.addi %mul3A_1422, %add3A_1423 : i32
      %get3A_1425 = arith.index_cast %shift_right_arithmetic3A_1419 : i32 to index
      %get3A_1426 = arith.index_cast %add3A_1424 : i32 to index
      %get3A_1427 = tpu.vector_load %arg9[%get3A_1425, %get3A_1426] {strides = array<i32>} : memref<16x512xf32, #tpu.memory_space<vmem>>, vector<1x16xf32>,
      %get3A_1428 = vector.shape_cast %get3A_1427 : vector<1x16xf32> to vector<16xf32>
      %neg3A_1429 = arith.constant 0.000000e+00 : f32
      %neg3A_1430 = vector.broadcast %neg3A_1429 : f32 to vector<16xf32>
      %neg3A_1431 = arith.subf %neg3A_1430, %get3A_1428 : vector<16xf32>
      %exp3A_1432 = math.exp %neg3A_1431 : vector<16xf32>
      %add3A_1433 = arith.constant 1.000000e+00 : f32
      %add3A_1434 = vector.broadcast %add3A_1433 : f32 to vector<16xf32>
      %add3A_1435 = arith.addf %add3A_1434, %exp3A_1432 : vector<16xf32>
      %div3A_1436 = arith.constant 1.000000e+00 : f32
      %div3A_1437 = vector.broadcast %div3A_1436 : f32 to vector<16xf32>
      %div3A_1438 = arith.divf %div3A_1437, %add3A_1435 : vector<16xf32>
      %add3A_1439 = arith.constant 0 : i32
      %add3A_1440 = arith.addi %mul3A_1422, %add3A_1439 : i32
      %swap3A_1441 = arith.index_cast %shift_right_arithmetic3A_1419 : i32 to index
      %swap3A_1442 = arith.index_cast %add3A_1440 : i32 to index
      %swap3A_1443 = tpu.vector_load %arg9[%swap3A_1441, %swap3A_1442] {strides = array<i32>} : memref<16x512xf32, #tpu.memory_space<vmem>>, vector<1x16xf32>,
      %swap3A_1444 = vector.shape_cast %swap3A_1443 : vector<1x16xf32> to vector<16xf32>
      %swap3A_1445 = vector.shape_cast %div3A_1438 : vector<16xf32> to vector<1x16xf32>
      tpu.vector_store %arg9[%swap3A_1441, %swap3A_1442], %swap3A_1445 {strides = array<i32>} : memref<16x512xf32, #tpu.memory_space<vmem>>, vector<1x16xf32>,
      %add3A_1446 = arith.constant 16 : i32
      %add3A_1447 = arith.addi %mul3A_1422, %add3A_1446 : i32
      %get3A_1448 = arith.index_cast %shift_right_arithmetic3A_1419 : i32 to index
      %get3A_1449 = arith.index_cast %add3A_1447 : i32 to index
      %get3A_1450 = tpu.vector_load %arg9[%get3A_1448, %get3A_1449] {strides = array<i32>} : memref<16x512xf32, #tpu.memory_space<vmem>>, vector<1x16xf32>,
      %get3A_1451 = vector.shape_cast %get3A_1450 : vector<1x16xf32> to vector<16xf32>
      %neg3A_1452 = arith.constant 0.000000e+00 : f32
      %neg3A_1453 = vector.broadcast %neg3A_1452 : f32 to vector<16xf32>
      %neg3A_1454 = arith.subf %neg3A_1453, %get3A_1451 : vector<16xf32>
      %exp3A_1455 = math.exp %neg3A_1454 : vector<16xf32>
      %add3A_1456 = arith.constant 1.000000e+00 : f32
      %add3A_1457 = vector.broadcast %add3A_1456 : f32 to vector<16xf32>
      %add3A_1458 = arith.addf %add3A_1457, %exp3A_1455 : vector<16xf32>
      %div3A_1459 = arith.constant 1.000000e+00 : f32
      %div3A_1460 = vector.broadcast %div3A_1459 : f32 to vector<16xf32>
      %div3A_1461 = arith.divf %div3A_1460, %add3A_1458 : vector<16xf32>
      %add3A_1462 = arith.constant 16 : i32
      %add3A_1463 = arith.addi %mul3A_1422, %add3A_1462 : i32
      %swap3A_1464 = arith.index_cast %shift_right_arithmetic3A_1419 : i32 to index
      %swap3A_1465 = arith.index_cast %add3A_1463 : i32 to index
      %swap3A_1466 = tpu.vector_load %arg9[%swap3A_1464, %swap3A_1465] {strides = array<i32>} : memref<16x512xf32, #tpu.memory_space<vmem>>, vector<1x16xf32>,
      %swap3A_1467 = vector.shape_cast %swap3A_1466 : vector<1x16xf32> to vector<16xf32>
      %swap3A_1468 = vector.shape_cast %div3A_1461 : vector<16xf32> to vector<1x16xf32>
      tpu.vector_store %arg9[%swap3A_1464, %swap3A_1465], %swap3A_1468 {strides = array<i32>} : memref<16x512xf32, #tpu.memory_space<vmem>>, vector<1x16xf32>,
      %add3A_1469 = arith.constant 32 : i32
      %add3A_1470 = arith.addi %mul3A_1422, %add3A_1469 : i32
      %get3A_1471 = arith.index_cast %shift_right_arithmetic3A_1419 : i32 to index
      %get3A_1472 = arith.index_cast %add3A_1470 : i32 to index
      %get3A_1473 = tpu.vector_load %arg9[%get3A_1471, %get3A_1472] {strides = array<i32>} : memref<16x512xf32, #tpu.memory_space<vmem>>, vector<1x16xf32>,
      %get3A_1474 = vector.shape_cast %get3A_1473 : vector<1x16xf32> to vector<16xf32>
      %neg3A_1475 = arith.constant 0.000000e+00 : f32
      %neg3A_1476 = vector.broadcast %neg3A_1475 : f32 to vector<16xf32>
      %neg3A_1477 = arith.subf %neg3A_1476, %get3A_1474 : vector<16xf32>
      %exp3A_1478 = math.exp %neg3A_1477 : vector<16xf32>
      %add3A_1479 = arith.constant 1.000000e+00 : f32
      %add3A_1480 = vector.broadcast %add3A_1479 : f32 to vector<16xf32>
      %add3A_1481 = arith.addf %add3A_1480, %exp3A_1478 : vector<16xf32>
      %div3A_1482 = arith.constant 1.000000e+00 : f32
      %div3A_1483 = vector.broadcast %div3A_1482 : f32 to vector<16xf32>
      %div3A_1484 = arith.divf %div3A_1483, %add3A_1481 : vector<16xf32>
      %add3A_1485 = arith.constant 32 : i32
      %add3A_1486 = arith.addi %mul3A_1422, %add3A_1485 : i32
      %swap3A_1487 = arith.index_cast %shift_right_arithmetic3A_1419 : i32 to index
      %swap3A_1488 = arith.index_cast %add3A_1486 : i32 to index
      %swap3A_1489 = tpu.vector_load %arg9[%swap3A_1487, %swap3A_1488] {strides = array<i32>} : memref<16x512xf32, #tpu.memory_space<vmem>>, vector<1x16xf32>,
      %swap3A_1490 = vector.shape_cast %swap3A_1489 : vector<1x16xf32> to vector<16xf32>
      %swap3A_1491 = vector.shape_cast %div3A_1484 : vector<16xf32> to vector<1x16xf32>
      tpu.vector_store %arg9[%swap3A_1487, %swap3A_1488], %swap3A_1491 {strides = array<i32>} : memref<16x512xf32, #tpu.memory_space<vmem>>, vector<1x16xf32>,
      %add3A_1492 = arith.constant 48 : i32
      %add3A_1493 = arith.addi %mul3A_1422, %add3A_1492 : i32
      %get3A_1494 = arith.index_cast %shift_right_arithmetic3A_1419 : i32 to index
      %get3A_1495 = arith.index_cast %add3A_1493 : i32 to index
      %get3A_1496 = tpu.vector_load %arg9[%get3A_1494, %get3A_1495] {strides = array<i32>} : memref<16x512xf32, #tpu.memory_space<vmem>>, vector<1x16xf32>,
      %get3A_1497 = vector.shape_cast %get3A_1496 : vector<1x16xf32> to vector<16xf32>
      %neg3A_1498 = arith.constant 0.000000e+00 : f32
      %neg3A_1499 = vector.broadcast %neg3A_1498 : f32 to vector<16xf32>
      %neg3A_1500 = arith.subf %neg3A_1499, %get3A_1497 : vector<16xf32>
      %exp3A_1501 = math.exp %neg3A_1500 : vector<16xf32>
      %add3A_1502 = arith.constant 1.000000e+00 : f32
      %add3A_1503 = vector.broadcast %add3A_1502 : f32 to vector<16xf32>
      %add3A_1504 = arith.addf %add3A_1503, %exp3A_1501 : vector<16xf32>
      %div3A_1505 = arith.constant 1.000000e+00 : f32
      %div3A_1506 = vector.broadcast %div3A_1505 : f32 to vector<16xf32>
      %div3A_1507 = arith.divf %div3A_1506, %add3A_1504 : vector<16xf32>
      %add3A_1508 = arith.constant 48 : i32
      %add3A_1509 = arith.addi %mul3A_1422, %add3A_1508 : i32
      %swap3A_1510 = arith.index_cast %shift_right_arithmetic3A_1419 : i32 to index
      %swap3A_1511 = arith.index_cast %add3A_1509 : i32 to index
      %swap3A_1512 = tpu.vector_load %arg9[%swap3A_1510, %swap3A_1511] {strides = array<i32>} : memref<16x512xf32, #tpu.memory_space<vmem>>, vector<1x16xf32>,
      %swap3A_1513 = vector.shape_cast %swap3A_1512 : vector<1x16xf32> to vector<16xf32>
      %swap3A_1514 = vector.shape_cast %div3A_1507 : vector<16xf32> to vector<1x16xf32>
      tpu.vector_store %arg9[%swap3A_1510, %swap3A_1511], %swap3A_1514 {strides = array<i32>} : memref<16x512xf32, #tpu.memory_space<vmem>>, vector<1x16xf32>,
      %add3A_1515 = arith.constant 64 : i32
      %add3A_1516 = arith.addi %mul3A_1422, %add3A_1515 : i32
      %get3A_1517 = arith.index_cast %shift_right_arithmetic3A_1419 : i32 to index
      %get3A_1518 = arith.index_cast %add3A_1516 : i32 to index
      %get3A_1519 = tpu.vector_load %arg9[%get3A_1517, %get3A_1518] {strides = array<i32>} : memref<16x512xf32, #tpu.memory_space<vmem>>, vector<1x16xf32>,
      %get3A_1520 = vector.shape_cast %get3A_1519 : vector<1x16xf32> to vector<16xf32>
      %neg3A_1521 = arith.constant 0.000000e+00 : f32
      %neg3A_1522 = vector.broadcast %neg3A_1521 : f32 to vector<16xf32>
      %neg3A_1523 = arith.subf %neg3A_1522, %get3A_1520 : vector<16xf32>
      %exp3A_1524 = math.exp %neg3A_1523 : vector<16xf32>
      %add3A_1525 = arith.constant 1.000000e+00 : f32
      %add3A_1526 = vector.broadcast %add3A_1525 : f32 to vector<16xf32>
      %add3A_1527 = arith.addf %add3A_1526, %exp3A_1524 : vector<16xf32>
      %div3A_1528 = arith.constant 1.000000e+00 : f32
      %div3A_1529 = vector.broadcast %div3A_1528 : f32 to vector<16xf32>
      %div3A_1530 = arith.divf %div3A_1529, %add3A_1527 : vector<16xf32>
      %add3A_1531 = arith.constant 64 : i32
      %add3A_1532 = arith.addi %mul3A_1422, %add3A_1531 : i32
      %swap3A_1533 = arith.index_cast %shift_right_arithmetic3A_1419 : i32 to index
      %swap3A_1534 = arith.index_cast %add3A_1532 : i32 to index
      %swap3A_1535 = tpu.vector_load %arg9[%swap3A_1533, %swap3A_1534] {strides = array<i32>} : memref<16x512xf32, #tpu.memory_space<vmem>>, vector<1x16xf32>,
      %swap3A_1536 = vector.shape_cast %swap3A_1535 : vector<1x16xf32> to vector<16xf32>
      %swap3A_1537 = vector.shape_cast %div3A_1530 : vector<16xf32> to vector<1x16xf32>
      tpu.vector_store %arg9[%swap3A_1533, %swap3A_1534], %swap3A_1537 {strides = array<i32>} : memref<16x512xf32, #tpu.memory_space<vmem>>, vector<1x16xf32>,
      %add3A_1538 = arith.constant 80 : i32
      %add3A_1539 = arith.addi %mul3A_1422, %add3A_1538 : i32
      %get3A_1540 = arith.index_cast %shift_right_arithmetic3A_1419 : i32 to index
      %get3A_1541 = arith.index_cast %add3A_1539 : i32 to index
      %get3A_1542 = tpu.vector_load %arg9[%get3A_1540, %get3A_1541] {strides = array<i32>} : memref<16x512xf32, #tpu.memory_space<vmem>>, vector<1x16xf32>,
      %get3A_1543 = vector.shape_cast %get3A_1542 : vector<1x16xf32> to vector<16xf32>
      %neg3A_1544 = arith.constant 0.000000e+00 : f32
      %neg3A_1545 = vector.broadcast %neg3A_1544 : f32 to vector<16xf32>
      %neg3A_1546 = arith.subf %neg3A_1545, %get3A_1543 : vector<16xf32>
      %exp3A_1547 = math.exp %neg3A_1546 : vector<16xf32>
      %add3A_1548 = arith.constant 1.000000e+00 : f32
      %add3A_1549 = vector.broadcast %add3A_1548 : f32 to vector<16xf32>
      %add3A_1550 = arith.addf %add3A_1549, %exp3A_1547 : vector<16xf32>
      %div3A_1551 = arith.constant 1.000000e+00 : f32
      %div3A_1552 = vector.broadcast %div3A_1551 : f32 to vector<16xf32>
      %div3A_1553 = arith.divf %div3A_1552, %add3A_1550 : vector<16xf32>
      %add3A_1554 = arith.constant 80 : i32
      %add3A_1555 = arith.addi %mul3A_1422, %add3A_1554 : i32
      %swap3A_1556 = arith.index_cast %shift_right_arithmetic3A_1419 : i32 to index
      %swap3A_1557 = arith.index_cast %add3A_1555 : i32 to index
      %swap3A_1558 = tpu.vector_load %arg9[%swap3A_1556, %swap3A_1557] {strides = array<i32>} : memref<16x512xf32, #tpu.memory_space<vmem>>, vector<1x16xf32>,
      %swap3A_1559 = vector.shape_cast %swap3A_1558 : vector<1x16xf32> to vector<16xf32>
      %swap3A_1560 = vector.shape_cast %div3A_1553 : vector<16xf32> to vector<1x16xf32>
      tpu.vector_store %arg9[%swap3A_1556, %swap3A_1557], %swap3A_1560 {strides = array<i32>} : memref<16x512xf32, #tpu.memory_space<vmem>>, vector<1x16xf32>,
      %add3A_1561 = arith.constant 96 : i32
      %add3A_1562 = arith.addi %mul3A_1422, %add3A_1561 : i32
      %get3A_1563 = arith.index_cast %shift_right_arithmetic3A_1419 : i32 to index
      %get3A_1564 = arith.index_cast %add3A_1562 : i32 to index
      %get3A_1565 = tpu.vector_load %arg9[%get3A_1563, %get3A_1564] {strides = array<i32>} : memref<16x512xf32, #tpu.memory_space<vmem>>, vector<1x16xf32>,
      %get3A_1566 = vector.shape_cast %get3A_1565 : vector<1x16xf32> to vector<16xf32>
      %neg3A_1567 = arith.constant 0.000000e+00 : f32
      %neg3A_1568 = vector.broadcast %neg3A_1567 : f32 to vector<16xf32>
      %neg3A_1569 = arith.subf %neg3A_1568, %get3A_1566 : vector<16xf32>
      %exp3A_1570 = math.exp %neg3A_1569 : vector<16xf32>
      %add3A_1571 = arith.constant 1.000000e+00 : f32
      %add3A_1572 = vector.broadcast %add3A_1571 : f32 to vector<16xf32>
      %add3A_1573 = arith.addf %add3A_1572, %exp3A_1570 : vector<16xf32>
      %div3A_1574 = arith.constant 1.000000e+00 : f32
      %div3A_1575 = vector.broadcast %div3A_1574 : f32 to vector<16xf32>
      %div3A_1576 = arith.divf %div3A_1575, %add3A_1573 : vector<16xf32>
      %add3A_1577 = arith.constant 96 : i32
      %add3A_1578 = arith.addi %mul3A_1422, %add3A_1577 : i32
      %swap3A_1579 = arith.index_cast %shift_right_arithmetic3A_1419 : i32 to index
      %swap3A_1580 = arith.index_cast %add3A_1578 : i32 to index
      %swap3A_1581 = tpu.vector_load %arg9[%swap3A_1579, %swap3A_1580] {strides = array<i32>} : memref<16x512xf32, #tpu.memory_space<vmem>>, vector<1x16xf32>,
      %swap3A_1582 = vector.shape_cast %swap3A_1581 : vector<1x16xf32> to vector<16xf32>
      %swap3A_1583 = vector.shape_cast %div3A_1576 : vector<16xf32> to vector<1x16xf32>
      tpu.vector_store %arg9[%swap3A_1579, %swap3A_1580], %swap3A_1583 {strides = array<i32>} : memref<16x512xf32, #tpu.memory_space<vmem>>, vector<1x16xf32>,
      %add3A_1584 = arith.constant 112 : i32
      %add3A_1585 = arith.addi %mul3A_1422, %add3A_1584 : i32
      %get3A_1586 = arith.index_cast %shift_right_arithmetic3A_1419 : i32 to index
      %get3A_1587 = arith.index_cast %add3A_1585 : i32 to index
      %get3A_1588 = tpu.vector_load %arg9[%get3A_1586, %get3A_1587] {strides = array<i32>} : memref<16x512xf32, #tpu.memory_space<vmem>>, vector<1x16xf32>,
      %get3A_1589 = vector.shape_cast %get3A_1588 : vector<1x16xf32> to vector<16xf32>
      %neg3A_1590 = arith.constant 0.000000e+00 : f32
      %neg3A_1591 = vector.broadcast %neg3A_1590 : f32 to vector<16xf32>
      %neg3A_1592 = arith.subf %neg3A_1591, %get3A_1589 : vector<16xf32>
      %exp3A_1593 = math.exp %neg3A_1592 : vector<16xf32>
      %add3A_1594 = arith.constant 1.000000e+00 : f32
      %add3A_1595 = vector.broadcast %add3A_1594 : f32 to vector<16xf32>
      %add3A_1596 = arith.addf %add3A_1595, %exp3A_1593 : vector<16xf32>
      %div3A_1597 = arith.constant 1.000000e+00 : f32
      %div3A_1598 = vector.broadcast %div3A_1597 : f32 to vector<16xf32>
      %div3A_1599 = arith.divf %div3A_1598, %add3A_1596 : vector<16xf32>
      %add3A_1600 = arith.constant 112 : i32
      %add3A_1601 = arith.addi %mul3A_1422, %add3A_1600 : i32
      %swap3A_1602 = arith.index_cast %shift_right_arithmetic3A_1419 : i32 to index
      %swap3A_1603 = arith.index_cast %add3A_1601 : i32 to index
      %swap3A_1604 = tpu.vector_load %arg9[%swap3A_1602, %swap3A_1603] {strides = array<i32>} : memref<16x512xf32, #tpu.memory_space<vmem>>, vector<1x16xf32>,
      %swap3A_1605 = vector.shape_cast %swap3A_1604 : vector<1x16xf32> to vector<16xf32>
      %swap3A_1606 = vector.shape_cast %div3A_1599 : vector<16xf32> to vector<1x16xf32>
      tpu.vector_store %arg9[%swap3A_1602, %swap3A_1603], %swap3A_1606 {strides = array<i32>} : memref<16x512xf32, #tpu.memory_space<vmem>>, vector<1x16xf32>,
      %add3A_1607 = arith.constant 128 : i32
      %add3A_1608 = arith.addi %mul3A_1422, %add3A_1607 : i32
      %get3A_1609 = arith.index_cast %shift_right_arithmetic3A_1419 : i32 to index
      %get3A_1610 = arith.index_cast %add3A_1608 : i32 to index
      %get3A_1611 = tpu.vector_load %arg9[%get3A_1609, %get3A_1610] {strides = array<i32>} : memref<16x512xf32, #tpu.memory_space<vmem>>, vector<1x16xf32>,
      %get3A_1612 = vector.shape_cast %get3A_1611 : vector<1x16xf32> to vector<16xf32>
      %neg3A_1613 = arith.constant 0.000000e+00 : f32
      %neg3A_1614 = vector.broadcast %neg3A_1613 : f32 to vector<16xf32>
      %neg3A_1615 = arith.subf %neg3A_1614, %get3A_1612 : vector<16xf32>
      %exp3A_1616 = math.exp %neg3A_1615 : vector<16xf32>
      %add3A_1617 = arith.constant 1.000000e+00 : f32
      %add3A_1618 = vector.broadcast %add3A_1617 : f32 to vector<16xf32>
      %add3A_1619 = arith.addf %add3A_1618, %exp3A_1616 : vector<16xf32>
      %div3A_1620 = arith.constant 1.000000e+00 : f32
      %div3A_1621 = vector.broadcast %div3A_1620 : f32 to vector<16xf32>
      %div3A_1622 = arith.divf %div3A_1621, %add3A_1619 : vector<16xf32>
      %add3A_1623 = arith.constant 128 : i32
      %add3A_1624 = arith.addi %mul3A_1422, %add3A_1623 : i32
      %swap3A_1625 = arith.index_cast %shift_right_arithmetic3A_1419 : i32 to index
      %swap3A_1626 = arith.index_cast %add3A_1624 : i32 to index
      %swap3A_1627 = tpu.vector_load %arg9[%swap3A_1625, %swap3A_1626] {strides = array<i32>} : memref<16x512xf32, #tpu.memory_space<vmem>>, vector<1x16xf32>,
      %swap3A_1628 = vector.shape_cast %swap3A_1627 : vector<1x16xf32> to vector<16xf32>
      %swap3A_1629 = vector.shape_cast %div3A_1622 : vector<16xf32> to vector<1x16xf32>
      tpu.vector_store %arg9[%swap3A_1625, %swap3A_1626], %swap3A_1629 {strides = array<i32>} : memref<16x512xf32, #tpu.memory_space<vmem>>, vector<1x16xf32>,
      %add3A_1630 = arith.constant 144 : i32
      %add3A_1631 = arith.addi %mul3A_1422, %add3A_1630 : i32
      %get3A_1632 = arith.index_cast %shift_right_arithmetic3A_1419 : i32 to index
      %get3A_1633 = arith.index_cast %add3A_1631 : i32 to index
      %get3A_1634 = tpu.vector_load %arg9[%get3A_1632, %get3A_1633] {strides = array<i32>} : memref<16x512xf32, #tpu.memory_space<vmem>>, vector<1x16xf32>,
      %get3A_1635 = vector.shape_cast %get3A_1634 : vector<1x16xf32> to vector<16xf32>
      %neg3A_1636 = arith.constant 0.000000e+00 : f32
      %neg3A_1637 = vector.broadcast %neg3A_1636 : f32 to vector<16xf32>
      %neg3A_1638 = arith.subf %neg3A_1637, %get3A_1635 : vector<16xf32>
      %exp3A_1639 = math.exp %neg3A_1638 : vector<16xf32>
      %add3A_1640 = arith.constant 1.000000e+00 : f32
      %add3A_1641 = vector.broadcast %add3A_1640 : f32 to vector<16xf32>
      %add3A_1642 = arith.addf %add3A_1641, %exp3A_1639 : vector<16xf32>
      %div3A_1643 = arith.constant 1.000000e+00 : f32
      %div3A_1644 = vector.broadcast %div3A_1643 : f32 to vector<16xf32>
      %div3A_1645 = arith.divf %div3A_1644, %add3A_1642 : vector<16xf32>
      %add3A_1646 = arith.constant 144 : i32
      %add3A_1647 = arith.addi %mul3A_1422, %add3A_1646 : i32
      %swap3A_1648 = arith.index_cast %shift_right_arithmetic3A_1419 : i32 to index
      %swap3A_1649 = arith.index_cast %add3A_1647 : i32 to index
      %swap3A_1650 = tpu.vector_load %arg9[%swap3A_1648, %swap3A_1649] {strides = array<i32>} : memref<16x512xf32, #tpu.memory_space<vmem>>, vector<1x16xf32>,
      %swap3A_1651 = vector.shape_cast %swap3A_1650 : vector<1x16xf32> to vector<16xf32>
      %swap3A_1652 = vector.shape_cast %div3A_1645 : vector<16xf32> to vector<1x16xf32>
      tpu.vector_store %arg9[%swap3A_1648, %swap3A_1649], %swap3A_1652 {strides = array<i32>} : memref<16x512xf32, #tpu.memory_space<vmem>>, vector<1x16xf32>,
      %add3A_1653 = arith.constant 160 : i32
      %add3A_1654 = arith.addi %mul3A_1422, %add3A_1653 : i32
      %get3A_1655 = arith.index_cast %shift_right_arithmetic3A_1419 : i32 to index
      %get3A_1656 = arith.index_cast %add3A_1654 : i32 to index
      %get3A_1657 = tpu.vector_load %arg9[%get3A_1655, %get3A_1656] {strides = array<i32>} : memref<16x512xf32, #tpu.memory_space<vmem>>, vector<1x16xf32>,
      %get3A_1658 = vector.shape_cast %get3A_1657 : vector<1x16xf32> to vector<16xf32>
      %neg3A_1659 = arith.constant 0.000000e+00 : f32
      %neg3A_1660 = vector.broadcast %neg3A_1659 : f32 to vector<16xf32>
      %neg3A_1661 = arith.subf %neg3A_1660, %get3A_1658 : vector<16xf32>
      %exp3A_1662 = math.exp %neg3A_1661 : vector<16xf32>
      %add3A_1663 = arith.constant 1.000000e+00 : f32
      %add3A_1664 = vector.broadcast %add3A_1663 : f32 to vector<16xf32>
      %add3A_1665 = arith.addf %add3A_1664, %exp3A_1662 : vector<16xf32>
      %div3A_1666 = arith.constant 1.000000e+00 : f32
      %div3A_1667 = vector.broadcast %div3A_1666 : f32 to vector<16xf32>
      %div3A_1668 = arith.divf %div3A_1667, %add3A_1665 : vector<16xf32>
      %add3A_1669 = arith.constant 160 : i32
      %add3A_1670 = arith.addi %mul3A_1422, %add3A_1669 : i32
      %swap3A_1671 = arith.index_cast %shift_right_arithmetic3A_1419 : i32 to index
      %swap3A_1672 = arith.index_cast %add3A_1670 : i32 to index
      %swap3A_1673 = tpu.vector_load %arg9[%swap3A_1671, %swap3A_1672] {strides = array<i32>} : memref<16x512xf32, #tpu.memory_space<vmem>>, vector<1x16xf32>,
      %swap3A_1674 = vector.shape_cast %swap3A_1673 : vector<1x16xf32> to vector<16xf32>
      %swap3A_1675 = vector.shape_cast %div3A_1668 : vector<16xf32> to vector<1x16xf32>
      tpu.vector_store %arg9[%swap3A_1671, %swap3A_1672], %swap3A_1675 {strides = array<i32>} : memref<16x512xf32, #tpu.memory_space<vmem>>, vector<1x16xf32>,
      %add3A_1676 = arith.constant 176 : i32
      %add3A_1677 = arith.addi %mul3A_1422, %add3A_1676 : i32
      %get3A_1678 = arith.index_cast %shift_right_arithmetic3A_1419 : i32 to index
      %get3A_1679 = arith.index_cast %add3A_1677 : i32 to index
      %get3A_1680 = tpu.vector_load %arg9[%get3A_1678, %get3A_1679] {strides = array<i32>} : memref<16x512xf32, #tpu.memory_space<vmem>>, vector<1x16xf32>,
      %get3A_1681 = vector.shape_cast %get3A_1680 : vector<1x16xf32> to vector<16xf32>
      %neg3A_1682 = arith.constant 0.000000e+00 : f32
      %neg3A_1683 = vector.broadcast %neg3A_1682 : f32 to vector<16xf32>
      %neg3A_1684 = arith.subf %neg3A_1683, %get3A_1681 : vector<16xf32>
      %exp3A_1685 = math.exp %neg3A_1684 : vector<16xf32>
      %add3A_1686 = arith.constant 1.000000e+00 : f32
      %add3A_1687 = vector.broadcast %add3A_1686 : f32 to vector<16xf32>
      %add3A_1688 = arith.addf %add3A_1687, %exp3A_1685 : vector<16xf32>
      %div3A_1689 = arith.constant 1.000000e+00 : f32
      %div3A_1690 = vector.broadcast %div3A_1689 : f32 to vector<16xf32>
      %div3A_1691 = arith.divf %div3A_1690, %add3A_1688 : vector<16xf32>
      %add3A_1692 = arith.constant 176 : i32
      %add3A_1693 = arith.addi %mul3A_1422, %add3A_1692 : i32
      %swap3A_1694 = arith.index_cast %shift_right_arithmetic3A_1419 : i32 to index
      %swap3A_1695 = arith.index_cast %add3A_1693 : i32 to index
      %swap3A_1696 = tpu.vector_load %arg9[%swap3A_1694, %swap3A_1695] {strides = array<i32>} : memref<16x512xf32, #tpu.memory_space<vmem>>, vector<1x16xf32>,
      %swap3A_1697 = vector.shape_cast %swap3A_1696 : vector<1x16xf32> to vector<16xf32>
      %swap3A_1698 = vector.shape_cast %div3A_1691 : vector<16xf32> to vector<1x16xf32>
      tpu.vector_store %arg9[%swap3A_1694, %swap3A_1695], %swap3A_1698 {strides = array<i32>} : memref<16x512xf32, #tpu.memory_space<vmem>>, vector<1x16xf32>,
      %add3A_1699 = arith.constant 192 : i32
      %add3A_1700 = arith.addi %mul3A_1422, %add3A_1699 : i32
      %get3A_1701 = arith.index_cast %shift_right_arithmetic3A_1419 : i32 to index
      %get3A_1702 = arith.index_cast %add3A_1700 : i32 to index
      %get3A_1703 = tpu.vector_load %arg9[%get3A_1701, %get3A_1702] {strides = array<i32>} : memref<16x512xf32, #tpu.memory_space<vmem>>, vector<1x16xf32>,
      %get3A_1704 = vector.shape_cast %get3A_1703 : vector<1x16xf32> to vector<16xf32>
      %neg3A_1705 = arith.constant 0.000000e+00 : f32
      %neg3A_1706 = vector.broadcast %neg3A_1705 : f32 to vector<16xf32>
      %neg3A_1707 = arith.subf %neg3A_1706, %get3A_1704 : vector<16xf32>
      %exp3A_1708 = math.exp %neg3A_1707 : vector<16xf32>
      %add3A_1709 = arith.constant 1.000000e+00 : f32
      %add3A_1710 = vector.broadcast %add3A_1709 : f32 to vector<16xf32>
      %add3A_1711 = arith.addf %add3A_1710, %exp3A_1708 : vector<16xf32>
      %div3A_1712 = arith.constant 1.000000e+00 : f32
      %div3A_1713 = vector.broadcast %div3A_1712 : f32 to vector<16xf32>
      %div3A_1714 = arith.divf %div3A_1713, %add3A_1711 : vector<16xf32>
      %add3A_1715 = arith.constant 192 : i32
      %add3A_1716 = arith.addi %mul3A_1422, %add3A_1715 : i32
      %swap3A_1717 = arith.index_cast %shift_right_arithmetic3A_1419 : i32 to index
      %swap3A_1718 = arith.index_cast %add3A_1716 : i32 to index
      %swap3A_1719 = tpu.vector_load %arg9[%swap3A_1717, %swap3A_1718] {strides = array<i32>} : memref<16x512xf32, #tpu.memory_space<vmem>>, vector<1x16xf32>,
      %swap3A_1720 = vector.shape_cast %swap3A_1719 : vector<1x16xf32> to vector<16xf32>
      %swap3A_1721 = vector.shape_cast %div3A_1714 : vector<16xf32> to vector<1x16xf32>
      tpu.vector_store %arg9[%swap3A_1717, %swap3A_1718], %swap3A_1721 {strides = array<i32>} : memref<16x512xf32, #tpu.memory_space<vmem>>, vector<1x16xf32>,
      %add3A_1722 = arith.constant 208 : i32
      %add3A_1723 = arith.addi %mul3A_1422, %add3A_1722 : i32
      %get3A_1724 = arith.index_cast %shift_right_arithmetic3A_1419 : i32 to index
      %get3A_1725 = arith.index_cast %add3A_1723 : i32 to index
      %get3A_1726 = tpu.vector_load %arg9[%get3A_1724, %get3A_1725] {strides = array<i32>} : memref<16x512xf32, #tpu.memory_space<vmem>>, vector<1x16xf32>,
      %get3A_1727 = vector.shape_cast %get3A_1726 : vector<1x16xf32> to vector<16xf32>
      %neg3A_1728 = arith.constant 0.000000e+00 : f32
      %neg3A_1729 = vector.broadcast %neg3A_1728 : f32 to vector<16xf32>
      %neg3A_1730 = arith.subf %neg3A_1729, %get3A_1727 : vector<16xf32>
      %exp3A_1731 = math.exp %neg3A_1730 : vector<16xf32>
      %add3A_1732 = arith.constant 1.000000e+00 : f32
      %add3A_1733 = vector.broadcast %add3A_1732 : f32 to vector<16xf32>
      %add3A_1734 = arith.addf %add3A_1733, %exp3A_1731 : vector<16xf32>
      %div3A_1735 = arith.constant 1.000000e+00 : f32
      %div3A_1736 = vector.broadcast %div3A_1735 : f32 to vector<16xf32>
      %div3A_1737 = arith.divf %div3A_1736, %add3A_1734 : vector<16xf32>
      %add3A_1738 = arith.constant 208 : i32
      %add3A_1739 = arith.addi %mul3A_1422, %add3A_1738 : i32
      %swap3A_1740 = arith.index_cast %shift_right_arithmetic3A_1419 : i32 to index
      %swap3A_1741 = arith.index_cast %add3A_1739 : i32 to index
      %swap3A_1742 = tpu.vector_load %arg9[%swap3A_1740, %swap3A_1741] {strides = array<i32>} : memref<16x512xf32, #tpu.memory_space<vmem>>, vector<1x16xf32>,
      %swap3A_1743 = vector.shape_cast %swap3A_1742 : vector<1x16xf32> to vector<16xf32>
      %swap3A_1744 = vector.shape_cast %div3A_1737 : vector<16xf32> to vector<1x16xf32>
      tpu.vector_store %arg9[%swap3A_1740, %swap3A_1741], %swap3A_1744 {strides = array<i32>} : memref<16x512xf32, #tpu.memory_space<vmem>>, vector<1x16xf32>,
      %add3A_1745 = arith.constant 224 : i32
      %add3A_1746 = arith.addi %mul3A_1422, %add3A_1745 : i32
      %get3A_1747 = arith.index_cast %shift_right_arithmetic3A_1419 : i32 to index
      %get3A_1748 = arith.index_cast %add3A_1746 : i32 to index
      %get3A_1749 = tpu.vector_load %arg9[%get3A_1747, %get3A_1748] {strides = array<i32>} : memref<16x512xf32, #tpu.memory_space<vmem>>, vector<1x16xf32>,
      %get3A_1750 = vector.shape_cast %get3A_1749 : vector<1x16xf32> to vector<16xf32>
      %neg3A_1751 = arith.constant 0.000000e+00 : f32
      %neg3A_1752 = vector.broadcast %neg3A_1751 : f32 to vector<16xf32>
      %neg3A_1753 = arith.subf %neg3A_1752, %get3A_1750 : vector<16xf32>
      %exp3A_1754 = math.exp %neg3A_1753 : vector<16xf32>
      %add3A_1755 = arith.constant 1.000000e+00 : f32
      %add3A_1756 = vector.broadcast %add3A_1755 : f32 to vector<16xf32>
      %add3A_1757 = arith.addf %add3A_1756, %exp3A_1754 : vector<16xf32>
      %div3A_1758 = arith.constant 1.000000e+00 : f32
      %div3A_1759 = vector.broadcast %div3A_1758 : f32 to vector<16xf32>
      %div3A_1760 = arith.divf %div3A_1759, %add3A_1757 : vector<16xf32>
      %add3A_1761 = arith.constant 224 : i32
      %add3A_1762 = arith.addi %mul3A_1422, %add3A_1761 : i32
      %swap3A_1763 = arith.index_cast %shift_right_arithmetic3A_1419 : i32 to index
      %swap3A_1764 = arith.index_cast %add3A_1762 : i32 to index
      %swap3A_1765 = tpu.vector_load %arg9[%swap3A_1763, %swap3A_1764] {strides = array<i32>} : memref<16x512xf32, #tpu.memory_space<vmem>>, vector<1x16xf32>,
      %swap3A_1766 = vector.shape_cast %swap3A_1765 : vector<1x16xf32> to vector<16xf32>
      %swap3A_1767 = vector.shape_cast %div3A_1760 : vector<16xf32> to vector<1x16xf32>
      tpu.vector_store %arg9[%swap3A_1763, %swap3A_1764], %swap3A_1767 {strides = array<i32>} : memref<16x512xf32, #tpu.memory_space<vmem>>, vector<1x16xf32>,
      %add3A_1768 = arith.constant 240 : i32
      %add3A_1769 = arith.addi %mul3A_1422, %add3A_1768 : i32
      %get3A_1770 = arith.index_cast %shift_right_arithmetic3A_1419 : i32 to index
      %get3A_1771 = arith.index_cast %add3A_1769 : i32 to index
      %get3A_1772 = tpu.vector_load %arg9[%get3A_1770, %get3A_1771] {strides = array<i32>} : memref<16x512xf32, #tpu.memory_space<vmem>>, vector<1x16xf32>,
      %get3A_1773 = vector.shape_cast %get3A_1772 : vector<1x16xf32> to vector<16xf32>
      %neg3A_1774 = arith.constant 0.000000e+00 : f32
      %neg3A_1775 = vector.broadcast %neg3A_1774 : f32 to vector<16xf32>
      %neg3A_1776 = arith.subf %neg3A_1775, %get3A_1773 : vector<16xf32>
      %exp3A_1777 = math.exp %neg3A_1776 : vector<16xf32>
      %add3A_1778 = arith.constant 1.000000e+00 : f32
      %add3A_1779 = vector.broadcast %add3A_1778 : f32 to vector<16xf32>
      %add3A_1780 = arith.addf %add3A_1779, %exp3A_1777 : vector<16xf32>
      %div3A_1781 = arith.constant 1.000000e+00 : f32
      %div3A_1782 = vector.broadcast %div3A_1781 : f32 to vector<16xf32>
      %div3A_1783 = arith.divf %div3A_1782, %add3A_1780 : vector<16xf32>
      %add3A_1784 = arith.constant 240 : i32
      %add3A_1785 = arith.addi %mul3A_1422, %add3A_1784 : i32
      %swap3A_1786 = arith.index_cast %shift_right_arithmetic3A_1419 : i32 to index
      %swap3A_1787 = arith.index_cast %add3A_1785 : i32 to index
      %swap3A_1788 = tpu.vector_load %arg9[%swap3A_1786, %swap3A_1787] {strides = array<i32>} : memref<16x512xf32, #tpu.memory_space<vmem>>, vector<1x16xf32>,
      %swap3A_1789 = vector.shape_cast %swap3A_1788 : vector<1x16xf32> to vector<16xf32>
      %swap3A_1790 = vector.shape_cast %div3A_1783 : vector<16xf32> to vector<1x16xf32>
      tpu.vector_store %arg9[%swap3A_1786, %swap3A_1787], %swap3A_1790 {strides = array<i32>} : memref<16x512xf32, #tpu.memory_space<vmem>>, vector<1x16xf32>,
      %scan3A_1791 = arith.constant 0 : i32
      scf.yield %scan3A_1791 : i32
    }
    %scan3A_787 = arith.constant 32 : i32
    %get3A_788 = arith.constant 2 : i32
    %get3A_789 = arith.index_cast %get3A_788 : i32 to index
    %get3A_790 = arith.constant 0 : index
    %get3A_791 = tpu.vector_load %arg8[%get3A_789, %get3A_790] {strides = array<i32>} : memref<4x16xf32, #tpu.memory_space<vmem>>, vector<1x16xf32>,
    %get3A_792 = vector.shape_cast %get3A_791 : vector<1x16xf32> to vector<16xf32>
    %get3A_793 = arith.constant 0 : i32
    %get3A_794 = arith.index_cast %get3A_793 : i32 to index
    %get3A_795 = arith.constant 0 : index
    %get3A_796 = tpu.vector_load %arg9[%get3A_794, %get3A_795] {strides = array<i32>} : memref<16x512xf32, #tpu.memory_space<vmem>>, vector<1x16xf32>,
    %get3A_797 = vector.shape_cast %get3A_796 : vector<1x16xf32> to vector<16xf32>
    %eq3A_798 = arith.constant 0 : i32
    %eq3A_799 = vector.broadcast %eq3A_798 : i32 to vector<16xi32>
    %eq3A_800 = arith.cmpi eq, %iota3A, %eq3A_799 : vector<16xi32>
    %slice3A_801 = vector.extract_strided_slice %get3A_792 {offsets = [0], sizes = [1], strides = [1]} : vector<16xf32> to vector<1xf32>
    %squeeze3A_802 = vector.extract %slice3A_801[0] : f32 from vector<1xf32>
    %broadcast_in_dim3A_803 = vector.broadcast %squeeze3A_802 : f32 to vector<16xf32>
    %select_n3A_804 = arith.select %eq3A_800, %broadcast_in_dim3A_803, %get3A_797 : vector<16xi1>, vector<16xf32>
    %swap3A_805 = arith.constant 0 : i32
    %swap3A_806 = arith.index_cast %swap3A_805 : i32 to index
    %swap3A_807 = arith.constant 0 : index
    %swap3A_808 = tpu.vector_load %arg9[%swap3A_806, %swap3A_807] {strides = array<i32>} : memref<16x512xf32, #tpu.memory_space<vmem>>, vector<1x16xf32>,
    %swap3A_809 = vector.shape_cast %swap3A_808 : vector<1x16xf32> to vector<16xf32>
    %swap3A_810 = vector.shape_cast %select_n3A_804 : vector<16xf32> to vector<1x16xf32>
    tpu.vector_store %arg9[%swap3A_806, %swap3A_807], %swap3A_810 {strides = array<i32>} : memref<16x512xf32, #tpu.memory_space<vmem>>, vector<1x16xf32>,
    %get3A_811 = arith.constant 1 : i32
    %get3A_812 = arith.index_cast %get3A_811 : i32 to index
    %get3A_813 = arith.constant 0 : index
    %get3A_814 = tpu.vector_load %arg9[%get3A_812, %get3A_813] {strides = array<i32>} : memref<16x512xf32, #tpu.memory_space<vmem>>, vector<1x16xf32>,
    %get3A_815 = vector.shape_cast %get3A_814 : vector<1x16xf32> to vector<16xf32>
    %eq3A_816 = arith.constant 0 : i32
    %eq3A_817 = vector.broadcast %eq3A_816 : i32 to vector<16xi32>
    %eq3A_818 = arith.cmpi eq, %iota3A, %eq3A_817 : vector<16xi32>
    %slice3A_819 = vector.extract_strided_slice %get3A_792 {offsets = [1], sizes = [1], strides = [1]} : vector<16xf32> to vector<1xf32>
    %squeeze3A_820 = vector.extract %slice3A_819[0] : f32 from vector<1xf32>
    %broadcast_in_dim3A_821 = vector.broadcast %squeeze3A_820 : f32 to vector<16xf32>
    %select_n3A_822 = arith.select %eq3A_818, %broadcast_in_dim3A_821, %get3A_815 : vector<16xi1>, vector<16xf32>
    %swap3A_823 = arith.constant 1 : i32
    %swap3A_824 = arith.index_cast %swap3A_823 : i32 to index
    %swap3A_825 = arith.constant 0 : index
    %swap3A_826 = tpu.vector_load %arg9[%swap3A_824, %swap3A_825] {strides = array<i32>} : memref<16x512xf32, #tpu.memory_space<vmem>>, vector<1x16xf32>,
    %swap3A_827 = vector.shape_cast %swap3A_826 : vector<1x16xf32> to vector<16xf32>
    %swap3A_828 = vector.shape_cast %select_n3A_822 : vector<16xf32> to vector<1x16xf32>
    tpu.vector_store %arg9[%swap3A_824, %swap3A_825], %swap3A_828 {strides = array<i32>} : memref<16x512xf32, #tpu.memory_space<vmem>>, vector<1x16xf32>,
    %get3A_829 = arith.constant 2 : i32
    %get3A_830 = arith.index_cast %get3A_829 : i32 to index
    %get3A_831 = arith.constant 0 : index
    %get3A_832 = tpu.vector_load %arg9[%get3A_830, %get3A_831] {strides = array<i32>} : memref<16x512xf32, #tpu.memory_space<vmem>>, vector<1x16xf32>,
    %get3A_833 = vector.shape_cast %get3A_832 : vector<1x16xf32> to vector<16xf32>
    %eq3A_834 = arith.constant 0 : i32
    %eq3A_835 = vector.broadcast %eq3A_834 : i32 to vector<16xi32>
    %eq3A_836 = arith.cmpi eq, %iota3A, %eq3A_835 : vector<16xi32>
    %slice3A_837 = vector.extract_strided_slice %get3A_792 {offsets = [2], sizes = [1], strides = [1]} : vector<16xf32> to vector<1xf32>
    %squeeze3A_838 = vector.extract %slice3A_837[0] : f32 from vector<1xf32>
    %broadcast_in_dim3A_839 = vector.broadcast %squeeze3A_838 : f32 to vector<16xf32>
    %select_n3A_840 = arith.select %eq3A_836, %broadcast_in_dim3A_839, %get3A_833 : vector<16xi1>, vector<16xf32>
    %swap3A_841 = arith.constant 2 : i32
    %swap3A_842 = arith.index_cast %swap3A_841 : i32 to index
    %swap3A_843 = arith.constant 0 : index
    %swap3A_844 = tpu.vector_load %arg9[%swap3A_842, %swap3A_843] {strides = array<i32>} : memref<16x512xf32, #tpu.memory_space<vmem>>, vector<1x16xf32>,
    %swap3A_845 = vector.shape_cast %swap3A_844 : vector<1x16xf32> to vector<16xf32>
    %swap3A_846 = vector.shape_cast %select_n3A_840 : vector<16xf32> to vector<1x16xf32>
    tpu.vector_store %arg9[%swap3A_842, %swap3A_843], %swap3A_846 {strides = array<i32>} : memref<16x512xf32, #tpu.memory_space<vmem>>, vector<1x16xf32>,
    %get3A_847 = arith.constant 3 : i32
    %get3A_848 = arith.index_cast %get3A_847 : i32 to index
    %get3A_849 = arith.constant 0 : index
    %get3A_850 = tpu.vector_load %arg9[%get3A_848, %get3A_849] {strides = array<i32>} : memref<16x512xf32, #tpu.memory_space<vmem>>, vector<1x16xf32>,
    %get3A_851 = vector.shape_cast %get3A_850 : vector<1x16xf32> to vector<16xf32>
    %eq3A_852 = arith.constant 0 : i32
    %eq3A_853 = vector.broadcast %eq3A_852 : i32 to vector<16xi32>
    %eq3A_854 = arith.cmpi eq, %iota3A, %eq3A_853 : vector<16xi32>
    %slice3A_855 = vector.extract_strided_slice %get3A_792 {offsets = [3], sizes = [1], strides = [1]} : vector<16xf32> to vector<1xf32>
    %squeeze3A_856 = vector.extract %slice3A_855[0] : f32 from vector<1xf32>
    %broadcast_in_dim3A_857 = vector.broadcast %squeeze3A_856 : f32 to vector<16xf32>
    %select_n3A_858 = arith.select %eq3A_854, %broadcast_in_dim3A_857, %get3A_851 : vector<16xi1>, vector<16xf32>
    %swap3A_859 = arith.constant 3 : i32
    %swap3A_860 = arith.index_cast %swap3A_859 : i32 to index
    %swap3A_861 = arith.constant 0 : index
    %swap3A_862 = tpu.vector_load %arg9[%swap3A_860, %swap3A_861] {strides = array<i32>} : memref<16x512xf32, #tpu.memory_space<vmem>>, vector<1x16xf32>,
    %swap3A_863 = vector.shape_cast %swap3A_862 : vector<1x16xf32> to vector<16xf32>
    %swap3A_864 = vector.shape_cast %select_n3A_858 : vector<16xf32> to vector<1x16xf32>
    tpu.vector_store %arg9[%swap3A_860, %swap3A_861], %swap3A_864 {strides = array<i32>} : memref<16x512xf32, #tpu.memory_space<vmem>>, vector<1x16xf32>,
    %get3A_865 = arith.constant 4 : i32
    %get3A_866 = arith.index_cast %get3A_865 : i32 to index
    %get3A_867 = arith.constant 0 : index
    %get3A_868 = tpu.vector_load %arg9[%get3A_866, %get3A_867] {strides = array<i32>} : memref<16x512xf32, #tpu.memory_space<vmem>>, vector<1x16xf32>,
    %get3A_869 = vector.shape_cast %get3A_868 : vector<1x16xf32> to vector<16xf32>
    %eq3A_870 = arith.constant 0 : i32
    %eq3A_871 = vector.broadcast %eq3A_870 : i32 to vector<16xi32>
    %eq3A_872 = arith.cmpi eq, %iota3A, %eq3A_871 : vector<16xi32>
    %slice3A_873 = vector.extract_strided_slice %get3A_792 {offsets = [4], sizes = [1], strides = [1]} : vector<16xf32> to vector<1xf32>
    %squeeze3A_874 = vector.extract %slice3A_873[0] : f32 from vector<1xf32>
    %broadcast_in_dim3A_875 = vector.broadcast %squeeze3A_874 : f32 to vector<16xf32>
    %select_n3A_876 = arith.select %eq3A_872, %broadcast_in_dim3A_875, %get3A_869 : vector<16xi1>, vector<16xf32>
    %swap3A_877 = arith.constant 4 : i32
    %swap3A_878 = arith.index_cast %swap3A_877 : i32 to index
    %swap3A_879 = arith.constant 0 : index
    %swap3A_880 = tpu.vector_load %arg9[%swap3A_878, %swap3A_879] {strides = array<i32>} : memref<16x512xf32, #tpu.memory_space<vmem>>, vector<1x16xf32>,
    %swap3A_881 = vector.shape_cast %swap3A_880 : vector<1x16xf32> to vector<16xf32>
    %swap3A_882 = vector.shape_cast %select_n3A_876 : vector<16xf32> to vector<1x16xf32>
    tpu.vector_store %arg9[%swap3A_878, %swap3A_879], %swap3A_882 {strides = array<i32>} : memref<16x512xf32, #tpu.memory_space<vmem>>, vector<1x16xf32>,
    %get3A_883 = arith.constant 5 : i32
    %get3A_884 = arith.index_cast %get3A_883 : i32 to index
    %get3A_885 = arith.constant 0 : index
    %get3A_886 = tpu.vector_load %arg9[%get3A_884, %get3A_885] {strides = array<i32>} : memref<16x512xf32, #tpu.memory_space<vmem>>, vector<1x16xf32>,
    %get3A_887 = vector.shape_cast %get3A_886 : vector<1x16xf32> to vector<16xf32>
    %eq3A_888 = arith.constant 0 : i32
    %eq3A_889 = vector.broadcast %eq3A_888 : i32 to vector<16xi32>
    %eq3A_890 = arith.cmpi eq, %iota3A, %eq3A_889 : vector<16xi32>
    %slice3A_891 = vector.extract_strided_slice %get3A_792 {offsets = [5], sizes = [1], strides = [1]} : vector<16xf32> to vector<1xf32>
    %squeeze3A_892 = vector.extract %slice3A_891[0] : f32 from vector<1xf32>
    %broadcast_in_dim3A_893 = vector.broadcast %squeeze3A_892 : f32 to vector<16xf32>
    %select_n3A_894 = arith.select %eq3A_890, %broadcast_in_dim3A_893, %get3A_887 : vector<16xi1>, vector<16xf32>
    %swap3A_895 = arith.constant 5 : i32
    %swap3A_896 = arith.index_cast %swap3A_895 : i32 to index
    %swap3A_897 = arith.constant 0 : index
    %swap3A_898 = tpu.vector_load %arg9[%swap3A_896, %swap3A_897] {strides = array<i32>} : memref<16x512xf32, #tpu.memory_space<vmem>>, vector<1x16xf32>,
    %swap3A_899 = vector.shape_cast %swap3A_898 : vector<1x16xf32> to vector<16xf32>
    %swap3A_900 = vector.shape_cast %select_n3A_894 : vector<16xf32> to vector<1x16xf32>
    tpu.vector_store %arg9[%swap3A_896, %swap3A_897], %swap3A_900 {strides = array<i32>} : memref<16x512xf32, #tpu.memory_space<vmem>>, vector<1x16xf32>,
    %get3A_901 = arith.constant 6 : i32
    %get3A_902 = arith.index_cast %get3A_901 : i32 to index
    %get3A_903 = arith.constant 0 : index
    %get3A_904 = tpu.vector_load %arg9[%get3A_902, %get3A_903] {strides = array<i32>} : memref<16x512xf32, #tpu.memory_space<vmem>>, vector<1x16xf32>,
    %get3A_905 = vector.shape_cast %get3A_904 : vector<1x16xf32> to vector<16xf32>
    %eq3A_906 = arith.constant 0 : i32
    %eq3A_907 = vector.broadcast %eq3A_906 : i32 to vector<16xi32>
    %eq3A_908 = arith.cmpi eq, %iota3A, %eq3A_907 : vector<16xi32>
    %slice3A_909 = vector.extract_strided_slice %get3A_792 {offsets = [6], sizes = [1], strides = [1]} : vector<16xf32> to vector<1xf32>
    %squeeze3A_910 = vector.extract %slice3A_909[0] : f32 from vector<1xf32>
    %broadcast_in_dim3A_911 = vector.broadcast %squeeze3A_910 : f32 to vector<16xf32>
    %select_n3A_912 = arith.select %eq3A_908, %broadcast_in_dim3A_911, %get3A_905 : vector<16xi1>, vector<16xf32>
    %swap3A_913 = arith.constant 6 : i32
    %swap3A_914 = arith.index_cast %swap3A_913 : i32 to index
    %swap3A_915 = arith.constant 0 : index
    %swap3A_916 = tpu.vector_load %arg9[%swap3A_914, %swap3A_915] {strides = array<i32>} : memref<16x512xf32, #tpu.memory_space<vmem>>, vector<1x16xf32>,
    %swap3A_917 = vector.shape_cast %swap3A_916 : vector<1x16xf32> to vector<16xf32>
    %swap3A_918 = vector.shape_cast %select_n3A_912 : vector<16xf32> to vector<1x16xf32>
    tpu.vector_store %arg9[%swap3A_914, %swap3A_915], %swap3A_918 {strides = array<i32>} : memref<16x512xf32, #tpu.memory_space<vmem>>, vector<1x16xf32>,
    %get3A_919 = arith.constant 7 : i32
    %get3A_920 = arith.index_cast %get3A_919 : i32 to index
    %get3A_921 = arith.constant 0 : index
    %get3A_922 = tpu.vector_load %arg9[%get3A_920, %get3A_921] {strides = array<i32>} : memref<16x512xf32, #tpu.memory_space<vmem>>, vector<1x16xf32>,
    %get3A_923 = vector.shape_cast %get3A_922 : vector<1x16xf32> to vector<16xf32>
    %eq3A_924 = arith.constant 0 : i32
    %eq3A_925 = vector.broadcast %eq3A_924 : i32 to vector<16xi32>
    %eq3A_926 = arith.cmpi eq, %iota3A, %eq3A_925 : vector<16xi32>
    %slice3A_927 = vector.extract_strided_slice %get3A_792 {offsets = [7], sizes = [1], strides = [1]} : vector<16xf32> to vector<1xf32>
    %squeeze3A_928 = vector.extract %slice3A_927[0] : f32 from vector<1xf32>
    %broadcast_in_dim3A_929 = vector.broadcast %squeeze3A_928 : f32 to vector<16xf32>
    %select_n3A_930 = arith.select %eq3A_926, %broadcast_in_dim3A_929, %get3A_923 : vector<16xi1>, vector<16xf32>
    %swap3A_931 = arith.constant 7 : i32
    %swap3A_932 = arith.index_cast %swap3A_931 : i32 to index
    %swap3A_933 = arith.constant 0 : index
    %swap3A_934 = tpu.vector_load %arg9[%swap3A_932, %swap3A_933] {strides = array<i32>} : memref<16x512xf32, #tpu.memory_space<vmem>>, vector<1x16xf32>,
    %swap3A_935 = vector.shape_cast %swap3A_934 : vector<1x16xf32> to vector<16xf32>
    %swap3A_936 = vector.shape_cast %select_n3A_930 : vector<16xf32> to vector<1x16xf32>
    tpu.vector_store %arg9[%swap3A_932, %swap3A_933], %swap3A_936 {strides = array<i32>} : memref<16x512xf32, #tpu.memory_space<vmem>>, vector<1x16xf32>,
    %get3A_937 = arith.constant 8 : i32
    %get3A_938 = arith.index_cast %get3A_937 : i32 to index
    %get3A_939 = arith.constant 0 : index
    %get3A_940 = tpu.vector_load %arg9[%get3A_938, %get3A_939] {strides = array<i32>} : memref<16x512xf32, #tpu.memory_space<vmem>>, vector<1x16xf32>,
    %get3A_941 = vector.shape_cast %get3A_940 : vector<1x16xf32> to vector<16xf32>
    %eq3A_942 = arith.constant 0 : i32
    %eq3A_943 = vector.broadcast %eq3A_942 : i32 to vector<16xi32>
    %eq3A_944 = arith.cmpi eq, %iota3A, %eq3A_943 : vector<16xi32>
    %slice3A_945 = vector.extract_strided_slice %get3A_792 {offsets = [8], sizes = [1], strides = [1]} : vector<16xf32> to vector<1xf32>
    %squeeze3A_946 = vector.extract %slice3A_945[0] : f32 from vector<1xf32>
    %broadcast_in_dim3A_947 = vector.broadcast %squeeze3A_946 : f32 to vector<16xf32>
    %select_n3A_948 = arith.select %eq3A_944, %broadcast_in_dim3A_947, %get3A_941 : vector<16xi1>, vector<16xf32>
    %swap3A_949 = arith.constant 8 : i32
    %swap3A_950 = arith.index_cast %swap3A_949 : i32 to index
    %swap3A_951 = arith.constant 0 : index
    %swap3A_952 = tpu.vector_load %arg9[%swap3A_950, %swap3A_951] {strides = array<i32>} : memref<16x512xf32, #tpu.memory_space<vmem>>, vector<1x16xf32>,
    %swap3A_953 = vector.shape_cast %swap3A_952 : vector<1x16xf32> to vector<16xf32>
    %swap3A_954 = vector.shape_cast %select_n3A_948 : vector<16xf32> to vector<1x16xf32>
    tpu.vector_store %arg9[%swap3A_950, %swap3A_951], %swap3A_954 {strides = array<i32>} : memref<16x512xf32, #tpu.memory_space<vmem>>, vector<1x16xf32>,
    %get3A_955 = arith.constant 9 : i32
    %get3A_956 = arith.index_cast %get3A_955 : i32 to index
    %get3A_957 = arith.constant 0 : index
    %get3A_958 = tpu.vector_load %arg9[%get3A_956, %get3A_957] {strides = array<i32>} : memref<16x512xf32, #tpu.memory_space<vmem>>, vector<1x16xf32>,
    %get3A_959 = vector.shape_cast %get3A_958 : vector<1x16xf32> to vector<16xf32>
    %eq3A_960 = arith.constant 0 : i32
    %eq3A_961 = vector.broadcast %eq3A_960 : i32 to vector<16xi32>
    %eq3A_962 = arith.cmpi eq, %iota3A, %eq3A_961 : vector<16xi32>
    %slice3A_963 = vector.extract_strided_slice %get3A_792 {offsets = [9], sizes = [1], strides = [1]} : vector<16xf32> to vector<1xf32>
    %squeeze3A_964 = vector.extract %slice3A_963[0] : f32 from vector<1xf32>
    %broadcast_in_dim3A_965 = vector.broadcast %squeeze3A_964 : f32 to vector<16xf32>
    %select_n3A_966 = arith.select %eq3A_962, %broadcast_in_dim3A_965, %get3A_959 : vector<16xi1>, vector<16xf32>
    %swap3A_967 = arith.constant 9 : i32
    %swap3A_968 = arith.index_cast %swap3A_967 : i32 to index
    %swap3A_969 = arith.constant 0 : index
    %swap3A_970 = tpu.vector_load %arg9[%swap3A_968, %swap3A_969] {strides = array<i32>} : memref<16x512xf32, #tpu.memory_space<vmem>>, vector<1x16xf32>,
    %swap3A_971 = vector.shape_cast %swap3A_970 : vector<1x16xf32> to vector<16xf32>
    %swap3A_972 = vector.shape_cast %select_n3A_966 : vector<16xf32> to vector<1x16xf32>
    tpu.vector_store %arg9[%swap3A_968, %swap3A_969], %swap3A_972 {strides = array<i32>} : memref<16x512xf32, #tpu.memory_space<vmem>>, vector<1x16xf32>,
    %get3A_973 = arith.constant 10 : i32
    %get3A_974 = arith.index_cast %get3A_973 : i32 to index
    %get3A_975 = arith.constant 0 : index
    %get3A_976 = tpu.vector_load %arg9[%get3A_974, %get3A_975] {strides = array<i32>} : memref<16x512xf32, #tpu.memory_space<vmem>>, vector<1x16xf32>,
    %get3A_977 = vector.shape_cast %get3A_976 : vector<1x16xf32> to vector<16xf32>
    %eq3A_978 = arith.constant 0 : i32
    %eq3A_979 = vector.broadcast %eq3A_978 : i32 to vector<16xi32>
    %eq3A_980 = arith.cmpi eq, %iota3A, %eq3A_979 : vector<16xi32>
    %slice3A_981 = vector.extract_strided_slice %get3A_792 {offsets = [10], sizes = [1], strides = [1]} : vector<16xf32> to vector<1xf32>
    %squeeze3A_982 = vector.extract %slice3A_981[0] : f32 from vector<1xf32>
    %broadcast_in_dim3A_983 = vector.broadcast %squeeze3A_982 : f32 to vector<16xf32>
    %select_n3A_984 = arith.select %eq3A_980, %broadcast_in_dim3A_983, %get3A_977 : vector<16xi1>, vector<16xf32>
    %swap3A_985 = arith.constant 10 : i32
    %swap3A_986 = arith.index_cast %swap3A_985 : i32 to index
    %swap3A_987 = arith.constant 0 : index
    %swap3A_988 = tpu.vector_load %arg9[%swap3A_986, %swap3A_987] {strides = array<i32>} : memref<16x512xf32, #tpu.memory_space<vmem>>, vector<1x16xf32>,
    %swap3A_989 = vector.shape_cast %swap3A_988 : vector<1x16xf32> to vector<16xf32>
    %swap3A_990 = vector.shape_cast %select_n3A_984 : vector<16xf32> to vector<1x16xf32>
    tpu.vector_store %arg9[%swap3A_986, %swap3A_987], %swap3A_990 {strides = array<i32>} : memref<16x512xf32, #tpu.memory_space<vmem>>, vector<1x16xf32>,
    %get3A_991 = arith.constant 11 : i32
    %get3A_992 = arith.index_cast %get3A_991 : i32 to index
    %get3A_993 = arith.constant 0 : index
    %get3A_994 = tpu.vector_load %arg9[%get3A_992, %get3A_993] {strides = array<i32>} : memref<16x512xf32, #tpu.memory_space<vmem>>, vector<1x16xf32>,
    %get3A_995 = vector.shape_cast %get3A_994 : vector<1x16xf32> to vector<16xf32>
    %eq3A_996 = arith.constant 0 : i32
    %eq3A_997 = vector.broadcast %eq3A_996 : i32 to vector<16xi32>
    %eq3A_998 = arith.cmpi eq, %iota3A, %eq3A_997 : vector<16xi32>
    %slice3A_999 = vector.extract_strided_slice %get3A_792 {offsets = [11], sizes = [1], strides = [1]} : vector<16xf32> to vector<1xf32>
    %squeeze3A_1000 = vector.extract %slice3A_999[0] : f32 from vector<1xf32>
    %broadcast_in_dim3A_1001 = vector.broadcast %squeeze3A_1000 : f32 to vector<16xf32>
    %select_n3A_1002 = arith.select %eq3A_998, %broadcast_in_dim3A_1001, %get3A_995 : vector<16xi1>, vector<16xf32>
    %swap3A_1003 = arith.constant 11 : i32
    %swap3A_1004 = arith.index_cast %swap3A_1003 : i32 to index
    %swap3A_1005 = arith.constant 0 : index
    %swap3A_1006 = tpu.vector_load %arg9[%swap3A_1004, %swap3A_1005] {strides = array<i32>} : memref<16x512xf32, #tpu.memory_space<vmem>>, vector<1x16xf32>,
    %swap3A_1007 = vector.shape_cast %swap3A_1006 : vector<1x16xf32> to vector<16xf32>
    %swap3A_1008 = vector.shape_cast %select_n3A_1002 : vector<16xf32> to vector<1x16xf32>
    tpu.vector_store %arg9[%swap3A_1004, %swap3A_1005], %swap3A_1008 {strides = array<i32>} : memref<16x512xf32, #tpu.memory_space<vmem>>, vector<1x16xf32>,
    %get3A_1009 = arith.constant 12 : i32
    %get3A_1010 = arith.index_cast %get3A_1009 : i32 to index
    %get3A_1011 = arith.constant 0 : index
    %get3A_1012 = tpu.vector_load %arg9[%get3A_1010, %get3A_1011] {strides = array<i32>} : memref<16x512xf32, #tpu.memory_space<vmem>>, vector<1x16xf32>,
    %get3A_1013 = vector.shape_cast %get3A_1012 : vector<1x16xf32> to vector<16xf32>
    %eq3A_1014 = arith.constant 0 : i32
    %eq3A_1015 = vector.broadcast %eq3A_1014 : i32 to vector<16xi32>
    %eq3A_1016 = arith.cmpi eq, %iota3A, %eq3A_1015 : vector<16xi32>
    %slice3A_1017 = vector.extract_strided_slice %get3A_792 {offsets = [12], sizes = [1], strides = [1]} : vector<16xf32> to vector<1xf32>
    %squeeze3A_1018 = vector.extract %slice3A_1017[0] : f32 from vector<1xf32>
    %broadcast_in_dim3A_1019 = vector.broadcast %squeeze3A_1018 : f32 to vector<16xf32>
    %select_n3A_1020 = arith.select %eq3A_1016, %broadcast_in_dim3A_1019, %get3A_1013 : vector<16xi1>, vector<16xf32>
    %swap3A_1021 = arith.constant 12 : i32
    %swap3A_1022 = arith.index_cast %swap3A_1021 : i32 to index
    %swap3A_1023 = arith.constant 0 : index
    %swap3A_1024 = tpu.vector_load %arg9[%swap3A_1022, %swap3A_1023] {strides = array<i32>} : memref<16x512xf32, #tpu.memory_space<vmem>>, vector<1x16xf32>,
    %swap3A_1025 = vector.shape_cast %swap3A_1024 : vector<1x16xf32> to vector<16xf32>
    %swap3A_1026 = vector.shape_cast %select_n3A_1020 : vector<16xf32> to vector<1x16xf32>
    tpu.vector_store %arg9[%swap3A_1022, %swap3A_1023], %swap3A_1026 {strides = array<i32>} : memref<16x512xf32, #tpu.memory_space<vmem>>, vector<1x16xf32>,
    %get3A_1027 = arith.constant 13 : i32
    %get3A_1028 = arith.index_cast %get3A_1027 : i32 to index
    %get3A_1029 = arith.constant 0 : index
    %get3A_1030 = tpu.vector_load %arg9[%get3A_1028, %get3A_1029] {strides = array<i32>} : memref<16x512xf32, #tpu.memory_space<vmem>>, vector<1x16xf32>,
    %get3A_1031 = vector.shape_cast %get3A_1030 : vector<1x16xf32> to vector<16xf32>
    %eq3A_1032 = arith.constant 0 : i32
    %eq3A_1033 = vector.broadcast %eq3A_1032 : i32 to vector<16xi32>
    %eq3A_1034 = arith.cmpi eq, %iota3A, %eq3A_1033 : vector<16xi32>
    %slice3A_1035 = vector.extract_strided_slice %get3A_792 {offsets = [13], sizes = [1], strides = [1]} : vector<16xf32> to vector<1xf32>
    %squeeze3A_1036 = vector.extract %slice3A_1035[0] : f32 from vector<1xf32>
    %broadcast_in_dim3A_1037 = vector.broadcast %squeeze3A_1036 : f32 to vector<16xf32>
    %select_n3A_1038 = arith.select %eq3A_1034, %broadcast_in_dim3A_1037, %get3A_1031 : vector<16xi1>, vector<16xf32>
    %swap3A_1039 = arith.constant 13 : i32
    %swap3A_1040 = arith.index_cast %swap3A_1039 : i32 to index
    %swap3A_1041 = arith.constant 0 : index
    %swap3A_1042 = tpu.vector_load %arg9[%swap3A_1040, %swap3A_1041] {strides = array<i32>} : memref<16x512xf32, #tpu.memory_space<vmem>>, vector<1x16xf32>,
    %swap3A_1043 = vector.shape_cast %swap3A_1042 : vector<1x16xf32> to vector<16xf32>
    %swap3A_1044 = vector.shape_cast %select_n3A_1038 : vector<16xf32> to vector<1x16xf32>
    tpu.vector_store %arg9[%swap3A_1040, %swap3A_1041], %swap3A_1044 {strides = array<i32>} : memref<16x512xf32, #tpu.memory_space<vmem>>, vector<1x16xf32>,
    %get3A_1045 = arith.constant 14 : i32
    %get3A_1046 = arith.index_cast %get3A_1045 : i32 to index
    %get3A_1047 = arith.constant 0 : index
    %get3A_1048 = tpu.vector_load %arg9[%get3A_1046, %get3A_1047] {strides = array<i32>} : memref<16x512xf32, #tpu.memory_space<vmem>>, vector<1x16xf32>,
    %get3A_1049 = vector.shape_cast %get3A_1048 : vector<1x16xf32> to vector<16xf32>
    %eq3A_1050 = arith.constant 0 : i32
    %eq3A_1051 = vector.broadcast %eq3A_1050 : i32 to vector<16xi32>
    %eq3A_1052 = arith.cmpi eq, %iota3A, %eq3A_1051 : vector<16xi32>
    %slice3A_1053 = vector.extract_strided_slice %get3A_792 {offsets = [14], sizes = [1], strides = [1]} : vector<16xf32> to vector<1xf32>
    %squeeze3A_1054 = vector.extract %slice3A_1053[0] : f32 from vector<1xf32>
    %broadcast_in_dim3A_1055 = vector.broadcast %squeeze3A_1054 : f32 to vector<16xf32>
    %select_n3A_1056 = arith.select %eq3A_1052, %broadcast_in_dim3A_1055, %get3A_1049 : vector<16xi1>, vector<16xf32>
    %swap3A_1057 = arith.constant 14 : i32
    %swap3A_1058 = arith.index_cast %swap3A_1057 : i32 to index
    %swap3A_1059 = arith.constant 0 : index
    %swap3A_1060 = tpu.vector_load %arg9[%swap3A_1058, %swap3A_1059] {strides = array<i32>} : memref<16x512xf32, #tpu.memory_space<vmem>>, vector<1x16xf32>,
    %swap3A_1061 = vector.shape_cast %swap3A_1060 : vector<1x16xf32> to vector<16xf32>
    %swap3A_1062 = vector.shape_cast %select_n3A_1056 : vector<16xf32> to vector<1x16xf32>
    tpu.vector_store %arg9[%swap3A_1058, %swap3A_1059], %swap3A_1062 {strides = array<i32>} : memref<16x512xf32, #tpu.memory_space<vmem>>, vector<1x16xf32>,
    %get3A_1063 = arith.constant 15 : i32
    %get3A_1064 = arith.index_cast %get3A_1063 : i32 to index
    %get3A_1065 = arith.constant 0 : index
    %get3A_1066 = tpu.vector_load %arg9[%get3A_1064, %get3A_1065] {strides = array<i32>} : memref<16x512xf32, #tpu.memory_space<vmem>>, vector<1x16xf32>,
    %get3A_1067 = vector.shape_cast %get3A_1066 : vector<1x16xf32> to vector<16xf32>
    %eq3A_1068 = arith.constant 0 : i32
    %eq3A_1069 = vector.broadcast %eq3A_1068 : i32 to vector<16xi32>
    %eq3A_1070 = arith.cmpi eq, %iota3A, %eq3A_1069 : vector<16xi32>
    %slice3A_1071 = vector.extract_strided_slice %get3A_792 {offsets = [15], sizes = [1], strides = [1]} : vector<16xf32> to vector<1xf32>
    %squeeze3A_1072 = vector.extract %slice3A_1071[0] : f32 from vector<1xf32>
    %broadcast_in_dim3A_1073 = vector.broadcast %squeeze3A_1072 : f32 to vector<16xf32>
    %select_n3A_1074 = arith.select %eq3A_1070, %broadcast_in_dim3A_1073, %get3A_1067 : vector<16xi1>, vector<16xf32>
    %swap3A_1075 = arith.constant 15 : i32
    %swap3A_1076 = arith.index_cast %swap3A_1075 : i32 to index
    %swap3A_1077 = arith.constant 0 : index
    %swap3A_1078 = tpu.vector_load %arg9[%swap3A_1076, %swap3A_1077] {strides = array<i32>} : memref<16x512xf32, #tpu.memory_space<vmem>>, vector<1x16xf32>,
    %swap3A_1079 = vector.shape_cast %swap3A_1078 : vector<1x16xf32> to vector<16xf32>
    %swap3A_1080 = vector.shape_cast %select_n3A_1074 : vector<16xf32> to vector<1x16xf32>
    tpu.vector_store %arg9[%swap3A_1076, %swap3A_1077], %swap3A_1080 {strides = array<i32>} : memref<16x512xf32, #tpu.memory_space<vmem>>, vector<1x16xf32>,
    %dma_start3A_1081 = arith.constant 2 : i32
    %dma_start3A_1082 = arith.constant 0 : i32
    %dma_start3A_1083 = tpu.memref_slice %arg5[%dma_start3A_1081, %mul3A_2, %dma_start3A_1082] : memref<4x512x512xf32, #tpu.memory_space<hbm>> -> memref<1x16x512xf32, #tpu.memory_space<hbm>>
    %dma_start3A_1084 = tpu.memref_squeeze %dma_start3A_1083 : memref<1x16x512xf32, #tpu.memory_space<hbm>> -> memref<16x512xf32, #tpu.memory_space<hbm>>
    %dma_start3A_1085 = arith.constant 0 : i32
    %dma_start3A_1086 = tpu.memref_slice %arg5[%dma_start3A_1081, %mul3A_2, %dma_start3A_1085] : memref<4x512x512xf32, #tpu.memory_space<hbm>> -> memref<1x16x512xf32, #tpu.memory_space<hbm>>
    %dma_start3A_1087 = tpu.memref_squeeze %dma_start3A_1086 : memref<1x16x512xf32, #tpu.memory_space<hbm>> -> memref<16x512xf32, #tpu.memory_space<hbm>>
    tpu.enqueue_dma source(%arg9 : memref<16x512xf32, #tpu.memory_space<vmem>>) target(%dma_start3A_1087 : memref<16x512xf32, #tpu.memory_space<hbm>>) target_semaphore(%arg13 : memref<!tpu.dma_semaphore, #tpu.memory_space<semaphore_mem>>)
    %dma_wait3A_1088 = arith.constant 3 : i32
    %dma_wait3A_1089 = arith.constant 0 : i32
    %dma_wait3A_1090 = arith.constant 0 : i32
    %dma_wait3A_1091 = tpu.memref_slice %arg4[%dma_wait3A_1088, %dma_wait3A_1089, %mul3A_2, %dma_wait3A_1090] : memref<4x8x512x512xf32, #tpu.memory_space<hbm>> -> memref<1x1x16x512xf32, #tpu.memory_space<hbm>>
    %dma_wait3A_1092 = tpu.memref_squeeze %dma_wait3A_1091 : memref<1x1x16x512xf32, #tpu.memory_space<hbm>> -> memref<16x512xf32, #tpu.memory_space<hbm>>
    %dma_wait3A_1093 = arith.constant 0 : i32
    %dma_wait3A_1094 = tpu.memref_slice %arg4[%dma_wait3A_1088, %dma_wait3A_1089, %mul3A_2, %dma_wait3A_1093] : memref<4x8x512x512xf32, #tpu.memory_space<hbm>> -> memref<1x1x16x512xf32, #tpu.memory_space<hbm>>
    %dma_wait3A_1095 = tpu.memref_squeeze %dma_wait3A_1094 : memref<1x1x16x512xf32, #tpu.memory_space<hbm>> -> memref<16x512xf32, #tpu.memory_space<hbm>>
    tpu.wait_dma2 semaphore(%arg12 : memref<!tpu.dma_semaphore, #tpu.memory_space<semaphore_mem>>) src(%dma_wait3A_1095 : memref<16x512xf32, #tpu.memory_space<hbm>>) dst(%arg10 : memref<16x512xf32, #tpu.memory_space<vmem>>)
    %scan3A_1096 = arith.constant 0 : i32
    %scan3A_1097 = arith.constant 0 : i32
    %scan3A_1098 = arith.constant 32 : i32
    %scan3A_1099 = arith.addi %scan3A_1097, %scan3A_1098 : i32
    %scan3A_1100 = arith.constant 1 : i32
    %scan3A_1101 = scf.for %scan3A_1417 = %scan3A_1097 to %scan3A_1099 step %scan3A_1100 iter_args(%scan3A_1418 = %scan3A_1096) -> (i32)  : i32 {
      %shift_right_arithmetic3A = arith.constant 1 : i32
      %shift_right_arithmetic3A_1419 = arith.shrsi %scan3A_1417, %shift_right_arithmetic3A : i32
      %and3A = arith.constant 1 : i32
      %and3A_1420 = arith.andi %scan3A_1417, %and3A : i32
      %mul3A_1421 = arith.constant 256 : i32
      %mul3A_1422 = arith.muli %and3A_1420, %mul3A_1421 : i32
      %add3A_1423 = arith.constant 0 : i32
      %add3A_1424 = arith.addi %mul3A_1422, %add3A_1423 : i32
      %get3A_1425 = arith.index_cast %shift_right_arithmetic3A_1419 : i32 to index
      %get3A_1426 = arith.index_cast %add3A_1424 : i32 to index
      %get3A_1427 = tpu.vector_load %arg10[%get3A_1425, %get3A_1426] {strides = array<i32>} : memref<16x512xf32, #tpu.memory_space<vmem>>, vector<1x16xf32>,
      %get3A_1428 = vector.shape_cast %get3A_1427 : vector<1x16xf32> to vector<16xf32>
      %neg3A_1429 = arith.constant 0.000000e+00 : f32
      %neg3A_1430 = vector.broadcast %neg3A_1429 : f32 to vector<16xf32>
      %neg3A_1431 = arith.subf %neg3A_1430, %get3A_1428 : vector<16xf32>
      %exp3A_1432 = math.exp %neg3A_1431 : vector<16xf32>
      %add3A_1433 = arith.constant 1.000000e+00 : f32
      %add3A_1434 = vector.broadcast %add3A_1433 : f32 to vector<16xf32>
      %add3A_1435 = arith.addf %add3A_1434, %exp3A_1432 : vector<16xf32>
      %div3A_1436 = arith.constant 1.000000e+00 : f32
      %div3A_1437 = vector.broadcast %div3A_1436 : f32 to vector<16xf32>
      %div3A_1438 = arith.divf %div3A_1437, %add3A_1435 : vector<16xf32>
      %add3A_1439 = arith.constant 0 : i32
      %add3A_1440 = arith.addi %mul3A_1422, %add3A_1439 : i32
      %swap3A_1441 = arith.index_cast %shift_right_arithmetic3A_1419 : i32 to index
      %swap3A_1442 = arith.index_cast %add3A_1440 : i32 to index
      %swap3A_1443 = tpu.vector_load %arg10[%swap3A_1441, %swap3A_1442] {strides = array<i32>} : memref<16x512xf32, #tpu.memory_space<vmem>>, vector<1x16xf32>,
      %swap3A_1444 = vector.shape_cast %swap3A_1443 : vector<1x16xf32> to vector<16xf32>
      %swap3A_1445 = vector.shape_cast %div3A_1438 : vector<16xf32> to vector<1x16xf32>
      tpu.vector_store %arg10[%swap3A_1441, %swap3A_1442], %swap3A_1445 {strides = array<i32>} : memref<16x512xf32, #tpu.memory_space<vmem>>, vector<1x16xf32>,
      %add3A_1446 = arith.constant 16 : i32
      %add3A_1447 = arith.addi %mul3A_1422, %add3A_1446 : i32
      %get3A_1448 = arith.index_cast %shift_right_arithmetic3A_1419 : i32 to index
      %get3A_1449 = arith.index_cast %add3A_1447 : i32 to index
      %get3A_1450 = tpu.vector_load %arg10[%get3A_1448, %get3A_1449] {strides = array<i32>} : memref<16x512xf32, #tpu.memory_space<vmem>>, vector<1x16xf32>,
      %get3A_1451 = vector.shape_cast %get3A_1450 : vector<1x16xf32> to vector<16xf32>
      %neg3A_1452 = arith.constant 0.000000e+00 : f32
      %neg3A_1453 = vector.broadcast %neg3A_1452 : f32 to vector<16xf32>
      %neg3A_1454 = arith.subf %neg3A_1453, %get3A_1451 : vector<16xf32>
      %exp3A_1455 = math.exp %neg3A_1454 : vector<16xf32>
      %add3A_1456 = arith.constant 1.000000e+00 : f32
      %add3A_1457 = vector.broadcast %add3A_1456 : f32 to vector<16xf32>
      %add3A_1458 = arith.addf %add3A_1457, %exp3A_1455 : vector<16xf32>
      %div3A_1459 = arith.constant 1.000000e+00 : f32
      %div3A_1460 = vector.broadcast %div3A_1459 : f32 to vector<16xf32>
      %div3A_1461 = arith.divf %div3A_1460, %add3A_1458 : vector<16xf32>
      %add3A_1462 = arith.constant 16 : i32
      %add3A_1463 = arith.addi %mul3A_1422, %add3A_1462 : i32
      %swap3A_1464 = arith.index_cast %shift_right_arithmetic3A_1419 : i32 to index
      %swap3A_1465 = arith.index_cast %add3A_1463 : i32 to index
      %swap3A_1466 = tpu.vector_load %arg10[%swap3A_1464, %swap3A_1465] {strides = array<i32>} : memref<16x512xf32, #tpu.memory_space<vmem>>, vector<1x16xf32>,
      %swap3A_1467 = vector.shape_cast %swap3A_1466 : vector<1x16xf32> to vector<16xf32>
      %swap3A_1468 = vector.shape_cast %div3A_1461 : vector<16xf32> to vector<1x16xf32>
      tpu.vector_store %arg10[%swap3A_1464, %swap3A_1465], %swap3A_1468 {strides = array<i32>} : memref<16x512xf32, #tpu.memory_space<vmem>>, vector<1x16xf32>,
      %add3A_1469 = arith.constant 32 : i32
      %add3A_1470 = arith.addi %mul3A_1422, %add3A_1469 : i32
      %get3A_1471 = arith.index_cast %shift_right_arithmetic3A_1419 : i32 to index
      %get3A_1472 = arith.index_cast %add3A_1470 : i32 to index
      %get3A_1473 = tpu.vector_load %arg10[%get3A_1471, %get3A_1472] {strides = array<i32>} : memref<16x512xf32, #tpu.memory_space<vmem>>, vector<1x16xf32>,
      %get3A_1474 = vector.shape_cast %get3A_1473 : vector<1x16xf32> to vector<16xf32>
      %neg3A_1475 = arith.constant 0.000000e+00 : f32
      %neg3A_1476 = vector.broadcast %neg3A_1475 : f32 to vector<16xf32>
      %neg3A_1477 = arith.subf %neg3A_1476, %get3A_1474 : vector<16xf32>
      %exp3A_1478 = math.exp %neg3A_1477 : vector<16xf32>
      %add3A_1479 = arith.constant 1.000000e+00 : f32
      %add3A_1480 = vector.broadcast %add3A_1479 : f32 to vector<16xf32>
      %add3A_1481 = arith.addf %add3A_1480, %exp3A_1478 : vector<16xf32>
      %div3A_1482 = arith.constant 1.000000e+00 : f32
      %div3A_1483 = vector.broadcast %div3A_1482 : f32 to vector<16xf32>
      %div3A_1484 = arith.divf %div3A_1483, %add3A_1481 : vector<16xf32>
      %add3A_1485 = arith.constant 32 : i32
      %add3A_1486 = arith.addi %mul3A_1422, %add3A_1485 : i32
      %swap3A_1487 = arith.index_cast %shift_right_arithmetic3A_1419 : i32 to index
      %swap3A_1488 = arith.index_cast %add3A_1486 : i32 to index
      %swap3A_1489 = tpu.vector_load %arg10[%swap3A_1487, %swap3A_1488] {strides = array<i32>} : memref<16x512xf32, #tpu.memory_space<vmem>>, vector<1x16xf32>,
      %swap3A_1490 = vector.shape_cast %swap3A_1489 : vector<1x16xf32> to vector<16xf32>
      %swap3A_1491 = vector.shape_cast %div3A_1484 : vector<16xf32> to vector<1x16xf32>
      tpu.vector_store %arg10[%swap3A_1487, %swap3A_1488], %swap3A_1491 {strides = array<i32>} : memref<16x512xf32, #tpu.memory_space<vmem>>, vector<1x16xf32>,
      %add3A_1492 = arith.constant 48 : i32
      %add3A_1493 = arith.addi %mul3A_1422, %add3A_1492 : i32
      %get3A_1494 = arith.index_cast %shift_right_arithmetic3A_1419 : i32 to index
      %get3A_1495 = arith.index_cast %add3A_1493 : i32 to index
      %get3A_1496 = tpu.vector_load %arg10[%get3A_1494, %get3A_1495] {strides = array<i32>} : memref<16x512xf32, #tpu.memory_space<vmem>>, vector<1x16xf32>,
      %get3A_1497 = vector.shape_cast %get3A_1496 : vector<1x16xf32> to vector<16xf32>
      %neg3A_1498 = arith.constant 0.000000e+00 : f32
      %neg3A_1499 = vector.broadcast %neg3A_1498 : f32 to vector<16xf32>
      %neg3A_1500 = arith.subf %neg3A_1499, %get3A_1497 : vector<16xf32>
      %exp3A_1501 = math.exp %neg3A_1500 : vector<16xf32>
      %add3A_1502 = arith.constant 1.000000e+00 : f32
      %add3A_1503 = vector.broadcast %add3A_1502 : f32 to vector<16xf32>
      %add3A_1504 = arith.addf %add3A_1503, %exp3A_1501 : vector<16xf32>
      %div3A_1505 = arith.constant 1.000000e+00 : f32
      %div3A_1506 = vector.broadcast %div3A_1505 : f32 to vector<16xf32>
      %div3A_1507 = arith.divf %div3A_1506, %add3A_1504 : vector<16xf32>
      %add3A_1508 = arith.constant 48 : i32
      %add3A_1509 = arith.addi %mul3A_1422, %add3A_1508 : i32
      %swap3A_1510 = arith.index_cast %shift_right_arithmetic3A_1419 : i32 to index
      %swap3A_1511 = arith.index_cast %add3A_1509 : i32 to index
      %swap3A_1512 = tpu.vector_load %arg10[%swap3A_1510, %swap3A_1511] {strides = array<i32>} : memref<16x512xf32, #tpu.memory_space<vmem>>, vector<1x16xf32>,
      %swap3A_1513 = vector.shape_cast %swap3A_1512 : vector<1x16xf32> to vector<16xf32>
      %swap3A_1514 = vector.shape_cast %div3A_1507 : vector<16xf32> to vector<1x16xf32>
      tpu.vector_store %arg10[%swap3A_1510, %swap3A_1511], %swap3A_1514 {strides = array<i32>} : memref<16x512xf32, #tpu.memory_space<vmem>>, vector<1x16xf32>,
      %add3A_1515 = arith.constant 64 : i32
      %add3A_1516 = arith.addi %mul3A_1422, %add3A_1515 : i32
      %get3A_1517 = arith.index_cast %shift_right_arithmetic3A_1419 : i32 to index
      %get3A_1518 = arith.index_cast %add3A_1516 : i32 to index
      %get3A_1519 = tpu.vector_load %arg10[%get3A_1517, %get3A_1518] {strides = array<i32>} : memref<16x512xf32, #tpu.memory_space<vmem>>, vector<1x16xf32>,
      %get3A_1520 = vector.shape_cast %get3A_1519 : vector<1x16xf32> to vector<16xf32>
      %neg3A_1521 = arith.constant 0.000000e+00 : f32
      %neg3A_1522 = vector.broadcast %neg3A_1521 : f32 to vector<16xf32>
      %neg3A_1523 = arith.subf %neg3A_1522, %get3A_1520 : vector<16xf32>
      %exp3A_1524 = math.exp %neg3A_1523 : vector<16xf32>
      %add3A_1525 = arith.constant 1.000000e+00 : f32
      %add3A_1526 = vector.broadcast %add3A_1525 : f32 to vector<16xf32>
      %add3A_1527 = arith.addf %add3A_1526, %exp3A_1524 : vector<16xf32>
      %div3A_1528 = arith.constant 1.000000e+00 : f32
      %div3A_1529 = vector.broadcast %div3A_1528 : f32 to vector<16xf32>
      %div3A_1530 = arith.divf %div3A_1529, %add3A_1527 : vector<16xf32>
      %add3A_1531 = arith.constant 64 : i32
      %add3A_1532 = arith.addi %mul3A_1422, %add3A_1531 : i32
      %swap3A_1533 = arith.index_cast %shift_right_arithmetic3A_1419 : i32 to index
      %swap3A_1534 = arith.index_cast %add3A_1532 : i32 to index
      %swap3A_1535 = tpu.vector_load %arg10[%swap3A_1533, %swap3A_1534] {strides = array<i32>} : memref<16x512xf32, #tpu.memory_space<vmem>>, vector<1x16xf32>,
      %swap3A_1536 = vector.shape_cast %swap3A_1535 : vector<1x16xf32> to vector<16xf32>
      %swap3A_1537 = vector.shape_cast %div3A_1530 : vector<16xf32> to vector<1x16xf32>
      tpu.vector_store %arg10[%swap3A_1533, %swap3A_1534], %swap3A_1537 {strides = array<i32>} : memref<16x512xf32, #tpu.memory_space<vmem>>, vector<1x16xf32>,
      %add3A_1538 = arith.constant 80 : i32
      %add3A_1539 = arith.addi %mul3A_1422, %add3A_1538 : i32
      %get3A_1540 = arith.index_cast %shift_right_arithmetic3A_1419 : i32 to index
      %get3A_1541 = arith.index_cast %add3A_1539 : i32 to index
      %get3A_1542 = tpu.vector_load %arg10[%get3A_1540, %get3A_1541] {strides = array<i32>} : memref<16x512xf32, #tpu.memory_space<vmem>>, vector<1x16xf32>,
      %get3A_1543 = vector.shape_cast %get3A_1542 : vector<1x16xf32> to vector<16xf32>
      %neg3A_1544 = arith.constant 0.000000e+00 : f32
      %neg3A_1545 = vector.broadcast %neg3A_1544 : f32 to vector<16xf32>
      %neg3A_1546 = arith.subf %neg3A_1545, %get3A_1543 : vector<16xf32>
      %exp3A_1547 = math.exp %neg3A_1546 : vector<16xf32>
      %add3A_1548 = arith.constant 1.000000e+00 : f32
      %add3A_1549 = vector.broadcast %add3A_1548 : f32 to vector<16xf32>
      %add3A_1550 = arith.addf %add3A_1549, %exp3A_1547 : vector<16xf32>
      %div3A_1551 = arith.constant 1.000000e+00 : f32
      %div3A_1552 = vector.broadcast %div3A_1551 : f32 to vector<16xf32>
      %div3A_1553 = arith.divf %div3A_1552, %add3A_1550 : vector<16xf32>
      %add3A_1554 = arith.constant 80 : i32
      %add3A_1555 = arith.addi %mul3A_1422, %add3A_1554 : i32
      %swap3A_1556 = arith.index_cast %shift_right_arithmetic3A_1419 : i32 to index
      %swap3A_1557 = arith.index_cast %add3A_1555 : i32 to index
      %swap3A_1558 = tpu.vector_load %arg10[%swap3A_1556, %swap3A_1557] {strides = array<i32>} : memref<16x512xf32, #tpu.memory_space<vmem>>, vector<1x16xf32>,
      %swap3A_1559 = vector.shape_cast %swap3A_1558 : vector<1x16xf32> to vector<16xf32>
      %swap3A_1560 = vector.shape_cast %div3A_1553 : vector<16xf32> to vector<1x16xf32>
      tpu.vector_store %arg10[%swap3A_1556, %swap3A_1557], %swap3A_1560 {strides = array<i32>} : memref<16x512xf32, #tpu.memory_space<vmem>>, vector<1x16xf32>,
      %add3A_1561 = arith.constant 96 : i32
      %add3A_1562 = arith.addi %mul3A_1422, %add3A_1561 : i32
      %get3A_1563 = arith.index_cast %shift_right_arithmetic3A_1419 : i32 to index
      %get3A_1564 = arith.index_cast %add3A_1562 : i32 to index
      %get3A_1565 = tpu.vector_load %arg10[%get3A_1563, %get3A_1564] {strides = array<i32>} : memref<16x512xf32, #tpu.memory_space<vmem>>, vector<1x16xf32>,
      %get3A_1566 = vector.shape_cast %get3A_1565 : vector<1x16xf32> to vector<16xf32>
      %neg3A_1567 = arith.constant 0.000000e+00 : f32
      %neg3A_1568 = vector.broadcast %neg3A_1567 : f32 to vector<16xf32>
      %neg3A_1569 = arith.subf %neg3A_1568, %get3A_1566 : vector<16xf32>
      %exp3A_1570 = math.exp %neg3A_1569 : vector<16xf32>
      %add3A_1571 = arith.constant 1.000000e+00 : f32
      %add3A_1572 = vector.broadcast %add3A_1571 : f32 to vector<16xf32>
      %add3A_1573 = arith.addf %add3A_1572, %exp3A_1570 : vector<16xf32>
      %div3A_1574 = arith.constant 1.000000e+00 : f32
      %div3A_1575 = vector.broadcast %div3A_1574 : f32 to vector<16xf32>
      %div3A_1576 = arith.divf %div3A_1575, %add3A_1573 : vector<16xf32>
      %add3A_1577 = arith.constant 96 : i32
      %add3A_1578 = arith.addi %mul3A_1422, %add3A_1577 : i32
      %swap3A_1579 = arith.index_cast %shift_right_arithmetic3A_1419 : i32 to index
      %swap3A_1580 = arith.index_cast %add3A_1578 : i32 to index
      %swap3A_1581 = tpu.vector_load %arg10[%swap3A_1579, %swap3A_1580] {strides = array<i32>} : memref<16x512xf32, #tpu.memory_space<vmem>>, vector<1x16xf32>,
      %swap3A_1582 = vector.shape_cast %swap3A_1581 : vector<1x16xf32> to vector<16xf32>
      %swap3A_1583 = vector.shape_cast %div3A_1576 : vector<16xf32> to vector<1x16xf32>
      tpu.vector_store %arg10[%swap3A_1579, %swap3A_1580], %swap3A_1583 {strides = array<i32>} : memref<16x512xf32, #tpu.memory_space<vmem>>, vector<1x16xf32>,
      %add3A_1584 = arith.constant 112 : i32
      %add3A_1585 = arith.addi %mul3A_1422, %add3A_1584 : i32
      %get3A_1586 = arith.index_cast %shift_right_arithmetic3A_1419 : i32 to index
      %get3A_1587 = arith.index_cast %add3A_1585 : i32 to index
      %get3A_1588 = tpu.vector_load %arg10[%get3A_1586, %get3A_1587] {strides = array<i32>} : memref<16x512xf32, #tpu.memory_space<vmem>>, vector<1x16xf32>,
      %get3A_1589 = vector.shape_cast %get3A_1588 : vector<1x16xf32> to vector<16xf32>
      %neg3A_1590 = arith.constant 0.000000e+00 : f32
      %neg3A_1591 = vector.broadcast %neg3A_1590 : f32 to vector<16xf32>
      %neg3A_1592 = arith.subf %neg3A_1591, %get3A_1589 : vector<16xf32>
      %exp3A_1593 = math.exp %neg3A_1592 : vector<16xf32>
      %add3A_1594 = arith.constant 1.000000e+00 : f32
      %add3A_1595 = vector.broadcast %add3A_1594 : f32 to vector<16xf32>
      %add3A_1596 = arith.addf %add3A_1595, %exp3A_1593 : vector<16xf32>
      %div3A_1597 = arith.constant 1.000000e+00 : f32
      %div3A_1598 = vector.broadcast %div3A_1597 : f32 to vector<16xf32>
      %div3A_1599 = arith.divf %div3A_1598, %add3A_1596 : vector<16xf32>
      %add3A_1600 = arith.constant 112 : i32
      %add3A_1601 = arith.addi %mul3A_1422, %add3A_1600 : i32
      %swap3A_1602 = arith.index_cast %shift_right_arithmetic3A_1419 : i32 to index
      %swap3A_1603 = arith.index_cast %add3A_1601 : i32 to index
      %swap3A_1604 = tpu.vector_load %arg10[%swap3A_1602, %swap3A_1603] {strides = array<i32>} : memref<16x512xf32, #tpu.memory_space<vmem>>, vector<1x16xf32>,
      %swap3A_1605 = vector.shape_cast %swap3A_1604 : vector<1x16xf32> to vector<16xf32>
      %swap3A_1606 = vector.shape_cast %div3A_1599 : vector<16xf32> to vector<1x16xf32>
      tpu.vector_store %arg10[%swap3A_1602, %swap3A_1603], %swap3A_1606 {strides = array<i32>} : memref<16x512xf32, #tpu.memory_space<vmem>>, vector<1x16xf32>,
      %add3A_1607 = arith.constant 128 : i32
      %add3A_1608 = arith.addi %mul3A_1422, %add3A_1607 : i32
      %get3A_1609 = arith.index_cast %shift_right_arithmetic3A_1419 : i32 to index
      %get3A_1610 = arith.index_cast %add3A_1608 : i32 to index
      %get3A_1611 = tpu.vector_load %arg10[%get3A_1609, %get3A_1610] {strides = array<i32>} : memref<16x512xf32, #tpu.memory_space<vmem>>, vector<1x16xf32>,
      %get3A_1612 = vector.shape_cast %get3A_1611 : vector<1x16xf32> to vector<16xf32>
      %neg3A_1613 = arith.constant 0.000000e+00 : f32
      %neg3A_1614 = vector.broadcast %neg3A_1613 : f32 to vector<16xf32>
      %neg3A_1615 = arith.subf %neg3A_1614, %get3A_1612 : vector<16xf32>
      %exp3A_1616 = math.exp %neg3A_1615 : vector<16xf32>
      %add3A_1617 = arith.constant 1.000000e+00 : f32
      %add3A_1618 = vector.broadcast %add3A_1617 : f32 to vector<16xf32>
      %add3A_1619 = arith.addf %add3A_1618, %exp3A_1616 : vector<16xf32>
      %div3A_1620 = arith.constant 1.000000e+00 : f32
      %div3A_1621 = vector.broadcast %div3A_1620 : f32 to vector<16xf32>
      %div3A_1622 = arith.divf %div3A_1621, %add3A_1619 : vector<16xf32>
      %add3A_1623 = arith.constant 128 : i32
      %add3A_1624 = arith.addi %mul3A_1422, %add3A_1623 : i32
      %swap3A_1625 = arith.index_cast %shift_right_arithmetic3A_1419 : i32 to index
      %swap3A_1626 = arith.index_cast %add3A_1624 : i32 to index
      %swap3A_1627 = tpu.vector_load %arg10[%swap3A_1625, %swap3A_1626] {strides = array<i32>} : memref<16x512xf32, #tpu.memory_space<vmem>>, vector<1x16xf32>,
      %swap3A_1628 = vector.shape_cast %swap3A_1627 : vector<1x16xf32> to vector<16xf32>
      %swap3A_1629 = vector.shape_cast %div3A_1622 : vector<16xf32> to vector<1x16xf32>
      tpu.vector_store %arg10[%swap3A_1625, %swap3A_1626], %swap3A_1629 {strides = array<i32>} : memref<16x512xf32, #tpu.memory_space<vmem>>, vector<1x16xf32>,
      %add3A_1630 = arith.constant 144 : i32
      %add3A_1631 = arith.addi %mul3A_1422, %add3A_1630 : i32
      %get3A_1632 = arith.index_cast %shift_right_arithmetic3A_1419 : i32 to index
      %get3A_1633 = arith.index_cast %add3A_1631 : i32 to index
      %get3A_1634 = tpu.vector_load %arg10[%get3A_1632, %get3A_1633] {strides = array<i32>} : memref<16x512xf32, #tpu.memory_space<vmem>>, vector<1x16xf32>,
      %get3A_1635 = vector.shape_cast %get3A_1634 : vector<1x16xf32> to vector<16xf32>
      %neg3A_1636 = arith.constant 0.000000e+00 : f32
      %neg3A_1637 = vector.broadcast %neg3A_1636 : f32 to vector<16xf32>
      %neg3A_1638 = arith.subf %neg3A_1637, %get3A_1635 : vector<16xf32>
      %exp3A_1639 = math.exp %neg3A_1638 : vector<16xf32>
      %add3A_1640 = arith.constant 1.000000e+00 : f32
      %add3A_1641 = vector.broadcast %add3A_1640 : f32 to vector<16xf32>
      %add3A_1642 = arith.addf %add3A_1641, %exp3A_1639 : vector<16xf32>
      %div3A_1643 = arith.constant 1.000000e+00 : f32
      %div3A_1644 = vector.broadcast %div3A_1643 : f32 to vector<16xf32>
      %div3A_1645 = arith.divf %div3A_1644, %add3A_1642 : vector<16xf32>
      %add3A_1646 = arith.constant 144 : i32
      %add3A_1647 = arith.addi %mul3A_1422, %add3A_1646 : i32
      %swap3A_1648 = arith.index_cast %shift_right_arithmetic3A_1419 : i32 to index
      %swap3A_1649 = arith.index_cast %add3A_1647 : i32 to index
      %swap3A_1650 = tpu.vector_load %arg10[%swap3A_1648, %swap3A_1649] {strides = array<i32>} : memref<16x512xf32, #tpu.memory_space<vmem>>, vector<1x16xf32>,
      %swap3A_1651 = vector.shape_cast %swap3A_1650 : vector<1x16xf32> to vector<16xf32>
      %swap3A_1652 = vector.shape_cast %div3A_1645 : vector<16xf32> to vector<1x16xf32>
      tpu.vector_store %arg10[%swap3A_1648, %swap3A_1649], %swap3A_1652 {strides = array<i32>} : memref<16x512xf32, #tpu.memory_space<vmem>>, vector<1x16xf32>,
      %add3A_1653 = arith.constant 160 : i32
      %add3A_1654 = arith.addi %mul3A_1422, %add3A_1653 : i32
      %get3A_1655 = arith.index_cast %shift_right_arithmetic3A_1419 : i32 to index
      %get3A_1656 = arith.index_cast %add3A_1654 : i32 to index
      %get3A_1657 = tpu.vector_load %arg10[%get3A_1655, %get3A_1656] {strides = array<i32>} : memref<16x512xf32, #tpu.memory_space<vmem>>, vector<1x16xf32>,
      %get3A_1658 = vector.shape_cast %get3A_1657 : vector<1x16xf32> to vector<16xf32>
      %neg3A_1659 = arith.constant 0.000000e+00 : f32
      %neg3A_1660 = vector.broadcast %neg3A_1659 : f32 to vector<16xf32>
      %neg3A_1661 = arith.subf %neg3A_1660, %get3A_1658 : vector<16xf32>
      %exp3A_1662 = math.exp %neg3A_1661 : vector<16xf32>
      %add3A_1663 = arith.constant 1.000000e+00 : f32
      %add3A_1664 = vector.broadcast %add3A_1663 : f32 to vector<16xf32>
      %add3A_1665 = arith.addf %add3A_1664, %exp3A_1662 : vector<16xf32>
      %div3A_1666 = arith.constant 1.000000e+00 : f32
      %div3A_1667 = vector.broadcast %div3A_1666 : f32 to vector<16xf32>
      %div3A_1668 = arith.divf %div3A_1667, %add3A_1665 : vector<16xf32>
      %add3A_1669 = arith.constant 160 : i32
      %add3A_1670 = arith.addi %mul3A_1422, %add3A_1669 : i32
      %swap3A_1671 = arith.index_cast %shift_right_arithmetic3A_1419 : i32 to index
      %swap3A_1672 = arith.index_cast %add3A_1670 : i32 to index
      %swap3A_1673 = tpu.vector_load %arg10[%swap3A_1671, %swap3A_1672] {strides = array<i32>} : memref<16x512xf32, #tpu.memory_space<vmem>>, vector<1x16xf32>,
      %swap3A_1674 = vector.shape_cast %swap3A_1673 : vector<1x16xf32> to vector<16xf32>
      %swap3A_1675 = vector.shape_cast %div3A_1668 : vector<16xf32> to vector<1x16xf32>
      tpu.vector_store %arg10[%swap3A_1671, %swap3A_1672], %swap3A_1675 {strides = array<i32>} : memref<16x512xf32, #tpu.memory_space<vmem>>, vector<1x16xf32>,
      %add3A_1676 = arith.constant 176 : i32
      %add3A_1677 = arith.addi %mul3A_1422, %add3A_1676 : i32
      %get3A_1678 = arith.index_cast %shift_right_arithmetic3A_1419 : i32 to index
      %get3A_1679 = arith.index_cast %add3A_1677 : i32 to index
      %get3A_1680 = tpu.vector_load %arg10[%get3A_1678, %get3A_1679] {strides = array<i32>} : memref<16x512xf32, #tpu.memory_space<vmem>>, vector<1x16xf32>,
      %get3A_1681 = vector.shape_cast %get3A_1680 : vector<1x16xf32> to vector<16xf32>
      %neg3A_1682 = arith.constant 0.000000e+00 : f32
      %neg3A_1683 = vector.broadcast %neg3A_1682 : f32 to vector<16xf32>
      %neg3A_1684 = arith.subf %neg3A_1683, %get3A_1681 : vector<16xf32>
      %exp3A_1685 = math.exp %neg3A_1684 : vector<16xf32>
      %add3A_1686 = arith.constant 1.000000e+00 : f32
      %add3A_1687 = vector.broadcast %add3A_1686 : f32 to vector<16xf32>
      %add3A_1688 = arith.addf %add3A_1687, %exp3A_1685 : vector<16xf32>
      %div3A_1689 = arith.constant 1.000000e+00 : f32
      %div3A_1690 = vector.broadcast %div3A_1689 : f32 to vector<16xf32>
      %div3A_1691 = arith.divf %div3A_1690, %add3A_1688 : vector<16xf32>
      %add3A_1692 = arith.constant 176 : i32
      %add3A_1693 = arith.addi %mul3A_1422, %add3A_1692 : i32
      %swap3A_1694 = arith.index_cast %shift_right_arithmetic3A_1419 : i32 to index
      %swap3A_1695 = arith.index_cast %add3A_1693 : i32 to index
      %swap3A_1696 = tpu.vector_load %arg10[%swap3A_1694, %swap3A_1695] {strides = array<i32>} : memref<16x512xf32, #tpu.memory_space<vmem>>, vector<1x16xf32>,
      %swap3A_1697 = vector.shape_cast %swap3A_1696 : vector<1x16xf32> to vector<16xf32>
      %swap3A_1698 = vector.shape_cast %div3A_1691 : vector<16xf32> to vector<1x16xf32>
      tpu.vector_store %arg10[%swap3A_1694, %swap3A_1695], %swap3A_1698 {strides = array<i32>} : memref<16x512xf32, #tpu.memory_space<vmem>>, vector<1x16xf32>,
      %add3A_1699 = arith.constant 192 : i32
      %add3A_1700 = arith.addi %mul3A_1422, %add3A_1699 : i32
      %get3A_1701 = arith.index_cast %shift_right_arithmetic3A_1419 : i32 to index
      %get3A_1702 = arith.index_cast %add3A_1700 : i32 to index
      %get3A_1703 = tpu.vector_load %arg10[%get3A_1701, %get3A_1702] {strides = array<i32>} : memref<16x512xf32, #tpu.memory_space<vmem>>, vector<1x16xf32>,
      %get3A_1704 = vector.shape_cast %get3A_1703 : vector<1x16xf32> to vector<16xf32>
      %neg3A_1705 = arith.constant 0.000000e+00 : f32
      %neg3A_1706 = vector.broadcast %neg3A_1705 : f32 to vector<16xf32>
      %neg3A_1707 = arith.subf %neg3A_1706, %get3A_1704 : vector<16xf32>
      %exp3A_1708 = math.exp %neg3A_1707 : vector<16xf32>
      %add3A_1709 = arith.constant 1.000000e+00 : f32
      %add3A_1710 = vector.broadcast %add3A_1709 : f32 to vector<16xf32>
      %add3A_1711 = arith.addf %add3A_1710, %exp3A_1708 : vector<16xf32>
      %div3A_1712 = arith.constant 1.000000e+00 : f32
      %div3A_1713 = vector.broadcast %div3A_1712 : f32 to vector<16xf32>
      %div3A_1714 = arith.divf %div3A_1713, %add3A_1711 : vector<16xf32>
      %add3A_1715 = arith.constant 192 : i32
      %add3A_1716 = arith.addi %mul3A_1422, %add3A_1715 : i32
      %swap3A_1717 = arith.index_cast %shift_right_arithmetic3A_1419 : i32 to index
      %swap3A_1718 = arith.index_cast %add3A_1716 : i32 to index
      %swap3A_1719 = tpu.vector_load %arg10[%swap3A_1717, %swap3A_1718] {strides = array<i32>} : memref<16x512xf32, #tpu.memory_space<vmem>>, vector<1x16xf32>,
      %swap3A_1720 = vector.shape_cast %swap3A_1719 : vector<1x16xf32> to vector<16xf32>
      %swap3A_1721 = vector.shape_cast %div3A_1714 : vector<16xf32> to vector<1x16xf32>
      tpu.vector_store %arg10[%swap3A_1717, %swap3A_1718], %swap3A_1721 {strides = array<i32>} : memref<16x512xf32, #tpu.memory_space<vmem>>, vector<1x16xf32>,
      %add3A_1722 = arith.constant 208 : i32
      %add3A_1723 = arith.addi %mul3A_1422, %add3A_1722 : i32
      %get3A_1724 = arith.index_cast %shift_right_arithmetic3A_1419 : i32 to index
      %get3A_1725 = arith.index_cast %add3A_1723 : i32 to index
      %get3A_1726 = tpu.vector_load %arg10[%get3A_1724, %get3A_1725] {strides = array<i32>} : memref<16x512xf32, #tpu.memory_space<vmem>>, vector<1x16xf32>,
      %get3A_1727 = vector.shape_cast %get3A_1726 : vector<1x16xf32> to vector<16xf32>
      %neg3A_1728 = arith.constant 0.000000e+00 : f32
      %neg3A_1729 = vector.broadcast %neg3A_1728 : f32 to vector<16xf32>
      %neg3A_1730 = arith.subf %neg3A_1729, %get3A_1727 : vector<16xf32>
      %exp3A_1731 = math.exp %neg3A_1730 : vector<16xf32>
      %add3A_1732 = arith.constant 1.000000e+00 : f32
      %add3A_1733 = vector.broadcast %add3A_1732 : f32 to vector<16xf32>
      %add3A_1734 = arith.addf %add3A_1733, %exp3A_1731 : vector<16xf32>
      %div3A_1735 = arith.constant 1.000000e+00 : f32
      %div3A_1736 = vector.broadcast %div3A_1735 : f32 to vector<16xf32>
      %div3A_1737 = arith.divf %div3A_1736, %add3A_1734 : vector<16xf32>
      %add3A_1738 = arith.constant 208 : i32
      %add3A_1739 = arith.addi %mul3A_1422, %add3A_1738 : i32
      %swap3A_1740 = arith.index_cast %shift_right_arithmetic3A_1419 : i32 to index
      %swap3A_1741 = arith.index_cast %add3A_1739 : i32 to index
      %swap3A_1742 = tpu.vector_load %arg10[%swap3A_1740, %swap3A_1741] {strides = array<i32>} : memref<16x512xf32, #tpu.memory_space<vmem>>, vector<1x16xf32>,
      %swap3A_1743 = vector.shape_cast %swap3A_1742 : vector<1x16xf32> to vector<16xf32>
      %swap3A_1744 = vector.shape_cast %div3A_1737 : vector<16xf32> to vector<1x16xf32>
      tpu.vector_store %arg10[%swap3A_1740, %swap3A_1741], %swap3A_1744 {strides = array<i32>} : memref<16x512xf32, #tpu.memory_space<vmem>>, vector<1x16xf32>,
      %add3A_1745 = arith.constant 224 : i32
      %add3A_1746 = arith.addi %mul3A_1422, %add3A_1745 : i32
      %get3A_1747 = arith.index_cast %shift_right_arithmetic3A_1419 : i32 to index
      %get3A_1748 = arith.index_cast %add3A_1746 : i32 to index
      %get3A_1749 = tpu.vector_load %arg10[%get3A_1747, %get3A_1748] {strides = array<i32>} : memref<16x512xf32, #tpu.memory_space<vmem>>, vector<1x16xf32>,
      %get3A_1750 = vector.shape_cast %get3A_1749 : vector<1x16xf32> to vector<16xf32>
      %neg3A_1751 = arith.constant 0.000000e+00 : f32
      %neg3A_1752 = vector.broadcast %neg3A_1751 : f32 to vector<16xf32>
      %neg3A_1753 = arith.subf %neg3A_1752, %get3A_1750 : vector<16xf32>
      %exp3A_1754 = math.exp %neg3A_1753 : vector<16xf32>
      %add3A_1755 = arith.constant 1.000000e+00 : f32
      %add3A_1756 = vector.broadcast %add3A_1755 : f32 to vector<16xf32>
      %add3A_1757 = arith.addf %add3A_1756, %exp3A_1754 : vector<16xf32>
      %div3A_1758 = arith.constant 1.000000e+00 : f32
      %div3A_1759 = vector.broadcast %div3A_1758 : f32 to vector<16xf32>
      %div3A_1760 = arith.divf %div3A_1759, %add3A_1757 : vector<16xf32>
      %add3A_1761 = arith.constant 224 : i32
      %add3A_1762 = arith.addi %mul3A_1422, %add3A_1761 : i32
      %swap3A_1763 = arith.index_cast %shift_right_arithmetic3A_1419 : i32 to index
      %swap3A_1764 = arith.index_cast %add3A_1762 : i32 to index
      %swap3A_1765 = tpu.vector_load %arg10[%swap3A_1763, %swap3A_1764] {strides = array<i32>} : memref<16x512xf32, #tpu.memory_space<vmem>>, vector<1x16xf32>,
      %swap3A_1766 = vector.shape_cast %swap3A_1765 : vector<1x16xf32> to vector<16xf32>
      %swap3A_1767 = vector.shape_cast %div3A_1760 : vector<16xf32> to vector<1x16xf32>
      tpu.vector_store %arg10[%swap3A_1763, %swap3A_1764], %swap3A_1767 {strides = array<i32>} : memref<16x512xf32, #tpu.memory_space<vmem>>, vector<1x16xf32>,
      %add3A_1768 = arith.constant 240 : i32
      %add3A_1769 = arith.addi %mul3A_1422, %add3A_1768 : i32
      %get3A_1770 = arith.index_cast %shift_right_arithmetic3A_1419 : i32 to index
      %get3A_1771 = arith.index_cast %add3A_1769 : i32 to index
      %get3A_1772 = tpu.vector_load %arg10[%get3A_1770, %get3A_1771] {strides = array<i32>} : memref<16x512xf32, #tpu.memory_space<vmem>>, vector<1x16xf32>,
      %get3A_1773 = vector.shape_cast %get3A_1772 : vector<1x16xf32> to vector<16xf32>
      %neg3A_1774 = arith.constant 0.000000e+00 : f32
      %neg3A_1775 = vector.broadcast %neg3A_1774 : f32 to vector<16xf32>
      %neg3A_1776 = arith.subf %neg3A_1775, %get3A_1773 : vector<16xf32>
      %exp3A_1777 = math.exp %neg3A_1776 : vector<16xf32>
      %add3A_1778 = arith.constant 1.000000e+00 : f32
      %add3A_1779 = vector.broadcast %add3A_1778 : f32 to vector<16xf32>
      %add3A_1780 = arith.addf %add3A_1779, %exp3A_1777 : vector<16xf32>
      %div3A_1781 = arith.constant 1.000000e+00 : f32
      %div3A_1782 = vector.broadcast %div3A_1781 : f32 to vector<16xf32>
      %div3A_1783 = arith.divf %div3A_1782, %add3A_1780 : vector<16xf32>
      %add3A_1784 = arith.constant 240 : i32
      %add3A_1785 = arith.addi %mul3A_1422, %add3A_1784 : i32
      %swap3A_1786 = arith.index_cast %shift_right_arithmetic3A_1419 : i32 to index
      %swap3A_1787 = arith.index_cast %add3A_1785 : i32 to index
      %swap3A_1788 = tpu.vector_load %arg10[%swap3A_1786, %swap3A_1787] {strides = array<i32>} : memref<16x512xf32, #tpu.memory_space<vmem>>, vector<1x16xf32>,
      %swap3A_1789 = vector.shape_cast %swap3A_1788 : vector<1x16xf32> to vector<16xf32>
      %swap3A_1790 = vector.shape_cast %div3A_1783 : vector<16xf32> to vector<1x16xf32>
      tpu.vector_store %arg10[%swap3A_1786, %swap3A_1787], %swap3A_1790 {strides = array<i32>} : memref<16x512xf32, #tpu.memory_space<vmem>>, vector<1x16xf32>,
      %scan3A_1791 = arith.constant 0 : i32
      scf.yield %scan3A_1791 : i32
    }
    %scan3A_1102 = arith.constant 32 : i32
    %get3A_1103 = arith.constant 3 : i32
    %get3A_1104 = arith.index_cast %get3A_1103 : i32 to index
    %get3A_1105 = arith.constant 0 : index
    %get3A_1106 = tpu.vector_load %arg8[%get3A_1104, %get3A_1105] {strides = array<i32>} : memref<4x16xf32, #tpu.memory_space<vmem>>, vector<1x16xf32>,
    %get3A_1107 = vector.shape_cast %get3A_1106 : vector<1x16xf32> to vector<16xf32>
    %get3A_1108 = arith.constant 0 : i32
    %get3A_1109 = arith.index_cast %get3A_1108 : i32 to index
    %get3A_1110 = arith.constant 0 : index
    %get3A_1111 = tpu.vector_load %arg10[%get3A_1109, %get3A_1110] {strides = array<i32>} : memref<16x512xf32, #tpu.memory_space<vmem>>, vector<1x16xf32>,
    %get3A_1112 = vector.shape_cast %get3A_1111 : vector<1x16xf32> to vector<16xf32>
    %eq3A_1113 = arith.constant 0 : i32
    %eq3A_1114 = vector.broadcast %eq3A_1113 : i32 to vector<16xi32>
    %eq3A_1115 = arith.cmpi eq, %iota3A, %eq3A_1114 : vector<16xi32>
    %slice3A_1116 = vector.extract_strided_slice %get3A_1107 {offsets = [0], sizes = [1], strides = [1]} : vector<16xf32> to vector<1xf32>
    %squeeze3A_1117 = vector.extract %slice3A_1116[0] : f32 from vector<1xf32>
    %broadcast_in_dim3A_1118 = vector.broadcast %squeeze3A_1117 : f32 to vector<16xf32>
    %select_n3A_1119 = arith.select %eq3A_1115, %broadcast_in_dim3A_1118, %get3A_1112 : vector<16xi1>, vector<16xf32>
    %swap3A_1120 = arith.constant 0 : i32
    %swap3A_1121 = arith.index_cast %swap3A_1120 : i32 to index
    %swap3A_1122 = arith.constant 0 : index
    %swap3A_1123 = tpu.vector_load %arg10[%swap3A_1121, %swap3A_1122] {strides = array<i32>} : memref<16x512xf32, #tpu.memory_space<vmem>>, vector<1x16xf32>,
    %swap3A_1124 = vector.shape_cast %swap3A_1123 : vector<1x16xf32> to vector<16xf32>
    %swap3A_1125 = vector.shape_cast %select_n3A_1119 : vector<16xf32> to vector<1x16xf32>
    tpu.vector_store %arg10[%swap3A_1121, %swap3A_1122], %swap3A_1125 {strides = array<i32>} : memref<16x512xf32, #tpu.memory_space<vmem>>, vector<1x16xf32>,
    %get3A_1126 = arith.constant 1 : i32
    %get3A_1127 = arith.index_cast %get3A_1126 : i32 to index
    %get3A_1128 = arith.constant 0 : index
    %get3A_1129 = tpu.vector_load %arg10[%get3A_1127, %get3A_1128] {strides = array<i32>} : memref<16x512xf32, #tpu.memory_space<vmem>>, vector<1x16xf32>,
    %get3A_1130 = vector.shape_cast %get3A_1129 : vector<1x16xf32> to vector<16xf32>
    %eq3A_1131 = arith.constant 0 : i32
    %eq3A_1132 = vector.broadcast %eq3A_1131 : i32 to vector<16xi32>
    %eq3A_1133 = arith.cmpi eq, %iota3A, %eq3A_1132 : vector<16xi32>
    %slice3A_1134 = vector.extract_strided_slice %get3A_1107 {offsets = [1], sizes = [1], strides = [1]} : vector<16xf32> to vector<1xf32>
    %squeeze3A_1135 = vector.extract %slice3A_1134[0] : f32 from vector<1xf32>
    %broadcast_in_dim3A_1136 = vector.broadcast %squeeze3A_1135 : f32 to vector<16xf32>
    %select_n3A_1137 = arith.select %eq3A_1133, %broadcast_in_dim3A_1136, %get3A_1130 : vector<16xi1>, vector<16xf32>
    %swap3A_1138 = arith.constant 1 : i32
    %swap3A_1139 = arith.index_cast %swap3A_1138 : i32 to index
    %swap3A_1140 = arith.constant 0 : index
    %swap3A_1141 = tpu.vector_load %arg10[%swap3A_1139, %swap3A_1140] {strides = array<i32>} : memref<16x512xf32, #tpu.memory_space<vmem>>, vector<1x16xf32>,
    %swap3A_1142 = vector.shape_cast %swap3A_1141 : vector<1x16xf32> to vector<16xf32>
    %swap3A_1143 = vector.shape_cast %select_n3A_1137 : vector<16xf32> to vector<1x16xf32>
    tpu.vector_store %arg10[%swap3A_1139, %swap3A_1140], %swap3A_1143 {strides = array<i32>} : memref<16x512xf32, #tpu.memory_space<vmem>>, vector<1x16xf32>,
    %get3A_1144 = arith.constant 2 : i32
    %get3A_1145 = arith.index_cast %get3A_1144 : i32 to index
    %get3A_1146 = arith.constant 0 : index
    %get3A_1147 = tpu.vector_load %arg10[%get3A_1145, %get3A_1146] {strides = array<i32>} : memref<16x512xf32, #tpu.memory_space<vmem>>, vector<1x16xf32>,
    %get3A_1148 = vector.shape_cast %get3A_1147 : vector<1x16xf32> to vector<16xf32>
    %eq3A_1149 = arith.constant 0 : i32
    %eq3A_1150 = vector.broadcast %eq3A_1149 : i32 to vector<16xi32>
    %eq3A_1151 = arith.cmpi eq, %iota3A, %eq3A_1150 : vector<16xi32>
    %slice3A_1152 = vector.extract_strided_slice %get3A_1107 {offsets = [2], sizes = [1], strides = [1]} : vector<16xf32> to vector<1xf32>
    %squeeze3A_1153 = vector.extract %slice3A_1152[0] : f32 from vector<1xf32>
    %broadcast_in_dim3A_1154 = vector.broadcast %squeeze3A_1153 : f32 to vector<16xf32>
    %select_n3A_1155 = arith.select %eq3A_1151, %broadcast_in_dim3A_1154, %get3A_1148 : vector<16xi1>, vector<16xf32>
    %swap3A_1156 = arith.constant 2 : i32
    %swap3A_1157 = arith.index_cast %swap3A_1156 : i32 to index
    %swap3A_1158 = arith.constant 0 : index
    %swap3A_1159 = tpu.vector_load %arg10[%swap3A_1157, %swap3A_1158] {strides = array<i32>} : memref<16x512xf32, #tpu.memory_space<vmem>>, vector<1x16xf32>,
    %swap3A_1160 = vector.shape_cast %swap3A_1159 : vector<1x16xf32> to vector<16xf32>
    %swap3A_1161 = vector.shape_cast %select_n3A_1155 : vector<16xf32> to vector<1x16xf32>
    tpu.vector_store %arg10[%swap3A_1157, %swap3A_1158], %swap3A_1161 {strides = array<i32>} : memref<16x512xf32, #tpu.memory_space<vmem>>, vector<1x16xf32>,
    %get3A_1162 = arith.constant 3 : i32
    %get3A_1163 = arith.index_cast %get3A_1162 : i32 to index
    %get3A_1164 = arith.constant 0 : index
    %get3A_1165 = tpu.vector_load %arg10[%get3A_1163, %get3A_1164] {strides = array<i32>} : memref<16x512xf32, #tpu.memory_space<vmem>>, vector<1x16xf32>,
    %get3A_1166 = vector.shape_cast %get3A_1165 : vector<1x16xf32> to vector<16xf32>
    %eq3A_1167 = arith.constant 0 : i32
    %eq3A_1168 = vector.broadcast %eq3A_1167 : i32 to vector<16xi32>
    %eq3A_1169 = arith.cmpi eq, %iota3A, %eq3A_1168 : vector<16xi32>
    %slice3A_1170 = vector.extract_strided_slice %get3A_1107 {offsets = [3], sizes = [1], strides = [1]} : vector<16xf32> to vector<1xf32>
    %squeeze3A_1171 = vector.extract %slice3A_1170[0] : f32 from vector<1xf32>
    %broadcast_in_dim3A_1172 = vector.broadcast %squeeze3A_1171 : f32 to vector<16xf32>
    %select_n3A_1173 = arith.select %eq3A_1169, %broadcast_in_dim3A_1172, %get3A_1166 : vector<16xi1>, vector<16xf32>
    %swap3A_1174 = arith.constant 3 : i32
    %swap3A_1175 = arith.index_cast %swap3A_1174 : i32 to index
    %swap3A_1176 = arith.constant 0 : index
    %swap3A_1177 = tpu.vector_load %arg10[%swap3A_1175, %swap3A_1176] {strides = array<i32>} : memref<16x512xf32, #tpu.memory_space<vmem>>, vector<1x16xf32>,
    %swap3A_1178 = vector.shape_cast %swap3A_1177 : vector<1x16xf32> to vector<16xf32>
    %swap3A_1179 = vector.shape_cast %select_n3A_1173 : vector<16xf32> to vector<1x16xf32>
    tpu.vector_store %arg10[%swap3A_1175, %swap3A_1176], %swap3A_1179 {strides = array<i32>} : memref<16x512xf32, #tpu.memory_space<vmem>>, vector<1x16xf32>,
    %get3A_1180 = arith.constant 4 : i32
    %get3A_1181 = arith.index_cast %get3A_1180 : i32 to index
    %get3A_1182 = arith.constant 0 : index
    %get3A_1183 = tpu.vector_load %arg10[%get3A_1181, %get3A_1182] {strides = array<i32>} : memref<16x512xf32, #tpu.memory_space<vmem>>, vector<1x16xf32>,
    %get3A_1184 = vector.shape_cast %get3A_1183 : vector<1x16xf32> to vector<16xf32>
    %eq3A_1185 = arith.constant 0 : i32
    %eq3A_1186 = vector.broadcast %eq3A_1185 : i32 to vector<16xi32>
    %eq3A_1187 = arith.cmpi eq, %iota3A, %eq3A_1186 : vector<16xi32>
    %slice3A_1188 = vector.extract_strided_slice %get3A_1107 {offsets = [4], sizes = [1], strides = [1]} : vector<16xf32> to vector<1xf32>
    %squeeze3A_1189 = vector.extract %slice3A_1188[0] : f32 from vector<1xf32>
    %broadcast_in_dim3A_1190 = vector.broadcast %squeeze3A_1189 : f32 to vector<16xf32>
    %select_n3A_1191 = arith.select %eq3A_1187, %broadcast_in_dim3A_1190, %get3A_1184 : vector<16xi1>, vector<16xf32>
    %swap3A_1192 = arith.constant 4 : i32
    %swap3A_1193 = arith.index_cast %swap3A_1192 : i32 to index
    %swap3A_1194 = arith.constant 0 : index
    %swap3A_1195 = tpu.vector_load %arg10[%swap3A_1193, %swap3A_1194] {strides = array<i32>} : memref<16x512xf32, #tpu.memory_space<vmem>>, vector<1x16xf32>,
    %swap3A_1196 = vector.shape_cast %swap3A_1195 : vector<1x16xf32> to vector<16xf32>
    %swap3A_1197 = vector.shape_cast %select_n3A_1191 : vector<16xf32> to vector<1x16xf32>
    tpu.vector_store %arg10[%swap3A_1193, %swap3A_1194], %swap3A_1197 {strides = array<i32>} : memref<16x512xf32, #tpu.memory_space<vmem>>, vector<1x16xf32>,
    %get3A_1198 = arith.constant 5 : i32
    %get3A_1199 = arith.index_cast %get3A_1198 : i32 to index
    %get3A_1200 = arith.constant 0 : index
    %get3A_1201 = tpu.vector_load %arg10[%get3A_1199, %get3A_1200] {strides = array<i32>} : memref<16x512xf32, #tpu.memory_space<vmem>>, vector<1x16xf32>,
    %get3A_1202 = vector.shape_cast %get3A_1201 : vector<1x16xf32> to vector<16xf32>
    %eq3A_1203 = arith.constant 0 : i32
    %eq3A_1204 = vector.broadcast %eq3A_1203 : i32 to vector<16xi32>
    %eq3A_1205 = arith.cmpi eq, %iota3A, %eq3A_1204 : vector<16xi32>
    %slice3A_1206 = vector.extract_strided_slice %get3A_1107 {offsets = [5], sizes = [1], strides = [1]} : vector<16xf32> to vector<1xf32>
    %squeeze3A_1207 = vector.extract %slice3A_1206[0] : f32 from vector<1xf32>
    %broadcast_in_dim3A_1208 = vector.broadcast %squeeze3A_1207 : f32 to vector<16xf32>
    %select_n3A_1209 = arith.select %eq3A_1205, %broadcast_in_dim3A_1208, %get3A_1202 : vector<16xi1>, vector<16xf32>
    %swap3A_1210 = arith.constant 5 : i32
    %swap3A_1211 = arith.index_cast %swap3A_1210 : i32 to index
    %swap3A_1212 = arith.constant 0 : index
    %swap3A_1213 = tpu.vector_load %arg10[%swap3A_1211, %swap3A_1212] {strides = array<i32>} : memref<16x512xf32, #tpu.memory_space<vmem>>, vector<1x16xf32>,
    %swap3A_1214 = vector.shape_cast %swap3A_1213 : vector<1x16xf32> to vector<16xf32>
    %swap3A_1215 = vector.shape_cast %select_n3A_1209 : vector<16xf32> to vector<1x16xf32>
    tpu.vector_store %arg10[%swap3A_1211, %swap3A_1212], %swap3A_1215 {strides = array<i32>} : memref<16x512xf32, #tpu.memory_space<vmem>>, vector<1x16xf32>,
    %get3A_1216 = arith.constant 6 : i32
    %get3A_1217 = arith.index_cast %get3A_1216 : i32 to index
    %get3A_1218 = arith.constant 0 : index
    %get3A_1219 = tpu.vector_load %arg10[%get3A_1217, %get3A_1218] {strides = array<i32>} : memref<16x512xf32, #tpu.memory_space<vmem>>, vector<1x16xf32>,
    %get3A_1220 = vector.shape_cast %get3A_1219 : vector<1x16xf32> to vector<16xf32>
    %eq3A_1221 = arith.constant 0 : i32
    %eq3A_1222 = vector.broadcast %eq3A_1221 : i32 to vector<16xi32>
    %eq3A_1223 = arith.cmpi eq, %iota3A, %eq3A_1222 : vector<16xi32>
    %slice3A_1224 = vector.extract_strided_slice %get3A_1107 {offsets = [6], sizes = [1], strides = [1]} : vector<16xf32> to vector<1xf32>
    %squeeze3A_1225 = vector.extract %slice3A_1224[0] : f32 from vector<1xf32>
    %broadcast_in_dim3A_1226 = vector.broadcast %squeeze3A_1225 : f32 to vector<16xf32>
    %select_n3A_1227 = arith.select %eq3A_1223, %broadcast_in_dim3A_1226, %get3A_1220 : vector<16xi1>, vector<16xf32>
    %swap3A_1228 = arith.constant 6 : i32
    %swap3A_1229 = arith.index_cast %swap3A_1228 : i32 to index
    %swap3A_1230 = arith.constant 0 : index
    %swap3A_1231 = tpu.vector_load %arg10[%swap3A_1229, %swap3A_1230] {strides = array<i32>} : memref<16x512xf32, #tpu.memory_space<vmem>>, vector<1x16xf32>,
    %swap3A_1232 = vector.shape_cast %swap3A_1231 : vector<1x16xf32> to vector<16xf32>
    %swap3A_1233 = vector.shape_cast %select_n3A_1227 : vector<16xf32> to vector<1x16xf32>
    tpu.vector_store %arg10[%swap3A_1229, %swap3A_1230], %swap3A_1233 {strides = array<i32>} : memref<16x512xf32, #tpu.memory_space<vmem>>, vector<1x16xf32>,
    %get3A_1234 = arith.constant 7 : i32
    %get3A_1235 = arith.index_cast %get3A_1234 : i32 to index
    %get3A_1236 = arith.constant 0 : index
    %get3A_1237 = tpu.vector_load %arg10[%get3A_1235, %get3A_1236] {strides = array<i32>} : memref<16x512xf32, #tpu.memory_space<vmem>>, vector<1x16xf32>,
    %get3A_1238 = vector.shape_cast %get3A_1237 : vector<1x16xf32> to vector<16xf32>
    %eq3A_1239 = arith.constant 0 : i32
    %eq3A_1240 = vector.broadcast %eq3A_1239 : i32 to vector<16xi32>
    %eq3A_1241 = arith.cmpi eq, %iota3A, %eq3A_1240 : vector<16xi32>
    %slice3A_1242 = vector.extract_strided_slice %get3A_1107 {offsets = [7], sizes = [1], strides = [1]} : vector<16xf32> to vector<1xf32>
    %squeeze3A_1243 = vector.extract %slice3A_1242[0] : f32 from vector<1xf32>
    %broadcast_in_dim3A_1244 = vector.broadcast %squeeze3A_1243 : f32 to vector<16xf32>
    %select_n3A_1245 = arith.select %eq3A_1241, %broadcast_in_dim3A_1244, %get3A_1238 : vector<16xi1>, vector<16xf32>
    %swap3A_1246 = arith.constant 7 : i32
    %swap3A_1247 = arith.index_cast %swap3A_1246 : i32 to index
    %swap3A_1248 = arith.constant 0 : index
    %swap3A_1249 = tpu.vector_load %arg10[%swap3A_1247, %swap3A_1248] {strides = array<i32>} : memref<16x512xf32, #tpu.memory_space<vmem>>, vector<1x16xf32>,
    %swap3A_1250 = vector.shape_cast %swap3A_1249 : vector<1x16xf32> to vector<16xf32>
    %swap3A_1251 = vector.shape_cast %select_n3A_1245 : vector<16xf32> to vector<1x16xf32>
    tpu.vector_store %arg10[%swap3A_1247, %swap3A_1248], %swap3A_1251 {strides = array<i32>} : memref<16x512xf32, #tpu.memory_space<vmem>>, vector<1x16xf32>,
    %get3A_1252 = arith.constant 8 : i32
    %get3A_1253 = arith.index_cast %get3A_1252 : i32 to index
    %get3A_1254 = arith.constant 0 : index
    %get3A_1255 = tpu.vector_load %arg10[%get3A_1253, %get3A_1254] {strides = array<i32>} : memref<16x512xf32, #tpu.memory_space<vmem>>, vector<1x16xf32>,
    %get3A_1256 = vector.shape_cast %get3A_1255 : vector<1x16xf32> to vector<16xf32>
    %eq3A_1257 = arith.constant 0 : i32
    %eq3A_1258 = vector.broadcast %eq3A_1257 : i32 to vector<16xi32>
    %eq3A_1259 = arith.cmpi eq, %iota3A, %eq3A_1258 : vector<16xi32>
    %slice3A_1260 = vector.extract_strided_slice %get3A_1107 {offsets = [8], sizes = [1], strides = [1]} : vector<16xf32> to vector<1xf32>
    %squeeze3A_1261 = vector.extract %slice3A_1260[0] : f32 from vector<1xf32>
    %broadcast_in_dim3A_1262 = vector.broadcast %squeeze3A_1261 : f32 to vector<16xf32>
    %select_n3A_1263 = arith.select %eq3A_1259, %broadcast_in_dim3A_1262, %get3A_1256 : vector<16xi1>, vector<16xf32>
    %swap3A_1264 = arith.constant 8 : i32
    %swap3A_1265 = arith.index_cast %swap3A_1264 : i32 to index
    %swap3A_1266 = arith.constant 0 : index
    %swap3A_1267 = tpu.vector_load %arg10[%swap3A_1265, %swap3A_1266] {strides = array<i32>} : memref<16x512xf32, #tpu.memory_space<vmem>>, vector<1x16xf32>,
    %swap3A_1268 = vector.shape_cast %swap3A_1267 : vector<1x16xf32> to vector<16xf32>
    %swap3A_1269 = vector.shape_cast %select_n3A_1263 : vector<16xf32> to vector<1x16xf32>
    tpu.vector_store %arg10[%swap3A_1265, %swap3A_1266], %swap3A_1269 {strides = array<i32>} : memref<16x512xf32, #tpu.memory_space<vmem>>, vector<1x16xf32>,
    %get3A_1270 = arith.constant 9 : i32
    %get3A_1271 = arith.index_cast %get3A_1270 : i32 to index
    %get3A_1272 = arith.constant 0 : index
    %get3A_1273 = tpu.vector_load %arg10[%get3A_1271, %get3A_1272] {strides = array<i32>} : memref<16x512xf32, #tpu.memory_space<vmem>>, vector<1x16xf32>,
    %get3A_1274 = vector.shape_cast %get3A_1273 : vector<1x16xf32> to vector<16xf32>
    %eq3A_1275 = arith.constant 0 : i32
    %eq3A_1276 = vector.broadcast %eq3A_1275 : i32 to vector<16xi32>
    %eq3A_1277 = arith.cmpi eq, %iota3A, %eq3A_1276 : vector<16xi32>
    %slice3A_1278 = vector.extract_strided_slice %get3A_1107 {offsets = [9], sizes = [1], strides = [1]} : vector<16xf32> to vector<1xf32>
    %squeeze3A_1279 = vector.extract %slice3A_1278[0] : f32 from vector<1xf32>
    %broadcast_in_dim3A_1280 = vector.broadcast %squeeze3A_1279 : f32 to vector<16xf32>
    %select_n3A_1281 = arith.select %eq3A_1277, %broadcast_in_dim3A_1280, %get3A_1274 : vector<16xi1>, vector<16xf32>
    %swap3A_1282 = arith.constant 9 : i32
    %swap3A_1283 = arith.index_cast %swap3A_1282 : i32 to index
    %swap3A_1284 = arith.constant 0 : index
    %swap3A_1285 = tpu.vector_load %arg10[%swap3A_1283, %swap3A_1284] {strides = array<i32>} : memref<16x512xf32, #tpu.memory_space<vmem>>, vector<1x16xf32>,
    %swap3A_1286 = vector.shape_cast %swap3A_1285 : vector<1x16xf32> to vector<16xf32>
    %swap3A_1287 = vector.shape_cast %select_n3A_1281 : vector<16xf32> to vector<1x16xf32>
    tpu.vector_store %arg10[%swap3A_1283, %swap3A_1284], %swap3A_1287 {strides = array<i32>} : memref<16x512xf32, #tpu.memory_space<vmem>>, vector<1x16xf32>,
    %get3A_1288 = arith.constant 10 : i32
    %get3A_1289 = arith.index_cast %get3A_1288 : i32 to index
    %get3A_1290 = arith.constant 0 : index
    %get3A_1291 = tpu.vector_load %arg10[%get3A_1289, %get3A_1290] {strides = array<i32>} : memref<16x512xf32, #tpu.memory_space<vmem>>, vector<1x16xf32>,
    %get3A_1292 = vector.shape_cast %get3A_1291 : vector<1x16xf32> to vector<16xf32>
    %eq3A_1293 = arith.constant 0 : i32
    %eq3A_1294 = vector.broadcast %eq3A_1293 : i32 to vector<16xi32>
    %eq3A_1295 = arith.cmpi eq, %iota3A, %eq3A_1294 : vector<16xi32>
    %slice3A_1296 = vector.extract_strided_slice %get3A_1107 {offsets = [10], sizes = [1], strides = [1]} : vector<16xf32> to vector<1xf32>
    %squeeze3A_1297 = vector.extract %slice3A_1296[0] : f32 from vector<1xf32>
    %broadcast_in_dim3A_1298 = vector.broadcast %squeeze3A_1297 : f32 to vector<16xf32>
    %select_n3A_1299 = arith.select %eq3A_1295, %broadcast_in_dim3A_1298, %get3A_1292 : vector<16xi1>, vector<16xf32>
    %swap3A_1300 = arith.constant 10 : i32
    %swap3A_1301 = arith.index_cast %swap3A_1300 : i32 to index
    %swap3A_1302 = arith.constant 0 : index
    %swap3A_1303 = tpu.vector_load %arg10[%swap3A_1301, %swap3A_1302] {strides = array<i32>} : memref<16x512xf32, #tpu.memory_space<vmem>>, vector<1x16xf32>,
    %swap3A_1304 = vector.shape_cast %swap3A_1303 : vector<1x16xf32> to vector<16xf32>
    %swap3A_1305 = vector.shape_cast %select_n3A_1299 : vector<16xf32> to vector<1x16xf32>
    tpu.vector_store %arg10[%swap3A_1301, %swap3A_1302], %swap3A_1305 {strides = array<i32>} : memref<16x512xf32, #tpu.memory_space<vmem>>, vector<1x16xf32>,
    %get3A_1306 = arith.constant 11 : i32
    %get3A_1307 = arith.index_cast %get3A_1306 : i32 to index
    %get3A_1308 = arith.constant 0 : index
    %get3A_1309 = tpu.vector_load %arg10[%get3A_1307, %get3A_1308] {strides = array<i32>} : memref<16x512xf32, #tpu.memory_space<vmem>>, vector<1x16xf32>,
    %get3A_1310 = vector.shape_cast %get3A_1309 : vector<1x16xf32> to vector<16xf32>
    %eq3A_1311 = arith.constant 0 : i32
    %eq3A_1312 = vector.broadcast %eq3A_1311 : i32 to vector<16xi32>
    %eq3A_1313 = arith.cmpi eq, %iota3A, %eq3A_1312 : vector<16xi32>
    %slice3A_1314 = vector.extract_strided_slice %get3A_1107 {offsets = [11], sizes = [1], strides = [1]} : vector<16xf32> to vector<1xf32>
    %squeeze3A_1315 = vector.extract %slice3A_1314[0] : f32 from vector<1xf32>
    %broadcast_in_dim3A_1316 = vector.broadcast %squeeze3A_1315 : f32 to vector<16xf32>
    %select_n3A_1317 = arith.select %eq3A_1313, %broadcast_in_dim3A_1316, %get3A_1310 : vector<16xi1>, vector<16xf32>
    %swap3A_1318 = arith.constant 11 : i32
    %swap3A_1319 = arith.index_cast %swap3A_1318 : i32 to index
    %swap3A_1320 = arith.constant 0 : index
    %swap3A_1321 = tpu.vector_load %arg10[%swap3A_1319, %swap3A_1320] {strides = array<i32>} : memref<16x512xf32, #tpu.memory_space<vmem>>, vector<1x16xf32>,
    %swap3A_1322 = vector.shape_cast %swap3A_1321 : vector<1x16xf32> to vector<16xf32>
    %swap3A_1323 = vector.shape_cast %select_n3A_1317 : vector<16xf32> to vector<1x16xf32>
    tpu.vector_store %arg10[%swap3A_1319, %swap3A_1320], %swap3A_1323 {strides = array<i32>} : memref<16x512xf32, #tpu.memory_space<vmem>>, vector<1x16xf32>,
    %get3A_1324 = arith.constant 12 : i32
    %get3A_1325 = arith.index_cast %get3A_1324 : i32 to index
    %get3A_1326 = arith.constant 0 : index
    %get3A_1327 = tpu.vector_load %arg10[%get3A_1325, %get3A_1326] {strides = array<i32>} : memref<16x512xf32, #tpu.memory_space<vmem>>, vector<1x16xf32>,
    %get3A_1328 = vector.shape_cast %get3A_1327 : vector<1x16xf32> to vector<16xf32>
    %eq3A_1329 = arith.constant 0 : i32
    %eq3A_1330 = vector.broadcast %eq3A_1329 : i32 to vector<16xi32>
    %eq3A_1331 = arith.cmpi eq, %iota3A, %eq3A_1330 : vector<16xi32>
    %slice3A_1332 = vector.extract_strided_slice %get3A_1107 {offsets = [12], sizes = [1], strides = [1]} : vector<16xf32> to vector<1xf32>
    %squeeze3A_1333 = vector.extract %slice3A_1332[0] : f32 from vector<1xf32>
    %broadcast_in_dim3A_1334 = vector.broadcast %squeeze3A_1333 : f32 to vector<16xf32>
    %select_n3A_1335 = arith.select %eq3A_1331, %broadcast_in_dim3A_1334, %get3A_1328 : vector<16xi1>, vector<16xf32>
    %swap3A_1336 = arith.constant 12 : i32
    %swap3A_1337 = arith.index_cast %swap3A_1336 : i32 to index
    %swap3A_1338 = arith.constant 0 : index
    %swap3A_1339 = tpu.vector_load %arg10[%swap3A_1337, %swap3A_1338] {strides = array<i32>} : memref<16x512xf32, #tpu.memory_space<vmem>>, vector<1x16xf32>,
    %swap3A_1340 = vector.shape_cast %swap3A_1339 : vector<1x16xf32> to vector<16xf32>
    %swap3A_1341 = vector.shape_cast %select_n3A_1335 : vector<16xf32> to vector<1x16xf32>
    tpu.vector_store %arg10[%swap3A_1337, %swap3A_1338], %swap3A_1341 {strides = array<i32>} : memref<16x512xf32, #tpu.memory_space<vmem>>, vector<1x16xf32>,
    %get3A_1342 = arith.constant 13 : i32
    %get3A_1343 = arith.index_cast %get3A_1342 : i32 to index
    %get3A_1344 = arith.constant 0 : index
    %get3A_1345 = tpu.vector_load %arg10[%get3A_1343, %get3A_1344] {strides = array<i32>} : memref<16x512xf32, #tpu.memory_space<vmem>>, vector<1x16xf32>,
    %get3A_1346 = vector.shape_cast %get3A_1345 : vector<1x16xf32> to vector<16xf32>
    %eq3A_1347 = arith.constant 0 : i32
    %eq3A_1348 = vector.broadcast %eq3A_1347 : i32 to vector<16xi32>
    %eq3A_1349 = arith.cmpi eq, %iota3A, %eq3A_1348 : vector<16xi32>
    %slice3A_1350 = vector.extract_strided_slice %get3A_1107 {offsets = [13], sizes = [1], strides = [1]} : vector<16xf32> to vector<1xf32>
    %squeeze3A_1351 = vector.extract %slice3A_1350[0] : f32 from vector<1xf32>
    %broadcast_in_dim3A_1352 = vector.broadcast %squeeze3A_1351 : f32 to vector<16xf32>
    %select_n3A_1353 = arith.select %eq3A_1349, %broadcast_in_dim3A_1352, %get3A_1346 : vector<16xi1>, vector<16xf32>
    %swap3A_1354 = arith.constant 13 : i32
    %swap3A_1355 = arith.index_cast %swap3A_1354 : i32 to index
    %swap3A_1356 = arith.constant 0 : index
    %swap3A_1357 = tpu.vector_load %arg10[%swap3A_1355, %swap3A_1356] {strides = array<i32>} : memref<16x512xf32, #tpu.memory_space<vmem>>, vector<1x16xf32>,
    %swap3A_1358 = vector.shape_cast %swap3A_1357 : vector<1x16xf32> to vector<16xf32>
    %swap3A_1359 = vector.shape_cast %select_n3A_1353 : vector<16xf32> to vector<1x16xf32>
    tpu.vector_store %arg10[%swap3A_1355, %swap3A_1356], %swap3A_1359 {strides = array<i32>} : memref<16x512xf32, #tpu.memory_space<vmem>>, vector<1x16xf32>,
    %get3A_1360 = arith.constant 14 : i32
    %get3A_1361 = arith.index_cast %get3A_1360 : i32 to index
    %get3A_1362 = arith.constant 0 : index
    %get3A_1363 = tpu.vector_load %arg10[%get3A_1361, %get3A_1362] {strides = array<i32>} : memref<16x512xf32, #tpu.memory_space<vmem>>, vector<1x16xf32>,
    %get3A_1364 = vector.shape_cast %get3A_1363 : vector<1x16xf32> to vector<16xf32>
    %eq3A_1365 = arith.constant 0 : i32
    %eq3A_1366 = vector.broadcast %eq3A_1365 : i32 to vector<16xi32>
    %eq3A_1367 = arith.cmpi eq, %iota3A, %eq3A_1366 : vector<16xi32>
    %slice3A_1368 = vector.extract_strided_slice %get3A_1107 {offsets = [14], sizes = [1], strides = [1]} : vector<16xf32> to vector<1xf32>
    %squeeze3A_1369 = vector.extract %slice3A_1368[0] : f32 from vector<1xf32>
    %broadcast_in_dim3A_1370 = vector.broadcast %squeeze3A_1369 : f32 to vector<16xf32>
    %select_n3A_1371 = arith.select %eq3A_1367, %broadcast_in_dim3A_1370, %get3A_1364 : vector<16xi1>, vector<16xf32>
    %swap3A_1372 = arith.constant 14 : i32
    %swap3A_1373 = arith.index_cast %swap3A_1372 : i32 to index
    %swap3A_1374 = arith.constant 0 : index
    %swap3A_1375 = tpu.vector_load %arg10[%swap3A_1373, %swap3A_1374] {strides = array<i32>} : memref<16x512xf32, #tpu.memory_space<vmem>>, vector<1x16xf32>,
    %swap3A_1376 = vector.shape_cast %swap3A_1375 : vector<1x16xf32> to vector<16xf32>
    %swap3A_1377 = vector.shape_cast %select_n3A_1371 : vector<16xf32> to vector<1x16xf32>
    tpu.vector_store %arg10[%swap3A_1373, %swap3A_1374], %swap3A_1377 {strides = array<i32>} : memref<16x512xf32, #tpu.memory_space<vmem>>, vector<1x16xf32>,
    %get3A_1378 = arith.constant 15 : i32
    %get3A_1379 = arith.index_cast %get3A_1378 : i32 to index
    %get3A_1380 = arith.constant 0 : index
    %get3A_1381 = tpu.vector_load %arg10[%get3A_1379, %get3A_1380] {strides = array<i32>} : memref<16x512xf32, #tpu.memory_space<vmem>>, vector<1x16xf32>,
    %get3A_1382 = vector.shape_cast %get3A_1381 : vector<1x16xf32> to vector<16xf32>
    %eq3A_1383 = arith.constant 0 : i32
    %eq3A_1384 = vector.broadcast %eq3A_1383 : i32 to vector<16xi32>
    %eq3A_1385 = arith.cmpi eq, %iota3A, %eq3A_1384 : vector<16xi32>
    %slice3A_1386 = vector.extract_strided_slice %get3A_1107 {offsets = [15], sizes = [1], strides = [1]} : vector<16xf32> to vector<1xf32>
    %squeeze3A_1387 = vector.extract %slice3A_1386[0] : f32 from vector<1xf32>
    %broadcast_in_dim3A_1388 = vector.broadcast %squeeze3A_1387 : f32 to vector<16xf32>
    %select_n3A_1389 = arith.select %eq3A_1385, %broadcast_in_dim3A_1388, %get3A_1382 : vector<16xi1>, vector<16xf32>
    %swap3A_1390 = arith.constant 15 : i32
    %swap3A_1391 = arith.index_cast %swap3A_1390 : i32 to index
    %swap3A_1392 = arith.constant 0 : index
    %swap3A_1393 = tpu.vector_load %arg10[%swap3A_1391, %swap3A_1392] {strides = array<i32>} : memref<16x512xf32, #tpu.memory_space<vmem>>, vector<1x16xf32>,
    %swap3A_1394 = vector.shape_cast %swap3A_1393 : vector<1x16xf32> to vector<16xf32>
    %swap3A_1395 = vector.shape_cast %select_n3A_1389 : vector<16xf32> to vector<1x16xf32>
    tpu.vector_store %arg10[%swap3A_1391, %swap3A_1392], %swap3A_1395 {strides = array<i32>} : memref<16x512xf32, #tpu.memory_space<vmem>>, vector<1x16xf32>,
    %dma_start3A_1396 = arith.constant 3 : i32
    %dma_start3A_1397 = arith.constant 0 : i32
    %dma_start3A_1398 = tpu.memref_slice %arg5[%dma_start3A_1396, %mul3A_2, %dma_start3A_1397] : memref<4x512x512xf32, #tpu.memory_space<hbm>> -> memref<1x16x512xf32, #tpu.memory_space<hbm>>
    %dma_start3A_1399 = tpu.memref_squeeze %dma_start3A_1398 : memref<1x16x512xf32, #tpu.memory_space<hbm>> -> memref<16x512xf32, #tpu.memory_space<hbm>>
    %dma_start3A_1400 = arith.constant 0 : i32
    %dma_start3A_1401 = tpu.memref_slice %arg5[%dma_start3A_1396, %mul3A_2, %dma_start3A_1400] : memref<4x512x512xf32, #tpu.memory_space<hbm>> -> memref<1x16x512xf32, #tpu.memory_space<hbm>>
    %dma_start3A_1402 = tpu.memref_squeeze %dma_start3A_1401 : memref<1x16x512xf32, #tpu.memory_space<hbm>> -> memref<16x512xf32, #tpu.memory_space<hbm>>
    tpu.enqueue_dma source(%arg10 : memref<16x512xf32, #tpu.memory_space<vmem>>) target(%dma_start3A_1402 : memref<16x512xf32, #tpu.memory_space<hbm>>) target_semaphore(%arg14 : memref<!tpu.dma_semaphore, #tpu.memory_space<semaphore_mem>>)
    %dma_wait3A_1403 = arith.constant 2 : i32
    %dma_wait3A_1404 = arith.constant 0 : i32
    %dma_wait3A_1405 = tpu.memref_slice %arg5[%dma_wait3A_1403, %mul3A_2, %dma_wait3A_1404] : memref<4x512x512xf32, #tpu.memory_space<hbm>> -> memref<1x16x512xf32, #tpu.memory_space<hbm>>
    %dma_wait3A_1406 = tpu.memref_squeeze %dma_wait3A_1405 : memref<1x16x512xf32, #tpu.memory_space<hbm>> -> memref<16x512xf32, #tpu.memory_space<hbm>>
    %dma_wait3A_1407 = arith.constant 0 : i32
    %dma_wait3A_1408 = tpu.memref_slice %arg5[%dma_wait3A_1403, %mul3A_2, %dma_wait3A_1407] : memref<4x512x512xf32, #tpu.memory_space<hbm>> -> memref<1x16x512xf32, #tpu.memory_space<hbm>>
    %dma_wait3A_1409 = tpu.memref_squeeze %dma_wait3A_1408 : memref<1x16x512xf32, #tpu.memory_space<hbm>> -> memref<16x512xf32, #tpu.memory_space<hbm>>
    tpu.wait_dma2 semaphore(%arg13 : memref<!tpu.dma_semaphore, #tpu.memory_space<semaphore_mem>>) src(%arg9 : memref<16x512xf32, #tpu.memory_space<vmem>>) dst(%dma_wait3A_1409 : memref<16x512xf32, #tpu.memory_space<hbm>>)
    %dma_wait3A_1410 = arith.constant 3 : i32
    %dma_wait3A_1411 = arith.constant 0 : i32
    %dma_wait3A_1412 = tpu.memref_slice %arg5[%dma_wait3A_1410, %mul3A_2, %dma_wait3A_1411] : memref<4x512x512xf32, #tpu.memory_space<hbm>> -> memref<1x16x512xf32, #tpu.memory_space<hbm>>
    %dma_wait3A_1413 = tpu.memref_squeeze %dma_wait3A_1412 : memref<1x16x512xf32, #tpu.memory_space<hbm>> -> memref<16x512xf32, #tpu.memory_space<hbm>>
    %dma_wait3A_1414 = arith.constant 0 : i32
    %dma_wait3A_1415 = tpu.memref_slice %arg5[%dma_wait3A_1410, %mul3A_2, %dma_wait3A_1414] : memref<4x512x512xf32, #tpu.memory_space<hbm>> -> memref<1x16x512xf32, #tpu.memory_space<hbm>>
    %dma_wait3A_1416 = tpu.memref_squeeze %dma_wait3A_1415 : memref<1x16x512xf32, #tpu.memory_space<hbm>> -> memref<16x512xf32, #tpu.memory_space<hbm>>
    tpu.wait_dma2 semaphore(%arg14 : memref<!tpu.dma_semaphore, #tpu.memory_space<semaphore_mem>>) src(%arg10 : memref<16x512xf32, #tpu.memory_space<vmem>>) dst(%dma_wait3A_1416 : memref<16x512xf32, #tpu.memory_space<hbm>>)
    return
  }
}

</mosaic_0001>

<sc_bundles>
// kernel: kernel.3.cloned.1.call-start
scs
__scs_entry_jumppad:
0x0: {  	(pc) =	sbr.rel $0x88, $3  }
0x1: {  	(tag) =	ssettag $0x0;
	lr =	simm.s32 $0x1  }
0x2: {  	[smem:$0x3F9F] =	sst lr;
	_ =	strace $0xD0000000  }
0x3: {  	_ = 	snop  }
0x4: {  	_ = 	snop  }
0x5: {  	_ = 	snop  }
0x6: {  	_ = 	snop  }
0x7: {  	_ = 	snop  }
__scs_overlays_trampoline_lowered:
0x8: {  	[smem:$0x3FAE] =	sst s0  }
0x9: {  	[smem:$0x3FAF] =	sst s1  }
0xa: {  	[smem:$0x3FB0] =	sst s2  }
0xb: {  	[smem:$0x3FB1] =	sst s3  }
0xc: {  	[smem:$0x3FB2] =	sst s4  }
0xd: {  	[smem:$0x3FB3] =	sst s5  }
0xe: {  	[smem:$0x3FB4] =	sst s6  }
0xf: {  	[smem:$0x3FB5] =	sst s7  }
0x10: {  	[smem:$0x3FB6] =	sst s8  }
0x11: {  	[smem:$0x3FB7] =	sst s9;
	s0 =	simm.s32 @!p0 $0x0  }
0x12: {  	s1 =	sld [smem:$0x3F9D];
	s0 =	simm.s32 @p0 $0x1  }
0x13: {  	[smem:$0x3FB8] =	sst s0;
	s0 =	simm.s32 @!p1 $0x0  }
0x14: {  	s2 =	sld [smem:$0x3F9C];
	s0 =	simm.s32 @p1 $0x1  }
0x15: {  	[smem:$0x3FB9] =	sst s0;
	s0 =	simm.s32 @!p2 $0x0  }
0x16: {  	s3 =	sld [smem:$0x3FDB];
	s0 =	simm.s32 @p2 $0x1  }
0x17: {  	s4 =	simm.s32 $0x1BF5;
	[smem:$0x3FBB] =	sst s0  }
0x18: {  	s0 =	sld [smem:$0x3F9E];
	_ =	swait.ge [sflag:s4], $0x0  }
0x19: {  	s7 =	sld [smem:$0x3F9F]  }
0x1a: {  	s8 =	sadd.s32 $0xFFFFE003, lr  }
0x1b: {  	s9 =	sadd.s32 $0xFFFFFEF7, lr;
	s5 =	simm.s32 $0xFFFFFFFF;
	p2 =	slt.u32 s8, $0xFFFFF086  }
0x1c: {  	p1 =	slt.u32 s9, $0xF7A;
	s5 =	simm.s32 @!p2 $0x0  }
0x1d: {  	s5 =	simm.s32 @p1 $0x1;
	p0 =	seq.s32 s7, s2  }
0x1e: {  	s7 =	smul.u32 @!p0 $0xF7A, s2;
	p2 =	seq.s32 @!p0 s5, $0x0  }
0x1f: {  	s9 =	smul.u32 $0xF7A, s1;
	s8 =	simm.s32 @!p0 $0x1BF5;
	p2 =	por !p2, p0  }
0x20: {  	[sflag:s8] =	ssyncset.s32 @!p0 $0xFFFFF086;
	s6 =	sadd.s32 @!p0 s3, s7;
	s7 =	simm.s32 @!p0 $0x108  }
0x21: {  	s3 =	sadd.s32 s3, s9;
	s6 =	sadd.s32 @!p0 $0x88, s6;
	s7 =	simm.s32 @p2 $0x1082  }
0x22: {  	[simem:s7], [sflag:s8] =	dma.local @!p0 [hbm:s6], $0xF7A  }
0x23: {  	s9 =	sor.u32 $0xD0000000, s2;
	s6 =	simm.s32 $0x108;
	_ =	swait.ge @!p0 [sflag:s8], $0x0  }
0x24: {  	s3 =	sadd.s32 $0x88, s3;
	s6 =	simm.s32 @!p1 $0x1082;
	[sflag:s4] =	ssyncset.s32 $0xFFFFF086  }
0x25: {  	[simem:s6], [sflag:s4] =	dma.local [hbm:s3], $0xF7A  }
0x26: {  	[smem:$0x3F9F] =	sst s1;
	(tag) =	ssettag s2;
	_ =	strace s9  }
0x27: {  	s1 =	sld [smem:$0x3FAF]  }
0x28: {  	s2 =	sld [smem:$0x3FB0]  }
0x29: {  	s4 =	sld [smem:$0x3FB2]  }
0x2a: {  	p0 =	seq.s32 s5, $0x0;
	s5 =	sld [smem:$0x3FB3]  }
0x2b: {  	s6 =	sld [smem:$0x3FB4]  }
0x2c: {  	s7 =	sld [smem:$0x3FB5]  }
0x2d: {  	s3 =	simm.s32 $0x108;
	s8 =	sld [smem:$0x3FB6]  }
0x2e: {  	s3 =	simm.s32 @!p0 $0x1082;
	s9 =	sld [smem:$0x3FB7]  }
0x2f: {  	lr =	sadd.s32 s0, s3;
	s0 =	sld [smem:$0x3FAE]  }
0x30: {  	s3 =	sld [smem:$0x3FB1]  }
0x31: {  	[smem:$0x3FBA] =	sst s10  }
0x32: {  	s10 =	sld [smem:$0x3FB8];
	_ =	sdelay $0x3  }
0x33: {  	p0 =	seq.s32 s10, $0x1;
	s10 =	sld [smem:$0x3FBA];
	_ =	sdelay $0x3  }
0x34: {  	[smem:$0x3FBA] =	sst s10  }
0x35: {  	s10 =	sld [smem:$0x3FB9];
	_ =	sdelay $0x3  }
0x36: {  	p1 =	seq.s32 s10, $0x1;
	s10 =	sld [smem:$0x3FBA];
	_ =	sdelay $0x3  }
0x37: {  	[smem:$0x3FBA] =	sst s10  }
0x38: {  	s10 =	sld [smem:$0x3FBB]  }
0x39: {  	_ = 	snop;
	(pc) =	sbr.ind lr, $3  }
0x3a: {  	_ = 	snop  }
0x3b: {  	_ = 	snop  }
0x3c: {  	p2 =	seq.s32 s10, $0x1;
	s10 =	sld [smem:$0x3FBA]  }
0x3d: {  	_ =	shalt  }
0x3e: {  	_ =	shalt  }
0x3f: {  	_ =	shalt  }
0x40: {  	_ =	shalt  }
0x41: {  	_ =	shalt  }
0x42: {  	_ =	shalt  }
0x43: {  	_ =	shalt  }
0x44: {  	_ =	shalt  }
0x45: {  	_ =	shalt  }
0x46: {  	_ =	shalt  }
0x47: {  	_ =	shalt  }
0x48: {  	_ =	shalt  }
0x49: {  	_ =	shalt  }
0x4a: {  	_ =	shalt  }
0x4b: {  	_ =	shalt  }
0x4c: {  	_ =	shalt  }
0x4d: {  	_ =	shalt  }
0x4e: {  	_ =	shalt  }
0x4f: {  	_ =	shalt  }
0x50: {  	_ =	shalt  }
0x51: {  	_ =	shalt  }
0x52: {  	_ =	shalt  }
0x53: {  	_ =	shalt  }
0x54: {  	_ =	shalt  }
0x55: {  	_ =	shalt  }
0x56: {  	_ =	shalt  }
0x57: {  	_ =	shalt  }
0x58: {  	_ =	shalt  }
0x59: {  	_ =	shalt  }
0x5a: {  	_ =	shalt  }
0x5b: {  	_ =	shalt  }
0x5c: {  	_ =	shalt  }
0x5d: {  	_ =	shalt  }
0x5e: {  	_ =	shalt  }
0x5f: {  	_ =	shalt  }
0x60: {  	_ =	shalt  }
0x61: {  	_ =	shalt  }
0x62: {  	_ =	shalt  }
0x63: {  	_ =	shalt  }
0x64: {  	_ =	shalt  }
0x65: {  	_ =	shalt  }
0x66: {  	_ =	shalt  }
0x67: {  	_ =	shalt  }
0x68: {  	_ =	shalt  }
0x69: {  	_ =	shalt  }
0x6a: {  	_ =	shalt  }
0x6b: {  	_ =	shalt  }
0x6c: {  	_ =	shalt  }
0x6d: {  	_ =	shalt  }
0x6e: {  	_ =	shalt  }
0x6f: {  	_ =	shalt  }
0x70: {  	_ =	shalt  }
0x71: {  	_ =	shalt  }
0x72: {  	_ =	shalt  }
0x73: {  	_ =	shalt  }
0x74: {  	_ =	shalt  }
0x75: {  	_ =	shalt  }
0x76: {  	_ =	shalt  }
0x77: {  	_ =	shalt  }
0x78: {  	_ =	shalt  }
0x79: {  	_ =	shalt  }
0x7a: {  	_ =	shalt  }
0x7b: {  	_ =	shalt  }
0x7c: {  	_ =	shalt  }
0x7d: {  	_ =	shalt  }
0x7e: {  	_ =	shalt  }
0x7f: {  	_ =	shalt  }
0x80: {  	_ =	shalt  }
0x81: {  	_ =	shalt  }
0x82: {  	_ =	shalt  }
0x83: {  	_ =	shalt  }
0x84: {  	_ =	shalt  }
0x85: {  	_ =	shalt  }
0x86: {  	_ =	shalt  }
0x87: {  	_ =	shalt  }
.Lfunc_end0:
.L_simem_size_0:
called_computation_lowered:
.L_overlay_start_0:
0x88: {  	s2 =	sld [smem:$0x3FD9]  }
0x89: {  	s3 =	sld [smem:$0x3FFE];
	_ =	sdelay $0x1  }
0x8a: {  	s1 =	srdreg.scid  }
0x8b: {  	s0 =	sand.u32 $0x1, s1  }
0x8c: {  	s17 =	sshll.u32 s0, $0xA;
	s2 =	sadd.s32 s3, s2  }
0x8d: {  	s2 =	sadd.s32 s2, s17  }
0x8e: {  	[smem:$0x3FC6] =	sst s2  }
0x8f: {  	_ = 	snop  }
0x90: {  	s2 =	sld [smem:$0x3FC8]  }
0x91: {  	s18 =	sld [smem:$0x3FD0];
	(tm) =	ssettm $0x1  }
0x92: {  	s4 =	sld [smem:$0x3FFB];
	_ =	sdelay $0x3  }
0x93: {  	_ =	strace s4  }
0x94: {  	s4 =	sld [smem:$0x3FFC];
	_ =	sdelay $0x3  }
0x95: {  	_ =	strace s4  }
0x96: {  	s4 =	sld [smem:$0x3FFD];
	_ =	sdelay $0x3  }
0x97: {  	_ =	strace s4  }
0x98: {  	_ =	strace $0x8FFFFFFF  }
0x99: {  	s19 =	sld [smem:$0x3FDB];
	_ =	sdelay $0x1  }
0x9a: {  	s5 =	simm.s32 $_scs_section_size  }
0x9b: {  	s6 =	simm.s32 $_size__tile_overlayer_lowered;
	s7 =	simm.s32 $_tile_overlayer_lowered  }
0x9c: {  	s22 =	simm.s32 $0x1BFF;
	s21 =	sshll.u32 s7, $0x1;
	s4 =	sadd.s32 s5, s19  }
0x9d: {  	s8 =	simm.s32 $0x0;
	s20 =	sshll.u32 s6, $0x1;
	s6 =	sadd.s32 s21, s4  }
0x9e: {  	[timem:s8], [sflag:s22] =	dma.local [hbm:s6], s20  }
0x9f: {  	_ =	swait.ge [sflag:s22], s20  }
0xa0: {  	s5 =	ssub.s32 $0x0, s20;
	[sflag:s22] =	ssyncset.done $0x0  }
0xa1: {  	[sflag:s22] =	ssyncadd.s32 s5;
	_ =	sdelay $0x1  }
0xa2: {  	s23 =	simm.s32 $0x1B8B  }
0xa3: {  	_ =	swait.ge [sflag:s23], $0x1  }
0xa4: {  	[sflag:s23] =	ssyncset.done $0x0  }
0xa5: {  	s25 =	simm.s32 $0x1B8E;
	s24 =	sld [smem:$0x3FFE];
	[sflag:s23] =	ssyncadd.s32 $0xFFFFFFFF  }
0xa6: {  	s26 =	simm.s32 $execute0_lowered;
	[smem:$0x3FD2] =	sst s25  }
0xa7: {  	s6 =	sshll.u32 s26, $0x1;
	_ =	strace $0x80000046;
	[dreg:$0x1] =	wrdreg $0xFFFFFFFF  }
0xa8: {  	s28 =	simm.s32 $_size_execute0_lowered;
	s4 =	sadd.s32 s4, s6;
	[dreg:$0x0] =	wrdreg $0x0  }
0xa9: {  	s6 =	sshll.u32 s28, $0x1;
	[dreg:$0x2] =	wrdreg s4  }
0xaa: {  	[dreg:$0x3] =	wrdreg s6  }
0xab: {  	[dreg:$0x4] =	wrdreg $0xC0  }
0xac: {  	_ =	task [dreg:s8], $0x5FFFF  }
0xad: {  	[dreg:$0x1] =	wrdreg $0xFFFFFFFF  }
0xae: {  	[dreg:$0x0] =	wrdreg $0x60  }
0xaf: {  	[dreg:$0x2] =	wrdreg s24  }
0xb0: {  	[dreg:$0x3] =	wrdreg s18  }
0xb1: {  	[dreg:$0x4] =	wrdreg s2  }
0xb2: {  	[dreg:$0x5] =	wrdreg $0x9  }
0xb3: {  	_ =	task.clear_ibuf [dreg:s8], $0x6FFFF;
	_ =	strace $0x90000046  }
0xb4: {  	s29 =	simm.s32 $0x9;
	_ =	strace $0x80000048  }
0xb5: {  	_ =	swait.ge [sflag:s29], $0x1  }
0xb6: {  	[sflag:s29] =	ssyncadd.s32 $0xFFFFFFFF  }
0xb7: {  	_ =	strace $0x90000048  }
0xb8: {  	_ =	sfence  }
0xb9: {  	s30 =	sld [smem:$0x0];
	_ =	sdelay $0x2  }
0xba: {  	s31 =	sshll.u32 s1, $0xD;
	s1 =	sshrl.u32 s1, $0x2  }
0xbb: {  	s3 =	sand.u32 $0x4000, s31;
	s1 =	sadd.s32 s1, s30  }
0xbc: {  	s0 =	sor.u32 s3, s0;
	s1 =	sshll.u32 s1, $0x11  }
0xbd: {  	s0 =	sor.u32 s1, s0  }
0xbe: {  	s0 =	sadd.s32 $0x8F2B, s0  }
0xbf: {  	[sflag:s0] =	ssyncadd.remote.s32 $0x1  }
0xc0: {  	_ =	sfence.sel $0xFFFF  }
0xc1: {  	[dreg:$0x0] =	wrdreg $0xFFFFFFFF;
	(pc) =	sbr.abs _section_cstart, $3  }
0xc2: {  	[dreg:$0x1] =	wrdreg $0xFFFFFFFF  }
0xc3: {  	_ =	task.clear_ibuf [dreg:s8], $0x2FFFF;
	_ =	strace $0x9FFFFFFF  }
0xc4: {  	(tm) =	ssettm $0x7FFFFFFF  }
0xc5: {  	_ =	shalt  }
tec
execute0_lowered:
.L_overlay_start_1:
0x0: {  	(tag) =	ssettag $0x1  }
0x1: {  	s4 =	rddreg [dreg:$0x0]  }
0x2: {  	s5 =	rddreg [dreg:$0x1]  }
0x3: {  	s3 =	rddreg [dreg:$0x2]  }
0x4: {  	s0 =	rddreg [dreg:$0x3]  }
0x5: {  	s6 =	srdreg.scid;
	s1 =	stileid.u32  }
0x6: {  	s2 =	simm.s32 $0x0;
	s14 =	simm.s32 $0x680;
	s15 =	simm.s32 $0x5  }
0x7: {  	s16 =	simm.s32 $0x80;
	s17 =	simm.s32 $0x2680;
	s18 =	simm.s32 $0x1  }
0x8: {  	s19 =	simm.s32 $0x3;
	s20 =	simm.s32 $0x2;
	s21 =	simm.s32 $0x4  }
0x9: {  	s22 =	simm.s32 $0x0;
	s6 =	sand.u32 $0x1, s6;
	s7 =	sshll.u32 s1, $0x1  }
0xa: {  	[smem:$0x7FF] =	sst s2;
	s7 =	sor.u32 s6, s7;
	s6 =	ssub.s32 $0x2, s6  }
0xb: {  	_ =	strace $0x80000047;
	s8 =	sshll.u32 s7, $0xA;
	s9 =	sshrl.u32 s6, $0x1  }
0xc: {  	s31 =	sshll.u32 s7, $0x4;
	s7 =	sshll.u32 s7, $0x7;
	s12 =	sadd.s32 s8, s4  }
0xd: {  	s13 =	ssub.s32 s6, s9;
	s3 =	sadd.s32 s3, s8;
	s4 =	sadd.s32 s4, s31  }
0xe: {  	s5 =	sadd.s32 s5, s7;
	s6 =	sadd.s32 $0x40000, s3;
	s7 =	sadd.s32 $0x200, s12  }
0xf: {  	s8 =	sadd.s32 $0x80000, s3;
	s9 =	sadd.s32 $0x8200, s12;
	s10 =	sadd.s32 $0xC0000, s3  }
0x10: {  	vm0 =	vmmov $0x1;
	s11 =	sadd.s32 $0x10200, s12;
	s12 =	sadd.s32 $0x18200, s12;
	s13 =	smax.u32 s13, $0x1  }
.LBB2_1:
0x11: {  	[tilespmem:s14], [sflag:$0x1] =	stream.linear.gather [hbm4b:s3+s2], $0x2000, $0x38;
	[tilespmem:$0x4680] =	vst v63  }
0x12: {  	_ = 	snop  }
0x13: {  	[tilespmem:s2], [sflag:$0x5] =	stream.linear.gather [hbm4b:s4+s2], $0x80, $0x38;
	[tilespmem:$0x4680] =	vst v63  }
0x14: {  	_ =	swait.ge [sflag:s15], $0x80  }
0x15: {  	[sflag:s15] =	ssyncset.done $0x0  }
0x16: {  	[sflag:s15] =	ssyncadd.s32 $0xFFFFFF80  }
0x17: {  	[tilespmem:s16], [sflag:$0x5] =	stream.linear.gather [hbm4b:s5+s2], $0x400, $0x38;
	[tilespmem:$0x4680] =	vst v63  }
0x18: {  	_ =	swait.ge [sflag:s15], $0x400  }
0x19: {  	[sflag:s15] =	ssyncset.done $0x0  }
0x1a: {  	[sflag:s15] =	ssyncadd.s32 $0xFFFFFC00  }
0x1b: {  	v0 =	vld [tilespmem:$0x0]  }
0x1c: {  	v1 =	vld [tilespmem:$0x80]  }
0x1d: {  	v2 =	vld [tilespmem:$0x100];
	_ =	sdelay $0x3  }
0x1e: {  	vm1 =	vgt.f32 v0, $5.000000000e-01  }
0x1f: {  	v0 =	vsel vm1, v2, v1  }
0x20: {  	v0 =	vsub.f32 $0.0e+00, v0;
	_ =	sdelay $0x1  }
0x21: {  	v0 =	vmul.f32 $1.442695020e+00, v0;
	_ =	sdelay $0x1  }
0x22: {  	(erf) = vpow2.f32 v0;
	_ =	sdelay $0x1  }
0x23: {  	v1 =	vld [tilespmem:$0x200]  }
0x24: {  	v0 =	vld [tilespmem:$0x180];
	_ =	sdelay $0x4  }
0x25: {  	v0 =	vsel vm1, v1, v0  }
0x26: {  	v0 =	vsub.f32 $0.0e+00, v0;
	v1 =	vpop (erf)  }
0x27: {  	v1 =	vadd.f32 $1.000000000e+00, v1  }
0x28: {  	v0 =	vmul.f32 $1.442695020e+00, v0  }
0x29: {  	(erf) = vrcp.f32 v1  }
0x2a: {  	(erf) = vpow2.f32 v0;
	_ =	sdelay $0x1  }
0x2b: {  	v1 =	vld [tilespmem:$0x300]  }
0x2c: {  	v0 =	vld [tilespmem:$0x280];
	_ =	sdelay $0x4  }
0x2d: {  	v0 =	vsel vm1, v1, v0;
	v2 =	vpop (erf)  }
0x2e: {  	v0 =	vsub.f32 $0.0e+00, v0;
	v1 =	vpop (erf)  }
0x2f: {  	v1 =	vadd.f32 $1.000000000e+00, v1  }
0x30: {  	v0 =	vmul.f32 $1.442695020e+00, v0  }
0x31: {  	(erf) = vrcp.f32 v1  }
0x32: {  	(erf) = vpow2.f32 v0;
	_ =	sdelay $0x3  }
0x33: {  	v0 =	vld [tilespmem:$0x380];
	_ =	sdelay $0x3  }
0x34: {  	v1 =	vpop (erf)  }
0x35: {  	v0 =	vsub.f32 $0.0e+00, v0;
	v3 =	vpop (erf)  }
0x36: {  	v3 =	vadd.f32 $1.000000000e+00, v3  }
0x37: {  	v0 =	vmul.f32 $1.442695020e+00, v0  }
0x38: {  	(erf) = vrcp.f32 v3  }
0x39: {  	(erf) = vpow2.f32 v0;
	_ =	sdelay $0x7  }
0x3a: {  	v0 =	vpop (erf)  }
0x3b: {  	v3 =	vpop (erf)  }
0x3c: {  	v3 =	vadd.f32 $1.000000000e+00, v3;
	_ =	sdelay $0x1  }
0x3d: {  	(erf) = vrcp.f32 v3;
	_ =	sdelay $0x6  }
0x3e: {  	[tilespmem:$0x480] =	vst v2  }
0x3f: {  	[tilespmem:$0x500] =	vst v1  }
0x40: {  	[tilespmem:$0x580] =	vst v0;
	v0 =	vpop (erf)  }
0x41: {  	s23 =	sand.u32 $0x2000, s2;
	s24 =	simm.s32 $0x0;
	s25 =	simm.s32 $0x0;
	[tilespmem:$0x600] =	vst v0  }
0x42: {  	[tilespmem:s17], [sflag:$0x2] =	stream.linear.gather [hbm4b:s6+s2], $0x2000, $0x38;
	[tilespmem:$0x4680] =	vst v63  }
0x43: {  	s24 =	sand.u32 $0x1000, s24;
	s23 =	sshrl.u32 s23, $0x2;
	_ =	swait.ge [sflag:s18], $0x2000  }
0x44: {  	s25 =	sand.u32 $0x380, s25;
	s23 =	sor.u32 s23, s24;
	[sflag:s18] =	ssyncset.done $0x0  }
0x45: {  	s23 =	sor.u32 s23, s25;
	[sflag:s18] =	ssyncadd.s32 $0xFFFFE000  }
0x46: {  	v0 =	vld [tilespmem:s23+$0xAF0];
	_ =	sdelay $0x1  }
0x47: {  	v1 =	vld [tilespmem:s23+$0x6D0]  }
0x48: {  	v2 =	vld [tilespmem:s23+$0xAE0]  }
0x49: {  	v3 =	vld [tilespmem:s23+$0xAD0]  }
0x4a: {  	v0 =	vsub.f32 $0.0e+00, v0  }
0x4b: {  	v6 =	vld [tilespmem:s23+$0xA90]  }
0x4c: {  	v4 =	vld [tilespmem:s23+$0x6E0];
	v1 =	vsub.f32 $0.0e+00, v1;
	v0 =	vmul.f32 $1.442695020e+00, v0  }
0x4d: {  	v7 =	vld [tilespmem:s23+$0xAA0];
	v2 =	vsub.f32 $0.0e+00, v2  }
0x4e: {  	v5 =	vld [tilespmem:s23+$0xAC0];
	v3 =	vsub.f32 $0.0e+00, v3;
	(erf) = vpow2.f32 v0;
	v0 =	vmul.f32 $1.442695020e+00, v1  }
0x4f: {  	v2 =	vmul.f32 $1.442695020e+00, v2;
	v1 =	vld [tilespmem:s23+$0x680]  }
0x50: {  	v9 =	vld [tilespmem:s23+$0x6C0];
	v6 =	vsub.f32 $0.0e+00, v6;
	v3 =	vmul.f32 $1.442695020e+00, v3;
	(erf) = vpow2.f32 v0  }
0x51: {  	v4 =	vsub.f32 $0.0e+00, v4;
	v0 =	vld [tilespmem:s23+$0xAB0];
	(erf) = vpow2.f32 v2  }
0x52: {  	v8 =	vld [tilespmem:s23+$0xA80];
	v6 =	vmul.f32 $1.442695020e+00, v6;
	(erf) = vpow2.f32 v3;
	v3 =	vsub.f32 $0.0e+00, v7  }
0x53: {  	v4 =	vmul.f32 $1.442695020e+00, v4;
	v2 =	vsub.f32 $0.0e+00, v5;
	v5 =	vld [tilespmem:s23+$0x6B0]  }
0x54: {  	v7 =	vld [tilespmem:s23+$0x6A0];
	v1 =	vsub.f32 $0.0e+00, v1;
	(erf) = vpow2.f32 v6;
	v3 =	vmul.f32 $1.442695020e+00, v3  }
0x55: {  	v10 =	vld [tilespmem:s23+$0x6F0];
	v2 =	vmul.f32 $1.442695020e+00, v2;
	v6 =	vsub.f32 $0.0e+00, v9;
	(erf) = vpow2.f32 v4  }
0x56: {  	v0 =	vsub.f32 $0.0e+00, v0;
	v1 =	vmul.f32 $1.442695020e+00, v1;
	(erf) = vpow2.f32 v3  }
0x57: {  	v6 =	vmul.f32 $1.442695020e+00, v6;
	v9 =	vpop (erf);
	(erf) = vpow2.f32 v2  }
0x58: {  	v8 =	vsub.f32 $0.0e+00, v8;
	v4 =	vmul.f32 $1.442695020e+00, v0;
	(erf) = vpow2.f32 v1  }
0x59: {  	v0 =	vsub.f32 $0.0e+00, v5;
	v7 =	vsub.f32 $0.0e+00, v7;
	v3 =	vpop (erf);
	(erf) = vpow2.f32 v6;
	v6 =	vld [tilespmem:s23+$0x690]  }
0x5a: {  	v5 =	vmul.f32 $1.442695020e+00, v8;
	v8 =	vsub.f32 $0.0e+00, v10;
	v9 =	vadd.f32 $1.000000000e+00, v9;
	v2 =	vpop (erf)  }
0x5b: {  	v0 =	vmul.f32 $1.442695020e+00, v0;
	v1 =	vmul.f32 $1.442695020e+00, v7;
	v7 =	vadd.f32 $1.000000000e+00, v2;
	v2 =	vpop (erf)  }
0x5c: {  	s24 =	simm.s32 $0x1;
	s25 =	simm.s32 $0x0;
	v3 =	vadd.f32 $1.000000000e+00, v3;
	(erf) = vrcp.f32 v9;
	v2 =	vadd.f32 $1.000000000e+00, v2  }
.LBB2_2:
0x5d: {  	p0 =	sne.s32 s24, $0x1F  }
0x5e: {  	v6 =	vsub.f32 $0.0e+00, v6;
	s25 =	sadd.s32 $0x2000, s25;
	(erf) = vpow2.f32 v4;
	s26 =	smov.u32 s24;
	s24 =	sadd.s32 $0x1, s24  }
0x5f: {  	v4 =	vmul.f32 $1.442695020e+00, v8;
	v8 =	vpop (erf);
	(erf) = vrcp.f32 v7  }
0x60: {  	v6 =	vmul.f32 $1.442695020e+00, v6;
	v7 =	vadd.f32 $1.000000000e+00, v8;
	v8 =	vpop (erf);
	(erf) = vpow2.f32 v5  }
0x61: {  	(erf) = vpow2.f32 v4  }
0x62: {  	s28 =	sand.u32 $0x2000, s25;
	s29 =	sshll.u32 s26, $0x8;
	v4 =	vadd.f32 $1.000000000e+00, v8;
	(erf) = vpow2.f32 v6;
	v5 =	vpop (erf)  }
0x63: {  	s26 =	sshll.u32 s26, $0x6;
	s29 =	sand.u32 $0x1000, s29;
	s28 =	sshrl.u32 s28, $0x2;
	v5 =	vadd.f32 $1.000000000e+00, v5;
	(erf) = vrcp.f32 v3;
	v3 =	vpop (erf)  }
0x64: {  	s26 =	sand.u32 $0x380, s26;
	s28 =	sor.u32 s28, s29;
	v6 =	vpop (erf);
	(erf) = vpow2.f32 v0  }
0x65: {  	s26 =	sor.u32 s28, s26;
	v0 =	vadd.f32 $1.000000000e+00, v6;
	v6 =	vadd.f32 $1.000000000e+00, v3;
	(erf) = vpow2.f32 v1;
	v1 =	vpop (erf)  }
0x66: {  	v1 =	vadd.f32 $1.000000000e+00, v1;
	(erf) = vrcp.f32 v2;
	v2 =	vpop (erf)  }
0x67: {  	[tilespmem:s23+$0xAF0] =	vst v2;
	(erf) = vrcp.f32 v4;
	v2 =	vpop (erf)  }
0x68: {  	v2 =	vadd.f32 $1.000000000e+00, v2;
	(erf) = vrcp.f32 v6;
	v3 =	vpop (erf)  }
0x69: {  	[tilespmem:s23+$0xAE0] =	vst v3;
	v3 =	vpop (erf);
	(erf) = vrcp.f32 v7  }
0x6a: {  	v7 =	vadd.f32 $1.000000000e+00, v3;
	v4 =	vpop (erf);
	(erf) = vrcp.f32 v5  }
0x6b: {  	v4 =	vadd.f32 $1.000000000e+00, v4;
	(erf) = vrcp.f32 v0;
	v0 =	vpop (erf)  }
0x6c: {  	v5 =	vld [tilespmem:s26+$0xAF0];
	v0 =	vadd.f32 $1.000000000e+00, v0;
	v6 =	vpop (erf);
	(erf) = vrcp.f32 v7  }
0x6d: {  	[tilespmem:s23+$0x6D0] =	vst v6;
	v3 =	vpop (erf);
	(erf) = vrcp.f32 v2  }
0x6e: {  	v2 =	vld [tilespmem:s26+$0x6D0];
	v7 =	vadd.f32 $1.000000000e+00, v3;
	v6 =	vpop (erf);
	(erf) = vrcp.f32 v1  }
0x6f: {  	v1 =	vld [tilespmem:s26+$0xAE0];
	v6 =	vadd.f32 $1.000000000e+00, v6;
	(erf) = vrcp.f32 v4;
	v4 =	vpop (erf)  }
0x70: {  	[tilespmem:s23+$0xAD0] =	vst v4;
	(erf) = vrcp.f32 v7;
	v3 =	vpop (erf)  }
0x71: {  	v4 =	vld [tilespmem:s26+$0xAD0];
	v5 =	vsub.f32 $0.0e+00, v5;
	[tilespmem:s23+$0x6E0] =	vst v3;
	(erf) = vrcp.f32 v6;
	v3 =	vpop (erf)  }
0x72: {  	v6 =	vld [tilespmem:s26+$0x6E0];
	[tilespmem:s23+$0xAC0] =	vst v3;
	(erf) = vrcp.f32 v0;
	v0 =	vpop (erf)  }
0x73: {  	v2 =	vsub.f32 $0.0e+00, v2;
	v3 =	vld [tilespmem:s26+$0xAC0];
	v5 =	vmul.f32 $1.442695020e+00, v5;
	[tilespmem:s23+$0xA90] =	vst v0;
	v0 =	vpop (erf)  }
0x74: {  	v7 =	vld [tilespmem:s26+$0xA90];
	v1 =	vsub.f32 $0.0e+00, v1;
	[tilespmem:s23+$0xAA0] =	vst v0;
	v0 =	vpop (erf)  }
0x75: {  	v2 =	vmul.f32 $1.442695020e+00, v2;
	v8 =	vld [tilespmem:s26+$0xAA0];
	(erf) = vpow2.f32 v5;
	[tilespmem:s23+$0x680] =	vst v0;
	v0 =	vpop (erf)  }
0x76: {  	v5 =	vld [tilespmem:s26+$0x680];
	v4 =	vsub.f32 $0.0e+00, v4;
	v1 =	vmul.f32 $1.442695020e+00, v1;
	[tilespmem:s23+$0xA80] =	vst v0;
	v0 =	vpop (erf)  }
0x77: {  	v9 =	vld [tilespmem:s26+$0xA80];
	(erf) = vpow2.f32 v2;
	[tilespmem:s23+$0xAB0] =	vst v0;
	v0 =	vpop (erf)  }
0x78: {  	v2 =	vld [tilespmem:s26+$0xAB0];
	v3 =	vsub.f32 $0.0e+00, v3;
	v4 =	vmul.f32 $1.442695020e+00, v4;
	[tilespmem:s23+$0x6C0] =	vst v0;
	v0 =	vpop (erf)  }
0x79: {  	v10 =	vld [tilespmem:s26+$0x6C0];
	v7 =	vsub.f32 $0.0e+00, v7;
	(erf) = vpow2.f32 v1;
	[tilespmem:s23+$0x6F0] =	vst v0;
	v0 =	vpop (erf)  }
0x7a: {  	v1 =	vsub.f32 $0.0e+00, v6;
	v6 =	vsub.f32 $0.0e+00, v8;
	(erf) = vpow2.f32 v4;
	[tilespmem:s23+$0x6B0] =	vst v0;
	v0 =	vpop (erf)  }
0x7b: {  	v3 =	vmul.f32 $1.442695020e+00, v3;
	v8 =	vld [tilespmem:s26+$0x6B0];
	v4 =	vmul.f32 $1.442695020e+00, v7;
	[tilespmem:s23+$0x6A0] =	vst v0;
	v0 =	vpop (erf)  }
0x7c: {  	v5 =	vsub.f32 $0.0e+00, v5;
	v12 =	vmul.f32 $1.442695020e+00, v1;
	v7 =	vld [tilespmem:s26+$0x6A0];
	v11 =	vmul.f32 $1.442695020e+00, v6;
	[tilespmem:s23+$0x690] =	vst v0;
	s23 =	smov.u32 s26  }
0x7d: {  	v6 =	vld [tilespmem:s23+$0x690];
	v0 =	vsub.f32 $0.0e+00, v2;
	(erf) = vpow2.f32 v4  }
0x7e: {  	v9 =	vsub.f32 $0.0e+00, v9;
	v2 =	vsub.f32 $0.0e+00, v10;
	(erf) = vpow2.f32 v12;
	v1 =	vpop (erf)  }
0x7f: {  	v10 =	vmul.f32 $1.442695020e+00, v5;
	v12 =	vld [tilespmem:s23+$0x6F0];
	v4 =	vmul.f32 $1.442695020e+00, v0;
	v13 =	vadd.f32 $1.000000000e+00, v1  }
.Ltmp0:
0x80: {  	v0 =	vsub.f32 $0.0e+00, v8;
	v14 =	vmul.f32 $1.442695020e+00, v2;
	v1 =	vpop (erf);
	(erf) = vpow2.f32 v11;
	(pc) =	sbr.rel @p0 .LBB2_2-.Ltmp0, $4  }
0x81: {  	v5 =	vmul.f32 $1.442695020e+00, v9;
	v7 =	vsub.f32 $0.0e+00, v7;
	(erf) = vpow2.f32 v3  }
0x82: {  	v3 =	vadd.f32 $1.000000000e+00, v1;
	v0 =	vmul.f32 $1.442695020e+00, v0;
	(erf) = vpow2.f32 v10;
	v8 =	vpop (erf)  }
0x83: {  	v1 =	vmul.f32 $1.442695020e+00, v7;
	v7 =	vadd.f32 $1.000000000e+00, v8;
	(erf) = vpow2.f32 v14;
	v2 =	vpop (erf)  }
0x84: {  	v8 =	vsub.f32 $0.0e+00, v12;
	v2 =	vadd.f32 $1.000000000e+00, v2;
	(erf) = vrcp.f32 v13  }
0x85: {  	v6 =	vsub.f32 $0.0e+00, v6;
	(erf) = vpow2.f32 v4  }
0x86: {  	v4 =	vmul.f32 $1.442695020e+00, v8;
	(erf) = vrcp.f32 v7  }
0x87: {  	v7 =	vpop (erf);
	v6 =	vmul.f32 $1.442695020e+00, v6;
	(erf) = vpow2.f32 v5  }
0x88: {  	v5 =	vpop (erf);
	(erf) = vpow2.f32 v4  }
0x89: {  	(erf) = vpow2.f32 v6  }
0x8a: {  	v4 =	vpop (erf);
	(erf) = vrcp.f32 v3  }
0x8b: {  	v3 =	vpop (erf);
	(erf) = vpow2.f32 v0;
	v0 =	vadd.f32 $1.000000000e+00, v5  }
0x8c: {  	v6 =	vpop (erf);
	v3 =	vadd.f32 $1.000000000e+00, v3  }
0x8d: {  	(erf) = vpow2.f32 v1;
	v1 =	vpop (erf)  }
0x8e: {  	(erf) = vrcp.f32 v2;
	v2 =	vpop (erf)  }
0x8f: {  	(erf) = vrcp.f32 v0;
	v0 =	vpop (erf)  }
0x90: {  	v5 =	vadd.f32 $1.000000000e+00, v7;
	v4 =	vadd.f32 $1.000000000e+00, v4;
	(erf) = vrcp.f32 v3;
	v3 =	vpop (erf)  }
0x91: {  	v6 =	vadd.f32 $1.000000000e+00, v6;
	v7 =	vpop (erf)  }
0x92: {  	(erf) = vrcp.f32 v5;
	v5 =	vadd.f32 $1.000000000e+00, v7  }
0x93: {  	v7 =	vpop (erf)  }
0x94: {  	(erf) = vrcp.f32 v4;
	v4 =	vpop (erf)  }
0x95: {  	v0 =	vadd.f32 $1.000000000e+00, v0;
	(erf) = vrcp.f32 v6;
	v6 =	vpop (erf)  }
0x96: {  	[tilespmem:s23+$0xAF0] =	vst v2;
	v2 =	vadd.f32 $1.000000000e+00, v7;
	(erf) = vrcp.f32 v5;
	v5 =	vpop (erf)  }
0x97: {  	v1 =	vadd.f32 $1.000000000e+00, v1;
	(erf) = vrcp.f32 v0;
	v0 =	vadd.f32 $1.000000000e+00, v5;
	_ =	sdelay $0x1  }
0x98: {  	[tilespmem:s23+$0xAE0] =	vst v3;
	v3 =	vpop (erf);
	(erf) = vrcp.f32 v1  }
0x99: {  	[tilespmem:s23+$0x6D0] =	vst v6;
	v1 =	vadd.f32 $1.000000000e+00, v3;
	(erf) = vrcp.f32 v2;
	v2 =	vpop (erf)  }
0x9a: {  	v3 =	vadd.f32 $1.000000000e+00, v4;
	[tilespmem:s23+$0xAD0] =	vst v2;
	(erf) = vrcp.f32 v0;
	v0 =	vpop (erf)  }
0x9b: {  	(erf) = vrcp.f32 v1;
	[tilespmem:s23+$0x6E0] =	vst v0;
	v0 =	vpop (erf)  }
0x9c: {  	(erf) = vrcp.f32 v3;
	[tilespmem:s23+$0xAC0] =	vst v0;
	v0 =	vpop (erf)  }
0x9d: {  	[tilespmem:s23+$0xA90] =	vst v0;
	v0 =	vpop (erf)  }
0x9e: {  	[tilespmem:s23+$0xAA0] =	vst v0;
	v0 =	vpop (erf)  }
0x9f: {  	[tilespmem:s23+$0x680] =	vst v0;
	v0 =	vpop (erf)  }
0xa0: {  	[tilespmem:s23+$0xA80] =	vst v0;
	v0 =	vpop (erf)  }
0xa1: {  	[tilespmem:s23+$0xAB0] =	vst v0;
	v0 =	vpop (erf)  }
0xa2: {  	[tilespmem:s23+$0x6C0] =	vst v0;
	v0 =	vpop (erf)  }
0xa3: {  	[tilespmem:s23+$0x6F0] =	vst v0;
	v0 =	vpop (erf)  }
0xa4: {  	[tilespmem:s23+$0x6B0] =	vst v0;
	v0 =	vpop (erf)  }
0xa5: {  	[tilespmem:s23+$0x6A0] =	vst v0;
	v0 =	vpop (erf)  }
0xa6: {  	[tilespmem:s23+$0x690] =	vst v0  }
0xa7: {  	v0 =	vld [tilespmem:$0x480]  }
0xa8: {  	v1 =	vld [tilespmem:$0x680]  }
0xa9: {  	v2 =	vld [tilespmem:$0x700]  }
0xaa: {  	v3 =	vld [tilespmem:$0x780]  }
0xab: {  	v4 =	vld [tilespmem:$0x800]  }
0xac: {  	v6 =	vld [tilespmem:$0x880];
	v5 =	vbroadcast v0, $0x1  }
0xad: {  	v8 =	vld [tilespmem:$0x900];
	v1 =	vsel vm0, v0, v1;
	v7 =	vbroadcast v0, $0x2  }
0xae: {  	[tilespmem:$0x680] =	vst v1;
	v1 =	vsel vm0, v5, v2;
	v2 =	vbroadcast v0, $0x3;
	v5 =	vld [tilespmem:$0x980]  }
0xaf: {  	[tilespmem:$0x700] =	vst v1;
	v1 =	vsel vm0, v7, v3;
	v3 =	vbroadcast v0, $0x4;
	v7 =	vld [tilespmem:$0xA00]  }
0xb0: {  	[tilespmem:$0x780] =	vst v1;
	v1 =	vsel vm0, v2, v4;
	v2 =	vbroadcast v0, $0x5;
	v4 =	vld [tilespmem:$0x1680]  }
0xb1: {  	[tilespmem:$0x800] =	vst v1;
	v1 =	vsel vm0, v3, v6;
	v3 =	vbroadcast v0, $0x6;
	v6 =	vld [tilespmem:$0x1700]  }
0xb2: {  	[tilespmem:$0x880] =	vst v1;
	v1 =	vsel vm0, v2, v8;
	v2 =	vbroadcast v0, $0x7;
	v8 =	vld [tilespmem:$0x1780]  }
0xb3: {  	[tilespmem:$0x900] =	vst v1;
	v1 =	vsel vm0, v3, v5;
	v3 =	vbroadcast v0, $0x8;
	v5 =	vld [tilespmem:$0x1800]  }
0xb4: {  	[tilespmem:$0x980] =	vst v1;
	v1 =	vsel vm0, v2, v7;
	v2 =	vbroadcast v0, $0x9;
	v7 =	vld [tilespmem:$0x1880]  }
0xb5: {  	[tilespmem:$0xA00] =	vst v1;
	v1 =	vsel vm0, v3, v4;
	v3 =	vbroadcast v0, $0xA;
	v4 =	vld [tilespmem:$0x1900]  }
0xb6: {  	[tilespmem:$0x1680] =	vst v1;
	v1 =	vsel vm0, v2, v6;
	v2 =	vbroadcast v0, $0xB;
	v6 =	vld [tilespmem:$0x1980]  }
0xb7: {  	[tilespmem:$0x1700] =	vst v1;
	v1 =	vsel vm0, v3, v8;
	v3 =	vbroadcast v0, $0xC;
	v8 =	vld [tilespmem:$0x1A00]  }
0xb8: {  	[tilespmem:$0x1780] =	vst v1;
	v1 =	vsel vm0, v2, v5;
	v2 =	vbroadcast v0, $0xD  }
0xb9: {  	[tilespmem:$0x1800] =	vst v1;
	v1 =	vsel vm0, v3, v7;
	v3 =	vbroadcast v0, $0xE  }
0xba: {  	v0 =	vbroadcast v0, $0xF;
	[tilespmem:$0x1880] =	vst v1;
	v1 =	vsel vm0, v2, v4  }
0xbb: {  	[tilespmem:$0x1900] =	vst v1;
	v1 =	vsel vm0, v3, v6  }
0xbc: {  	[tilespmem:$0x1980] =	vst v1;
	v0 =	vsel vm0, v0, v8  }
0xbd: {  	s24 =	simm.s32 $0x0;
	[tilespmem:$0x1A00] =	vst v0  }
0xbe: {  	[hbm4b:s7+s24] =	stream.linear.scatter [tilespmem:s14], [sflag:$0x3], $0x2000, $0x38;
	[tilespmem:$0x4680] =	vst v63  }
0xbf: {  	_ =	swait.ge [sflag:s19], $0x2000  }
0xc0: {  	s25 =	simm.s32 $0x0;
	[sflag:s19] =	ssyncset.done $0x0  }
0xc1: {  	s26 =	simm.s32 $0x0;
	s31 =	sand.u32 $0x2000, s24;
	[sflag:s19] =	ssyncadd.s32 $0xFFFFE000  }
0xc2: {  	[tilespmem:s14], [sflag:$0x1] =	stream.linear.gather [hbm4b:s8+s24], $0x2000, $0x38;
	[tilespmem:$0x4680] =	vst v63  }
0xc3: {  	s25 =	sand.u32 $0x1000, s25;
	s23 =	sshrl.u32 s31, $0x2;
	_ =	swait.ge [sflag:s20], $0x2000  }
0xc4: {  	s26 =	sand.u32 $0x380, s26;
	s23 =	sor.u32 s23, s25;
	[sflag:s20] =	ssyncset.done $0x0  }
0xc5: {  	s23 =	sor.u32 s23, s26;
	[sflag:s20] =	ssyncadd.s32 $0xFFFFE000  }
0xc6: {  	v0 =	vld [tilespmem:s23+$0x2AF0];
	_ =	sdelay $0x1  }
0xc7: {  	v1 =	vld [tilespmem:s23+$0x26D0];
	_ =	sdelay $0x1  }
0xc8: {  	v2 =	vld [tilespmem:s23+$0x2AE0]  }
0xc9: {  	v3 =	vld [tilespmem:s23+$0x2AD0];
	v0 =	vsub.f32 $0.0e+00, v0;
	_ =	sdelay $0x1  }
0xca: {  	v6 =	vld [tilespmem:s23+$0x2A90];
	v1 =	vsub.f32 $0.0e+00, v1;
	v0 =	vmul.f32 $1.442695020e+00, v0  }
0xcb: {  	v4 =	vld [tilespmem:s23+$0x26E0]  }
0xcc: {  	v7 =	vld [tilespmem:s23+$0x2AA0];
	v2 =	vsub.f32 $0.0e+00, v2;
	(erf) = vpow2.f32 v0;
	v0 =	vmul.f32 $1.442695020e+00, v1  }
0xcd: {  	v5 =	vld [tilespmem:s23+$0x2AC0];
	v3 =	vsub.f32 $0.0e+00, v3  }
0xce: {  	v2 =	vmul.f32 $1.442695020e+00, v2;
	v1 =	vld [tilespmem:s23+$0x2680];
	(erf) = vpow2.f32 v0  }
0xcf: {  	v9 =	vld [tilespmem:s23+$0x26C0];
	v6 =	vsub.f32 $0.0e+00, v6;
	v3 =	vmul.f32 $1.442695020e+00, v3  }
0xd0: {  	v4 =	vsub.f32 $0.0e+00, v4;
	v0 =	vld [tilespmem:s23+$0x2AB0];
	(erf) = vpow2.f32 v2  }
0xd1: {  	v8 =	vld [tilespmem:s23+$0x2A80];
	v6 =	vmul.f32 $1.442695020e+00, v6;
	(erf) = vpow2.f32 v3;
	v3 =	vsub.f32 $0.0e+00, v7  }
0xd2: {  	v4 =	vmul.f32 $1.442695020e+00, v4;
	v2 =	vsub.f32 $0.0e+00, v5;
	v5 =	vld [tilespmem:s23+$0x26B0]  }
0xd3: {  	v7 =	vld [tilespmem:s23+$0x26A0];
	v1 =	vsub.f32 $0.0e+00, v1;
	(erf) = vpow2.f32 v6;
	v3 =	vmul.f32 $1.442695020e+00, v3  }
0xd4: {  	v10 =	vld [tilespmem:s23+$0x26F0];
	v2 =	vmul.f32 $1.442695020e+00, v2;
	v6 =	vsub.f32 $0.0e+00, v9;
	(erf) = vpow2.f32 v4  }
0xd5: {  	v0 =	vsub.f32 $0.0e+00, v0;
	v1 =	vmul.f32 $1.442695020e+00, v1;
	v9 =	vpop (erf);
	(erf) = vpow2.f32 v3  }
0xd6: {  	v6 =	vmul.f32 $1.442695020e+00, v6;
	(erf) = vpow2.f32 v2  }
0xd7: {  	v8 =	vsub.f32 $0.0e+00, v8;
	v4 =	vmul.f32 $1.442695020e+00, v0;
	v3 =	vpop (erf);
	(erf) = vpow2.f32 v1  }
0xd8: {  	v0 =	vsub.f32 $0.0e+00, v5;
	v7 =	vsub.f32 $0.0e+00, v7;
	(erf) = vpow2.f32 v6;
	v6 =	vld [tilespmem:s23+$0x2690]  }
0xd9: {  	v5 =	vmul.f32 $1.442695020e+00, v8;
	v8 =	vsub.f32 $0.0e+00, v10;
	v9 =	vadd.f32 $1.000000000e+00, v9;
	v2 =	vpop (erf)  }
0xda: {  	v0 =	vmul.f32 $1.442695020e+00, v0;
	v1 =	vmul.f32 $1.442695020e+00, v7;
	v7 =	vadd.f32 $1.000000000e+00, v2;
	v2 =	vpop (erf)  }
0xdb: {  	s25 =	simm.s32 $0x1;
	v3 =	vadd.f32 $1.000000000e+00, v3;
	(erf) = vrcp.f32 v9;
	v2 =	vadd.f32 $1.000000000e+00, v2  }
.LBB2_4:
0xdc: {  	p0 =	sne.s32 s25, $0x1F  }
0xdd: {  	v6 =	vsub.f32 $0.0e+00, v6;
	s24 =	sadd.s32 $0x2000, s24;
	(erf) = vpow2.f32 v4;
	s26 =	smov.u32 s25;
	s25 =	sadd.s32 $0x1, s25  }
0xde: {  	v4 =	vmul.f32 $1.442695020e+00, v8;
	v8 =	vpop (erf);
	(erf) = vrcp.f32 v7  }
0xdf: {  	v6 =	vmul.f32 $1.442695020e+00, v6;
	v7 =	vadd.f32 $1.000000000e+00, v8;
	v8 =	vpop (erf);
	(erf) = vpow2.f32 v5  }
0xe0: {  	(erf) = vpow2.f32 v4  }
0xe1: {  	s28 =	sand.u32 $0x2000, s24;
	s29 =	sshll.u32 s26, $0x8;
	v4 =	vadd.f32 $1.000000000e+00, v8;
	(erf) = vpow2.f32 v6;
	v5 =	vpop (erf)  }
0xe2: {  	s26 =	sshll.u32 s26, $0x6;
	s29 =	sand.u32 $0x1000, s29;
	s28 =	sshrl.u32 s28, $0x2;
	v5 =	vadd.f32 $1.000000000e+00, v5;
	(erf) = vrcp.f32 v3;
	v3 =	vpop (erf)  }
0xe3: {  	s26 =	sand.u32 $0x380, s26;
	s28 =	sor.u32 s28, s29;
	v6 =	vpop (erf);
	(erf) = vpow2.f32 v0  }
0xe4: {  	s26 =	sor.u32 s28, s26;
	v0 =	vadd.f32 $1.000000000e+00, v6;
	v6 =	vadd.f32 $1.000000000e+00, v3;
	(erf) = vpow2.f32 v1;
	v1 =	vpop (erf)  }
0xe5: {  	v1 =	vadd.f32 $1.000000000e+00, v1;
	(erf) = vrcp.f32 v2;
	v2 =	vpop (erf)  }
0xe6: {  	[tilespmem:s23+$0x2AF0] =	vst v2;
	(erf) = vrcp.f32 v4;
	v2 =	vpop (erf)  }
0xe7: {  	v2 =	vadd.f32 $1.000000000e+00, v2;
	(erf) = vrcp.f32 v6;
	v3 =	vpop (erf)  }
0xe8: {  	[tilespmem:s23+$0x2AE0] =	vst v3;
	v3 =	vpop (erf);
	(erf) = vrcp.f32 v7  }
0xe9: {  	v7 =	vadd.f32 $1.000000000e+00, v3;
	v4 =	vpop (erf);
	(erf) = vrcp.f32 v5  }
0xea: {  	v4 =	vadd.f32 $1.000000000e+00, v4;
	(erf) = vrcp.f32 v0;
	v0 =	vpop (erf)  }
0xeb: {  	v5 =	vld [tilespmem:s26+$0x2AF0];
	v0 =	vadd.f32 $1.000000000e+00, v0;
	v6 =	vpop (erf);
	(erf) = vrcp.f32 v7  }
0xec: {  	[tilespmem:s23+$0x26D0] =	vst v6;
	v3 =	vpop (erf);
	(erf) = vrcp.f32 v2  }
0xed: {  	v2 =	vld [tilespmem:s26+$0x26D0];
	v7 =	vadd.f32 $1.000000000e+00, v3;
	v6 =	vpop (erf);
	(erf) = vrcp.f32 v1  }
0xee: {  	v1 =	vld [tilespmem:s26+$0x2AE0];
	v6 =	vadd.f32 $1.000000000e+00, v6;
	(erf) = vrcp.f32 v4;
	v4 =	vpop (erf)  }
0xef: {  	[tilespmem:s23+$0x2AD0] =	vst v4;
	(erf) = vrcp.f32 v7;
	v3 =	vpop (erf)  }
0xf0: {  	v4 =	vld [tilespmem:s26+$0x2AD0];
	v5 =	vsub.f32 $0.0e+00, v5;
	[tilespmem:s23+$0x26E0] =	vst v3;
	(erf) = vrcp.f32 v6;
	v3 =	vpop (erf)  }
0xf1: {  	v6 =	vld [tilespmem:s26+$0x26E0];
	[tilespmem:s23+$0x2AC0] =	vst v3;
	(erf) = vrcp.f32 v0;
	v0 =	vpop (erf)  }
0xf2: {  	v2 =	vsub.f32 $0.0e+00, v2;
	v3 =	vld [tilespmem:s26+$0x2AC0];
	v5 =	vmul.f32 $1.442695020e+00, v5;
	[tilespmem:s23+$0x2A90] =	vst v0;
	v0 =	vpop (erf)  }
0xf3: {  	v7 =	vld [tilespmem:s26+$0x2A90];
	v1 =	vsub.f32 $0.0e+00, v1;
	[tilespmem:s23+$0x2AA0] =	vst v0;
	v0 =	vpop (erf)  }
0xf4: {  	v2 =	vmul.f32 $1.442695020e+00, v2;
	v8 =	vld [tilespmem:s26+$0x2AA0];
	(erf) = vpow2.f32 v5;
	[tilespmem:s23+$0x2680] =	vst v0;
	v0 =	vpop (erf)  }
0xf5: {  	v5 =	vld [tilespmem:s26+$0x2680];
	v4 =	vsub.f32 $0.0e+00, v4;
	v1 =	vmul.f32 $1.442695020e+00, v1;
	[tilespmem:s23+$0x2A80] =	vst v0;
	v0 =	vpop (erf)  }
0xf6: {  	v9 =	vld [tilespmem:s26+$0x2A80];
	(erf) = vpow2.f32 v2;
	[tilespmem:s23+$0x2AB0] =	vst v0;
	v0 =	vpop (erf)  }
0xf7: {  	v2 =	vld [tilespmem:s26+$0x2AB0];
	v3 =	vsub.f32 $0.0e+00, v3;
	v4 =	vmul.f32 $1.442695020e+00, v4;
	[tilespmem:s23+$0x26C0] =	vst v0;
	v0 =	vpop (erf)  }
0xf8: {  	v10 =	vld [tilespmem:s26+$0x26C0];
	v7 =	vsub.f32 $0.0e+00, v7;
	(erf) = vpow2.f32 v1;
	[tilespmem:s23+$0x26F0] =	vst v0;
	v0 =	vpop (erf)  }
0xf9: {  	v1 =	vsub.f32 $0.0e+00, v6;
	v6 =	vsub.f32 $0.0e+00, v8;
	(erf) = vpow2.f32 v4;
	[tilespmem:s23+$0x26B0] =	vst v0;
	v0 =	vpop (erf)  }
0xfa: {  	v3 =	vmul.f32 $1.442695020e+00, v3;
	v8 =	vld [tilespmem:s26+$0x26B0];
	v4 =	vmul.f32 $1.442695020e+00, v7;
	[tilespmem:s23+$0x26A0] =	vst v0;
	v0 =	vpop (erf)  }
0xfb: {  	v5 =	vsub.f32 $0.0e+00, v5;
	v12 =	vmul.f32 $1.442695020e+00, v1;
	v7 =	vld [tilespmem:s26+$0x26A0];
	v11 =	vmul.f32 $1.442695020e+00, v6;
	[tilespmem:s23+$0x2690] =	vst v0;
	s23 =	smov.u32 s26  }
0xfc: {  	v6 =	vld [tilespmem:s23+$0x2690];
	v0 =	vsub.f32 $0.0e+00, v2;
	(erf) = vpow2.f32 v4  }
0xfd: {  	v9 =	vsub.f32 $0.0e+00, v9;
	v2 =	vsub.f32 $0.0e+00, v10;
	(erf) = vpow2.f32 v12;
	v1 =	vpop (erf)  }
0xfe: {  	v10 =	vmul.f32 $1.442695020e+00, v5;
	v12 =	vld [tilespmem:s23+$0x26F0];
	v4 =	vmul.f32 $1.442695020e+00, v0;
	v13 =	vadd.f32 $1.000000000e+00, v1  }
.Ltmp1:
0xff: {  	v0 =	vsub.f32 $0.0e+00, v8;
	v14 =	vmul.f32 $1.442695020e+00, v2;
	v1 =	vpop (erf);
	(erf) = vpow2.f32 v11;
	(pc) =	sbr.rel @p0 .LBB2_4-.Ltmp1, $4  }
0x100: {  	v5 =	vmul.f32 $1.442695020e+00, v9;
	v7 =	vsub.f32 $0.0e+00, v7;
	(erf) = vpow2.f32 v3  }
0x101: {  	v3 =	vadd.f32 $1.000000000e+00, v1;
	v0 =	vmul.f32 $1.442695020e+00, v0;
	(erf) = vpow2.f32 v10;
	v8 =	vpop (erf)  }
0x102: {  	v1 =	vmul.f32 $1.442695020e+00, v7;
	v7 =	vadd.f32 $1.000000000e+00, v8;
	(erf) = vpow2.f32 v14;
	v2 =	vpop (erf)  }
0x103: {  	v8 =	vsub.f32 $0.0e+00, v12;
	v2 =	vadd.f32 $1.000000000e+00, v2;
	(erf) = vrcp.f32 v13  }
0x104: {  	v6 =	vsub.f32 $0.0e+00, v6;
	(erf) = vpow2.f32 v4  }
0x105: {  	v4 =	vmul.f32 $1.442695020e+00, v8;
	(erf) = vrcp.f32 v7  }
0x106: {  	v7 =	vpop (erf);
	v6 =	vmul.f32 $1.442695020e+00, v6;
	(erf) = vpow2.f32 v5  }
0x107: {  	v5 =	vpop (erf);
	(erf) = vpow2.f32 v4  }
0x108: {  	(erf) = vpow2.f32 v6  }
0x109: {  	v4 =	vpop (erf);
	(erf) = vrcp.f32 v3  }
0x10a: {  	v3 =	vpop (erf);
	(erf) = vpow2.f32 v0;
	v0 =	vadd.f32 $1.000000000e+00, v5  }
0x10b: {  	v6 =	vpop (erf);
	v3 =	vadd.f32 $1.000000000e+00, v3  }
0x10c: {  	(erf) = vpow2.f32 v1;
	v1 =	vpop (erf)  }
0x10d: {  	(erf) = vrcp.f32 v2;
	v2 =	vpop (erf)  }
0x10e: {  	(erf) = vrcp.f32 v0;
	v0 =	vpop (erf)  }
0x10f: {  	v5 =	vadd.f32 $1.000000000e+00, v7;
	v4 =	vadd.f32 $1.000000000e+00, v4;
	(erf) = vrcp.f32 v3;
	v3 =	vpop (erf)  }
0x110: {  	v6 =	vadd.f32 $1.000000000e+00, v6;
	v7 =	vpop (erf)  }
0x111: {  	(erf) = vrcp.f32 v5;
	v5 =	vadd.f32 $1.000000000e+00, v7  }
0x112: {  	v7 =	vpop (erf)  }
0x113: {  	(erf) = vrcp.f32 v4;
	v4 =	vpop (erf)  }
0x114: {  	v0 =	vadd.f32 $1.000000000e+00, v0;
	(erf) = vrcp.f32 v6;
	v6 =	vpop (erf)  }
0x115: {  	[tilespmem:s23+$0x2AF0] =	vst v2;
	v2 =	vadd.f32 $1.000000000e+00, v7;
	(erf) = vrcp.f32 v5;
	v5 =	vpop (erf)  }
0x116: {  	v1 =	vadd.f32 $1.000000000e+00, v1;
	(erf) = vrcp.f32 v0;
	v0 =	vadd.f32 $1.000000000e+00, v5;
	_ =	sdelay $0x1  }
0x117: {  	[tilespmem:s23+$0x2AE0] =	vst v3;
	v3 =	vpop (erf);
	(erf) = vrcp.f32 v1  }
0x118: {  	[tilespmem:s23+$0x26D0] =	vst v6;
	v1 =	vadd.f32 $1.000000000e+00, v3;
	(erf) = vrcp.f32 v2;
	v2 =	vpop (erf)  }
0x119: {  	v3 =	vadd.f32 $1.000000000e+00, v4;
	[tilespmem:s23+$0x2AD0] =	vst v2;
	(erf) = vrcp.f32 v0;
	v0 =	vpop (erf)  }
0x11a: {  	(erf) = vrcp.f32 v1;
	[tilespmem:s23+$0x26E0] =	vst v0;
	v0 =	vpop (erf)  }
0x11b: {  	(erf) = vrcp.f32 v3;
	[tilespmem:s23+$0x2AC0] =	vst v0;
	v0 =	vpop (erf)  }
0x11c: {  	[tilespmem:s23+$0x2A90] =	vst v0;
	v0 =	vpop (erf)  }
0x11d: {  	[tilespmem:s23+$0x2AA0] =	vst v0;
	v0 =	vpop (erf)  }
0x11e: {  	[tilespmem:s23+$0x2680] =	vst v0;
	v0 =	vpop (erf)  }
0x11f: {  	[tilespmem:s23+$0x2A80] =	vst v0;
	v0 =	vpop (erf)  }
0x120: {  	[tilespmem:s23+$0x2AB0] =	vst v0;
	v0 =	vpop (erf)  }
0x121: {  	[tilespmem:s23+$0x26C0] =	vst v0;
	v0 =	vpop (erf)  }
0x122: {  	[tilespmem:s23+$0x26F0] =	vst v0;
	v0 =	vpop (erf)  }
0x123: {  	[tilespmem:s23+$0x26B0] =	vst v0;
	v0 =	vpop (erf)  }
0x124: {  	[tilespmem:s23+$0x26A0] =	vst v0;
	v0 =	vpop (erf)  }
0x125: {  	[tilespmem:s23+$0x2690] =	vst v0  }
0x126: {  	v0 =	vld [tilespmem:$0x500]  }
0x127: {  	v1 =	vld [tilespmem:$0x2680]  }
0x128: {  	v2 =	vld [tilespmem:$0x2700]  }
0x129: {  	v3 =	vld [tilespmem:$0x2780]  }
0x12a: {  	v4 =	vld [tilespmem:$0x2800]  }
0x12b: {  	v6 =	vld [tilespmem:$0x2880];
	v5 =	vbroadcast v0, $0x1  }
0x12c: {  	v8 =	vld [tilespmem:$0x2900];
	v1 =	vsel vm0, v0, v1;
	v7 =	vbroadcast v0, $0x2  }
0x12d: {  	[tilespmem:$0x2680] =	vst v1;
	v1 =	vsel vm0, v5, v2;
	v2 =	vbroadcast v0, $0x3;
	v5 =	vld [tilespmem:$0x2980]  }
0x12e: {  	[tilespmem:$0x2700] =	vst v1;
	v1 =	vsel vm0, v7, v3;
	v3 =	vbroadcast v0, $0x4;
	v7 =	vld [tilespmem:$0x2A00]  }
0x12f: {  	[tilespmem:$0x2780] =	vst v1;
	v1 =	vsel vm0, v2, v4;
	v2 =	vbroadcast v0, $0x5;
	v4 =	vld [tilespmem:$0x3680]  }
0x130: {  	[tilespmem:$0x2800] =	vst v1;
	v1 =	vsel vm0, v3, v6;
	v3 =	vbroadcast v0, $0x6;
	v6 =	vld [tilespmem:$0x3700]  }
0x131: {  	[tilespmem:$0x2880] =	vst v1;
	v1 =	vsel vm0, v2, v8;
	v2 =	vbroadcast v0, $0x7;
	v8 =	vld [tilespmem:$0x3780]  }
0x132: {  	[tilespmem:$0x2900] =	vst v1;
	v1 =	vsel vm0, v3, v5;
	v3 =	vbroadcast v0, $0x8;
	v5 =	vld [tilespmem:$0x3800]  }
0x133: {  	[tilespmem:$0x2980] =	vst v1;
	v1 =	vsel vm0, v2, v7;
	v2 =	vbroadcast v0, $0x9;
	v7 =	vld [tilespmem:$0x3880]  }
0x134: {  	[tilespmem:$0x2A00] =	vst v1;
	v1 =	vsel vm0, v3, v4;
	v3 =	vbroadcast v0, $0xA;
	v4 =	vld [tilespmem:$0x3900]  }
0x135: {  	[tilespmem:$0x3680] =	vst v1;
	v1 =	vsel vm0, v2, v6;
	v2 =	vbroadcast v0, $0xB;
	v6 =	vld [tilespmem:$0x3980]  }
0x136: {  	[tilespmem:$0x3700] =	vst v1;
	v1 =	vsel vm0, v3, v8;
	v3 =	vbroadcast v0, $0xC;
	v8 =	vld [tilespmem:$0x3A00]  }
0x137: {  	[tilespmem:$0x3780] =	vst v1;
	v1 =	vsel vm0, v2, v5;
	v2 =	vbroadcast v0, $0xD  }
0x138: {  	[tilespmem:$0x3800] =	vst v1;
	v1 =	vsel vm0, v3, v7;
	v3 =	vbroadcast v0, $0xE  }
0x139: {  	v0 =	vbroadcast v0, $0xF;
	[tilespmem:$0x3880] =	vst v1;
	v1 =	vsel vm0, v2, v4  }
0x13a: {  	[tilespmem:$0x3900] =	vst v1;
	v1 =	vsel vm0, v3, v6  }
0x13b: {  	[tilespmem:$0x3980] =	vst v1;
	v0 =	vsel vm0, v0, v8  }
0x13c: {  	s24 =	simm.s32 $0x0;
	[tilespmem:$0x3A00] =	vst v0  }
0x13d: {  	[hbm4b:s9+s24] =	stream.linear.scatter [tilespmem:s17], [sflag:$0x4], $0x2000, $0x38;
	[tilespmem:$0x4680] =	vst v63  }
0x13e: {  	_ =	swait.ge [sflag:s21], $0x2000  }
0x13f: {  	s25 =	simm.s32 $0x0;
	[sflag:s21] =	ssyncset.done $0x0  }
0x140: {  	s26 =	simm.s32 $0x0;
	s31 =	sand.u32 $0x2000, s24;
	[sflag:s21] =	ssyncadd.s32 $0xFFFFE000  }
0x141: {  	[tilespmem:s17], [sflag:$0x2] =	stream.linear.gather [hbm4b:s10+s24], $0x2000, $0x38;
	[tilespmem:$0x4680] =	vst v63  }
0x142: {  	s25 =	sand.u32 $0x1000, s25;
	s23 =	sshrl.u32 s31, $0x2;
	_ =	swait.ge [sflag:s18], $0x2000  }
0x143: {  	s26 =	sand.u32 $0x380, s26;
	s23 =	sor.u32 s23, s25;
	[sflag:s18] =	ssyncset.done $0x0  }
0x144: {  	s23 =	sor.u32 s23, s26;
	[sflag:s18] =	ssyncadd.s32 $0xFFFFE000  }
0x145: {  	v0 =	vld [tilespmem:s23+$0xAF0];
	_ =	sdelay $0x1  }
0x146: {  	v1 =	vld [tilespmem:s23+$0x6D0];
	_ =	sdelay $0x1  }
0x147: {  	v2 =	vld [tilespmem:s23+$0xAE0]  }
0x148: {  	v3 =	vld [tilespmem:s23+$0xAD0];
	v0 =	vsub.f32 $0.0e+00, v0;
	_ =	sdelay $0x1  }
0x149: {  	v6 =	vld [tilespmem:s23+$0xA90];
	v1 =	vsub.f32 $0.0e+00, v1;
	v0 =	vmul.f32 $1.442695020e+00, v0  }
0x14a: {  	v4 =	vld [tilespmem:s23+$0x6E0]  }
0x14b: {  	v7 =	vld [tilespmem:s23+$0xAA0];
	v2 =	vsub.f32 $0.0e+00, v2;
	(erf) = vpow2.f32 v0;
	v0 =	vmul.f32 $1.442695020e+00, v1  }
0x14c: {  	v5 =	vld [tilespmem:s23+$0xAC0];
	v3 =	vsub.f32 $0.0e+00, v3  }
0x14d: {  	v2 =	vmul.f32 $1.442695020e+00, v2;
	v1 =	vld [tilespmem:s23+$0x680];
	(erf) = vpow2.f32 v0  }
0x14e: {  	v9 =	vld [tilespmem:s23+$0x6C0];
	v6 =	vsub.f32 $0.0e+00, v6;
	v3 =	vmul.f32 $1.442695020e+00, v3  }
0x14f: {  	v4 =	vsub.f32 $0.0e+00, v4;
	v0 =	vld [tilespmem:s23+$0xAB0];
	(erf) = vpow2.f32 v2  }
0x150: {  	v8 =	vld [tilespmem:s23+$0xA80];
	v6 =	vmul.f32 $1.442695020e+00, v6;
	(erf) = vpow2.f32 v3;
	v3 =	vsub.f32 $0.0e+00, v7  }
0x151: {  	v4 =	vmul.f32 $1.442695020e+00, v4;
	v2 =	vsub.f32 $0.0e+00, v5;
	v5 =	vld [tilespmem:s23+$0x6B0]  }
0x152: {  	v7 =	vld [tilespmem:s23+$0x6A0];
	v1 =	vsub.f32 $0.0e+00, v1;
	(erf) = vpow2.f32 v6;
	v3 =	vmul.f32 $1.442695020e+00, v3  }
0x153: {  	v10 =	vld [tilespmem:s23+$0x6F0];
	v2 =	vmul.f32 $1.442695020e+00, v2;
	v6 =	vsub.f32 $0.0e+00, v9;
	(erf) = vpow2.f32 v4  }
0x154: {  	v0 =	vsub.f32 $0.0e+00, v0;
	v1 =	vmul.f32 $1.442695020e+00, v1;
	v9 =	vpop (erf);
	(erf) = vpow2.f32 v3  }
0x155: {  	v6 =	vmul.f32 $1.442695020e+00, v6;
	(erf) = vpow2.f32 v2  }
0x156: {  	v8 =	vsub.f32 $0.0e+00, v8;
	v4 =	vmul.f32 $1.442695020e+00, v0;
	v3 =	vpop (erf);
	(erf) = vpow2.f32 v1  }
0x157: {  	v0 =	vsub.f32 $0.0e+00, v5;
	v7 =	vsub.f32 $0.0e+00, v7;
	(erf) = vpow2.f32 v6;
	v6 =	vld [tilespmem:s23+$0x690]  }
0x158: {  	v5 =	vmul.f32 $1.442695020e+00, v8;
	v8 =	vsub.f32 $0.0e+00, v10;
	v9 =	vadd.f32 $1.000000000e+00, v9;
	v2 =	vpop (erf)  }
0x159: {  	v0 =	vmul.f32 $1.442695020e+00, v0;
	v1 =	vmul.f32 $1.442695020e+00, v7;
	v7 =	vadd.f32 $1.000000000e+00, v2;
	v2 =	vpop (erf)  }
0x15a: {  	s25 =	simm.s32 $0x1;
	v3 =	vadd.f32 $1.000000000e+00, v3;
	(erf) = vrcp.f32 v9;
	v2 =	vadd.f32 $1.000000000e+00, v2  }
.LBB2_6:
0x15b: {  	p0 =	sne.s32 s25, $0x1F  }
0x15c: {  	v6 =	vsub.f32 $0.0e+00, v6;
	s24 =	sadd.s32 $0x2000, s24;
	(erf) = vpow2.f32 v4;
	s26 =	smov.u32 s25;
	s25 =	sadd.s32 $0x1, s25  }
0x15d: {  	v4 =	vmul.f32 $1.442695020e+00, v8;
	v8 =	vpop (erf);
	(erf) = vrcp.f32 v7  }
0x15e: {  	v6 =	vmul.f32 $1.442695020e+00, v6;
	v7 =	vadd.f32 $1.000000000e+00, v8;
	v8 =	vpop (erf);
	(erf) = vpow2.f32 v5  }
0x15f: {  	(erf) = vpow2.f32 v4  }
0x160: {  	s28 =	sand.u32 $0x2000, s24;
	s29 =	sshll.u32 s26, $0x8;
	v4 =	vadd.f32 $1.000000000e+00, v8;
	(erf) = vpow2.f32 v6;
	v5 =	vpop (erf)  }
0x161: {  	s26 =	sshll.u32 s26, $0x6;
	s29 =	sand.u32 $0x1000, s29;
	s28 =	sshrl.u32 s28, $0x2;
	v5 =	vadd.f32 $1.000000000e+00, v5;
	(erf) = vrcp.f32 v3;
	v3 =	vpop (erf)  }
0x162: {  	s26 =	sand.u32 $0x380, s26;
	s28 =	sor.u32 s28, s29;
	v6 =	vpop (erf);
	(erf) = vpow2.f32 v0  }
0x163: {  	s26 =	sor.u32 s28, s26;
	v0 =	vadd.f32 $1.000000000e+00, v6;
	v6 =	vadd.f32 $1.000000000e+00, v3;
	(erf) = vpow2.f32 v1;
	v1 =	vpop (erf)  }
0x164: {  	v1 =	vadd.f32 $1.000000000e+00, v1;
	(erf) = vrcp.f32 v2;
	v2 =	vpop (erf)  }
0x165: {  	[tilespmem:s23+$0xAF0] =	vst v2;
	(erf) = vrcp.f32 v4;
	v2 =	vpop (erf)  }
0x166: {  	v2 =	vadd.f32 $1.000000000e+00, v2;
	(erf) = vrcp.f32 v6;
	v3 =	vpop (erf)  }
0x167: {  	[tilespmem:s23+$0xAE0] =	vst v3;
	v3 =	vpop (erf);
	(erf) = vrcp.f32 v7  }
0x168: {  	v7 =	vadd.f32 $1.000000000e+00, v3;
	v4 =	vpop (erf);
	(erf) = vrcp.f32 v5  }
0x169: {  	v4 =	vadd.f32 $1.000000000e+00, v4;
	(erf) = vrcp.f32 v0;
	v0 =	vpop (erf)  }
0x16a: {  	v5 =	vld [tilespmem:s26+$0xAF0];
	v0 =	vadd.f32 $1.000000000e+00, v0;
	v6 =	vpop (erf);
	(erf) = vrcp.f32 v7  }
0x16b: {  	[tilespmem:s23+$0x6D0] =	vst v6;
	v3 =	vpop (erf);
	(erf) = vrcp.f32 v2  }
0x16c: {  	v2 =	vld [tilespmem:s26+$0x6D0];
	v7 =	vadd.f32 $1.000000000e+00, v3;
	v6 =	vpop (erf);
	(erf) = vrcp.f32 v1  }
0x16d: {  	v1 =	vld [tilespmem:s26+$0xAE0];
	v6 =	vadd.f32 $1.000000000e+00, v6;
	(erf) = vrcp.f32 v4;
	v4 =	vpop (erf)  }
0x16e: {  	[tilespmem:s23+$0xAD0] =	vst v4;
	(erf) = vrcp.f32 v7;
	v3 =	vpop (erf)  }
0x16f: {  	v4 =	vld [tilespmem:s26+$0xAD0];
	v5 =	vsub.f32 $0.0e+00, v5;
	[tilespmem:s23+$0x6E0] =	vst v3;
	(erf) = vrcp.f32 v6;
	v3 =	vpop (erf)  }
0x170: {  	v6 =	vld [tilespmem:s26+$0x6E0];
	[tilespmem:s23+$0xAC0] =	vst v3;
	(erf) = vrcp.f32 v0;
	v0 =	vpop (erf)  }
0x171: {  	v2 =	vsub.f32 $0.0e+00, v2;
	v3 =	vld [tilespmem:s26+$0xAC0];
	v5 =	vmul.f32 $1.442695020e+00, v5;
	[tilespmem:s23+$0xA90] =	vst v0;
	v0 =	vpop (erf)  }
0x172: {  	v7 =	vld [tilespmem:s26+$0xA90];
	v1 =	vsub.f32 $0.0e+00, v1;
	[tilespmem:s23+$0xAA0] =	vst v0;
	v0 =	vpop (erf)  }
0x173: {  	v2 =	vmul.f32 $1.442695020e+00, v2;
	v8 =	vld [tilespmem:s26+$0xAA0];
	(erf) = vpow2.f32 v5;
	[tilespmem:s23+$0x680] =	vst v0;
	v0 =	vpop (erf)  }
0x174: {  	v5 =	vld [tilespmem:s26+$0x680];
	v4 =	vsub.f32 $0.0e+00, v4;
	v1 =	vmul.f32 $1.442695020e+00, v1;
	[tilespmem:s23+$0xA80] =	vst v0;
	v0 =	vpop (erf)  }
0x175: {  	v9 =	vld [tilespmem:s26+$0xA80];
	(erf) = vpow2.f32 v2;
	[tilespmem:s23+$0xAB0] =	vst v0;
	v0 =	vpop (erf)  }
0x176: {  	v2 =	vld [tilespmem:s26+$0xAB0];
	v3 =	vsub.f32 $0.0e+00, v3;
	v4 =	vmul.f32 $1.442695020e+00, v4;
	[tilespmem:s23+$0x6C0] =	vst v0;
	v0 =	vpop (erf)  }
0x177: {  	v10 =	vld [tilespmem:s26+$0x6C0];
	v7 =	vsub.f32 $0.0e+00, v7;
	(erf) = vpow2.f32 v1;
	[tilespmem:s23+$0x6F0] =	vst v0;
	v0 =	vpop (erf)  }
0x178: {  	v1 =	vsub.f32 $0.0e+00, v6;
	v6 =	vsub.f32 $0.0e+00, v8;
	(erf) = vpow2.f32 v4;
	[tilespmem:s23+$0x6B0] =	vst v0;
	v0 =	vpop (erf)  }
0x179: {  	v3 =	vmul.f32 $1.442695020e+00, v3;
	v8 =	vld [tilespmem:s26+$0x6B0];
	v4 =	vmul.f32 $1.442695020e+00, v7;
	[tilespmem:s23+$0x6A0] =	vst v0;
	v0 =	vpop (erf)  }
0x17a: {  	v5 =	vsub.f32 $0.0e+00, v5;
	v12 =	vmul.f32 $1.442695020e+00, v1;
	v7 =	vld [tilespmem:s26+$0x6A0];
	v11 =	vmul.f32 $1.442695020e+00, v6;
	[tilespmem:s23+$0x690] =	vst v0;
	s23 =	smov.u32 s26  }
0x17b: {  	v6 =	vld [tilespmem:s23+$0x690];
	v0 =	vsub.f32 $0.0e+00, v2;
	(erf) = vpow2.f32 v4  }
0x17c: {  	v9 =	vsub.f32 $0.0e+00, v9;
	v2 =	vsub.f32 $0.0e+00, v10;
	(erf) = vpow2.f32 v12;
	v1 =	vpop (erf)  }
0x17d: {  	v10 =	vmul.f32 $1.442695020e+00, v5;
	v12 =	vld [tilespmem:s23+$0x6F0];
	v4 =	vmul.f32 $1.442695020e+00, v0;
	v13 =	vadd.f32 $1.000000000e+00, v1  }
.Ltmp2:
0x17e: {  	v0 =	vsub.f32 $0.0e+00, v8;
	v14 =	vmul.f32 $1.442695020e+00, v2;
	v1 =	vpop (erf);
	(erf) = vpow2.f32 v11;
	(pc) =	sbr.rel @p0 .LBB2_6-.Ltmp2, $4  }
0x17f: {  	v5 =	vmul.f32 $1.442695020e+00, v9;
	v7 =	vsub.f32 $0.0e+00, v7;
	(erf) = vpow2.f32 v3  }
0x180: {  	v3 =	vadd.f32 $1.000000000e+00, v1;
	v0 =	vmul.f32 $1.442695020e+00, v0;
	(erf) = vpow2.f32 v10;
	v8 =	vpop (erf)  }
0x181: {  	v1 =	vmul.f32 $1.442695020e+00, v7;
	v7 =	vadd.f32 $1.000000000e+00, v8;
	(erf) = vpow2.f32 v14;
	v2 =	vpop (erf)  }
0x182: {  	v8 =	vsub.f32 $0.0e+00, v12;
	v2 =	vadd.f32 $1.000000000e+00, v2;
	(erf) = vrcp.f32 v13  }
0x183: {  	v6 =	vsub.f32 $0.0e+00, v6;
	(erf) = vpow2.f32 v4  }
0x184: {  	v4 =	vmul.f32 $1.442695020e+00, v8;
	(erf) = vrcp.f32 v7  }
0x185: {  	v7 =	vpop (erf);
	v6 =	vmul.f32 $1.442695020e+00, v6;
	(erf) = vpow2.f32 v5  }
0x186: {  	v5 =	vpop (erf);
	(erf) = vpow2.f32 v4  }
0x187: {  	(erf) = vpow2.f32 v6  }
0x188: {  	v4 =	vpop (erf);
	(erf) = vrcp.f32 v3  }
0x189: {  	v3 =	vpop (erf);
	(erf) = vpow2.f32 v0;
	v0 =	vadd.f32 $1.000000000e+00, v5  }
0x18a: {  	v6 =	vpop (erf);
	v3 =	vadd.f32 $1.000000000e+00, v3  }
0x18b: {  	(erf) = vpow2.f32 v1;
	v1 =	vpop (erf)  }
0x18c: {  	(erf) = vrcp.f32 v2;
	v2 =	vpop (erf)  }
0x18d: {  	(erf) = vrcp.f32 v0;
	v0 =	vpop (erf)  }
0x18e: {  	v5 =	vadd.f32 $1.000000000e+00, v7;
	v4 =	vadd.f32 $1.000000000e+00, v4;
	(erf) = vrcp.f32 v3;
	v3 =	vpop (erf)  }
0x18f: {  	v6 =	vadd.f32 $1.000000000e+00, v6;
	v7 =	vpop (erf)  }
0x190: {  	(erf) = vrcp.f32 v5;
	v5 =	vadd.f32 $1.000000000e+00, v7  }
0x191: {  	v7 =	vpop (erf)  }
0x192: {  	(erf) = vrcp.f32 v4;
	v4 =	vpop (erf)  }
0x193: {  	v0 =	vadd.f32 $1.000000000e+00, v0;
	(erf) = vrcp.f32 v6;
	v6 =	vpop (erf)  }
0x194: {  	[tilespmem:s23+$0xAF0] =	vst v2;
	v2 =	vadd.f32 $1.000000000e+00, v7;
	(erf) = vrcp.f32 v5;
	v5 =	vpop (erf)  }
0x195: {  	v1 =	vadd.f32 $1.000000000e+00, v1;
	(erf) = vrcp.f32 v0;
	v0 =	vadd.f32 $1.000000000e+00, v5;
	_ =	sdelay $0x1  }
0x196: {  	[tilespmem:s23+$0xAE0] =	vst v3;
	v3 =	vpop (erf);
	(erf) = vrcp.f32 v1  }
0x197: {  	[tilespmem:s23+$0x6D0] =	vst v6;
	v1 =	vadd.f32 $1.000000000e+00, v3;
	(erf) = vrcp.f32 v2;
	v2 =	vpop (erf)  }
0x198: {  	v3 =	vadd.f32 $1.000000000e+00, v4;
	[tilespmem:s23+$0xAD0] =	vst v2;
	(erf) = vrcp.f32 v0;
	v0 =	vpop (erf)  }
0x199: {  	(erf) = vrcp.f32 v1;
	[tilespmem:s23+$0x6E0] =	vst v0;
	v0 =	vpop (erf)  }
0x19a: {  	(erf) = vrcp.f32 v3;
	[tilespmem:s23+$0xAC0] =	vst v0;
	v0 =	vpop (erf)  }
0x19b: {  	[tilespmem:s23+$0xA90] =	vst v0;
	v0 =	vpop (erf)  }
0x19c: {  	[tilespmem:s23+$0xAA0] =	vst v0;
	v0 =	vpop (erf)  }
0x19d: {  	[tilespmem:s23+$0x680] =	vst v0;
	v0 =	vpop (erf)  }
0x19e: {  	[tilespmem:s23+$0xA80] =	vst v0;
	v0 =	vpop (erf)  }
0x19f: {  	[tilespmem:s23+$0xAB0] =	vst v0;
	v0 =	vpop (erf)  }
0x1a0: {  	[tilespmem:s23+$0x6C0] =	vst v0;
	v0 =	vpop (erf)  }
0x1a1: {  	[tilespmem:s23+$0x6F0] =	vst v0;
	v0 =	vpop (erf)  }
0x1a2: {  	[tilespmem:s23+$0x6B0] =	vst v0;
	v0 =	vpop (erf)  }
0x1a3: {  	[tilespmem:s23+$0x6A0] =	vst v0;
	v0 =	vpop (erf)  }
0x1a4: {  	[tilespmem:s23+$0x690] =	vst v0  }
0x1a5: {  	v0 =	vld [tilespmem:$0x580]  }
0x1a6: {  	v1 =	vld [tilespmem:$0x680]  }
0x1a7: {  	v2 =	vld [tilespmem:$0x700]  }
0x1a8: {  	v3 =	vld [tilespmem:$0x780]  }
0x1a9: {  	v4 =	vld [tilespmem:$0x800]  }
0x1aa: {  	v6 =	vld [tilespmem:$0x880];
	v5 =	vbroadcast v0, $0x1  }
0x1ab: {  	v8 =	vld [tilespmem:$0x900];
	v1 =	vsel vm0, v0, v1;
	v7 =	vbroadcast v0, $0x2  }
0x1ac: {  	[tilespmem:$0x680] =	vst v1;
	v1 =	vsel vm0, v5, v2;
	v2 =	vbroadcast v0, $0x3;
	v5 =	vld [tilespmem:$0x980]  }
0x1ad: {  	[tilespmem:$0x700] =	vst v1;
	v1 =	vsel vm0, v7, v3;
	v3 =	vbroadcast v0, $0x4;
	v7 =	vld [tilespmem:$0xA00]  }
0x1ae: {  	[tilespmem:$0x780] =	vst v1;
	v1 =	vsel vm0, v2, v4;
	v2 =	vbroadcast v0, $0x5;
	v4 =	vld [tilespmem:$0x1680]  }
0x1af: {  	[tilespmem:$0x800] =	vst v1;
	v1 =	vsel vm0, v3, v6;
	v3 =	vbroadcast v0, $0x6;
	v6 =	vld [tilespmem:$0x1700]  }
0x1b0: {  	[tilespmem:$0x880] =	vst v1;
	v1 =	vsel vm0, v2, v8;
	v2 =	vbroadcast v0, $0x7;
	v8 =	vld [tilespmem:$0x1780]  }
0x1b1: {  	[tilespmem:$0x900] =	vst v1;
	v1 =	vsel vm0, v3, v5;
	v3 =	vbroadcast v0, $0x8;
	v5 =	vld [tilespmem:$0x1800]  }
0x1b2: {  	[tilespmem:$0x980] =	vst v1;
	v1 =	vsel vm0, v2, v7;
	v2 =	vbroadcast v0, $0x9;
	v7 =	vld [tilespmem:$0x1880]  }
0x1b3: {  	[tilespmem:$0xA00] =	vst v1;
	v1 =	vsel vm0, v3, v4;
	v3 =	vbroadcast v0, $0xA;
	v4 =	vld [tilespmem:$0x1900]  }
0x1b4: {  	[tilespmem:$0x1680] =	vst v1;
	v1 =	vsel vm0, v2, v6;
	v2 =	vbroadcast v0, $0xB;
	v6 =	vld [tilespmem:$0x1980]  }
0x1b5: {  	[tilespmem:$0x1700] =	vst v1;
	v1 =	vsel vm0, v3, v8;
	v3 =	vbroadcast v0, $0xC;
	v8 =	vld [tilespmem:$0x1A00]  }
0x1b6: {  	[tilespmem:$0x1780] =	vst v1;
	v1 =	vsel vm0, v2, v5;
	v2 =	vbroadcast v0, $0xD  }
0x1b7: {  	[tilespmem:$0x1800] =	vst v1;
	v1 =	vsel vm0, v3, v7;
	v3 =	vbroadcast v0, $0xE  }
0x1b8: {  	v0 =	vbroadcast v0, $0xF;
	[tilespmem:$0x1880] =	vst v1;
	v1 =	vsel vm0, v2, v4  }
0x1b9: {  	[tilespmem:$0x1900] =	vst v1;
	v1 =	vsel vm0, v3, v6  }
0x1ba: {  	s24 =	simm.s32 $0x0;
	[tilespmem:$0x1980] =	vst v1;
	v0 =	vsel vm0, v0, v8  }
0x1bb: {  	s25 =	simm.s32 $0x0;
	s26 =	simm.s32 $0x0;
	s31 =	sand.u32 $0x2000, s24;
	[tilespmem:$0x1A00] =	vst v0  }
0x1bc: {  	[hbm4b:s11+s24] =	stream.linear.scatter [tilespmem:s14], [sflag:$0x3], $0x2000, $0x38;
	[tilespmem:$0x4680] =	vst v63  }
0x1bd: {  	s25 =	sand.u32 $0x1000, s25;
	s23 =	sshrl.u32 s31, $0x2;
	_ =	swait.ge [sflag:s20], $0x2000  }
0x1be: {  	s26 =	sand.u32 $0x380, s26;
	s23 =	sor.u32 s23, s25;
	[sflag:s20] =	ssyncset.done $0x0  }
0x1bf: {  	s23 =	sor.u32 s23, s26;
	[sflag:s20] =	ssyncadd.s32 $0xFFFFE000  }
0x1c0: {  	v0 =	vld [tilespmem:s23+$0x2AF0];
	_ =	sdelay $0x1  }
0x1c1: {  	v1 =	vld [tilespmem:s23+$0x26D0];
	_ =	sdelay $0x1  }
0x1c2: {  	v2 =	vld [tilespmem:s23+$0x2AE0]  }
0x1c3: {  	v3 =	vld [tilespmem:s23+$0x2AD0];
	v0 =	vsub.f32 $0.0e+00, v0;
	_ =	sdelay $0x1  }
0x1c4: {  	v6 =	vld [tilespmem:s23+$0x2A90];
	v1 =	vsub.f32 $0.0e+00, v1;
	v0 =	vmul.f32 $1.442695020e+00, v0  }
0x1c5: {  	v4 =	vld [tilespmem:s23+$0x26E0]  }
0x1c6: {  	v7 =	vld [tilespmem:s23+$0x2AA0];
	v2 =	vsub.f32 $0.0e+00, v2;
	(erf) = vpow2.f32 v0;
	v0 =	vmul.f32 $1.442695020e+00, v1  }
0x1c7: {  	v5 =	vld [tilespmem:s23+$0x2AC0];
	v3 =	vsub.f32 $0.0e+00, v3  }
0x1c8: {  	v2 =	vmul.f32 $1.442695020e+00, v2;
	v1 =	vld [tilespmem:s23+$0x2680];
	(erf) = vpow2.f32 v0  }
0x1c9: {  	v9 =	vld [tilespmem:s23+$0x26C0];
	v6 =	vsub.f32 $0.0e+00, v6;
	v3 =	vmul.f32 $1.442695020e+00, v3  }
0x1ca: {  	v4 =	vsub.f32 $0.0e+00, v4;
	v0 =	vld [tilespmem:s23+$0x2AB0];
	(erf) = vpow2.f32 v2  }
0x1cb: {  	v8 =	vld [tilespmem:s23+$0x2A80];
	v6 =	vmul.f32 $1.442695020e+00, v6;
	(erf) = vpow2.f32 v3;
	v3 =	vsub.f32 $0.0e+00, v7  }
0x1cc: {  	v4 =	vmul.f32 $1.442695020e+00, v4;
	v2 =	vsub.f32 $0.0e+00, v5;
	v5 =	vld [tilespmem:s23+$0x26B0]  }
0x1cd: {  	v7 =	vld [tilespmem:s23+$0x26A0];
	v1 =	vsub.f32 $0.0e+00, v1;
	(erf) = vpow2.f32 v6;
	v3 =	vmul.f32 $1.442695020e+00, v3  }
0x1ce: {  	v10 =	vld [tilespmem:s23+$0x26F0];
	v2 =	vmul.f32 $1.442695020e+00, v2;
	v6 =	vsub.f32 $0.0e+00, v9;
	(erf) = vpow2.f32 v4  }
0x1cf: {  	v0 =	vsub.f32 $0.0e+00, v0;
	v1 =	vmul.f32 $1.442695020e+00, v1;
	v9 =	vpop (erf);
	(erf) = vpow2.f32 v3  }
0x1d0: {  	v6 =	vmul.f32 $1.442695020e+00, v6;
	(erf) = vpow2.f32 v2  }
0x1d1: {  	v8 =	vsub.f32 $0.0e+00, v8;
	v4 =	vmul.f32 $1.442695020e+00, v0;
	v3 =	vpop (erf);
	(erf) = vpow2.f32 v1  }
0x1d2: {  	v0 =	vsub.f32 $0.0e+00, v5;
	v7 =	vsub.f32 $0.0e+00, v7;
	(erf) = vpow2.f32 v6;
	v6 =	vld [tilespmem:s23+$0x2690]  }
0x1d3: {  	v5 =	vmul.f32 $1.442695020e+00, v8;
	v8 =	vsub.f32 $0.0e+00, v10;
	v9 =	vadd.f32 $1.000000000e+00, v9;
	v2 =	vpop (erf)  }
0x1d4: {  	v0 =	vmul.f32 $1.442695020e+00, v0;
	v1 =	vmul.f32 $1.442695020e+00, v7;
	v7 =	vadd.f32 $1.000000000e+00, v2;
	v2 =	vpop (erf)  }
0x1d5: {  	s25 =	simm.s32 $0x1;
	v3 =	vadd.f32 $1.000000000e+00, v3;
	(erf) = vrcp.f32 v9;
	v2 =	vadd.f32 $1.000000000e+00, v2  }
.LBB2_8:
0x1d6: {  	p0 =	sne.s32 s25, $0x1F  }
0x1d7: {  	v6 =	vsub.f32 $0.0e+00, v6;
	s24 =	sadd.s32 $0x2000, s24;
	(erf) = vpow2.f32 v4;
	s26 =	smov.u32 s25;
	s25 =	sadd.s32 $0x1, s25  }
0x1d8: {  	v4 =	vmul.f32 $1.442695020e+00, v8;
	v8 =	vpop (erf);
	(erf) = vrcp.f32 v7  }
0x1d9: {  	v6 =	vmul.f32 $1.442695020e+00, v6;
	v7 =	vadd.f32 $1.000000000e+00, v8;
	v8 =	vpop (erf);
	(erf) = vpow2.f32 v5  }
0x1da: {  	(erf) = vpow2.f32 v4  }
0x1db: {  	s28 =	sand.u32 $0x2000, s24;
	s29 =	sshll.u32 s26, $0x8;
	v4 =	vadd.f32 $1.000000000e+00, v8;
	(erf) = vpow2.f32 v6;
	v5 =	vpop (erf)  }
0x1dc: {  	s26 =	sshll.u32 s26, $0x6;
	s29 =	sand.u32 $0x1000, s29;
	s28 =	sshrl.u32 s28, $0x2;
	v5 =	vadd.f32 $1.000000000e+00, v5;
	(erf) = vrcp.f32 v3;
	v3 =	vpop (erf)  }
0x1dd: {  	s26 =	sand.u32 $0x380, s26;
	s28 =	sor.u32 s28, s29;
	v6 =	vpop (erf);
	(erf) = vpow2.f32 v0  }
0x1de: {  	s26 =	sor.u32 s28, s26;
	v0 =	vadd.f32 $1.000000000e+00, v6;
	v6 =	vadd.f32 $1.000000000e+00, v3;
	(erf) = vpow2.f32 v1;
	v1 =	vpop (erf)  }
0x1df: {  	v1 =	vadd.f32 $1.000000000e+00, v1;
	(erf) = vrcp.f32 v2;
	v2 =	vpop (erf)  }
0x1e0: {  	[tilespmem:s23+$0x2AF0] =	vst v2;
	(erf) = vrcp.f32 v4;
	v2 =	vpop (erf)  }
0x1e1: {  	v2 =	vadd.f32 $1.000000000e+00, v2;
	(erf) = vrcp.f32 v6;
	v3 =	vpop (erf)  }
0x1e2: {  	[tilespmem:s23+$0x2AE0] =	vst v3;
	v3 =	vpop (erf);
	(erf) = vrcp.f32 v7  }
0x1e3: {  	v7 =	vadd.f32 $1.000000000e+00, v3;
	v4 =	vpop (erf);
	(erf) = vrcp.f32 v5  }
0x1e4: {  	v4 =	vadd.f32 $1.000000000e+00, v4;
	(erf) = vrcp.f32 v0;
	v0 =	vpop (erf)  }
0x1e5: {  	v5 =	vld [tilespmem:s26+$0x2AF0];
	v0 =	vadd.f32 $1.000000000e+00, v0;
	v6 =	vpop (erf);
	(erf) = vrcp.f32 v7  }
0x1e6: {  	[tilespmem:s23+$0x26D0] =	vst v6;
	v3 =	vpop (erf);
	(erf) = vrcp.f32 v2  }
0x1e7: {  	v2 =	vld [tilespmem:s26+$0x26D0];
	v7 =	vadd.f32 $1.000000000e+00, v3;
	v6 =	vpop (erf);
	(erf) = vrcp.f32 v1  }
0x1e8: {  	v1 =	vld [tilespmem:s26+$0x2AE0];
	v6 =	vadd.f32 $1.000000000e+00, v6;
	(erf) = vrcp.f32 v4;
	v4 =	vpop (erf)  }
0x1e9: {  	[tilespmem:s23+$0x2AD0] =	vst v4;
	(erf) = vrcp.f32 v7;
	v3 =	vpop (erf)  }
0x1ea: {  	v4 =	vld [tilespmem:s26+$0x2AD0];
	v5 =	vsub.f32 $0.0e+00, v5;
	[tilespmem:s23+$0x26E0] =	vst v3;
	(erf) = vrcp.f32 v6;
	v3 =	vpop (erf)  }
0x1eb: {  	v6 =	vld [tilespmem:s26+$0x26E0];
	[tilespmem:s23+$0x2AC0] =	vst v3;
	(erf) = vrcp.f32 v0;
	v0 =	vpop (erf)  }
0x1ec: {  	v2 =	vsub.f32 $0.0e+00, v2;
	v3 =	vld [tilespmem:s26+$0x2AC0];
	v5 =	vmul.f32 $1.442695020e+00, v5;
	[tilespmem:s23+$0x2A90] =	vst v0;
	v0 =	vpop (erf)  }
0x1ed: {  	v7 =	vld [tilespmem:s26+$0x2A90];
	v1 =	vsub.f32 $0.0e+00, v1;
	[tilespmem:s23+$0x2AA0] =	vst v0;
	v0 =	vpop (erf)  }
0x1ee: {  	v2 =	vmul.f32 $1.442695020e+00, v2;
	v8 =	vld [tilespmem:s26+$0x2AA0];
	(erf) = vpow2.f32 v5;
	[tilespmem:s23+$0x2680] =	vst v0;
	v0 =	vpop (erf)  }
0x1ef: {  	v5 =	vld [tilespmem:s26+$0x2680];
	v4 =	vsub.f32 $0.0e+00, v4;
	v1 =	vmul.f32 $1.442695020e+00, v1;
	[tilespmem:s23+$0x2A80] =	vst v0;
	v0 =	vpop (erf)  }
0x1f0: {  	v9 =	vld [tilespmem:s26+$0x2A80];
	(erf) = vpow2.f32 v2;
	[tilespmem:s23+$0x2AB0] =	vst v0;
	v0 =	vpop (erf)  }
0x1f1: {  	v2 =	vld [tilespmem:s26+$0x2AB0];
	v3 =	vsub.f32 $0.0e+00, v3;
	v4 =	vmul.f32 $1.442695020e+00, v4;
	[tilespmem:s23+$0x26C0] =	vst v0;
	v0 =	vpop (erf)  }
0x1f2: {  	v10 =	vld [tilespmem:s26+$0x26C0];
	v7 =	vsub.f32 $0.0e+00, v7;
	(erf) = vpow2.f32 v1;
	[tilespmem:s23+$0x26F0] =	vst v0;
	v0 =	vpop (erf)  }
0x1f3: {  	v1 =	vsub.f32 $0.0e+00, v6;
	v6 =	vsub.f32 $0.0e+00, v8;
	(erf) = vpow2.f32 v4;
	[tilespmem:s23+$0x26B0] =	vst v0;
	v0 =	vpop (erf)  }
0x1f4: {  	v3 =	vmul.f32 $1.442695020e+00, v3;
	v8 =	vld [tilespmem:s26+$0x26B0];
	v4 =	vmul.f32 $1.442695020e+00, v7;
	[tilespmem:s23+$0x26A0] =	vst v0;
	v0 =	vpop (erf)  }
0x1f5: {  	v5 =	vsub.f32 $0.0e+00, v5;
	v12 =	vmul.f32 $1.442695020e+00, v1;
	v7 =	vld [tilespmem:s26+$0x26A0];
	v11 =	vmul.f32 $1.442695020e+00, v6;
	[tilespmem:s23+$0x2690] =	vst v0;
	s23 =	smov.u32 s26  }
0x1f6: {  	v6 =	vld [tilespmem:s23+$0x2690];
	v0 =	vsub.f32 $0.0e+00, v2;
	(erf) = vpow2.f32 v4  }
0x1f7: {  	v9 =	vsub.f32 $0.0e+00, v9;
	v2 =	vsub.f32 $0.0e+00, v10;
	(erf) = vpow2.f32 v12;
	v1 =	vpop (erf)  }
0x1f8: {  	v10 =	vmul.f32 $1.442695020e+00, v5;
	v12 =	vld [tilespmem:s23+$0x26F0];
	v4 =	vmul.f32 $1.442695020e+00, v0;
	v13 =	vadd.f32 $1.000000000e+00, v1  }
.Ltmp3:
0x1f9: {  	v0 =	vsub.f32 $0.0e+00, v8;
	v14 =	vmul.f32 $1.442695020e+00, v2;
	v1 =	vpop (erf);
	(erf) = vpow2.f32 v11;
	(pc) =	sbr.rel @p0 .LBB2_8-.Ltmp3, $4  }
0x1fa: {  	v5 =	vmul.f32 $1.442695020e+00, v9;
	v7 =	vsub.f32 $0.0e+00, v7;
	(erf) = vpow2.f32 v3  }
0x1fb: {  	v3 =	vadd.f32 $1.000000000e+00, v1;
	v0 =	vmul.f32 $1.442695020e+00, v0;
	(erf) = vpow2.f32 v10;
	v8 =	vpop (erf)  }
0x1fc: {  	v1 =	vmul.f32 $1.442695020e+00, v7;
	v7 =	vadd.f32 $1.000000000e+00, v8;
	(erf) = vpow2.f32 v14;
	v2 =	vpop (erf)  }
0x1fd: {  	v8 =	vsub.f32 $0.0e+00, v12;
	v2 =	vadd.f32 $1.000000000e+00, v2;
	(erf) = vrcp.f32 v13  }
0x1fe: {  	v6 =	vsub.f32 $0.0e+00, v6;
	(erf) = vpow2.f32 v4  }
0x1ff: {  	v43 =	vmul.f32 $1.442695020e+00, v8;
	(erf) = vrcp.f32 v7  }
0x200: {  	v44 =	vpop (erf);
	v6 =	vmul.f32 $1.442695020e+00, v6;
	(erf) = vpow2.f32 v5  }
0x201: {  	v45 =	vpop (erf);
	(erf) = vpow2.f32 v43  }
0x202: {  	(erf) = vpow2.f32 v6;
	v46 =	vpop (erf)  }
0x203: {  	(erf) = vrcp.f32 v3;
	v47 =	vpop (erf)  }
0x204: {  	v48 =	vpop (erf);
	(erf) = vpow2.f32 v0  }
0x205: {  	v49 =	vadd.f32 $1.000000000e+00, v45;
	(erf) = vpow2.f32 v1;
	v50 =	vpop (erf)  }
0x206: {  	v3 =	vadd.f32 $1.000000000e+00, v47;
	(erf) = vrcp.f32 v2;
	v51 =	vpop (erf)  }
0x207: {  	v52 =	vadd.f32 $1.000000000e+00, v44;
	(erf) = vrcp.f32 v49;
	v53 =	vpop (erf)  }
0x208: {  	v4 =	vadd.f32 $1.000000000e+00, v46;
	(erf) = vrcp.f32 v3;
	v54 =	vpop (erf)  }
0x209: {  	v6 =	vadd.f32 $1.000000000e+00, v48;
	v55 =	vpop (erf);
	(erf) = vrcp.f32 v52  }
0x20a: {  	v56 =	vadd.f32 $1.000000000e+00, v55;
	v57 =	vpop (erf);
	(erf) = vrcp.f32 v4  }
0x20b: {  	v0 =	vadd.f32 $1.000000000e+00, v53;
	(erf) = vrcp.f32 v6;
	v58 =	vpop (erf)  }
0x20c: {  	v1 =	vadd.f32 $1.000000000e+00, v50;
	v59 =	vpop (erf);
	(erf) = vrcp.f32 v56  }
0x20d: {  	[tilespmem:s23+$0x2AF0] =	vst v51;
	v60 =	vadd.f32 $1.000000000e+00, v57;
	v61 =	vpop (erf);
	(erf) = vrcp.f32 v0  }
0x20e: {  	[tilespmem:s23+$0x2AE0] =	vst v54;
	v62 =	vadd.f32 $1.000000000e+00, v61;
	v63 =	vpop (erf);
	(erf) = vrcp.f32 v1  }
0x20f: {  	[tilespmem:s23+$0x26D0] =	vst v59;
	v6 =	vadd.f32 $1.000000000e+00, v63;
	(erf) = vrcp.f32 v60;
	v7 =	vpop (erf)  }
0x210: {  	v8 =	vadd.f32 $1.000000000e+00, v58;
	[tilespmem:s23+$0x2AD0] =	vst v7;
	(erf) = vrcp.f32 v62;
	v9 =	vpop (erf)  }
0x211: {  	[tilespmem:s23+$0x26E0] =	vst v9;
	(erf) = vrcp.f32 v6;
	v10 =	vpop (erf)  }
0x212: {  	[tilespmem:s23+$0x2AC0] =	vst v10;
	(erf) = vrcp.f32 v8;
	v11 =	vpop (erf)  }
0x213: {  	[tilespmem:s23+$0x2A90] =	vst v11;
	v12 =	vpop (erf)  }
0x214: {  	[tilespmem:s23+$0x2AA0] =	vst v12;
	v13 =	vpop (erf)  }
0x215: {  	[tilespmem:s23+$0x2680] =	vst v13;
	v14 =	vpop (erf)  }
0x216: {  	[tilespmem:s23+$0x2A80] =	vst v14;
	v15 =	vpop (erf)  }
0x217: {  	[tilespmem:s23+$0x2AB0] =	vst v15;
	v16 =	vpop (erf)  }
0x218: {  	[tilespmem:s23+$0x26C0] =	vst v16;
	v17 =	vpop (erf)  }
0x219: {  	[tilespmem:s23+$0x26F0] =	vst v17;
	v18 =	vpop (erf)  }
0x21a: {  	[tilespmem:s23+$0x26B0] =	vst v18;
	v19 =	vpop (erf)  }
0x21b: {  	[tilespmem:s23+$0x26A0] =	vst v19;
	v20 =	vpop (erf)  }
0x21c: {  	[tilespmem:s23+$0x2690] =	vst v20  }
0x21d: {  	v0 =	vld [tilespmem:$0x600]  }
0x21e: {  	v21 =	vld [tilespmem:$0x2680]  }
0x21f: {  	v22 =	vld [tilespmem:$0x2700]  }
0x220: {  	v23 =	vld [tilespmem:$0x2780]  }
0x221: {  	v24 =	vld [tilespmem:$0x2800]  }
0x222: {  	v6 =	vld [tilespmem:$0x2880];
	v25 =	vbroadcast v0, $0x1  }
0x223: {  	v27 =	vld [tilespmem:$0x2900];
	v1 =	vsel vm0, v0, v21;
	v26 =	vbroadcast v0, $0x2  }
0x224: {  	v30 =	vld [tilespmem:$0x2980];
	v29 =	vbroadcast v0, $0x3;
	[tilespmem:$0x2680] =	vst v1;
	v28 =	vsel vm0, v25, v22  }
0x225: {  	v33 =	vld [tilespmem:$0x2A00];
	v32 =	vbroadcast v0, $0x4;
	v31 =	vsel vm0, v26, v23;
	[tilespmem:$0x2700] =	vst v28  }
0x226: {  	v36 =	vld [tilespmem:$0x3680];
	v35 =	vbroadcast v0, $0x5;
	v34 =	vsel vm0, v29, v24;
	[tilespmem:$0x2780] =	vst v31  }
0x227: {  	v39 =	vld [tilespmem:$0x3700];
	v38 =	vbroadcast v0, $0x6;
	v37 =	vsel vm0, v32, v6;
	[tilespmem:$0x2800] =	vst v34  }
0x228: {  	v42 =	vld [tilespmem:$0x3780];
	v41 =	vbroadcast v0, $0x7;
	v40 =	vsel vm0, v35, v27;
	[tilespmem:$0x2880] =	vst v37  }
0x229: {  	v45 =	vld [tilespmem:$0x3800];
	v44 =	vbroadcast v0, $0x8;
	v43 =	vsel vm0, v38, v30;
	[tilespmem:$0x2900] =	vst v40  }
0x22a: {  	v48 =	vld [tilespmem:$0x3880];
	v47 =	vbroadcast v0, $0x9;
	v46 =	vsel vm0, v41, v33;
	[tilespmem:$0x2980] =	vst v43  }
0x22b: {  	v51 =	vld [tilespmem:$0x3900];
	v50 =	vbroadcast v0, $0xA;
	v49 =	vsel vm0, v44, v36;
	[tilespmem:$0x2A00] =	vst v46  }
0x22c: {  	v54 =	vld [tilespmem:$0x3980];
	v53 =	vbroadcast v0, $0xB;
	v52 =	vsel vm0, v47, v39;
	[tilespmem:$0x3680] =	vst v49  }
0x22d: {  	v57 =	vld [tilespmem:$0x3A00];
	v56 =	vbroadcast v0, $0xC;
	v55 =	vsel vm0, v50, v42;
	[tilespmem:$0x3700] =	vst v52  }
0x22e: {  	v59 =	vbroadcast v0, $0xD;
	v58 =	vsel vm0, v53, v45;
	[tilespmem:$0x3780] =	vst v55  }
0x22f: {  	v61 =	vbroadcast v0, $0xE;
	v60 =	vsel vm0, v56, v48;
	[tilespmem:$0x3800] =	vst v58  }
0x230: {  	v0 =	vbroadcast v0, $0xF;
	v62 =	vsel vm0, v59, v51;
	[tilespmem:$0x3880] =	vst v60  }
0x231: {  	v63 =	vsel vm0, v61, v54;
	[tilespmem:$0x3900] =	vst v62  }
0x232: {  	v0 =	vsel vm0, v0, v57;
	[tilespmem:$0x3980] =	vst v63  }
0x233: {  	s22 =	sadd.s32 $0x1, s22;
	[tilespmem:$0x3A00] =	vst v0  }
0x234: {  	[hbm4b:s12+s2] =	stream.linear.scatter [tilespmem:s17], [sflag:$0x4], $0x2000, $0x38;
	[tilespmem:$0x4680] =	vst v63  }
0x235: {  	p0 =	sne.s32 s22, s13;
	_ =	swait.ge [sflag:s19], $0x2000  }
.Ltmp4:
0x236: {  	[sflag:s19] =	ssyncset.done $0x0;
	(pc) =	sbr.rel @p0 .LBB2_1-.Ltmp4, $4  }
0x237: {  	[sflag:s19] =	ssyncadd.s32 $0xFFFFE000  }
0x238: {  	_ =	swait.ge [sflag:s21], $0x2000  }
0x239: {  	[sflag:s21] =	ssyncset.done $0x0  }
0x23a: {  	[sflag:s21] =	ssyncadd.s32 $0xFFFFE000  }
0x23b: {  	_ =	sfence.sel $0x180000  }
0x23c: {  	[bflag:$0x0] =	sbarrier.arrive $0xFFFF  }
0x23d: {  	p0 =	sne.s32 s1, $0x0;
	_ =	strace $0x90000047  }
0x23e: {  	s0 =	sadd.s32 @!p0 $0x100000, s0;
	[bflag:$0x2] =	sbarrier.arrive $0xFFFF  }
0x23f: {  	[sflag:s0] =	ssyncadd.tile.s32 @!p0 $0x1;
	_ =	shalt  }
.Lfunc_end2:
_tile_overlayer_lowered:
.L_overlay_start_2:
0x240: {  	(tag) =	ssettag $0x2  }
0x241: {  	s0 =	rddreg [dreg:$0x0];
	s2 =	stileid.u32  }
0x242: {  	s1 =	rddreg [dreg:$0x1];
	p0 =	sne.s32 s2, $0x0  }
0x243: {  	s3 =	rddreg [dreg:$0x2];
	[bflag:$0x3] =	sbarrier.arrive $0xFFFF;
	s2 =	simm.s32 @!p0 $0x1C05  }
0x244: {  	[timem:s3], [sflag:s2] =	dma.local @!p0 [hbm:s0], s1  }
0x245: {  	s0 =	simm.s32 @!p0 $0x5  }
0x246: {  	_ =	swait.ge @!p0 [sflag:s0], s1  }
0x247: {  	s1 =	ssub.s32 @!p0 $0x0, s1;
	[sflag:s0] =	ssyncset.done @!p0 $0x0  }
0x248: {  	[sflag:s0] =	ssyncadd.s32 @!p0 s1  }
0x249: {  	[bflag:$0x3] =	sbarrier.arrive $0xFFFF  }
0x24a: {  	_ =	shalt  }

</sc_bundles>
